<compile_context>
chip_gen: v7x
topology: tpu7x:2x2x1
jax: 0.10.2.dev20260603
libtpu: 0.0.44.dev20260713+nightly
codegen_flags: <defaults>
</compile_context>

<pallas_src>
import jax
import jax.numpy as jnp
from jax import lax
from jax.experimental import pallas as pl
from jax.experimental.pallas import tpu as pltpu
from jax.experimental.pallas import tpu_sc as plsc

N_NODES_K = 10000
N_EDGES_K = 320000
D_K = 128

_NC = 2
_NS = 16
_DH = D_K // _NC
_EPT = N_EDGES_K // _NS
_GCH = 160
_SCH = 80
_NSP = _GCH // _SCH
_NBUF = 5
_NFULL = _EPT // _GCH
_NGRP = _NFULL // _NBUF
_TAIL = _EPT - _NFULL * _GCH
_NPT = N_NODES_K // _NS
_FB = 125
_CW = 16


def _sc_body(edge_hbm, vj_hbm, out_hbm,
             rows_v, idx_v, ones_v, abuf_v, cbuf_v, obuf_v,
             gsem, isem, ssem, csem, zsem, acc_sh, cnt_sh):
    c = lax.axis_index("c")
    s = lax.axis_index("s")
    col = c * _DH
    node_base = s * _NPT

    zeros16 = jnp.zeros((16,), jnp.float32)
    ones16 = jnp.ones((16,), jnp.float32)

    def _zero_abuf(r, carry):
        for k in range(_DH // 16):
            abuf_v[r, pl.ds(k * 16, 16)] = zeros16
        return carry
    lax.fori_loop(0, _FB, _zero_abuf, 0)

    def _zero_cbuf(r, carry):
        cbuf_v[r, :] = zeros16
        return carry
    lax.fori_loop(0, _FB, _zero_cbuf, 0)

    def _fill_ones(r, carry):
        ones_v[r, :] = ones16
        return carry
    lax.fori_loop(0, _SCH, _fill_ones, 0)

    zd = []
    for k in range(_NPT // _FB):
        zd.append(pltpu.async_copy(
            abuf_v, acc_sh.at[pl.ds(node_base + k * _FB, _FB)], zsem))
        zd.append(pltpu.async_copy(
            cbuf_v, cnt_sh.at[pl.ds(node_base + k * _FB, _FB)], zsem))
    for d in zd:
        d.wait()
    plsc.subcore_barrier()

    ebase = s * _EPT

    def _gather_start(base, b):
        pltpu.async_copy(edge_hbm.at[pl.ds(base, _GCH), pl.ds(col, _DH)],
                         rows_v.at[b], gsem.at[b])
        for p in range(_NSP):
            pltpu.async_copy(vj_hbm.at[pl.ds(base + p * _SCH, _SCH)],
                             idx_v.at[b * _NSP + p], isem.at[b])

    def _gather_wait(base, b):
        pltpu.make_async_copy(edge_hbm.at[pl.ds(base, _GCH),
                                          pl.ds(col, _DH)],
                              rows_v.at[b], gsem.at[b]).wait()
        for p in range(_NSP):
            pltpu.make_async_copy(vj_hbm.at[pl.ds(base + p * _SCH, _SCH)],
                                  idx_v.at[b * _NSP + p], isem.at[b]).wait()

    def _scatter_start(b):
        for p in range(_NSP):
            pltpu.async_copy(rows_v.at[b, pl.ds(p * _SCH, _SCH)],
                             acc_sh.at[idx_v.at[b * _NSP + p]], ssem.at[b],
                             add=True)
            pltpu.async_copy(ones_v, cnt_sh.at[idx_v.at[b * _NSP + p]],
                             csem.at[b], add=True)

    def _scatter_wait(b):
        for p in range(_NSP):
            pltpu.make_async_copy(rows_v.at[b, pl.ds(p * _SCH, _SCH)],
                                  acc_sh.at[idx_v.at[b * _NSP + p]],
                                  ssem.at[b]).wait()
            pltpu.make_async_copy(ones_v, cnt_sh.at[idx_v.at[b * _NSP + p]],
                                  csem.at[b]).wait()

    for b in range(_NBUF):
        _gather_start(ebase + b * _GCH, b)

    def _group(i, carry):
        gbase = ebase + i * (_NBUF * _GCH)
        for b in range(_NBUF):
            _gather_wait(gbase + b * _GCH, b)
            _scatter_start(b)

        @pl.when(i < _NGRP - 1)
        def _prefetch():
            for b in range(_NBUF):
                _scatter_wait(b)
                _gather_start(gbase + (_NBUF + b) * _GCH, b)
        return carry
    lax.fori_loop(0, _NGRP, _group, 0)
    for b in range(_NBUF):
        _scatter_wait(b)

    if _TAIL:
        tbase = ebase + _NFULL * _GCH
        pltpu.sync_copy(edge_hbm.at[pl.ds(tbase, _TAIL), pl.ds(col, _DH)],
                        rows_v.at[0, pl.ds(0, _TAIL)])
        pltpu.sync_copy(vj_hbm.at[pl.ds(tbase, _TAIL)],
                        idx_v.at[0, pl.ds(0, _TAIL)])
        pltpu.sync_copy(rows_v.at[0, pl.ds(0, _TAIL)],
                        acc_sh.at[idx_v.at[0, pl.ds(0, _TAIL)]], add=True)
        pltpu.sync_copy(ones_v.at[pl.ds(0, _TAIL)],
                        cnt_sh.at[idx_v.at[0, pl.ds(0, _TAIL)]], add=True)

    plsc.subcore_barrier()

    for k in range(_NPT // _FB):
        r0 = node_base + k * _FB
        d1 = pltpu.async_copy(acc_sh.at[pl.ds(r0, _FB)], abuf_v, zsem)
        d2 = pltpu.async_copy(cnt_sh.at[pl.ds(r0, _FB)], cbuf_v, zsem)
        d1.wait()
        d2.wait()

        def _fin(r, carry):
            inv = ones16 / jnp.maximum(cbuf_v[r, :], ones16)
            for j in range(_DH // 16):
                sl = pl.ds(j * 16, 16)
                obuf_v[r, sl] = abuf_v[r, sl] * inv
            return carry
        lax.fori_loop(0, _FB, _fin, 0)
        pltpu.sync_copy(obuf_v, out_hbm.at[0, pl.ds(r0, _FB), pl.ds(col, _DH)])


@jax.jit
def _sc_aggregate(edge_vec, vj):
    mesh = plsc.VectorSubcoreMesh(core_axis_name="c", subcore_axis_name="s")
    f = pl.kernel(
        _sc_body,
        out_type=jax.ShapeDtypeStruct((1, N_NODES_K, D_K), jnp.float32),
        mesh=mesh,
        compiler_params=pltpu.CompilerParams(use_tc_tiling_on_sc=False),
        scratch_types=[
            pltpu.VMEM((_NBUF, _GCH, _DH), jnp.float32),
            pltpu.VMEM((_NBUF * _NSP, _SCH), jnp.int32),
            pltpu.VMEM((_SCH, _CW), jnp.float32),
            pltpu.VMEM((_FB, _DH), jnp.float32),
            pltpu.VMEM((_FB, _CW), jnp.float32),
            pltpu.VMEM((_FB, _DH), jnp.float32),
            pltpu.SemaphoreType.DMA((_NBUF,)),
            pltpu.SemaphoreType.DMA((_NBUF,)),
            pltpu.SemaphoreType.DMA((_NBUF,)),
            pltpu.SemaphoreType.DMA((_NBUF,)),
            pltpu.SemaphoreType.DMA,
            pltpu.VMEM_SHARED((N_NODES_K, _DH), jnp.float32),
            pltpu.VMEM_SHARED((N_NODES_K, _CW), jnp.float32),
        ],
    )
    return f(edge_vec, vj)


def kernel(inputs, selected_edges, output_shape):
    del output_shape
    vj = selected_edges[:, 5]
    return _sc_aggregate(inputs, vj)

# --- scband reference (transcript-rebuilt; emitter-appended) ---
"""Pipeline reference for scband-aggregate-8985071583847 (READ-ONLY COPY).

The authoritative reference and input builder live on the scoring server;
editing this copy changes nothing except your own understanding.
"""

import jax, jax.numpy as jnp
import numpy as np

N_NODES = 10000
N_EDGES = 320000
D_FEAT = 128
BATCH = 1


def setup_inputs(seed: int = 0) -> dict:
    key = jax.random.key(seed)
    k1, k2, k3 = jax.random.split(key, 3)
    edge_vec = jax.random.normal(k1, (N_EDGES, D_FEAT), dtype=jnp.float32)
    vj = jax.random.randint(k2, (N_EDGES,), 0, N_NODES, dtype=jnp.int32)
    # ensure every node id appears at least once so no segment is empty
    vj = vj.at[:N_NODES].set(jnp.arange(N_NODES, dtype=jnp.int32))
    vi = jax.random.randint(k3, (N_EDGES,), 0, N_NODES, dtype=jnp.int32)
    idx = jnp.zeros((N_EDGES,), dtype=jnp.int32)  # batch index (batch_size=1)
    rel = jnp.zeros((N_EDGES,), dtype=jnp.int32)
    idx_vi = vi  # consistent segment ids for the vi path (unused for at='vj')
    idx_vj = vj  # with batch=1, segment id of (idx, vj) is just vj
    selected_edges = jnp.stack([idx, vi, vj, rel, idx_vi, idx_vj], axis=1)
    return {
        "inputs": edge_vec,
        "selected_edges": selected_edges,
        "output_shape": (BATCH, N_NODES, D_FEAT),
    }


def reference(inputs, selected_edges, output_shape):
    # Faithful translation of Aggregate.call with at='vj', aggr_op='mean'
    edge_vec = inputs
    idx_vj = selected_edges[:, -1]
    num_segments = N_NODES
    # unsorted_segment_mean
    seg_sum = jax.ops.segment_sum(edge_vec, idx_vj, num_segments=num_segments)
    counts = jax.ops.segment_sum(
        jnp.ones((edge_vec.shape[0],), dtype=edge_vec.dtype), idx_vj,
        num_segments=num_segments)
    edge_vec_aggr = jnp.where(counts[:, None] > 0,
                              seg_sum / jnp.maximum(counts, 1.0)[:, None],
                              0.0)
    # recover (idx, vj) per segment via unsorted_segment_max
    idx_and_vj = jnp.stack([selected_edges[:, 0], selected_edges[:, 2]], axis=1)
    idx_and_vj = jax.ops.segment_max(idx_and_vj, idx_vj, num_segments=num_segments)
    idx_and_vj = idx_and_vj.astype(jnp.int32)
    # scatter_nd into (batch, n_nodes, d); duplicate indices add (none here)
    b, n, d = output_shape
    shape_fold = ((jnp.asarray(b) + jnp.asarray(n) + jnp.asarray(d)) * 0
                  ).astype(edge_vec.dtype)
    out = jnp.zeros((BATCH, N_NODES, edge_vec.shape[1]), dtype=edge_vec.dtype)
    out = out + shape_fold
    out = out.at[idx_and_vj[:, 0], idx_and_vj[:, 1]].add(edge_vec_aggr)
    return out

if __name__ == "__main__":
    import jax
    _d = setup_inputs()
    print(jax.jit(kernel)(*tuple(_d.values())))

</pallas_src>

<mosaic_0001>
#map = affine_map<(d0, d1) -> (0, 0)>
#map1 = affine_map<(d0, d1) -> (0)>
#map2 = affine_map<(d0, d1) -> (0, 0, 0)>
module attributes {stable_mosaic.version = 14 : i64} {
  func.func @_sc_body(%arg0: i32, %arg1: i32, %arg2: memref<320000x128xf32, #tpu.memory_space<hbm>>, %arg3: memref<320000xi32, #tpu.memory_space<hbm>>, %arg4: memref<1x10000x128xf32, #tpu.memory_space<hbm>>, %arg5: memref<5x160x64xf32, #tpu.memory_space<vmem>>, %arg6: memref<10x80xi32, #tpu.memory_space<vmem>>, %arg7: memref<80x16xf32, #tpu.memory_space<vmem>>, %arg8: memref<125x64xf32, #tpu.memory_space<vmem>>, %arg9: memref<125x16xf32, #tpu.memory_space<vmem>>, %arg10: memref<125x64xf32, #tpu.memory_space<vmem>>, %arg11: memref<5x!tpu.dma_semaphore, #tpu.memory_space<semaphore_mem>>, %arg12: memref<5x!tpu.dma_semaphore, #tpu.memory_space<semaphore_mem>>, %arg13: memref<5x!tpu.dma_semaphore, #tpu.memory_space<semaphore_mem>>, %arg14: memref<5x!tpu.dma_semaphore, #tpu.memory_space<semaphore_mem>>, %arg15: memref<!tpu.dma_semaphore, #tpu.memory_space<semaphore_mem>>, %arg16: memref<10000x64xf32, #tpu.memory_space<vmem_shared>>, %arg17: memref<10000x16xf32, #tpu.memory_space<vmem_shared>>) attributes {dimension_semantics = [#tpu.dimension_semantics<core_parallel>, #tpu.dimension_semantics<subcore_parallel>], iteration_bounds = array<i64: 2, 16>, scalar_prefetch = 0 : i64, scratch_operands = 13 : i64, tpu.core_type = #tpu.core_type<sc_vector_subcore>, window_params = [{transform_indices = #map}, {transform_indices = #map1}, {transform_indices = #map2}]} {
    %mul3A = arith.constant 64 : i32
    %mul3A_0 = arith.muli %arg0, %mul3A : i32
    %mul3A_1 = arith.constant 625 : i32
    %mul3A_2 = arith.muli %arg1, %mul3A_1 : i32
    %broadcast_in_dim3A = arith.constant 0.000000e+00 : f32
    %broadcast_in_dim3A_3 = vector.broadcast %broadcast_in_dim3A : f32 to vector<16xf32>
    %broadcast_in_dim3A_4 = arith.constant 1.000000e+00 : f32
    %broadcast_in_dim3A_5 = vector.broadcast %broadcast_in_dim3A_4 : f32 to vector<16xf32>
    %scan3A = arith.constant 0 : i32
    %scan3A_6 = arith.constant 0 : i32
    %scan3A_7 = arith.constant 125 : i32
    %scan3A_8 = arith.addi %scan3A_6, %scan3A_7 : i32
    %scan3A_9 = arith.constant 1 : i32
    scf.for %scan3A_723 = %scan3A_6 to %scan3A_8 step %scan3A_9  : i32 {
      %swap3A = arith.index_cast %scan3A_723 : i32 to index
      %swap3A_724 = arith.constant 0 : index
      %swap3A_725 = tpu.vector_load %arg8[%swap3A, %swap3A_724] {strides = array<i32>} : memref<125x64xf32, #tpu.memory_space<vmem>>, vector<1x16xf32>,
      %swap3A_726 = vector.shape_cast %swap3A_725 : vector<1x16xf32> to vector<16xf32>
      %swap3A_727 = vector.shape_cast %broadcast_in_dim3A_3 : vector<16xf32> to vector<1x16xf32>
      tpu.vector_store %arg8[%swap3A, %swap3A_724], %swap3A_727 {strides = array<i32>} : memref<125x64xf32, #tpu.memory_space<vmem>>, vector<1x16xf32>,
      %swap3A_728 = arith.index_cast %scan3A_723 : i32 to index
      %swap3A_729 = arith.constant 16 : index
      %swap3A_730 = tpu.vector_load %arg8[%swap3A_728, %swap3A_729] {strides = array<i32>} : memref<125x64xf32, #tpu.memory_space<vmem>>, vector<1x16xf32>,
      %swap3A_731 = vector.shape_cast %swap3A_730 : vector<1x16xf32> to vector<16xf32>
      %swap3A_732 = vector.shape_cast %broadcast_in_dim3A_3 : vector<16xf32> to vector<1x16xf32>
      tpu.vector_store %arg8[%swap3A_728, %swap3A_729], %swap3A_732 {strides = array<i32>} : memref<125x64xf32, #tpu.memory_space<vmem>>, vector<1x16xf32>,
      %swap3A_733 = arith.index_cast %scan3A_723 : i32 to index
      %swap3A_734 = arith.constant 32 : index
      %swap3A_735 = tpu.vector_load %arg8[%swap3A_733, %swap3A_734] {strides = array<i32>} : memref<125x64xf32, #tpu.memory_space<vmem>>, vector<1x16xf32>,
      %swap3A_736 = vector.shape_cast %swap3A_735 : vector<1x16xf32> to vector<16xf32>
      %swap3A_737 = vector.shape_cast %broadcast_in_dim3A_3 : vector<16xf32> to vector<1x16xf32>
      tpu.vector_store %arg8[%swap3A_733, %swap3A_734], %swap3A_737 {strides = array<i32>} : memref<125x64xf32, #tpu.memory_space<vmem>>, vector<1x16xf32>,
      %swap3A_738 = arith.index_cast %scan3A_723 : i32 to index
      %swap3A_739 = arith.constant 48 : index
      %swap3A_740 = tpu.vector_load %arg8[%swap3A_738, %swap3A_739] {strides = array<i32>} : memref<125x64xf32, #tpu.memory_space<vmem>>, vector<1x16xf32>,
      %swap3A_741 = vector.shape_cast %swap3A_740 : vector<1x16xf32> to vector<16xf32>
      %swap3A_742 = vector.shape_cast %broadcast_in_dim3A_3 : vector<16xf32> to vector<1x16xf32>
      tpu.vector_store %arg8[%swap3A_738, %swap3A_739], %swap3A_742 {strides = array<i32>} : memref<125x64xf32, #tpu.memory_space<vmem>>, vector<1x16xf32>,
    }
    %scan3A_10 = arith.constant 125 : i32
    %scan3A_11 = arith.constant 0 : i32
    %scan3A_12 = arith.constant 0 : i32
    %scan3A_13 = arith.constant 125 : i32
    %scan3A_14 = arith.addi %scan3A_12, %scan3A_13 : i32
    %scan3A_15 = arith.constant 1 : i32
    scf.for %scan3A_723 = %scan3A_12 to %scan3A_14 step %scan3A_15  : i32 {
      %swap3A = arith.index_cast %scan3A_723 : i32 to index
      %swap3A_724 = arith.constant 0 : index
      %swap3A_725 = tpu.vector_load %arg9[%swap3A, %swap3A_724] {strides = array<i32>} : memref<125x16xf32, #tpu.memory_space<vmem>>, vector<1x16xf32>,
      %swap3A_726 = vector.shape_cast %swap3A_725 : vector<1x16xf32> to vector<16xf32>
      %swap3A_727 = vector.shape_cast %broadcast_in_dim3A_3 : vector<16xf32> to vector<1x16xf32>
      tpu.vector_store %arg9[%swap3A, %swap3A_724], %swap3A_727 {strides = array<i32>} : memref<125x16xf32, #tpu.memory_space<vmem>>, vector<1x16xf32>,
    }
    %scan3A_16 = arith.constant 125 : i32
    %scan3A_17 = arith.constant 0 : i32
    %scan3A_18 = arith.constant 0 : i32
    %scan3A_19 = arith.constant 80 : i32
    %scan3A_20 = arith.addi %scan3A_18, %scan3A_19 : i32
    %scan3A_21 = arith.constant 1 : i32
    scf.for %scan3A_723 = %scan3A_18 to %scan3A_20 step %scan3A_21  : i32 {
      %swap3A = arith.index_cast %scan3A_723 : i32 to index
      %swap3A_724 = arith.constant 0 : index
      %swap3A_725 = tpu.vector_load %arg7[%swap3A, %swap3A_724] {strides = array<i32>} : memref<80x16xf32, #tpu.memory_space<vmem>>, vector<1x16xf32>,
      %swap3A_726 = vector.shape_cast %swap3A_725 : vector<1x16xf32> to vector<16xf32>
      %swap3A_727 = vector.shape_cast %broadcast_in_dim3A_5 : vector<16xf32> to vector<1x16xf32>
      tpu.vector_store %arg7[%swap3A, %swap3A_724], %swap3A_727 {strides = array<i32>} : memref<80x16xf32, #tpu.memory_space<vmem>>, vector<1x16xf32>,
    }
    %scan3A_22 = arith.constant 80 : i32
    %add3A = arith.constant 0 : i32
    %add3A_23 = arith.addi %mul3A_2, %add3A : i32
    %dma_start3A = arith.constant 0 : i32
    %dma_start3A_24 = tpu.memref_slice %arg16[%add3A_23, %dma_start3A] : memref<10000x64xf32, #tpu.memory_space<vmem_shared>> -> memref<125x64xf32, #tpu.memory_space<vmem_shared>>
    %dma_start3A_25 = arith.constant 0 : i32
    %dma_start3A_26 = tpu.memref_slice %arg16[%add3A_23, %dma_start3A_25] : memref<10000x64xf32, #tpu.memory_space<vmem_shared>> -> memref<125x64xf32, #tpu.memory_space<vmem_shared>>
    tpu.enqueue_dma source(%arg8 : memref<125x64xf32, #tpu.memory_space<vmem>>) target(%dma_start3A_26 : memref<125x64xf32, #tpu.memory_space<vmem_shared>>) target_semaphore(%arg15 : memref<!tpu.dma_semaphore, #tpu.memory_space<semaphore_mem>>)
    %add3A_27 = arith.constant 0 : i32
    %add3A_28 = arith.addi %mul3A_2, %add3A_27 : i32
    %dma_start3A_29 = arith.constant 0 : i32
    %dma_start3A_30 = tpu.memref_slice %arg17[%add3A_28, %dma_start3A_29] : memref<10000x16xf32, #tpu.memory_space<vmem_shared>> -> memref<125x16xf32, #tpu.memory_space<vmem_shared>>
    %dma_start3A_31 = arith.constant 0 : i32
    %dma_start3A_32 = tpu.memref_slice %arg17[%add3A_28, %dma_start3A_31] : memref<10000x16xf32, #tpu.memory_space<vmem_shared>> -> memref<125x16xf32, #tpu.memory_space<vmem_shared>>
    tpu.enqueue_dma source(%arg9 : memref<125x16xf32, #tpu.memory_space<vmem>>) target(%dma_start3A_32 : memref<125x16xf32, #tpu.memory_space<vmem_shared>>) target_semaphore(%arg15 : memref<!tpu.dma_semaphore, #tpu.memory_space<semaphore_mem>>)
    %add3A_33 = arith.constant 125 : i32
    %add3A_34 = arith.addi %mul3A_2, %add3A_33 : i32
    %dma_start3A_35 = arith.constant 0 : i32
    %dma_start3A_36 = tpu.memref_slice %arg16[%add3A_34, %dma_start3A_35] : memref<10000x64xf32, #tpu.memory_space<vmem_shared>> -> memref<125x64xf32, #tpu.memory_space<vmem_shared>>
    %dma_start3A_37 = arith.constant 0 : i32
    %dma_start3A_38 = tpu.memref_slice %arg16[%add3A_34, %dma_start3A_37] : memref<10000x64xf32, #tpu.memory_space<vmem_shared>> -> memref<125x64xf32, #tpu.memory_space<vmem_shared>>
    tpu.enqueue_dma source(%arg8 : memref<125x64xf32, #tpu.memory_space<vmem>>) target(%dma_start3A_38 : memref<125x64xf32, #tpu.memory_space<vmem_shared>>) target_semaphore(%arg15 : memref<!tpu.dma_semaphore, #tpu.memory_space<semaphore_mem>>)
    %add3A_39 = arith.constant 125 : i32
    %add3A_40 = arith.addi %mul3A_2, %add3A_39 : i32
    %dma_start3A_41 = arith.constant 0 : i32
    %dma_start3A_42 = tpu.memref_slice %arg17[%add3A_40, %dma_start3A_41] : memref<10000x16xf32, #tpu.memory_space<vmem_shared>> -> memref<125x16xf32, #tpu.memory_space<vmem_shared>>
    %dma_start3A_43 = arith.constant 0 : i32
    %dma_start3A_44 = tpu.memref_slice %arg17[%add3A_40, %dma_start3A_43] : memref<10000x16xf32, #tpu.memory_space<vmem_shared>> -> memref<125x16xf32, #tpu.memory_space<vmem_shared>>
    tpu.enqueue_dma source(%arg9 : memref<125x16xf32, #tpu.memory_space<vmem>>) target(%dma_start3A_44 : memref<125x16xf32, #tpu.memory_space<vmem_shared>>) target_semaphore(%arg15 : memref<!tpu.dma_semaphore, #tpu.memory_space<semaphore_mem>>)
    %add3A_45 = arith.constant 250 : i32
    %add3A_46 = arith.addi %mul3A_2, %add3A_45 : i32
    %dma_start3A_47 = arith.constant 0 : i32
    %dma_start3A_48 = tpu.memref_slice %arg16[%add3A_46, %dma_start3A_47] : memref<10000x64xf32, #tpu.memory_space<vmem_shared>> -> memref<125x64xf32, #tpu.memory_space<vmem_shared>>
    %dma_start3A_49 = arith.constant 0 : i32
    %dma_start3A_50 = tpu.memref_slice %arg16[%add3A_46, %dma_start3A_49] : memref<10000x64xf32, #tpu.memory_space<vmem_shared>> -> memref<125x64xf32, #tpu.memory_space<vmem_shared>>
    tpu.enqueue_dma source(%arg8 : memref<125x64xf32, #tpu.memory_space<vmem>>) target(%dma_start3A_50 : memref<125x64xf32, #tpu.memory_space<vmem_shared>>) target_semaphore(%arg15 : memref<!tpu.dma_semaphore, #tpu.memory_space<semaphore_mem>>)
    %add3A_51 = arith.constant 250 : i32
    %add3A_52 = arith.addi %mul3A_2, %add3A_51 : i32
    %dma_start3A_53 = arith.constant 0 : i32
    %dma_start3A_54 = tpu.memref_slice %arg17[%add3A_52, %dma_start3A_53] : memref<10000x16xf32, #tpu.memory_space<vmem_shared>> -> memref<125x16xf32, #tpu.memory_space<vmem_shared>>
    %dma_start3A_55 = arith.constant 0 : i32
    %dma_start3A_56 = tpu.memref_slice %arg17[%add3A_52, %dma_start3A_55] : memref<10000x16xf32, #tpu.memory_space<vmem_shared>> -> memref<125x16xf32, #tpu.memory_space<vmem_shared>>
    tpu.enqueue_dma source(%arg9 : memref<125x16xf32, #tpu.memory_space<vmem>>) target(%dma_start3A_56 : memref<125x16xf32, #tpu.memory_space<vmem_shared>>) target_semaphore(%arg15 : memref<!tpu.dma_semaphore, #tpu.memory_space<semaphore_mem>>)
    %add3A_57 = arith.constant 375 : i32
    %add3A_58 = arith.addi %mul3A_2, %add3A_57 : i32
    %dma_start3A_59 = arith.constant 0 : i32
    %dma_start3A_60 = tpu.memref_slice %arg16[%add3A_58, %dma_start3A_59] : memref<10000x64xf32, #tpu.memory_space<vmem_shared>> -> memref<125x64xf32, #tpu.memory_space<vmem_shared>>
    %dma_start3A_61 = arith.constant 0 : i32
    %dma_start3A_62 = tpu.memref_slice %arg16[%add3A_58, %dma_start3A_61] : memref<10000x64xf32, #tpu.memory_space<vmem_shared>> -> memref<125x64xf32, #tpu.memory_space<vmem_shared>>
    tpu.enqueue_dma source(%arg8 : memref<125x64xf32, #tpu.memory_space<vmem>>) target(%dma_start3A_62 : memref<125x64xf32, #tpu.memory_space<vmem_shared>>) target_semaphore(%arg15 : memref<!tpu.dma_semaphore, #tpu.memory_space<semaphore_mem>>)
    %add3A_63 = arith.constant 375 : i32
    %add3A_64 = arith.addi %mul3A_2, %add3A_63 : i32
    %dma_start3A_65 = arith.constant 0 : i32
    %dma_start3A_66 = tpu.memref_slice %arg17[%add3A_64, %dma_start3A_65] : memref<10000x16xf32, #tpu.memory_space<vmem_shared>> -> memref<125x16xf32, #tpu.memory_space<vmem_shared>>
    %dma_start3A_67 = arith.constant 0 : i32
    %dma_start3A_68 = tpu.memref_slice %arg17[%add3A_64, %dma_start3A_67] : memref<10000x16xf32, #tpu.memory_space<vmem_shared>> -> memref<125x16xf32, #tpu.memory_space<vmem_shared>>
    tpu.enqueue_dma source(%arg9 : memref<125x16xf32, #tpu.memory_space<vmem>>) target(%dma_start3A_68 : memref<125x16xf32, #tpu.memory_space<vmem_shared>>) target_semaphore(%arg15 : memref<!tpu.dma_semaphore, #tpu.memory_space<semaphore_mem>>)
    %add3A_69 = arith.constant 500 : i32
    %add3A_70 = arith.addi %mul3A_2, %add3A_69 : i32
    %dma_start3A_71 = arith.constant 0 : i32
    %dma_start3A_72 = tpu.memref_slice %arg16[%add3A_70, %dma_start3A_71] : memref<10000x64xf32, #tpu.memory_space<vmem_shared>> -> memref<125x64xf32, #tpu.memory_space<vmem_shared>>
    %dma_start3A_73 = arith.constant 0 : i32
    %dma_start3A_74 = tpu.memref_slice %arg16[%add3A_70, %dma_start3A_73] : memref<10000x64xf32, #tpu.memory_space<vmem_shared>> -> memref<125x64xf32, #tpu.memory_space<vmem_shared>>
    tpu.enqueue_dma source(%arg8 : memref<125x64xf32, #tpu.memory_space<vmem>>) target(%dma_start3A_74 : memref<125x64xf32, #tpu.memory_space<vmem_shared>>) target_semaphore(%arg15 : memref<!tpu.dma_semaphore, #tpu.memory_space<semaphore_mem>>)
    %add3A_75 = arith.constant 500 : i32
    %add3A_76 = arith.addi %mul3A_2, %add3A_75 : i32
    %dma_start3A_77 = arith.constant 0 : i32
    %dma_start3A_78 = tpu.memref_slice %arg17[%add3A_76, %dma_start3A_77] : memref<10000x16xf32, #tpu.memory_space<vmem_shared>> -> memref<125x16xf32, #tpu.memory_space<vmem_shared>>
    %dma_start3A_79 = arith.constant 0 : i32
    %dma_start3A_80 = tpu.memref_slice %arg17[%add3A_76, %dma_start3A_79] : memref<10000x16xf32, #tpu.memory_space<vmem_shared>> -> memref<125x16xf32, #tpu.memory_space<vmem_shared>>
    tpu.enqueue_dma source(%arg9 : memref<125x16xf32, #tpu.memory_space<vmem>>) target(%dma_start3A_80 : memref<125x16xf32, #tpu.memory_space<vmem_shared>>) target_semaphore(%arg15 : memref<!tpu.dma_semaphore, #tpu.memory_space<semaphore_mem>>)
    %dma_wait3A = arith.constant 0 : i32
    %dma_wait3A_81 = tpu.memref_slice %arg16[%add3A_23, %dma_wait3A] : memref<10000x64xf32, #tpu.memory_space<vmem_shared>> -> memref<125x64xf32, #tpu.memory_space<vmem_shared>>
    %dma_wait3A_82 = arith.constant 0 : i32
    %dma_wait3A_83 = tpu.memref_slice %arg16[%add3A_23, %dma_wait3A_82] : memref<10000x64xf32, #tpu.memory_space<vmem_shared>> -> memref<125x64xf32, #tpu.memory_space<vmem_shared>>
    tpu.wait_dma2 semaphore(%arg15 : memref<!tpu.dma_semaphore, #tpu.memory_space<semaphore_mem>>) src(%arg8 : memref<125x64xf32, #tpu.memory_space<vmem>>) dst(%dma_wait3A_83 : memref<125x64xf32, #tpu.memory_space<vmem_shared>>)
    %dma_wait3A_84 = arith.constant 0 : i32
    %dma_wait3A_85 = tpu.memref_slice %arg17[%add3A_28, %dma_wait3A_84] : memref<10000x16xf32, #tpu.memory_space<vmem_shared>> -> memref<125x16xf32, #tpu.memory_space<vmem_shared>>
    %dma_wait3A_86 = arith.constant 0 : i32
    %dma_wait3A_87 = tpu.memref_slice %arg17[%add3A_28, %dma_wait3A_86] : memref<10000x16xf32, #tpu.memory_space<vmem_shared>> -> memref<125x16xf32, #tpu.memory_space<vmem_shared>>
    tpu.wait_dma2 semaphore(%arg15 : memref<!tpu.dma_semaphore, #tpu.memory_space<semaphore_mem>>) src(%arg9 : memref<125x16xf32, #tpu.memory_space<vmem>>) dst(%dma_wait3A_87 : memref<125x16xf32, #tpu.memory_space<vmem_shared>>)
    %dma_wait3A_88 = arith.constant 0 : i32
    %dma_wait3A_89 = tpu.memref_slice %arg16[%add3A_34, %dma_wait3A_88] : memref<10000x64xf32, #tpu.memory_space<vmem_shared>> -> memref<125x64xf32, #tpu.memory_space<vmem_shared>>
    %dma_wait3A_90 = arith.constant 0 : i32
    %dma_wait3A_91 = tpu.memref_slice %arg16[%add3A_34, %dma_wait3A_90] : memref<10000x64xf32, #tpu.memory_space<vmem_shared>> -> memref<125x64xf32, #tpu.memory_space<vmem_shared>>
    tpu.wait_dma2 semaphore(%arg15 : memref<!tpu.dma_semaphore, #tpu.memory_space<semaphore_mem>>) src(%arg8 : memref<125x64xf32, #tpu.memory_space<vmem>>) dst(%dma_wait3A_91 : memref<125x64xf32, #tpu.memory_space<vmem_shared>>)
    %dma_wait3A_92 = arith.constant 0 : i32
    %dma_wait3A_93 = tpu.memref_slice %arg17[%add3A_40, %dma_wait3A_92] : memref<10000x16xf32, #tpu.memory_space<vmem_shared>> -> memref<125x16xf32, #tpu.memory_space<vmem_shared>>
    %dma_wait3A_94 = arith.constant 0 : i32
    %dma_wait3A_95 = tpu.memref_slice %arg17[%add3A_40, %dma_wait3A_94] : memref<10000x16xf32, #tpu.memory_space<vmem_shared>> -> memref<125x16xf32, #tpu.memory_space<vmem_shared>>
    tpu.wait_dma2 semaphore(%arg15 : memref<!tpu.dma_semaphore, #tpu.memory_space<semaphore_mem>>) src(%arg9 : memref<125x16xf32, #tpu.memory_space<vmem>>) dst(%dma_wait3A_95 : memref<125x16xf32, #tpu.memory_space<vmem_shared>>)
    %dma_wait3A_96 = arith.constant 0 : i32
    %dma_wait3A_97 = tpu.memref_slice %arg16[%add3A_46, %dma_wait3A_96] : memref<10000x64xf32, #tpu.memory_space<vmem_shared>> -> memref<125x64xf32, #tpu.memory_space<vmem_shared>>
    %dma_wait3A_98 = arith.constant 0 : i32
    %dma_wait3A_99 = tpu.memref_slice %arg16[%add3A_46, %dma_wait3A_98] : memref<10000x64xf32, #tpu.memory_space<vmem_shared>> -> memref<125x64xf32, #tpu.memory_space<vmem_shared>>
    tpu.wait_dma2 semaphore(%arg15 : memref<!tpu.dma_semaphore, #tpu.memory_space<semaphore_mem>>) src(%arg8 : memref<125x64xf32, #tpu.memory_space<vmem>>) dst(%dma_wait3A_99 : memref<125x64xf32, #tpu.memory_space<vmem_shared>>)
    %dma_wait3A_100 = arith.constant 0 : i32
    %dma_wait3A_101 = tpu.memref_slice %arg17[%add3A_52, %dma_wait3A_100] : memref<10000x16xf32, #tpu.memory_space<vmem_shared>> -> memref<125x16xf32, #tpu.memory_space<vmem_shared>>
    %dma_wait3A_102 = arith.constant 0 : i32
    %dma_wait3A_103 = tpu.memref_slice %arg17[%add3A_52, %dma_wait3A_102] : memref<10000x16xf32, #tpu.memory_space<vmem_shared>> -> memref<125x16xf32, #tpu.memory_space<vmem_shared>>
    tpu.wait_dma2 semaphore(%arg15 : memref<!tpu.dma_semaphore, #tpu.memory_space<semaphore_mem>>) src(%arg9 : memref<125x16xf32, #tpu.memory_space<vmem>>) dst(%dma_wait3A_103 : memref<125x16xf32, #tpu.memory_space<vmem_shared>>)
    %dma_wait3A_104 = arith.constant 0 : i32
    %dma_wait3A_105 = tpu.memref_slice %arg16[%add3A_58, %dma_wait3A_104] : memref<10000x64xf32, #tpu.memory_space<vmem_shared>> -> memref<125x64xf32, #tpu.memory_space<vmem_shared>>
    %dma_wait3A_106 = arith.constant 0 : i32
    %dma_wait3A_107 = tpu.memref_slice %arg16[%add3A_58, %dma_wait3A_106] : memref<10000x64xf32, #tpu.memory_space<vmem_shared>> -> memref<125x64xf32, #tpu.memory_space<vmem_shared>>
    tpu.wait_dma2 semaphore(%arg15 : memref<!tpu.dma_semaphore, #tpu.memory_space<semaphore_mem>>) src(%arg8 : memref<125x64xf32, #tpu.memory_space<vmem>>) dst(%dma_wait3A_107 : memref<125x64xf32, #tpu.memory_space<vmem_shared>>)
    %dma_wait3A_108 = arith.constant 0 : i32
    %dma_wait3A_109 = tpu.memref_slice %arg17[%add3A_64, %dma_wait3A_108] : memref<10000x16xf32, #tpu.memory_space<vmem_shared>> -> memref<125x16xf32, #tpu.memory_space<vmem_shared>>
    %dma_wait3A_110 = arith.constant 0 : i32
    %dma_wait3A_111 = tpu.memref_slice %arg17[%add3A_64, %dma_wait3A_110] : memref<10000x16xf32, #tpu.memory_space<vmem_shared>> -> memref<125x16xf32, #tpu.memory_space<vmem_shared>>
    tpu.wait_dma2 semaphore(%arg15 : memref<!tpu.dma_semaphore, #tpu.memory_space<semaphore_mem>>) src(%arg9 : memref<125x16xf32, #tpu.memory_space<vmem>>) dst(%dma_wait3A_111 : memref<125x16xf32, #tpu.memory_space<vmem_shared>>)
    %dma_wait3A_112 = arith.constant 0 : i32
    %dma_wait3A_113 = tpu.memref_slice %arg16[%add3A_70, %dma_wait3A_112] : memref<10000x64xf32, #tpu.memory_space<vmem_shared>> -> memref<125x64xf32, #tpu.memory_space<vmem_shared>>
    %dma_wait3A_114 = arith.constant 0 : i32
    %dma_wait3A_115 = tpu.memref_slice %arg16[%add3A_70, %dma_wait3A_114] : memref<10000x64xf32, #tpu.memory_space<vmem_shared>> -> memref<125x64xf32, #tpu.memory_space<vmem_shared>>
    tpu.wait_dma2 semaphore(%arg15 : memref<!tpu.dma_semaphore, #tpu.memory_space<semaphore_mem>>) src(%arg8 : memref<125x64xf32, #tpu.memory_space<vmem>>) dst(%dma_wait3A_115 : memref<125x64xf32, #tpu.memory_space<vmem_shared>>)
    %dma_wait3A_116 = arith.constant 0 : i32
    %dma_wait3A_117 = tpu.memref_slice %arg17[%add3A_76, %dma_wait3A_116] : memref<10000x16xf32, #tpu.memory_space<vmem_shared>> -> memref<125x16xf32, #tpu.memory_space<vmem_shared>>
    %dma_wait3A_118 = arith.constant 0 : i32
    %dma_wait3A_119 = tpu.memref_slice %arg17[%add3A_76, %dma_wait3A_118] : memref<10000x16xf32, #tpu.memory_space<vmem_shared>> -> memref<125x16xf32, #tpu.memory_space<vmem_shared>>
    tpu.wait_dma2 semaphore(%arg15 : memref<!tpu.dma_semaphore, #tpu.memory_space<semaphore_mem>>) src(%arg9 : memref<125x16xf32, #tpu.memory_space<vmem>>) dst(%dma_wait3A_119 : memref<125x16xf32, #tpu.memory_space<vmem_shared>>)
    %barrier3A = arith.constant 0 : index
    tpu.barrier barrier_id(%barrier3A)
    %mul3A_120 = arith.constant 20000 : i32
    %mul3A_121 = arith.muli %arg1, %mul3A_120 : i32
    %add3A_122 = arith.constant 0 : i32
    %add3A_123 = arith.addi %mul3A_121, %add3A_122 : i32
    %dma_start3A_124 = arith.constant 0 : i32
    %dma_start3A_125 = arith.constant 0 : i32
    %dma_start3A_126 = arith.constant 0 : i32
    %dma_start3A_127 = arith.constant 0 : i32
    %dma_start3A_128 = tpu.memref_slice %arg5[%dma_start3A_124, %dma_start3A_126, %dma_start3A_127] : memref<5x160x64xf32, #tpu.memory_space<vmem>> -> memref<1x160x64xf32, #tpu.memory_space<vmem>>
    %dma_start3A_129 = tpu.memref_squeeze %dma_start3A_128 : memref<1x160x64xf32, #tpu.memory_space<vmem>> -> memref<160x64xf32, #tpu.memory_space<vmem>>
    %dma_start3A_130 = tpu.memref_slice %arg2[%add3A_123, %mul3A_0] : memref<320000x128xf32, #tpu.memory_space<hbm>> -> memref<160x64xf32, #tpu.memory_space<hbm>>
    %dma_start3A_131 = tpu.memref_slice %arg11[%dma_start3A_125] : memref<5x!tpu.dma_semaphore, #tpu.memory_space<semaphore_mem>> -> memref<1x!tpu.dma_semaphore, #tpu.memory_space<semaphore_mem>>
    %dma_start3A_132 = tpu.memref_squeeze %dma_start3A_131 : memref<1x!tpu.dma_semaphore, #tpu.memory_space<semaphore_mem>> -> memref<!tpu.dma_semaphore, #tpu.memory_space<semaphore_mem>>
    %dma_start3A_133 = arith.constant 0 : i32
    %dma_start3A_134 = arith.constant 0 : i32
    %dma_start3A_135 = tpu.memref_slice %arg5[%dma_start3A_124, %dma_start3A_133, %dma_start3A_134] : memref<5x160x64xf32, #tpu.memory_space<vmem>> -> memref<1x160x64xf32, #tpu.memory_space<vmem>>
    %dma_start3A_136 = tpu.memref_squeeze %dma_start3A_135 : memref<1x160x64xf32, #tpu.memory_space<vmem>> -> memref<160x64xf32, #tpu.memory_space<vmem>>
    %dma_start3A_137 = tpu.memref_slice %arg2[%add3A_123, %mul3A_0] : memref<320000x128xf32, #tpu.memory_space<hbm>> -> memref<160x64xf32, #tpu.memory_space<hbm>>
    tpu.enqueue_dma source(%dma_start3A_137 : memref<160x64xf32, #tpu.memory_space<hbm>>) target(%dma_start3A_136 : memref<160x64xf32, #tpu.memory_space<vmem>>) target_semaphore(%dma_start3A_132 : memref<!tpu.dma_semaphore, #tpu.memory_space<semaphore_mem>>)
    %add3A_138 = arith.constant 0 : i32
    %add3A_139 = arith.addi %add3A_123, %add3A_138 : i32
    %dma_start3A_140 = arith.constant 0 : i32
    %dma_start3A_141 = arith.constant 0 : i32
    %dma_start3A_142 = arith.constant 0 : i32
    %dma_start3A_143 = tpu.memref_slice %arg6[%dma_start3A_140, %dma_start3A_142] : memref<10x80xi32, #tpu.memory_space<vmem>> -> memref<1x80xi32, #tpu.memory_space<vmem>>
    %dma_start3A_144 = tpu.memref_squeeze %dma_start3A_143 : memref<1x80xi32, #tpu.memory_space<vmem>> -> memref<80xi32, #tpu.memory_space<vmem>>
    %dma_start3A_145 = tpu.memref_slice %arg3[%add3A_139] : memref<320000xi32, #tpu.memory_space<hbm>> -> memref<80xi32, #tpu.memory_space<hbm>>
    %dma_start3A_146 = tpu.memref_slice %arg12[%dma_start3A_141] : memref<5x!tpu.dma_semaphore, #tpu.memory_space<semaphore_mem>> -> memref<1x!tpu.dma_semaphore, #tpu.memory_space<semaphore_mem>>
    %dma_start3A_147 = tpu.memref_squeeze %dma_start3A_146 : memref<1x!tpu.dma_semaphore, #tpu.memory_space<semaphore_mem>> -> memref<!tpu.dma_semaphore, #tpu.memory_space<semaphore_mem>>
    %dma_start3A_148 = arith.constant 0 : i32
    %dma_start3A_149 = tpu.memref_slice %arg6[%dma_start3A_140, %dma_start3A_148] : memref<10x80xi32, #tpu.memory_space<vmem>> -> memref<1x80xi32, #tpu.memory_space<vmem>>
    %dma_start3A_150 = tpu.memref_squeeze %dma_start3A_149 : memref<1x80xi32, #tpu.memory_space<vmem>> -> memref<80xi32, #tpu.memory_space<vmem>>
    %dma_start3A_151 = tpu.memref_slice %arg3[%add3A_139] : memref<320000xi32, #tpu.memory_space<hbm>> -> memref<80xi32, #tpu.memory_space<hbm>>
    tpu.enqueue_dma source(%dma_start3A_151 : memref<80xi32, #tpu.memory_space<hbm>>) target(%dma_start3A_150 : memref<80xi32, #tpu.memory_space<vmem>>) target_semaphore(%dma_start3A_147 : memref<!tpu.dma_semaphore, #tpu.memory_space<semaphore_mem>>)
    %add3A_152 = arith.constant 80 : i32
    %add3A_153 = arith.addi %add3A_123, %add3A_152 : i32
    %dma_start3A_154 = arith.constant 1 : i32
    %dma_start3A_155 = arith.constant 0 : i32
    %dma_start3A_156 = arith.constant 0 : i32
    %dma_start3A_157 = tpu.memref_slice %arg6[%dma_start3A_154, %dma_start3A_156] : memref<10x80xi32, #tpu.memory_space<vmem>> -> memref<1x80xi32, #tpu.memory_space<vmem>>
    %dma_start3A_158 = tpu.memref_squeeze %dma_start3A_157 : memref<1x80xi32, #tpu.memory_space<vmem>> -> memref<80xi32, #tpu.memory_space<vmem>>
    %dma_start3A_159 = tpu.memref_slice %arg3[%add3A_153] : memref<320000xi32, #tpu.memory_space<hbm>> -> memref<80xi32, #tpu.memory_space<hbm>>
    %dma_start3A_160 = tpu.memref_slice %arg12[%dma_start3A_155] : memref<5x!tpu.dma_semaphore, #tpu.memory_space<semaphore_mem>> -> memref<1x!tpu.dma_semaphore, #tpu.memory_space<semaphore_mem>>
    %dma_start3A_161 = tpu.memref_squeeze %dma_start3A_160 : memref<1x!tpu.dma_semaphore, #tpu.memory_space<semaphore_mem>> -> memref<!tpu.dma_semaphore, #tpu.memory_space<semaphore_mem>>
    %dma_start3A_162 = arith.constant 0 : i32
    %dma_start3A_163 = tpu.memref_slice %arg6[%dma_start3A_154, %dma_start3A_162] : memref<10x80xi32, #tpu.memory_space<vmem>> -> memref<1x80xi32, #tpu.memory_space<vmem>>
    %dma_start3A_164 = tpu.memref_squeeze %dma_start3A_163 : memref<1x80xi32, #tpu.memory_space<vmem>> -> memref<80xi32, #tpu.memory_space<vmem>>
    %dma_start3A_165 = tpu.memref_slice %arg3[%add3A_153] : memref<320000xi32, #tpu.memory_space<hbm>> -> memref<80xi32, #tpu.memory_space<hbm>>
    tpu.enqueue_dma source(%dma_start3A_165 : memref<80xi32, #tpu.memory_space<hbm>>) target(%dma_start3A_164 : memref<80xi32, #tpu.memory_space<vmem>>) target_semaphore(%dma_start3A_161 : memref<!tpu.dma_semaphore, #tpu.memory_space<semaphore_mem>>)
    %add3A_166 = arith.constant 160 : i32
    %add3A_167 = arith.addi %mul3A_121, %add3A_166 : i32
    %dma_start3A_168 = arith.constant 1 : i32
    %dma_start3A_169 = arith.constant 1 : i32
    %dma_start3A_170 = arith.constant 0 : i32
    %dma_start3A_171 = arith.constant 0 : i32
    %dma_start3A_172 = tpu.memref_slice %arg5[%dma_start3A_168, %dma_start3A_170, %dma_start3A_171] : memref<5x160x64xf32, #tpu.memory_space<vmem>> -> memref<1x160x64xf32, #tpu.memory_space<vmem>>
    %dma_start3A_173 = tpu.memref_squeeze %dma_start3A_172 : memref<1x160x64xf32, #tpu.memory_space<vmem>> -> memref<160x64xf32, #tpu.memory_space<vmem>>
    %dma_start3A_174 = tpu.memref_slice %arg2[%add3A_167, %mul3A_0] : memref<320000x128xf32, #tpu.memory_space<hbm>> -> memref<160x64xf32, #tpu.memory_space<hbm>>
    %dma_start3A_175 = tpu.memref_slice %arg11[%dma_start3A_169] : memref<5x!tpu.dma_semaphore, #tpu.memory_space<semaphore_mem>> -> memref<1x!tpu.dma_semaphore, #tpu.memory_space<semaphore_mem>>
    %dma_start3A_176 = tpu.memref_squeeze %dma_start3A_175 : memref<1x!tpu.dma_semaphore, #tpu.memory_space<semaphore_mem>> -> memref<!tpu.dma_semaphore, #tpu.memory_space<semaphore_mem>>
    %dma_start3A_177 = arith.constant 0 : i32
    %dma_start3A_178 = arith.constant 0 : i32
    %dma_start3A_179 = tpu.memref_slice %arg5[%dma_start3A_168, %dma_start3A_177, %dma_start3A_178] : memref<5x160x64xf32, #tpu.memory_space<vmem>> -> memref<1x160x64xf32, #tpu.memory_space<vmem>>
    %dma_start3A_180 = tpu.memref_squeeze %dma_start3A_179 : memref<1x160x64xf32, #tpu.memory_space<vmem>> -> memref<160x64xf32, #tpu.memory_space<vmem>>
    %dma_start3A_181 = tpu.memref_slice %arg2[%add3A_167, %mul3A_0] : memref<320000x128xf32, #tpu.memory_space<hbm>> -> memref<160x64xf32, #tpu.memory_space<hbm>>
    tpu.enqueue_dma source(%dma_start3A_181 : memref<160x64xf32, #tpu.memory_space<hbm>>) target(%dma_start3A_180 : memref<160x64xf32, #tpu.memory_space<vmem>>) target_semaphore(%dma_start3A_176 : memref<!tpu.dma_semaphore, #tpu.memory_space<semaphore_mem>>)
    %add3A_182 = arith.constant 0 : i32
    %add3A_183 = arith.addi %add3A_167, %add3A_182 : i32
    %dma_start3A_184 = arith.constant 2 : i32
    %dma_start3A_185 = arith.constant 1 : i32
    %dma_start3A_186 = arith.constant 0 : i32
    %dma_start3A_187 = tpu.memref_slice %arg6[%dma_start3A_184, %dma_start3A_186] : memref<10x80xi32, #tpu.memory_space<vmem>> -> memref<1x80xi32, #tpu.memory_space<vmem>>
    %dma_start3A_188 = tpu.memref_squeeze %dma_start3A_187 : memref<1x80xi32, #tpu.memory_space<vmem>> -> memref<80xi32, #tpu.memory_space<vmem>>
    %dma_start3A_189 = tpu.memref_slice %arg3[%add3A_183] : memref<320000xi32, #tpu.memory_space<hbm>> -> memref<80xi32, #tpu.memory_space<hbm>>
    %dma_start3A_190 = tpu.memref_slice %arg12[%dma_start3A_185] : memref<5x!tpu.dma_semaphore, #tpu.memory_space<semaphore_mem>> -> memref<1x!tpu.dma_semaphore, #tpu.memory_space<semaphore_mem>>
    %dma_start3A_191 = tpu.memref_squeeze %dma_start3A_190 : memref<1x!tpu.dma_semaphore, #tpu.memory_space<semaphore_mem>> -> memref<!tpu.dma_semaphore, #tpu.memory_space<semaphore_mem>>
    %dma_start3A_192 = arith.constant 0 : i32
    %dma_start3A_193 = tpu.memref_slice %arg6[%dma_start3A_184, %dma_start3A_192] : memref<10x80xi32, #tpu.memory_space<vmem>> -> memref<1x80xi32, #tpu.memory_space<vmem>>
    %dma_start3A_194 = tpu.memref_squeeze %dma_start3A_193 : memref<1x80xi32, #tpu.memory_space<vmem>> -> memref<80xi32, #tpu.memory_space<vmem>>
    %dma_start3A_195 = tpu.memref_slice %arg3[%add3A_183] : memref<320000xi32, #tpu.memory_space<hbm>> -> memref<80xi32, #tpu.memory_space<hbm>>
    tpu.enqueue_dma source(%dma_start3A_195 : memref<80xi32, #tpu.memory_space<hbm>>) target(%dma_start3A_194 : memref<80xi32, #tpu.memory_space<vmem>>) target_semaphore(%dma_start3A_191 : memref<!tpu.dma_semaphore, #tpu.memory_space<semaphore_mem>>)
    %add3A_196 = arith.constant 80 : i32
    %add3A_197 = arith.addi %add3A_167, %add3A_196 : i32
    %dma_start3A_198 = arith.constant 3 : i32
    %dma_start3A_199 = arith.constant 1 : i32
    %dma_start3A_200 = arith.constant 0 : i32
    %dma_start3A_201 = tpu.memref_slice %arg6[%dma_start3A_198, %dma_start3A_200] : memref<10x80xi32, #tpu.memory_space<vmem>> -> memref<1x80xi32, #tpu.memory_space<vmem>>
    %dma_start3A_202 = tpu.memref_squeeze %dma_start3A_201 : memref<1x80xi32, #tpu.memory_space<vmem>> -> memref<80xi32, #tpu.memory_space<vmem>>
    %dma_start3A_203 = tpu.memref_slice %arg3[%add3A_197] : memref<320000xi32, #tpu.memory_space<hbm>> -> memref<80xi32, #tpu.memory_space<hbm>>
    %dma_start3A_204 = tpu.memref_slice %arg12[%dma_start3A_199] : memref<5x!tpu.dma_semaphore, #tpu.memory_space<semaphore_mem>> -> memref<1x!tpu.dma_semaphore, #tpu.memory_space<semaphore_mem>>
    %dma_start3A_205 = tpu.memref_squeeze %dma_start3A_204 : memref<1x!tpu.dma_semaphore, #tpu.memory_space<semaphore_mem>> -> memref<!tpu.dma_semaphore, #tpu.memory_space<semaphore_mem>>
    %dma_start3A_206 = arith.constant 0 : i32
    %dma_start3A_207 = tpu.memref_slice %arg6[%dma_start3A_198, %dma_start3A_206] : memref<10x80xi32, #tpu.memory_space<vmem>> -> memref<1x80xi32, #tpu.memory_space<vmem>>
    %dma_start3A_208 = tpu.memref_squeeze %dma_start3A_207 : memref<1x80xi32, #tpu.memory_space<vmem>> -> memref<80xi32, #tpu.memory_space<vmem>>
    %dma_start3A_209 = tpu.memref_slice %arg3[%add3A_197] : memref<320000xi32, #tpu.memory_space<hbm>> -> memref<80xi32, #tpu.memory_space<hbm>>
    tpu.enqueue_dma source(%dma_start3A_209 : memref<80xi32, #tpu.memory_space<hbm>>) target(%dma_start3A_208 : memref<80xi32, #tpu.memory_space<vmem>>) target_semaphore(%dma_start3A_205 : memref<!tpu.dma_semaphore, #tpu.memory_space<semaphore_mem>>)
    %add3A_210 = arith.constant 320 : i32
    %add3A_211 = arith.addi %mul3A_121, %add3A_210 : i32
    %dma_start3A_212 = arith.constant 2 : i32
    %dma_start3A_213 = arith.constant 2 : i32
    %dma_start3A_214 = arith.constant 0 : i32
    %dma_start3A_215 = arith.constant 0 : i32
    %dma_start3A_216 = tpu.memref_slice %arg5[%dma_start3A_212, %dma_start3A_214, %dma_start3A_215] : memref<5x160x64xf32, #tpu.memory_space<vmem>> -> memref<1x160x64xf32, #tpu.memory_space<vmem>>
    %dma_start3A_217 = tpu.memref_squeeze %dma_start3A_216 : memref<1x160x64xf32, #tpu.memory_space<vmem>> -> memref<160x64xf32, #tpu.memory_space<vmem>>
    %dma_start3A_218 = tpu.memref_slice %arg2[%add3A_211, %mul3A_0] : memref<320000x128xf32, #tpu.memory_space<hbm>> -> memref<160x64xf32, #tpu.memory_space<hbm>>
    %dma_start3A_219 = tpu.memref_slice %arg11[%dma_start3A_213] : memref<5x!tpu.dma_semaphore, #tpu.memory_space<semaphore_mem>> -> memref<1x!tpu.dma_semaphore, #tpu.memory_space<semaphore_mem>>
    %dma_start3A_220 = tpu.memref_squeeze %dma_start3A_219 : memref<1x!tpu.dma_semaphore, #tpu.memory_space<semaphore_mem>> -> memref<!tpu.dma_semaphore, #tpu.memory_space<semaphore_mem>>
    %dma_start3A_221 = arith.constant 0 : i32
    %dma_start3A_222 = arith.constant 0 : i32
    %dma_start3A_223 = tpu.memref_slice %arg5[%dma_start3A_212, %dma_start3A_221, %dma_start3A_222] : memref<5x160x64xf32, #tpu.memory_space<vmem>> -> memref<1x160x64xf32, #tpu.memory_space<vmem>>
    %dma_start3A_224 = tpu.memref_squeeze %dma_start3A_223 : memref<1x160x64xf32, #tpu.memory_space<vmem>> -> memref<160x64xf32, #tpu.memory_space<vmem>>
    %dma_start3A_225 = tpu.memref_slice %arg2[%add3A_211, %mul3A_0] : memref<320000x128xf32, #tpu.memory_space<hbm>> -> memref<160x64xf32, #tpu.memory_space<hbm>>
    tpu.enqueue_dma source(%dma_start3A_225 : memref<160x64xf32, #tpu.memory_space<hbm>>) target(%dma_start3A_224 : memref<160x64xf32, #tpu.memory_space<vmem>>) target_semaphore(%dma_start3A_220 : memref<!tpu.dma_semaphore, #tpu.memory_space<semaphore_mem>>)
    %add3A_226 = arith.constant 0 : i32
    %add3A_227 = arith.addi %add3A_211, %add3A_226 : i32
    %dma_start3A_228 = arith.constant 4 : i32
    %dma_start3A_229 = arith.constant 2 : i32
    %dma_start3A_230 = arith.constant 0 : i32
    %dma_start3A_231 = tpu.memref_slice %arg6[%dma_start3A_228, %dma_start3A_230] : memref<10x80xi32, #tpu.memory_space<vmem>> -> memref<1x80xi32, #tpu.memory_space<vmem>>
    %dma_start3A_232 = tpu.memref_squeeze %dma_start3A_231 : memref<1x80xi32, #tpu.memory_space<vmem>> -> memref<80xi32, #tpu.memory_space<vmem>>
    %dma_start3A_233 = tpu.memref_slice %arg3[%add3A_227] : memref<320000xi32, #tpu.memory_space<hbm>> -> memref<80xi32, #tpu.memory_space<hbm>>
    %dma_start3A_234 = tpu.memref_slice %arg12[%dma_start3A_229] : memref<5x!tpu.dma_semaphore, #tpu.memory_space<semaphore_mem>> -> memref<1x!tpu.dma_semaphore, #tpu.memory_space<semaphore_mem>>
    %dma_start3A_235 = tpu.memref_squeeze %dma_start3A_234 : memref<1x!tpu.dma_semaphore, #tpu.memory_space<semaphore_mem>> -> memref<!tpu.dma_semaphore, #tpu.memory_space<semaphore_mem>>
    %dma_start3A_236 = arith.constant 0 : i32
    %dma_start3A_237 = tpu.memref_slice %arg6[%dma_start3A_228, %dma_start3A_236] : memref<10x80xi32, #tpu.memory_space<vmem>> -> memref<1x80xi32, #tpu.memory_space<vmem>>
    %dma_start3A_238 = tpu.memref_squeeze %dma_start3A_237 : memref<1x80xi32, #tpu.memory_space<vmem>> -> memref<80xi32, #tpu.memory_space<vmem>>
    %dma_start3A_239 = tpu.memref_slice %arg3[%add3A_227] : memref<320000xi32, #tpu.memory_space<hbm>> -> memref<80xi32, #tpu.memory_space<hbm>>
    tpu.enqueue_dma source(%dma_start3A_239 : memref<80xi32, #tpu.memory_space<hbm>>) target(%dma_start3A_238 : memref<80xi32, #tpu.memory_space<vmem>>) target_semaphore(%dma_start3A_235 : memref<!tpu.dma_semaphore, #tpu.memory_space<semaphore_mem>>)
    %add3A_240 = arith.constant 80 : i32
    %add3A_241 = arith.addi %add3A_211, %add3A_240 : i32
    %dma_start3A_242 = arith.constant 5 : i32
    %dma_start3A_243 = arith.constant 2 : i32
    %dma_start3A_244 = arith.constant 0 : i32
    %dma_start3A_245 = tpu.memref_slice %arg6[%dma_start3A_242, %dma_start3A_244] : memref<10x80xi32, #tpu.memory_space<vmem>> -> memref<1x80xi32, #tpu.memory_space<vmem>>
    %dma_start3A_246 = tpu.memref_squeeze %dma_start3A_245 : memref<1x80xi32, #tpu.memory_space<vmem>> -> memref<80xi32, #tpu.memory_space<vmem>>
    %dma_start3A_247 = tpu.memref_slice %arg3[%add3A_241] : memref<320000xi32, #tpu.memory_space<hbm>> -> memref<80xi32, #tpu.memory_space<hbm>>
    %dma_start3A_248 = tpu.memref_slice %arg12[%dma_start3A_243] : memref<5x!tpu.dma_semaphore, #tpu.memory_space<semaphore_mem>> -> memref<1x!tpu.dma_semaphore, #tpu.memory_space<semaphore_mem>>
    %dma_start3A_249 = tpu.memref_squeeze %dma_start3A_248 : memref<1x!tpu.dma_semaphore, #tpu.memory_space<semaphore_mem>> -> memref<!tpu.dma_semaphore, #tpu.memory_space<semaphore_mem>>
    %dma_start3A_250 = arith.constant 0 : i32
    %dma_start3A_251 = tpu.memref_slice %arg6[%dma_start3A_242, %dma_start3A_250] : memref<10x80xi32, #tpu.memory_space<vmem>> -> memref<1x80xi32, #tpu.memory_space<vmem>>
    %dma_start3A_252 = tpu.memref_squeeze %dma_start3A_251 : memref<1x80xi32, #tpu.memory_space<vmem>> -> memref<80xi32, #tpu.memory_space<vmem>>
    %dma_start3A_253 = tpu.memref_slice %arg3[%add3A_241] : memref<320000xi32, #tpu.memory_space<hbm>> -> memref<80xi32, #tpu.memory_space<hbm>>
    tpu.enqueue_dma source(%dma_start3A_253 : memref<80xi32, #tpu.memory_space<hbm>>) target(%dma_start3A_252 : memref<80xi32, #tpu.memory_space<vmem>>) target_semaphore(%dma_start3A_249 : memref<!tpu.dma_semaphore, #tpu.memory_space<semaphore_mem>>)
    %add3A_254 = arith.constant 480 : i32
    %add3A_255 = arith.addi %mul3A_121, %add3A_254 : i32
    %dma_start3A_256 = arith.constant 3 : i32
    %dma_start3A_257 = arith.constant 3 : i32
    %dma_start3A_258 = arith.constant 0 : i32
    %dma_start3A_259 = arith.constant 0 : i32
    %dma_start3A_260 = tpu.memref_slice %arg5[%dma_start3A_256, %dma_start3A_258, %dma_start3A_259] : memref<5x160x64xf32, #tpu.memory_space<vmem>> -> memref<1x160x64xf32, #tpu.memory_space<vmem>>
    %dma_start3A_261 = tpu.memref_squeeze %dma_start3A_260 : memref<1x160x64xf32, #tpu.memory_space<vmem>> -> memref<160x64xf32, #tpu.memory_space<vmem>>
    %dma_start3A_262 = tpu.memref_slice %arg2[%add3A_255, %mul3A_0] : memref<320000x128xf32, #tpu.memory_space<hbm>> -> memref<160x64xf32, #tpu.memory_space<hbm>>
    %dma_start3A_263 = tpu.memref_slice %arg11[%dma_start3A_257] : memref<5x!tpu.dma_semaphore, #tpu.memory_space<semaphore_mem>> -> memref<1x!tpu.dma_semaphore, #tpu.memory_space<semaphore_mem>>
    %dma_start3A_264 = tpu.memref_squeeze %dma_start3A_263 : memref<1x!tpu.dma_semaphore, #tpu.memory_space<semaphore_mem>> -> memref<!tpu.dma_semaphore, #tpu.memory_space<semaphore_mem>>
    %dma_start3A_265 = arith.constant 0 : i32
    %dma_start3A_266 = arith.constant 0 : i32
    %dma_start3A_267 = tpu.memref_slice %arg5[%dma_start3A_256, %dma_start3A_265, %dma_start3A_266] : memref<5x160x64xf32, #tpu.memory_space<vmem>> -> memref<1x160x64xf32, #tpu.memory_space<vmem>>
    %dma_start3A_268 = tpu.memref_squeeze %dma_start3A_267 : memref<1x160x64xf32, #tpu.memory_space<vmem>> -> memref<160x64xf32, #tpu.memory_space<vmem>>
    %dma_start3A_269 = tpu.memref_slice %arg2[%add3A_255, %mul3A_0] : memref<320000x128xf32, #tpu.memory_space<hbm>> -> memref<160x64xf32, #tpu.memory_space<hbm>>
    tpu.enqueue_dma source(%dma_start3A_269 : memref<160x64xf32, #tpu.memory_space<hbm>>) target(%dma_start3A_268 : memref<160x64xf32, #tpu.memory_space<vmem>>) target_semaphore(%dma_start3A_264 : memref<!tpu.dma_semaphore, #tpu.memory_space<semaphore_mem>>)
    %add3A_270 = arith.constant 0 : i32
    %add3A_271 = arith.addi %add3A_255, %add3A_270 : i32
    %dma_start3A_272 = arith.constant 6 : i32
    %dma_start3A_273 = arith.constant 3 : i32
    %dma_start3A_274 = arith.constant 0 : i32
    %dma_start3A_275 = tpu.memref_slice %arg6[%dma_start3A_272, %dma_start3A_274] : memref<10x80xi32, #tpu.memory_space<vmem>> -> memref<1x80xi32, #tpu.memory_space<vmem>>
    %dma_start3A_276 = tpu.memref_squeeze %dma_start3A_275 : memref<1x80xi32, #tpu.memory_space<vmem>> -> memref<80xi32, #tpu.memory_space<vmem>>
    %dma_start3A_277 = tpu.memref_slice %arg3[%add3A_271] : memref<320000xi32, #tpu.memory_space<hbm>> -> memref<80xi32, #tpu.memory_space<hbm>>
    %dma_start3A_278 = tpu.memref_slice %arg12[%dma_start3A_273] : memref<5x!tpu.dma_semaphore, #tpu.memory_space<semaphore_mem>> -> memref<1x!tpu.dma_semaphore, #tpu.memory_space<semaphore_mem>>
    %dma_start3A_279 = tpu.memref_squeeze %dma_start3A_278 : memref<1x!tpu.dma_semaphore, #tpu.memory_space<semaphore_mem>> -> memref<!tpu.dma_semaphore, #tpu.memory_space<semaphore_mem>>
    %dma_start3A_280 = arith.constant 0 : i32
    %dma_start3A_281 = tpu.memref_slice %arg6[%dma_start3A_272, %dma_start3A_280] : memref<10x80xi32, #tpu.memory_space<vmem>> -> memref<1x80xi32, #tpu.memory_space<vmem>>
    %dma_start3A_282 = tpu.memref_squeeze %dma_start3A_281 : memref<1x80xi32, #tpu.memory_space<vmem>> -> memref<80xi32, #tpu.memory_space<vmem>>
    %dma_start3A_283 = tpu.memref_slice %arg3[%add3A_271] : memref<320000xi32, #tpu.memory_space<hbm>> -> memref<80xi32, #tpu.memory_space<hbm>>
    tpu.enqueue_dma source(%dma_start3A_283 : memref<80xi32, #tpu.memory_space<hbm>>) target(%dma_start3A_282 : memref<80xi32, #tpu.memory_space<vmem>>) target_semaphore(%dma_start3A_279 : memref<!tpu.dma_semaphore, #tpu.memory_space<semaphore_mem>>)
    %add3A_284 = arith.constant 80 : i32
    %add3A_285 = arith.addi %add3A_255, %add3A_284 : i32
    %dma_start3A_286 = arith.constant 7 : i32
    %dma_start3A_287 = arith.constant 3 : i32
    %dma_start3A_288 = arith.constant 0 : i32
    %dma_start3A_289 = tpu.memref_slice %arg6[%dma_start3A_286, %dma_start3A_288] : memref<10x80xi32, #tpu.memory_space<vmem>> -> memref<1x80xi32, #tpu.memory_space<vmem>>
    %dma_start3A_290 = tpu.memref_squeeze %dma_start3A_289 : memref<1x80xi32, #tpu.memory_space<vmem>> -> memref<80xi32, #tpu.memory_space<vmem>>
    %dma_start3A_291 = tpu.memref_slice %arg3[%add3A_285] : memref<320000xi32, #tpu.memory_space<hbm>> -> memref<80xi32, #tpu.memory_space<hbm>>
    %dma_start3A_292 = tpu.memref_slice %arg12[%dma_start3A_287] : memref<5x!tpu.dma_semaphore, #tpu.memory_space<semaphore_mem>> -> memref<1x!tpu.dma_semaphore, #tpu.memory_space<semaphore_mem>>
    %dma_start3A_293 = tpu.memref_squeeze %dma_start3A_292 : memref<1x!tpu.dma_semaphore, #tpu.memory_space<semaphore_mem>> -> memref<!tpu.dma_semaphore, #tpu.memory_space<semaphore_mem>>
    %dma_start3A_294 = arith.constant 0 : i32
    %dma_start3A_295 = tpu.memref_slice %arg6[%dma_start3A_286, %dma_start3A_294] : memref<10x80xi32, #tpu.memory_space<vmem>> -> memref<1x80xi32, #tpu.memory_space<vmem>>
    %dma_start3A_296 = tpu.memref_squeeze %dma_start3A_295 : memref<1x80xi32, #tpu.memory_space<vmem>> -> memref<80xi32, #tpu.memory_space<vmem>>
    %dma_start3A_297 = tpu.memref_slice %arg3[%add3A_285] : memref<320000xi32, #tpu.memory_space<hbm>> -> memref<80xi32, #tpu.memory_space<hbm>>
    tpu.enqueue_dma source(%dma_start3A_297 : memref<80xi32, #tpu.memory_space<hbm>>) target(%dma_start3A_296 : memref<80xi32, #tpu.memory_space<vmem>>) target_semaphore(%dma_start3A_293 : memref<!tpu.dma_semaphore, #tpu.memory_space<semaphore_mem>>)
    %add3A_298 = arith.constant 640 : i32
    %add3A_299 = arith.addi %mul3A_121, %add3A_298 : i32
    %dma_start3A_300 = arith.constant 4 : i32
    %dma_start3A_301 = arith.constant 4 : i32
    %dma_start3A_302 = arith.constant 0 : i32
    %dma_start3A_303 = arith.constant 0 : i32
    %dma_start3A_304 = tpu.memref_slice %arg5[%dma_start3A_300, %dma_start3A_302, %dma_start3A_303] : memref<5x160x64xf32, #tpu.memory_space<vmem>> -> memref<1x160x64xf32, #tpu.memory_space<vmem>>
    %dma_start3A_305 = tpu.memref_squeeze %dma_start3A_304 : memref<1x160x64xf32, #tpu.memory_space<vmem>> -> memref<160x64xf32, #tpu.memory_space<vmem>>
    %dma_start3A_306 = tpu.memref_slice %arg2[%add3A_299, %mul3A_0] : memref<320000x128xf32, #tpu.memory_space<hbm>> -> memref<160x64xf32, #tpu.memory_space<hbm>>
    %dma_start3A_307 = tpu.memref_slice %arg11[%dma_start3A_301] : memref<5x!tpu.dma_semaphore, #tpu.memory_space<semaphore_mem>> -> memref<1x!tpu.dma_semaphore, #tpu.memory_space<semaphore_mem>>
    %dma_start3A_308 = tpu.memref_squeeze %dma_start3A_307 : memref<1x!tpu.dma_semaphore, #tpu.memory_space<semaphore_mem>> -> memref<!tpu.dma_semaphore, #tpu.memory_space<semaphore_mem>>
    %dma_start3A_309 = arith.constant 0 : i32
    %dma_start3A_310 = arith.constant 0 : i32
    %dma_start3A_311 = tpu.memref_slice %arg5[%dma_start3A_300, %dma_start3A_309, %dma_start3A_310] : memref<5x160x64xf32, #tpu.memory_space<vmem>> -> memref<1x160x64xf32, #tpu.memory_space<vmem>>
    %dma_start3A_312 = tpu.memref_squeeze %dma_start3A_311 : memref<1x160x64xf32, #tpu.memory_space<vmem>> -> memref<160x64xf32, #tpu.memory_space<vmem>>
    %dma_start3A_313 = tpu.memref_slice %arg2[%add3A_299, %mul3A_0] : memref<320000x128xf32, #tpu.memory_space<hbm>> -> memref<160x64xf32, #tpu.memory_space<hbm>>
    tpu.enqueue_dma source(%dma_start3A_313 : memref<160x64xf32, #tpu.memory_space<hbm>>) target(%dma_start3A_312 : memref<160x64xf32, #tpu.memory_space<vmem>>) target_semaphore(%dma_start3A_308 : memref<!tpu.dma_semaphore, #tpu.memory_space<semaphore_mem>>)
    %add3A_314 = arith.constant 0 : i32
    %add3A_315 = arith.addi %add3A_299, %add3A_314 : i32
    %dma_start3A_316 = arith.constant 8 : i32
    %dma_start3A_317 = arith.constant 4 : i32
    %dma_start3A_318 = arith.constant 0 : i32
    %dma_start3A_319 = tpu.memref_slice %arg6[%dma_start3A_316, %dma_start3A_318] : memref<10x80xi32, #tpu.memory_space<vmem>> -> memref<1x80xi32, #tpu.memory_space<vmem>>
    %dma_start3A_320 = tpu.memref_squeeze %dma_start3A_319 : memref<1x80xi32, #tpu.memory_space<vmem>> -> memref<80xi32, #tpu.memory_space<vmem>>
    %dma_start3A_321 = tpu.memref_slice %arg3[%add3A_315] : memref<320000xi32, #tpu.memory_space<hbm>> -> memref<80xi32, #tpu.memory_space<hbm>>
    %dma_start3A_322 = tpu.memref_slice %arg12[%dma_start3A_317] : memref<5x!tpu.dma_semaphore, #tpu.memory_space<semaphore_mem>> -> memref<1x!tpu.dma_semaphore, #tpu.memory_space<semaphore_mem>>
    %dma_start3A_323 = tpu.memref_squeeze %dma_start3A_322 : memref<1x!tpu.dma_semaphore, #tpu.memory_space<semaphore_mem>> -> memref<!tpu.dma_semaphore, #tpu.memory_space<semaphore_mem>>
    %dma_start3A_324 = arith.constant 0 : i32
    %dma_start3A_325 = tpu.memref_slice %arg6[%dma_start3A_316, %dma_start3A_324] : memref<10x80xi32, #tpu.memory_space<vmem>> -> memref<1x80xi32, #tpu.memory_space<vmem>>
    %dma_start3A_326 = tpu.memref_squeeze %dma_start3A_325 : memref<1x80xi32, #tpu.memory_space<vmem>> -> memref<80xi32, #tpu.memory_space<vmem>>
    %dma_start3A_327 = tpu.memref_slice %arg3[%add3A_315] : memref<320000xi32, #tpu.memory_space<hbm>> -> memref<80xi32, #tpu.memory_space<hbm>>
    tpu.enqueue_dma source(%dma_start3A_327 : memref<80xi32, #tpu.memory_space<hbm>>) target(%dma_start3A_326 : memref<80xi32, #tpu.memory_space<vmem>>) target_semaphore(%dma_start3A_323 : memref<!tpu.dma_semaphore, #tpu.memory_space<semaphore_mem>>)
    %add3A_328 = arith.constant 80 : i32
    %add3A_329 = arith.addi %add3A_299, %add3A_328 : i32
    %dma_start3A_330 = arith.constant 9 : i32
    %dma_start3A_331 = arith.constant 4 : i32
    %dma_start3A_332 = arith.constant 0 : i32
    %dma_start3A_333 = tpu.memref_slice %arg6[%dma_start3A_330, %dma_start3A_332] : memref<10x80xi32, #tpu.memory_space<vmem>> -> memref<1x80xi32, #tpu.memory_space<vmem>>
    %dma_start3A_334 = tpu.memref_squeeze %dma_start3A_333 : memref<1x80xi32, #tpu.memory_space<vmem>> -> memref<80xi32, #tpu.memory_space<vmem>>
    %dma_start3A_335 = tpu.memref_slice %arg3[%add3A_329] : memref<320000xi32, #tpu.memory_space<hbm>> -> memref<80xi32, #tpu.memory_space<hbm>>
    %dma_start3A_336 = tpu.memref_slice %arg12[%dma_start3A_331] : memref<5x!tpu.dma_semaphore, #tpu.memory_space<semaphore_mem>> -> memref<1x!tpu.dma_semaphore, #tpu.memory_space<semaphore_mem>>
    %dma_start3A_337 = tpu.memref_squeeze %dma_start3A_336 : memref<1x!tpu.dma_semaphore, #tpu.memory_space<semaphore_mem>> -> memref<!tpu.dma_semaphore, #tpu.memory_space<semaphore_mem>>
    %dma_start3A_338 = arith.constant 0 : i32
    %dma_start3A_339 = tpu.memref_slice %arg6[%dma_start3A_330, %dma_start3A_338] : memref<10x80xi32, #tpu.memory_space<vmem>> -> memref<1x80xi32, #tpu.memory_space<vmem>>
    %dma_start3A_340 = tpu.memref_squeeze %dma_start3A_339 : memref<1x80xi32, #tpu.memory_space<vmem>> -> memref<80xi32, #tpu.memory_space<vmem>>
    %dma_start3A_341 = tpu.memref_slice %arg3[%add3A_329] : memref<320000xi32, #tpu.memory_space<hbm>> -> memref<80xi32, #tpu.memory_space<hbm>>
    tpu.enqueue_dma source(%dma_start3A_341 : memref<80xi32, #tpu.memory_space<hbm>>) target(%dma_start3A_340 : memref<80xi32, #tpu.memory_space<vmem>>) target_semaphore(%dma_start3A_337 : memref<!tpu.dma_semaphore, #tpu.memory_space<semaphore_mem>>)
    %scan3A_342 = arith.constant 0 : i32
    %scan3A_343 = arith.constant 0 : i32
    %scan3A_344 = arith.constant 25 : i32
    %scan3A_345 = arith.addi %scan3A_343, %scan3A_344 : i32
    %scan3A_346 = arith.constant 1 : i32
    scf.for %scan3A_723 = %scan3A_343 to %scan3A_345 step %scan3A_346  : i32 {
      %mul3A_724 = arith.constant 800 : i32
      %mul3A_725 = arith.muli %scan3A_723, %mul3A_724 : i32
      %add3A_726 = arith.addi %mul3A_121, %mul3A_725 : i32
      %add3A_727 = arith.constant 0 : i32
      %add3A_728 = arith.addi %add3A_726, %add3A_727 : i32
      %dma_wait3A_729 = arith.constant 0 : i32
      %dma_wait3A_730 = arith.constant 0 : i32
      %dma_wait3A_731 = arith.constant 0 : i32
      %dma_wait3A_732 = arith.constant 0 : i32
      %dma_wait3A_733 = tpu.memref_slice %arg5[%dma_wait3A_729, %dma_wait3A_731, %dma_wait3A_732] : memref<5x160x64xf32, #tpu.memory_space<vmem>> -> memref<1x160x64xf32, #tpu.memory_space<vmem>>
      %dma_wait3A_734 = tpu.memref_squeeze %dma_wait3A_733 : memref<1x160x64xf32, #tpu.memory_space<vmem>> -> memref<160x64xf32, #tpu.memory_space<vmem>>
      %dma_wait3A_735 = tpu.memref_slice %arg2[%add3A_728, %mul3A_0] : memref<320000x128xf32, #tpu.memory_space<hbm>> -> memref<160x64xf32, #tpu.memory_space<hbm>>
      %dma_wait3A_736 = tpu.memref_slice %arg11[%dma_wait3A_730] : memref<5x!tpu.dma_semaphore, #tpu.memory_space<semaphore_mem>> -> memref<1x!tpu.dma_semaphore, #tpu.memory_space<semaphore_mem>>
      %dma_wait3A_737 = tpu.memref_squeeze %dma_wait3A_736 : memref<1x!tpu.dma_semaphore, #tpu.memory_space<semaphore_mem>> -> memref<!tpu.dma_semaphore, #tpu.memory_space<semaphore_mem>>
      %dma_wait3A_738 = arith.constant 0 : i32
      %dma_wait3A_739 = arith.constant 0 : i32
      %dma_wait3A_740 = tpu.memref_slice %arg5[%dma_wait3A_729, %dma_wait3A_738, %dma_wait3A_739] : memref<5x160x64xf32, #tpu.memory_space<vmem>> -> memref<1x160x64xf32, #tpu.memory_space<vmem>>
      %dma_wait3A_741 = tpu.memref_squeeze %dma_wait3A_740 : memref<1x160x64xf32, #tpu.memory_space<vmem>> -> memref<160x64xf32, #tpu.memory_space<vmem>>
      %dma_wait3A_742 = tpu.memref_slice %arg2[%add3A_728, %mul3A_0] : memref<320000x128xf32, #tpu.memory_space<hbm>> -> memref<160x64xf32, #tpu.memory_space<hbm>>
      tpu.wait_dma2 semaphore(%dma_wait3A_737 : memref<!tpu.dma_semaphore, #tpu.memory_space<semaphore_mem>>) src(%dma_wait3A_742 : memref<160x64xf32, #tpu.memory_space<hbm>>) dst(%dma_wait3A_741 : memref<160x64xf32, #tpu.memory_space<vmem>>)
      %add3A_743 = arith.constant 0 : i32
      %add3A_744 = arith.addi %add3A_728, %add3A_743 : i32
      %dma_wait3A_745 = arith.constant 0 : i32
      %dma_wait3A_746 = arith.constant 0 : i32
      %dma_wait3A_747 = arith.constant 0 : i32
      %dma_wait3A_748 = tpu.memref_slice %arg6[%dma_wait3A_745, %dma_wait3A_747] : memref<10x80xi32, #tpu.memory_space<vmem>> -> memref<1x80xi32, #tpu.memory_space<vmem>>
      %dma_wait3A_749 = tpu.memref_squeeze %dma_wait3A_748 : memref<1x80xi32, #tpu.memory_space<vmem>> -> memref<80xi32, #tpu.memory_space<vmem>>
      %dma_wait3A_750 = tpu.memref_slice %arg3[%add3A_744] : memref<320000xi32, #tpu.memory_space<hbm>> -> memref<80xi32, #tpu.memory_space<hbm>>
      %dma_wait3A_751 = tpu.memref_slice %arg12[%dma_wait3A_746] : memref<5x!tpu.dma_semaphore, #tpu.memory_space<semaphore_mem>> -> memref<1x!tpu.dma_semaphore, #tpu.memory_space<semaphore_mem>>
      %dma_wait3A_752 = tpu.memref_squeeze %dma_wait3A_751 : memref<1x!tpu.dma_semaphore, #tpu.memory_space<semaphore_mem>> -> memref<!tpu.dma_semaphore, #tpu.memory_space<semaphore_mem>>
      %dma_wait3A_753 = arith.constant 0 : i32
      %dma_wait3A_754 = tpu.memref_slice %arg6[%dma_wait3A_745, %dma_wait3A_753] : memref<10x80xi32, #tpu.memory_space<vmem>> -> memref<1x80xi32, #tpu.memory_space<vmem>>
      %dma_wait3A_755 = tpu.memref_squeeze %dma_wait3A_754 : memref<1x80xi32, #tpu.memory_space<vmem>> -> memref<80xi32, #tpu.memory_space<vmem>>
      %dma_wait3A_756 = tpu.memref_slice %arg3[%add3A_744] : memref<320000xi32, #tpu.memory_space<hbm>> -> memref<80xi32, #tpu.memory_space<hbm>>
      tpu.wait_dma2 semaphore(%dma_wait3A_752 : memref<!tpu.dma_semaphore, #tpu.memory_space<semaphore_mem>>) src(%dma_wait3A_756 : memref<80xi32, #tpu.memory_space<hbm>>) dst(%dma_wait3A_755 : memref<80xi32, #tpu.memory_space<vmem>>)
      %add3A_757 = arith.constant 80 : i32
      %add3A_758 = arith.addi %add3A_728, %add3A_757 : i32
      %dma_wait3A_759 = arith.constant 1 : i32
      %dma_wait3A_760 = arith.constant 0 : i32
      %dma_wait3A_761 = arith.constant 0 : i32
      %dma_wait3A_762 = tpu.memref_slice %arg6[%dma_wait3A_759, %dma_wait3A_761] : memref<10x80xi32, #tpu.memory_space<vmem>> -> memref<1x80xi32, #tpu.memory_space<vmem>>
      %dma_wait3A_763 = tpu.memref_squeeze %dma_wait3A_762 : memref<1x80xi32, #tpu.memory_space<vmem>> -> memref<80xi32, #tpu.memory_space<vmem>>
      %dma_wait3A_764 = tpu.memref_slice %arg3[%add3A_758] : memref<320000xi32, #tpu.memory_space<hbm>> -> memref<80xi32, #tpu.memory_space<hbm>>
      %dma_wait3A_765 = tpu.memref_slice %arg12[%dma_wait3A_760] : memref<5x!tpu.dma_semaphore, #tpu.memory_space<semaphore_mem>> -> memref<1x!tpu.dma_semaphore, #tpu.memory_space<semaphore_mem>>
      %dma_wait3A_766 = tpu.memref_squeeze %dma_wait3A_765 : memref<1x!tpu.dma_semaphore, #tpu.memory_space<semaphore_mem>> -> memref<!tpu.dma_semaphore, #tpu.memory_space<semaphore_mem>>
      %dma_wait3A_767 = arith.constant 0 : i32
      %dma_wait3A_768 = tpu.memref_slice %arg6[%dma_wait3A_759, %dma_wait3A_767] : memref<10x80xi32, #tpu.memory_space<vmem>> -> memref<1x80xi32, #tpu.memory_space<vmem>>
      %dma_wait3A_769 = tpu.memref_squeeze %dma_wait3A_768 : memref<1x80xi32, #tpu.memory_space<vmem>> -> memref<80xi32, #tpu.memory_space<vmem>>
      %dma_wait3A_770 = tpu.memref_slice %arg3[%add3A_758] : memref<320000xi32, #tpu.memory_space<hbm>> -> memref<80xi32, #tpu.memory_space<hbm>>
      tpu.wait_dma2 semaphore(%dma_wait3A_766 : memref<!tpu.dma_semaphore, #tpu.memory_space<semaphore_mem>>) src(%dma_wait3A_770 : memref<80xi32, #tpu.memory_space<hbm>>) dst(%dma_wait3A_769 : memref<80xi32, #tpu.memory_space<vmem>>)
      %dma_start3A_771 = arith.constant 0 : i32
      %dma_start3A_772 = arith.constant 0 : i32
      %dma_start3A_773 = arith.constant 0 : i32
      %dma_start3A_774 = arith.constant 0 : i32
      %dma_start3A_775 = arith.constant 0 : i32
      %dma_start3A_776 = tpu.memref_slice %arg5[%dma_start3A_771, %dma_start3A_774, %dma_start3A_775] : memref<5x160x64xf32, #tpu.memory_space<vmem>> -> memref<1x80x64xf32, #tpu.memory_space<vmem>>
      %dma_start3A_777 = tpu.memref_squeeze %dma_start3A_776 : memref<1x80x64xf32, #tpu.memory_space<vmem>> -> memref<80x64xf32, #tpu.memory_space<vmem>>
      %dma_start3A_778 = arith.constant 0 : i32
      %dma_start3A_779 = tpu.memref_slice %arg6[%dma_start3A_772, %dma_start3A_778] : memref<10x80xi32, #tpu.memory_space<vmem>> -> memref<1x80xi32, #tpu.memory_space<vmem>>
      %dma_start3A_780 = tpu.memref_squeeze %dma_start3A_779 : memref<1x80xi32, #tpu.memory_space<vmem>> -> memref<80xi32, #tpu.memory_space<vmem>>
      %dma_start3A_781 = arith.constant 0 : i32
      %dma_start3A_782 = arith.constant 0 : i32
      %dma_start3A_783 = tpu.memref_slice %arg16[%dma_start3A_781, %dma_start3A_782] : memref<10000x64xf32, #tpu.memory_space<vmem_shared>> -> memref<10000x64xf32, #tpu.memory_space<vmem_shared>>
      %dma_start3A_784 = tpu.memref_slice %arg13[%dma_start3A_773] : memref<5x!tpu.dma_semaphore, #tpu.memory_space<semaphore_mem>> -> memref<1x!tpu.dma_semaphore, #tpu.memory_space<semaphore_mem>>
      %dma_start3A_785 = tpu.memref_squeeze %dma_start3A_784 : memref<1x!tpu.dma_semaphore, #tpu.memory_space<semaphore_mem>> -> memref<!tpu.dma_semaphore, #tpu.memory_space<semaphore_mem>>
      tpu.enqueue_indirect_dma source(%dma_start3A_777 : memref<80x64xf32, #tpu.memory_space<vmem>>) target(%dma_start3A_783 : memref<10000x64xf32, #tpu.memory_space<vmem_shared>>) offsets(%dma_start3A_780 : memref<80xi32, #tpu.memory_space<vmem>>) semaphore(%dma_start3A_785 : memref<!tpu.dma_semaphore, #tpu.memory_space<semaphore_mem>>) {add = true}
      %dma_start3A_786 = arith.constant 0 : i32
      %dma_start3A_787 = arith.constant 0 : i32
      %dma_start3A_788 = arith.constant 0 : i32
      %dma_start3A_789 = tpu.memref_slice %arg6[%dma_start3A_786, %dma_start3A_788] : memref<10x80xi32, #tpu.memory_space<vmem>> -> memref<1x80xi32, #tpu.memory_space<vmem>>
      %dma_start3A_790 = tpu.memref_squeeze %dma_start3A_789 : memref<1x80xi32, #tpu.memory_space<vmem>> -> memref<80xi32, #tpu.memory_space<vmem>>
      %dma_start3A_791 = arith.constant 0 : i32
      %dma_start3A_792 = arith.constant 0 : i32
      %dma_start3A_793 = tpu.memref_slice %arg17[%dma_start3A_791, %dma_start3A_792] : memref<10000x16xf32, #tpu.memory_space<vmem_shared>> -> memref<10000x16xf32, #tpu.memory_space<vmem_shared>>
      %dma_start3A_794 = tpu.memref_slice %arg14[%dma_start3A_787] : memref<5x!tpu.dma_semaphore, #tpu.memory_space<semaphore_mem>> -> memref<1x!tpu.dma_semaphore, #tpu.memory_space<semaphore_mem>>
      %dma_start3A_795 = tpu.memref_squeeze %dma_start3A_794 : memref<1x!tpu.dma_semaphore, #tpu.memory_space<semaphore_mem>> -> memref<!tpu.dma_semaphore, #tpu.memory_space<semaphore_mem>>
      tpu.enqueue_indirect_dma source(%arg7 : memref<80x16xf32, #tpu.memory_space<vmem>>) target(%dma_start3A_793 : memref<10000x16xf32, #tpu.memory_space<vmem_shared>>) offsets(%dma_start3A_790 : memref<80xi32, #tpu.memory_space<vmem>>) semaphore(%dma_start3A_795 : memref<!tpu.dma_semaphore, #tpu.memory_space<semaphore_mem>>) {add = true}
      %dma_start3A_796 = arith.constant 0 : i32
      %dma_start3A_797 = arith.constant 1 : i32
      %dma_start3A_798 = arith.constant 0 : i32
      %dma_start3A_799 = arith.constant 80 : i32
      %dma_start3A_800 = arith.constant 0 : i32
      %dma_start3A_801 = tpu.memref_slice %arg5[%dma_start3A_796, %dma_start3A_799, %dma_start3A_800] : memref<5x160x64xf32, #tpu.memory_space<vmem>> -> memref<1x80x64xf32, #tpu.memory_space<vmem>>
      %dma_start3A_802 = tpu.memref_squeeze %dma_start3A_801 : memref<1x80x64xf32, #tpu.memory_space<vmem>> -> memref<80x64xf32, #tpu.memory_space<vmem>>
      %dma_start3A_803 = arith.constant 0 : i32
      %dma_start3A_804 = tpu.memref_slice %arg6[%dma_start3A_797, %dma_start3A_803] : memref<10x80xi32, #tpu.memory_space<vmem>> -> memref<1x80xi32, #tpu.memory_space<vmem>>
      %dma_start3A_805 = tpu.memref_squeeze %dma_start3A_804 : memref<1x80xi32, #tpu.memory_space<vmem>> -> memref<80xi32, #tpu.memory_space<vmem>>
      %dma_start3A_806 = arith.constant 0 : i32
      %dma_start3A_807 = arith.constant 0 : i32
      %dma_start3A_808 = tpu.memref_slice %arg16[%dma_start3A_806, %dma_start3A_807] : memref<10000x64xf32, #tpu.memory_space<vmem_shared>> -> memref<10000x64xf32, #tpu.memory_space<vmem_shared>>
      %dma_start3A_809 = tpu.memref_slice %arg13[%dma_start3A_798] : memref<5x!tpu.dma_semaphore, #tpu.memory_space<semaphore_mem>> -> memref<1x!tpu.dma_semaphore, #tpu.memory_space<semaphore_mem>>
      %dma_start3A_810 = tpu.memref_squeeze %dma_start3A_809 : memref<1x!tpu.dma_semaphore, #tpu.memory_space<semaphore_mem>> -> memref<!tpu.dma_semaphore, #tpu.memory_space<semaphore_mem>>
      tpu.enqueue_indirect_dma source(%dma_start3A_802 : memref<80x64xf32, #tpu.memory_space<vmem>>) target(%dma_start3A_808 : memref<10000x64xf32, #tpu.memory_space<vmem_shared>>) offsets(%dma_start3A_805 : memref<80xi32, #tpu.memory_space<vmem>>) semaphore(%dma_start3A_810 : memref<!tpu.dma_semaphore, #tpu.memory_space<semaphore_mem>>) {add = true}
      %dma_start3A_811 = arith.constant 1 : i32
      %dma_start3A_812 = arith.constant 0 : i32
      %dma_start3A_813 = arith.constant 0 : i32
      %dma_start3A_814 = tpu.memref_slice %arg6[%dma_start3A_811, %dma_start3A_813] : memref<10x80xi32, #tpu.memory_space<vmem>> -> memref<1x80xi32, #tpu.memory_space<vmem>>
      %dma_start3A_815 = tpu.memref_squeeze %dma_start3A_814 : memref<1x80xi32, #tpu.memory_space<vmem>> -> memref<80xi32, #tpu.memory_space<vmem>>
      %dma_start3A_816 = arith.constant 0 : i32
      %dma_start3A_817 = arith.constant 0 : i32
      %dma_start3A_818 = tpu.memref_slice %arg17[%dma_start3A_816, %dma_start3A_817] : memref<10000x16xf32, #tpu.memory_space<vmem_shared>> -> memref<10000x16xf32, #tpu.memory_space<vmem_shared>>
      %dma_start3A_819 = tpu.memref_slice %arg14[%dma_start3A_812] : memref<5x!tpu.dma_semaphore, #tpu.memory_space<semaphore_mem>> -> memref<1x!tpu.dma_semaphore, #tpu.memory_space<semaphore_mem>>
      %dma_start3A_820 = tpu.memref_squeeze %dma_start3A_819 : memref<1x!tpu.dma_semaphore, #tpu.memory_space<semaphore_mem>> -> memref<!tpu.dma_semaphore, #tpu.memory_space<semaphore_mem>>
      tpu.enqueue_indirect_dma source(%arg7 : memref<80x16xf32, #tpu.memory_space<vmem>>) target(%dma_start3A_818 : memref<10000x16xf32, #tpu.memory_space<vmem_shared>>) offsets(%dma_start3A_815 : memref<80xi32, #tpu.memory_space<vmem>>) semaphore(%dma_start3A_820 : memref<!tpu.dma_semaphore, #tpu.memory_space<semaphore_mem>>) {add = true}
      %add3A_821 = arith.constant 160 : i32
      %add3A_822 = arith.addi %add3A_726, %add3A_821 : i32
      %dma_wait3A_823 = arith.constant 1 : i32
      %dma_wait3A_824 = arith.constant 1 : i32
      %dma_wait3A_825 = arith.constant 0 : i32
      %dma_wait3A_826 = arith.constant 0 : i32
      %dma_wait3A_827 = tpu.memref_slice %arg5[%dma_wait3A_823, %dma_wait3A_825, %dma_wait3A_826] : memref<5x160x64xf32, #tpu.memory_space<vmem>> -> memref<1x160x64xf32, #tpu.memory_space<vmem>>
      %dma_wait3A_828 = tpu.memref_squeeze %dma_wait3A_827 : memref<1x160x64xf32, #tpu.memory_space<vmem>> -> memref<160x64xf32, #tpu.memory_space<vmem>>
      %dma_wait3A_829 = tpu.memref_slice %arg2[%add3A_822, %mul3A_0] : memref<320000x128xf32, #tpu.memory_space<hbm>> -> memref<160x64xf32, #tpu.memory_space<hbm>>
      %dma_wait3A_830 = tpu.memref_slice %arg11[%dma_wait3A_824] : memref<5x!tpu.dma_semaphore, #tpu.memory_space<semaphore_mem>> -> memref<1x!tpu.dma_semaphore, #tpu.memory_space<semaphore_mem>>
      %dma_wait3A_831 = tpu.memref_squeeze %dma_wait3A_830 : memref<1x!tpu.dma_semaphore, #tpu.memory_space<semaphore_mem>> -> memref<!tpu.dma_semaphore, #tpu.memory_space<semaphore_mem>>
      %dma_wait3A_832 = arith.constant 0 : i32
      %dma_wait3A_833 = arith.constant 0 : i32
      %dma_wait3A_834 = tpu.memref_slice %arg5[%dma_wait3A_823, %dma_wait3A_832, %dma_wait3A_833] : memref<5x160x64xf32, #tpu.memory_space<vmem>> -> memref<1x160x64xf32, #tpu.memory_space<vmem>>
      %dma_wait3A_835 = tpu.memref_squeeze %dma_wait3A_834 : memref<1x160x64xf32, #tpu.memory_space<vmem>> -> memref<160x64xf32, #tpu.memory_space<vmem>>
      %dma_wait3A_836 = tpu.memref_slice %arg2[%add3A_822, %mul3A_0] : memref<320000x128xf32, #tpu.memory_space<hbm>> -> memref<160x64xf32, #tpu.memory_space<hbm>>
      tpu.wait_dma2 semaphore(%dma_wait3A_831 : memref<!tpu.dma_semaphore, #tpu.memory_space<semaphore_mem>>) src(%dma_wait3A_836 : memref<160x64xf32, #tpu.memory_space<hbm>>) dst(%dma_wait3A_835 : memref<160x64xf32, #tpu.memory_space<vmem>>)
      %add3A_837 = arith.constant 0 : i32
      %add3A_838 = arith.addi %add3A_822, %add3A_837 : i32
      %dma_wait3A_839 = arith.constant 2 : i32
      %dma_wait3A_840 = arith.constant 1 : i32
      %dma_wait3A_841 = arith.constant 0 : i32
      %dma_wait3A_842 = tpu.memref_slice %arg6[%dma_wait3A_839, %dma_wait3A_841] : memref<10x80xi32, #tpu.memory_space<vmem>> -> memref<1x80xi32, #tpu.memory_space<vmem>>
      %dma_wait3A_843 = tpu.memref_squeeze %dma_wait3A_842 : memref<1x80xi32, #tpu.memory_space<vmem>> -> memref<80xi32, #tpu.memory_space<vmem>>
      %dma_wait3A_844 = tpu.memref_slice %arg3[%add3A_838] : memref<320000xi32, #tpu.memory_space<hbm>> -> memref<80xi32, #tpu.memory_space<hbm>>
      %dma_wait3A_845 = tpu.memref_slice %arg12[%dma_wait3A_840] : memref<5x!tpu.dma_semaphore, #tpu.memory_space<semaphore_mem>> -> memref<1x!tpu.dma_semaphore, #tpu.memory_space<semaphore_mem>>
      %dma_wait3A_846 = tpu.memref_squeeze %dma_wait3A_845 : memref<1x!tpu.dma_semaphore, #tpu.memory_space<semaphore_mem>> -> memref<!tpu.dma_semaphore, #tpu.memory_space<semaphore_mem>>
      %dma_wait3A_847 = arith.constant 0 : i32
      %dma_wait3A_848 = tpu.memref_slice %arg6[%dma_wait3A_839, %dma_wait3A_847] : memref<10x80xi32, #tpu.memory_space<vmem>> -> memref<1x80xi32, #tpu.memory_space<vmem>>
      %dma_wait3A_849 = tpu.memref_squeeze %dma_wait3A_848 : memref<1x80xi32, #tpu.memory_space<vmem>> -> memref<80xi32, #tpu.memory_space<vmem>>
      %dma_wait3A_850 = tpu.memref_slice %arg3[%add3A_838] : memref<320000xi32, #tpu.memory_space<hbm>> -> memref<80xi32, #tpu.memory_space<hbm>>
      tpu.wait_dma2 semaphore(%dma_wait3A_846 : memref<!tpu.dma_semaphore, #tpu.memory_space<semaphore_mem>>) src(%dma_wait3A_850 : memref<80xi32, #tpu.memory_space<hbm>>) dst(%dma_wait3A_849 : memref<80xi32, #tpu.memory_space<vmem>>)
      %add3A_851 = arith.constant 80 : i32
      %add3A_852 = arith.addi %add3A_822, %add3A_851 : i32
      %dma_wait3A_853 = arith.constant 3 : i32
      %dma_wait3A_854 = arith.constant 1 : i32
      %dma_wait3A_855 = arith.constant 0 : i32
      %dma_wait3A_856 = tpu.memref_slice %arg6[%dma_wait3A_853, %dma_wait3A_855] : memref<10x80xi32, #tpu.memory_space<vmem>> -> memref<1x80xi32, #tpu.memory_space<vmem>>
      %dma_wait3A_857 = tpu.memref_squeeze %dma_wait3A_856 : memref<1x80xi32, #tpu.memory_space<vmem>> -> memref<80xi32, #tpu.memory_space<vmem>>
      %dma_wait3A_858 = tpu.memref_slice %arg3[%add3A_852] : memref<320000xi32, #tpu.memory_space<hbm>> -> memref<80xi32, #tpu.memory_space<hbm>>
      %dma_wait3A_859 = tpu.memref_slice %arg12[%dma_wait3A_854] : memref<5x!tpu.dma_semaphore, #tpu.memory_space<semaphore_mem>> -> memref<1x!tpu.dma_semaphore, #tpu.memory_space<semaphore_mem>>
      %dma_wait3A_860 = tpu.memref_squeeze %dma_wait3A_859 : memref<1x!tpu.dma_semaphore, #tpu.memory_space<semaphore_mem>> -> memref<!tpu.dma_semaphore, #tpu.memory_space<semaphore_mem>>
      %dma_wait3A_861 = arith.constant 0 : i32
      %dma_wait3A_862 = tpu.memref_slice %arg6[%dma_wait3A_853, %dma_wait3A_861] : memref<10x80xi32, #tpu.memory_space<vmem>> -> memref<1x80xi32, #tpu.memory_space<vmem>>
      %dma_wait3A_863 = tpu.memref_squeeze %dma_wait3A_862 : memref<1x80xi32, #tpu.memory_space<vmem>> -> memref<80xi32, #tpu.memory_space<vmem>>
      %dma_wait3A_864 = tpu.memref_slice %arg3[%add3A_852] : memref<320000xi32, #tpu.memory_space<hbm>> -> memref<80xi32, #tpu.memory_space<hbm>>
      tpu.wait_dma2 semaphore(%dma_wait3A_860 : memref<!tpu.dma_semaphore, #tpu.memory_space<semaphore_mem>>) src(%dma_wait3A_864 : memref<80xi32, #tpu.memory_space<hbm>>) dst(%dma_wait3A_863 : memref<80xi32, #tpu.memory_space<vmem>>)
      %dma_start3A_865 = arith.constant 1 : i32
      %dma_start3A_866 = arith.constant 2 : i32
      %dma_start3A_867 = arith.constant 1 : i32
      %dma_start3A_868 = arith.constant 0 : i32
      %dma_start3A_869 = arith.constant 0 : i32
      %dma_start3A_870 = tpu.memref_slice %arg5[%dma_start3A_865, %dma_start3A_868, %dma_start3A_869] : memref<5x160x64xf32, #tpu.memory_space<vmem>> -> memref<1x80x64xf32, #tpu.memory_space<vmem>>
      %dma_start3A_871 = tpu.memref_squeeze %dma_start3A_870 : memref<1x80x64xf32, #tpu.memory_space<vmem>> -> memref<80x64xf32, #tpu.memory_space<vmem>>
      %dma_start3A_872 = arith.constant 0 : i32
      %dma_start3A_873 = tpu.memref_slice %arg6[%dma_start3A_866, %dma_start3A_872] : memref<10x80xi32, #tpu.memory_space<vmem>> -> memref<1x80xi32, #tpu.memory_space<vmem>>
      %dma_start3A_874 = tpu.memref_squeeze %dma_start3A_873 : memref<1x80xi32, #tpu.memory_space<vmem>> -> memref<80xi32, #tpu.memory_space<vmem>>
      %dma_start3A_875 = arith.constant 0 : i32
      %dma_start3A_876 = arith.constant 0 : i32
      %dma_start3A_877 = tpu.memref_slice %arg16[%dma_start3A_875, %dma_start3A_876] : memref<10000x64xf32, #tpu.memory_space<vmem_shared>> -> memref<10000x64xf32, #tpu.memory_space<vmem_shared>>
      %dma_start3A_878 = tpu.memref_slice %arg13[%dma_start3A_867] : memref<5x!tpu.dma_semaphore, #tpu.memory_space<semaphore_mem>> -> memref<1x!tpu.dma_semaphore, #tpu.memory_space<semaphore_mem>>
      %dma_start3A_879 = tpu.memref_squeeze %dma_start3A_878 : memref<1x!tpu.dma_semaphore, #tpu.memory_space<semaphore_mem>> -> memref<!tpu.dma_semaphore, #tpu.memory_space<semaphore_mem>>
      tpu.enqueue_indirect_dma source(%dma_start3A_871 : memref<80x64xf32, #tpu.memory_space<vmem>>) target(%dma_start3A_877 : memref<10000x64xf32, #tpu.memory_space<vmem_shared>>) offsets(%dma_start3A_874 : memref<80xi32, #tpu.memory_space<vmem>>) semaphore(%dma_start3A_879 : memref<!tpu.dma_semaphore, #tpu.memory_space<semaphore_mem>>) {add = true}
      %dma_start3A_880 = arith.constant 2 : i32
      %dma_start3A_881 = arith.constant 1 : i32
      %dma_start3A_882 = arith.constant 0 : i32
      %dma_start3A_883 = tpu.memref_slice %arg6[%dma_start3A_880, %dma_start3A_882] : memref<10x80xi32, #tpu.memory_space<vmem>> -> memref<1x80xi32, #tpu.memory_space<vmem>>
      %dma_start3A_884 = tpu.memref_squeeze %dma_start3A_883 : memref<1x80xi32, #tpu.memory_space<vmem>> -> memref<80xi32, #tpu.memory_space<vmem>>
      %dma_start3A_885 = arith.constant 0 : i32
      %dma_start3A_886 = arith.constant 0 : i32
      %dma_start3A_887 = tpu.memref_slice %arg17[%dma_start3A_885, %dma_start3A_886] : memref<10000x16xf32, #tpu.memory_space<vmem_shared>> -> memref<10000x16xf32, #tpu.memory_space<vmem_shared>>
      %dma_start3A_888 = tpu.memref_slice %arg14[%dma_start3A_881] : memref<5x!tpu.dma_semaphore, #tpu.memory_space<semaphore_mem>> -> memref<1x!tpu.dma_semaphore, #tpu.memory_space<semaphore_mem>>
      %dma_start3A_889 = tpu.memref_squeeze %dma_start3A_888 : memref<1x!tpu.dma_semaphore, #tpu.memory_space<semaphore_mem>> -> memref<!tpu.dma_semaphore, #tpu.memory_space<semaphore_mem>>
      tpu.enqueue_indirect_dma source(%arg7 : memref<80x16xf32, #tpu.memory_space<vmem>>) target(%dma_start3A_887 : memref<10000x16xf32, #tpu.memory_space<vmem_shared>>) offsets(%dma_start3A_884 : memref<80xi32, #tpu.memory_space<vmem>>) semaphore(%dma_start3A_889 : memref<!tpu.dma_semaphore, #tpu.memory_space<semaphore_mem>>) {add = true}
      %dma_start3A_890 = arith.constant 1 : i32
      %dma_start3A_891 = arith.constant 3 : i32
      %dma_start3A_892 = arith.constant 1 : i32
      %dma_start3A_893 = arith.constant 80 : i32
      %dma_start3A_894 = arith.constant 0 : i32
      %dma_start3A_895 = tpu.memref_slice %arg5[%dma_start3A_890, %dma_start3A_893, %dma_start3A_894] : memref<5x160x64xf32, #tpu.memory_space<vmem>> -> memref<1x80x64xf32, #tpu.memory_space<vmem>>
      %dma_start3A_896 = tpu.memref_squeeze %dma_start3A_895 : memref<1x80x64xf32, #tpu.memory_space<vmem>> -> memref<80x64xf32, #tpu.memory_space<vmem>>
      %dma_start3A_897 = arith.constant 0 : i32
      %dma_start3A_898 = tpu.memref_slice %arg6[%dma_start3A_891, %dma_start3A_897] : memref<10x80xi32, #tpu.memory_space<vmem>> -> memref<1x80xi32, #tpu.memory_space<vmem>>
      %dma_start3A_899 = tpu.memref_squeeze %dma_start3A_898 : memref<1x80xi32, #tpu.memory_space<vmem>> -> memref<80xi32, #tpu.memory_space<vmem>>
      %dma_start3A_900 = arith.constant 0 : i32
      %dma_start3A_901 = arith.constant 0 : i32
      %dma_start3A_902 = tpu.memref_slice %arg16[%dma_start3A_900, %dma_start3A_901] : memref<10000x64xf32, #tpu.memory_space<vmem_shared>> -> memref<10000x64xf32, #tpu.memory_space<vmem_shared>>
      %dma_start3A_903 = tpu.memref_slice %arg13[%dma_start3A_892] : memref<5x!tpu.dma_semaphore, #tpu.memory_space<semaphore_mem>> -> memref<1x!tpu.dma_semaphore, #tpu.memory_space<semaphore_mem>>
      %dma_start3A_904 = tpu.memref_squeeze %dma_start3A_903 : memref<1x!tpu.dma_semaphore, #tpu.memory_space<semaphore_mem>> -> memref<!tpu.dma_semaphore, #tpu.memory_space<semaphore_mem>>
      tpu.enqueue_indirect_dma source(%dma_start3A_896 : memref<80x64xf32, #tpu.memory_space<vmem>>) target(%dma_start3A_902 : memref<10000x64xf32, #tpu.memory_space<vmem_shared>>) offsets(%dma_start3A_899 : memref<80xi32, #tpu.memory_space<vmem>>) semaphore(%dma_start3A_904 : memref<!tpu.dma_semaphore, #tpu.memory_space<semaphore_mem>>) {add = true}
      %dma_start3A_905 = arith.constant 3 : i32
      %dma_start3A_906 = arith.constant 1 : i32
      %dma_start3A_907 = arith.constant 0 : i32
      %dma_start3A_908 = tpu.memref_slice %arg6[%dma_start3A_905, %dma_start3A_907] : memref<10x80xi32, #tpu.memory_space<vmem>> -> memref<1x80xi32, #tpu.memory_space<vmem>>
      %dma_start3A_909 = tpu.memref_squeeze %dma_start3A_908 : memref<1x80xi32, #tpu.memory_space<vmem>> -> memref<80xi32, #tpu.memory_space<vmem>>
      %dma_start3A_910 = arith.constant 0 : i32
      %dma_start3A_911 = arith.constant 0 : i32
      %dma_start3A_912 = tpu.memref_slice %arg17[%dma_start3A_910, %dma_start3A_911] : memref<10000x16xf32, #tpu.memory_space<vmem_shared>> -> memref<10000x16xf32, #tpu.memory_space<vmem_shared>>
      %dma_start3A_913 = tpu.memref_slice %arg14[%dma_start3A_906] : memref<5x!tpu.dma_semaphore, #tpu.memory_space<semaphore_mem>> -> memref<1x!tpu.dma_semaphore, #tpu.memory_space<semaphore_mem>>
      %dma_start3A_914 = tpu.memref_squeeze %dma_start3A_913 : memref<1x!tpu.dma_semaphore, #tpu.memory_space<semaphore_mem>> -> memref<!tpu.dma_semaphore, #tpu.memory_space<semaphore_mem>>
      tpu.enqueue_indirect_dma source(%arg7 : memref<80x16xf32, #tpu.memory_space<vmem>>) target(%dma_start3A_912 : memref<10000x16xf32, #tpu.memory_space<vmem_shared>>) offsets(%dma_start3A_909 : memref<80xi32, #tpu.memory_space<vmem>>) semaphore(%dma_start3A_914 : memref<!tpu.dma_semaphore, #tpu.memory_space<semaphore_mem>>) {add = true}
      %add3A_915 = arith.constant 320 : i32
      %add3A_916 = arith.addi %add3A_726, %add3A_915 : i32
      %dma_wait3A_917 = arith.constant 2 : i32
      %dma_wait3A_918 = arith.constant 2 : i32
      %dma_wait3A_919 = arith.constant 0 : i32
      %dma_wait3A_920 = arith.constant 0 : i32
      %dma_wait3A_921 = tpu.memref_slice %arg5[%dma_wait3A_917, %dma_wait3A_919, %dma_wait3A_920] : memref<5x160x64xf32, #tpu.memory_space<vmem>> -> memref<1x160x64xf32, #tpu.memory_space<vmem>>
      %dma_wait3A_922 = tpu.memref_squeeze %dma_wait3A_921 : memref<1x160x64xf32, #tpu.memory_space<vmem>> -> memref<160x64xf32, #tpu.memory_space<vmem>>
      %dma_wait3A_923 = tpu.memref_slice %arg2[%add3A_916, %mul3A_0] : memref<320000x128xf32, #tpu.memory_space<hbm>> -> memref<160x64xf32, #tpu.memory_space<hbm>>
      %dma_wait3A_924 = tpu.memref_slice %arg11[%dma_wait3A_918] : memref<5x!tpu.dma_semaphore, #tpu.memory_space<semaphore_mem>> -> memref<1x!tpu.dma_semaphore, #tpu.memory_space<semaphore_mem>>
      %dma_wait3A_925 = tpu.memref_squeeze %dma_wait3A_924 : memref<1x!tpu.dma_semaphore, #tpu.memory_space<semaphore_mem>> -> memref<!tpu.dma_semaphore, #tpu.memory_space<semaphore_mem>>
      %dma_wait3A_926 = arith.constant 0 : i32
      %dma_wait3A_927 = arith.constant 0 : i32
      %dma_wait3A_928 = tpu.memref_slice %arg5[%dma_wait3A_917, %dma_wait3A_926, %dma_wait3A_927] : memref<5x160x64xf32, #tpu.memory_space<vmem>> -> memref<1x160x64xf32, #tpu.memory_space<vmem>>
      %dma_wait3A_929 = tpu.memref_squeeze %dma_wait3A_928 : memref<1x160x64xf32, #tpu.memory_space<vmem>> -> memref<160x64xf32, #tpu.memory_space<vmem>>
      %dma_wait3A_930 = tpu.memref_slice %arg2[%add3A_916, %mul3A_0] : memref<320000x128xf32, #tpu.memory_space<hbm>> -> memref<160x64xf32, #tpu.memory_space<hbm>>
      tpu.wait_dma2 semaphore(%dma_wait3A_925 : memref<!tpu.dma_semaphore, #tpu.memory_space<semaphore_mem>>) src(%dma_wait3A_930 : memref<160x64xf32, #tpu.memory_space<hbm>>) dst(%dma_wait3A_929 : memref<160x64xf32, #tpu.memory_space<vmem>>)
      %add3A_931 = arith.constant 0 : i32
      %add3A_932 = arith.addi %add3A_916, %add3A_931 : i32
      %dma_wait3A_933 = arith.constant 4 : i32
      %dma_wait3A_934 = arith.constant 2 : i32
      %dma_wait3A_935 = arith.constant 0 : i32
      %dma_wait3A_936 = tpu.memref_slice %arg6[%dma_wait3A_933, %dma_wait3A_935] : memref<10x80xi32, #tpu.memory_space<vmem>> -> memref<1x80xi32, #tpu.memory_space<vmem>>
      %dma_wait3A_937 = tpu.memref_squeeze %dma_wait3A_936 : memref<1x80xi32, #tpu.memory_space<vmem>> -> memref<80xi32, #tpu.memory_space<vmem>>
      %dma_wait3A_938 = tpu.memref_slice %arg3[%add3A_932] : memref<320000xi32, #tpu.memory_space<hbm>> -> memref<80xi32, #tpu.memory_space<hbm>>
      %dma_wait3A_939 = tpu.memref_slice %arg12[%dma_wait3A_934] : memref<5x!tpu.dma_semaphore, #tpu.memory_space<semaphore_mem>> -> memref<1x!tpu.dma_semaphore, #tpu.memory_space<semaphore_mem>>
      %dma_wait3A_940 = tpu.memref_squeeze %dma_wait3A_939 : memref<1x!tpu.dma_semaphore, #tpu.memory_space<semaphore_mem>> -> memref<!tpu.dma_semaphore, #tpu.memory_space<semaphore_mem>>
      %dma_wait3A_941 = arith.constant 0 : i32
      %dma_wait3A_942 = tpu.memref_slice %arg6[%dma_wait3A_933, %dma_wait3A_941] : memref<10x80xi32, #tpu.memory_space<vmem>> -> memref<1x80xi32, #tpu.memory_space<vmem>>
      %dma_wait3A_943 = tpu.memref_squeeze %dma_wait3A_942 : memref<1x80xi32, #tpu.memory_space<vmem>> -> memref<80xi32, #tpu.memory_space<vmem>>
      %dma_wait3A_944 = tpu.memref_slice %arg3[%add3A_932] : memref<320000xi32, #tpu.memory_space<hbm>> -> memref<80xi32, #tpu.memory_space<hbm>>
      tpu.wait_dma2 semaphore(%dma_wait3A_940 : memref<!tpu.dma_semaphore, #tpu.memory_space<semaphore_mem>>) src(%dma_wait3A_944 : memref<80xi32, #tpu.memory_space<hbm>>) dst(%dma_wait3A_943 : memref<80xi32, #tpu.memory_space<vmem>>)
      %add3A_945 = arith.constant 80 : i32
      %add3A_946 = arith.addi %add3A_916, %add3A_945 : i32
      %dma_wait3A_947 = arith.constant 5 : i32
      %dma_wait3A_948 = arith.constant 2 : i32
      %dma_wait3A_949 = arith.constant 0 : i32
      %dma_wait3A_950 = tpu.memref_slice %arg6[%dma_wait3A_947, %dma_wait3A_949] : memref<10x80xi32, #tpu.memory_space<vmem>> -> memref<1x80xi32, #tpu.memory_space<vmem>>
      %dma_wait3A_951 = tpu.memref_squeeze %dma_wait3A_950 : memref<1x80xi32, #tpu.memory_space<vmem>> -> memref<80xi32, #tpu.memory_space<vmem>>
      %dma_wait3A_952 = tpu.memref_slice %arg3[%add3A_946] : memref<320000xi32, #tpu.memory_space<hbm>> -> memref<80xi32, #tpu.memory_space<hbm>>
      %dma_wait3A_953 = tpu.memref_slice %arg12[%dma_wait3A_948] : memref<5x!tpu.dma_semaphore, #tpu.memory_space<semaphore_mem>> -> memref<1x!tpu.dma_semaphore, #tpu.memory_space<semaphore_mem>>
      %dma_wait3A_954 = tpu.memref_squeeze %dma_wait3A_953 : memref<1x!tpu.dma_semaphore, #tpu.memory_space<semaphore_mem>> -> memref<!tpu.dma_semaphore, #tpu.memory_space<semaphore_mem>>
      %dma_wait3A_955 = arith.constant 0 : i32
      %dma_wait3A_956 = tpu.memref_slice %arg6[%dma_wait3A_947, %dma_wait3A_955] : memref<10x80xi32, #tpu.memory_space<vmem>> -> memref<1x80xi32, #tpu.memory_space<vmem>>
      %dma_wait3A_957 = tpu.memref_squeeze %dma_wait3A_956 : memref<1x80xi32, #tpu.memory_space<vmem>> -> memref<80xi32, #tpu.memory_space<vmem>>
      %dma_wait3A_958 = tpu.memref_slice %arg3[%add3A_946] : memref<320000xi32, #tpu.memory_space<hbm>> -> memref<80xi32, #tpu.memory_space<hbm>>
      tpu.wait_dma2 semaphore(%dma_wait3A_954 : memref<!tpu.dma_semaphore, #tpu.memory_space<semaphore_mem>>) src(%dma_wait3A_958 : memref<80xi32, #tpu.memory_space<hbm>>) dst(%dma_wait3A_957 : memref<80xi32, #tpu.memory_space<vmem>>)
      %dma_start3A_959 = arith.constant 2 : i32
      %dma_start3A_960 = arith.constant 4 : i32
      %dma_start3A_961 = arith.constant 2 : i32
      %dma_start3A_962 = arith.constant 0 : i32
      %dma_start3A_963 = arith.constant 0 : i32
      %dma_start3A_964 = tpu.memref_slice %arg5[%dma_start3A_959, %dma_start3A_962, %dma_start3A_963] : memref<5x160x64xf32, #tpu.memory_space<vmem>> -> memref<1x80x64xf32, #tpu.memory_space<vmem>>
      %dma_start3A_965 = tpu.memref_squeeze %dma_start3A_964 : memref<1x80x64xf32, #tpu.memory_space<vmem>> -> memref<80x64xf32, #tpu.memory_space<vmem>>
      %dma_start3A_966 = arith.constant 0 : i32
      %dma_start3A_967 = tpu.memref_slice %arg6[%dma_start3A_960, %dma_start3A_966] : memref<10x80xi32, #tpu.memory_space<vmem>> -> memref<1x80xi32, #tpu.memory_space<vmem>>
      %dma_start3A_968 = tpu.memref_squeeze %dma_start3A_967 : memref<1x80xi32, #tpu.memory_space<vmem>> -> memref<80xi32, #tpu.memory_space<vmem>>
      %dma_start3A_969 = arith.constant 0 : i32
      %dma_start3A_970 = arith.constant 0 : i32
      %dma_start3A_971 = tpu.memref_slice %arg16[%dma_start3A_969, %dma_start3A_970] : memref<10000x64xf32, #tpu.memory_space<vmem_shared>> -> memref<10000x64xf32, #tpu.memory_space<vmem_shared>>
      %dma_start3A_972 = tpu.memref_slice %arg13[%dma_start3A_961] : memref<5x!tpu.dma_semaphore, #tpu.memory_space<semaphore_mem>> -> memref<1x!tpu.dma_semaphore, #tpu.memory_space<semaphore_mem>>
      %dma_start3A_973 = tpu.memref_squeeze %dma_start3A_972 : memref<1x!tpu.dma_semaphore, #tpu.memory_space<semaphore_mem>> -> memref<!tpu.dma_semaphore, #tpu.memory_space<semaphore_mem>>
      tpu.enqueue_indirect_dma source(%dma_start3A_965 : memref<80x64xf32, #tpu.memory_space<vmem>>) target(%dma_start3A_971 : memref<10000x64xf32, #tpu.memory_space<vmem_shared>>) offsets(%dma_start3A_968 : memref<80xi32, #tpu.memory_space<vmem>>) semaphore(%dma_start3A_973 : memref<!tpu.dma_semaphore, #tpu.memory_space<semaphore_mem>>) {add = true}
      %dma_start3A_974 = arith.constant 4 : i32
      %dma_start3A_975 = arith.constant 2 : i32
      %dma_start3A_976 = arith.constant 0 : i32
      %dma_start3A_977 = tpu.memref_slice %arg6[%dma_start3A_974, %dma_start3A_976] : memref<10x80xi32, #tpu.memory_space<vmem>> -> memref<1x80xi32, #tpu.memory_space<vmem>>
      %dma_start3A_978 = tpu.memref_squeeze %dma_start3A_977 : memref<1x80xi32, #tpu.memory_space<vmem>> -> memref<80xi32, #tpu.memory_space<vmem>>
      %dma_start3A_979 = arith.constant 0 : i32
      %dma_start3A_980 = arith.constant 0 : i32
      %dma_start3A_981 = tpu.memref_slice %arg17[%dma_start3A_979, %dma_start3A_980] : memref<10000x16xf32, #tpu.memory_space<vmem_shared>> -> memref<10000x16xf32, #tpu.memory_space<vmem_shared>>
      %dma_start3A_982 = tpu.memref_slice %arg14[%dma_start3A_975] : memref<5x!tpu.dma_semaphore, #tpu.memory_space<semaphore_mem>> -> memref<1x!tpu.dma_semaphore, #tpu.memory_space<semaphore_mem>>
      %dma_start3A_983 = tpu.memref_squeeze %dma_start3A_982 : memref<1x!tpu.dma_semaphore, #tpu.memory_space<semaphore_mem>> -> memref<!tpu.dma_semaphore, #tpu.memory_space<semaphore_mem>>
      tpu.enqueue_indirect_dma source(%arg7 : memref<80x16xf32, #tpu.memory_space<vmem>>) target(%dma_start3A_981 : memref<10000x16xf32, #tpu.memory_space<vmem_shared>>) offsets(%dma_start3A_978 : memref<80xi32, #tpu.memory_space<vmem>>) semaphore(%dma_start3A_983 : memref<!tpu.dma_semaphore, #tpu.memory_space<semaphore_mem>>) {add = true}
      %dma_start3A_984 = arith.constant 2 : i32
      %dma_start3A_985 = arith.constant 5 : i32
      %dma_start3A_986 = arith.constant 2 : i32
      %dma_start3A_987 = arith.constant 80 : i32
      %dma_start3A_988 = arith.constant 0 : i32
      %dma_start3A_989 = tpu.memref_slice %arg5[%dma_start3A_984, %dma_start3A_987, %dma_start3A_988] : memref<5x160x64xf32, #tpu.memory_space<vmem>> -> memref<1x80x64xf32, #tpu.memory_space<vmem>>
      %dma_start3A_990 = tpu.memref_squeeze %dma_start3A_989 : memref<1x80x64xf32, #tpu.memory_space<vmem>> -> memref<80x64xf32, #tpu.memory_space<vmem>>
      %dma_start3A_991 = arith.constant 0 : i32
      %dma_start3A_992 = tpu.memref_slice %arg6[%dma_start3A_985, %dma_start3A_991] : memref<10x80xi32, #tpu.memory_space<vmem>> -> memref<1x80xi32, #tpu.memory_space<vmem>>
      %dma_start3A_993 = tpu.memref_squeeze %dma_start3A_992 : memref<1x80xi32, #tpu.memory_space<vmem>> -> memref<80xi32, #tpu.memory_space<vmem>>
      %dma_start3A_994 = arith.constant 0 : i32
      %dma_start3A_995 = arith.constant 0 : i32
      %dma_start3A_996 = tpu.memref_slice %arg16[%dma_start3A_994, %dma_start3A_995] : memref<10000x64xf32, #tpu.memory_space<vmem_shared>> -> memref<10000x64xf32, #tpu.memory_space<vmem_shared>>
      %dma_start3A_997 = tpu.memref_slice %arg13[%dma_start3A_986] : memref<5x!tpu.dma_semaphore, #tpu.memory_space<semaphore_mem>> -> memref<1x!tpu.dma_semaphore, #tpu.memory_space<semaphore_mem>>
      %dma_start3A_998 = tpu.memref_squeeze %dma_start3A_997 : memref<1x!tpu.dma_semaphore, #tpu.memory_space<semaphore_mem>> -> memref<!tpu.dma_semaphore, #tpu.memory_space<semaphore_mem>>
      tpu.enqueue_indirect_dma source(%dma_start3A_990 : memref<80x64xf32, #tpu.memory_space<vmem>>) target(%dma_start3A_996 : memref<10000x64xf32, #tpu.memory_space<vmem_shared>>) offsets(%dma_start3A_993 : memref<80xi32, #tpu.memory_space<vmem>>) semaphore(%dma_start3A_998 : memref<!tpu.dma_semaphore, #tpu.memory_space<semaphore_mem>>) {add = true}
      %dma_start3A_999 = arith.constant 5 : i32
      %dma_start3A_1000 = arith.constant 2 : i32
      %dma_start3A_1001 = arith.constant 0 : i32
      %dma_start3A_1002 = tpu.memref_slice %arg6[%dma_start3A_999, %dma_start3A_1001] : memref<10x80xi32, #tpu.memory_space<vmem>> -> memref<1x80xi32, #tpu.memory_space<vmem>>
      %dma_start3A_1003 = tpu.memref_squeeze %dma_start3A_1002 : memref<1x80xi32, #tpu.memory_space<vmem>> -> memref<80xi32, #tpu.memory_space<vmem>>
      %dma_start3A_1004 = arith.constant 0 : i32
      %dma_start3A_1005 = arith.constant 0 : i32
      %dma_start3A_1006 = tpu.memref_slice %arg17[%dma_start3A_1004, %dma_start3A_1005] : memref<10000x16xf32, #tpu.memory_space<vmem_shared>> -> memref<10000x16xf32, #tpu.memory_space<vmem_shared>>
      %dma_start3A_1007 = tpu.memref_slice %arg14[%dma_start3A_1000] : memref<5x!tpu.dma_semaphore, #tpu.memory_space<semaphore_mem>> -> memref<1x!tpu.dma_semaphore, #tpu.memory_space<semaphore_mem>>
      %dma_start3A_1008 = tpu.memref_squeeze %dma_start3A_1007 : memref<1x!tpu.dma_semaphore, #tpu.memory_space<semaphore_mem>> -> memref<!tpu.dma_semaphore, #tpu.memory_space<semaphore_mem>>
      tpu.enqueue_indirect_dma source(%arg7 : memref<80x16xf32, #tpu.memory_space<vmem>>) target(%dma_start3A_1006 : memref<10000x16xf32, #tpu.memory_space<vmem_shared>>) offsets(%dma_start3A_1003 : memref<80xi32, #tpu.memory_space<vmem>>) semaphore(%dma_start3A_1008 : memref<!tpu.dma_semaphore, #tpu.memory_space<semaphore_mem>>) {add = true}
      %add3A_1009 = arith.constant 480 : i32
      %add3A_1010 = arith.addi %add3A_726, %add3A_1009 : i32
      %dma_wait3A_1011 = arith.constant 3 : i32
      %dma_wait3A_1012 = arith.constant 3 : i32
      %dma_wait3A_1013 = arith.constant 0 : i32
      %dma_wait3A_1014 = arith.constant 0 : i32
      %dma_wait3A_1015 = tpu.memref_slice %arg5[%dma_wait3A_1011, %dma_wait3A_1013, %dma_wait3A_1014] : memref<5x160x64xf32, #tpu.memory_space<vmem>> -> memref<1x160x64xf32, #tpu.memory_space<vmem>>
      %dma_wait3A_1016 = tpu.memref_squeeze %dma_wait3A_1015 : memref<1x160x64xf32, #tpu.memory_space<vmem>> -> memref<160x64xf32, #tpu.memory_space<vmem>>
      %dma_wait3A_1017 = tpu.memref_slice %arg2[%add3A_1010, %mul3A_0] : memref<320000x128xf32, #tpu.memory_space<hbm>> -> memref<160x64xf32, #tpu.memory_space<hbm>>
      %dma_wait3A_1018 = tpu.memref_slice %arg11[%dma_wait3A_1012] : memref<5x!tpu.dma_semaphore, #tpu.memory_space<semaphore_mem>> -> memref<1x!tpu.dma_semaphore, #tpu.memory_space<semaphore_mem>>
      %dma_wait3A_1019 = tpu.memref_squeeze %dma_wait3A_1018 : memref<1x!tpu.dma_semaphore, #tpu.memory_space<semaphore_mem>> -> memref<!tpu.dma_semaphore, #tpu.memory_space<semaphore_mem>>
      %dma_wait3A_1020 = arith.constant 0 : i32
      %dma_wait3A_1021 = arith.constant 0 : i32
      %dma_wait3A_1022 = tpu.memref_slice %arg5[%dma_wait3A_1011, %dma_wait3A_1020, %dma_wait3A_1021] : memref<5x160x64xf32, #tpu.memory_space<vmem>> -> memref<1x160x64xf32, #tpu.memory_space<vmem>>
      %dma_wait3A_1023 = tpu.memref_squeeze %dma_wait3A_1022 : memref<1x160x64xf32, #tpu.memory_space<vmem>> -> memref<160x64xf32, #tpu.memory_space<vmem>>
      %dma_wait3A_1024 = tpu.memref_slice %arg2[%add3A_1010, %mul3A_0] : memref<320000x128xf32, #tpu.memory_space<hbm>> -> memref<160x64xf32, #tpu.memory_space<hbm>>
      tpu.wait_dma2 semaphore(%dma_wait3A_1019 : memref<!tpu.dma_semaphore, #tpu.memory_space<semaphore_mem>>) src(%dma_wait3A_1024 : memref<160x64xf32, #tpu.memory_space<hbm>>) dst(%dma_wait3A_1023 : memref<160x64xf32, #tpu.memory_space<vmem>>)
      %add3A_1025 = arith.constant 0 : i32
      %add3A_1026 = arith.addi %add3A_1010, %add3A_1025 : i32
      %dma_wait3A_1027 = arith.constant 6 : i32
      %dma_wait3A_1028 = arith.constant 3 : i32
      %dma_wait3A_1029 = arith.constant 0 : i32
      %dma_wait3A_1030 = tpu.memref_slice %arg6[%dma_wait3A_1027, %dma_wait3A_1029] : memref<10x80xi32, #tpu.memory_space<vmem>> -> memref<1x80xi32, #tpu.memory_space<vmem>>
      %dma_wait3A_1031 = tpu.memref_squeeze %dma_wait3A_1030 : memref<1x80xi32, #tpu.memory_space<vmem>> -> memref<80xi32, #tpu.memory_space<vmem>>
      %dma_wait3A_1032 = tpu.memref_slice %arg3[%add3A_1026] : memref<320000xi32, #tpu.memory_space<hbm>> -> memref<80xi32, #tpu.memory_space<hbm>>
      %dma_wait3A_1033 = tpu.memref_slice %arg12[%dma_wait3A_1028] : memref<5x!tpu.dma_semaphore, #tpu.memory_space<semaphore_mem>> -> memref<1x!tpu.dma_semaphore, #tpu.memory_space<semaphore_mem>>
      %dma_wait3A_1034 = tpu.memref_squeeze %dma_wait3A_1033 : memref<1x!tpu.dma_semaphore, #tpu.memory_space<semaphore_mem>> -> memref<!tpu.dma_semaphore, #tpu.memory_space<semaphore_mem>>
      %dma_wait3A_1035 = arith.constant 0 : i32
      %dma_wait3A_1036 = tpu.memref_slice %arg6[%dma_wait3A_1027, %dma_wait3A_1035] : memref<10x80xi32, #tpu.memory_space<vmem>> -> memref<1x80xi32, #tpu.memory_space<vmem>>
      %dma_wait3A_1037 = tpu.memref_squeeze %dma_wait3A_1036 : memref<1x80xi32, #tpu.memory_space<vmem>> -> memref<80xi32, #tpu.memory_space<vmem>>
      %dma_wait3A_1038 = tpu.memref_slice %arg3[%add3A_1026] : memref<320000xi32, #tpu.memory_space<hbm>> -> memref<80xi32, #tpu.memory_space<hbm>>
      tpu.wait_dma2 semaphore(%dma_wait3A_1034 : memref<!tpu.dma_semaphore, #tpu.memory_space<semaphore_mem>>) src(%dma_wait3A_1038 : memref<80xi32, #tpu.memory_space<hbm>>) dst(%dma_wait3A_1037 : memref<80xi32, #tpu.memory_space<vmem>>)
      %add3A_1039 = arith.constant 80 : i32
      %add3A_1040 = arith.addi %add3A_1010, %add3A_1039 : i32
      %dma_wait3A_1041 = arith.constant 7 : i32
      %dma_wait3A_1042 = arith.constant 3 : i32
      %dma_wait3A_1043 = arith.constant 0 : i32
      %dma_wait3A_1044 = tpu.memref_slice %arg6[%dma_wait3A_1041, %dma_wait3A_1043] : memref<10x80xi32, #tpu.memory_space<vmem>> -> memref<1x80xi32, #tpu.memory_space<vmem>>
      %dma_wait3A_1045 = tpu.memref_squeeze %dma_wait3A_1044 : memref<1x80xi32, #tpu.memory_space<vmem>> -> memref<80xi32, #tpu.memory_space<vmem>>
      %dma_wait3A_1046 = tpu.memref_slice %arg3[%add3A_1040] : memref<320000xi32, #tpu.memory_space<hbm>> -> memref<80xi32, #tpu.memory_space<hbm>>
      %dma_wait3A_1047 = tpu.memref_slice %arg12[%dma_wait3A_1042] : memref<5x!tpu.dma_semaphore, #tpu.memory_space<semaphore_mem>> -> memref<1x!tpu.dma_semaphore, #tpu.memory_space<semaphore_mem>>
      %dma_wait3A_1048 = tpu.memref_squeeze %dma_wait3A_1047 : memref<1x!tpu.dma_semaphore, #tpu.memory_space<semaphore_mem>> -> memref<!tpu.dma_semaphore, #tpu.memory_space<semaphore_mem>>
      %dma_wait3A_1049 = arith.constant 0 : i32
      %dma_wait3A_1050 = tpu.memref_slice %arg6[%dma_wait3A_1041, %dma_wait3A_1049] : memref<10x80xi32, #tpu.memory_space<vmem>> -> memref<1x80xi32, #tpu.memory_space<vmem>>
      %dma_wait3A_1051 = tpu.memref_squeeze %dma_wait3A_1050 : memref<1x80xi32, #tpu.memory_space<vmem>> -> memref<80xi32, #tpu.memory_space<vmem>>
      %dma_wait3A_1052 = tpu.memref_slice %arg3[%add3A_1040] : memref<320000xi32, #tpu.memory_space<hbm>> -> memref<80xi32, #tpu.memory_space<hbm>>
      tpu.wait_dma2 semaphore(%dma_wait3A_1048 : memref<!tpu.dma_semaphore, #tpu.memory_space<semaphore_mem>>) src(%dma_wait3A_1052 : memref<80xi32, #tpu.memory_space<hbm>>) dst(%dma_wait3A_1051 : memref<80xi32, #tpu.memory_space<vmem>>)
      %dma_start3A_1053 = arith.constant 3 : i32
      %dma_start3A_1054 = arith.constant 6 : i32
      %dma_start3A_1055 = arith.constant 3 : i32
      %dma_start3A_1056 = arith.constant 0 : i32
      %dma_start3A_1057 = arith.constant 0 : i32
      %dma_start3A_1058 = tpu.memref_slice %arg5[%dma_start3A_1053, %dma_start3A_1056, %dma_start3A_1057] : memref<5x160x64xf32, #tpu.memory_space<vmem>> -> memref<1x80x64xf32, #tpu.memory_space<vmem>>
      %dma_start3A_1059 = tpu.memref_squeeze %dma_start3A_1058 : memref<1x80x64xf32, #tpu.memory_space<vmem>> -> memref<80x64xf32, #tpu.memory_space<vmem>>
      %dma_start3A_1060 = arith.constant 0 : i32
      %dma_start3A_1061 = tpu.memref_slice %arg6[%dma_start3A_1054, %dma_start3A_1060] : memref<10x80xi32, #tpu.memory_space<vmem>> -> memref<1x80xi32, #tpu.memory_space<vmem>>
      %dma_start3A_1062 = tpu.memref_squeeze %dma_start3A_1061 : memref<1x80xi32, #tpu.memory_space<vmem>> -> memref<80xi32, #tpu.memory_space<vmem>>
      %dma_start3A_1063 = arith.constant 0 : i32
      %dma_start3A_1064 = arith.constant 0 : i32
      %dma_start3A_1065 = tpu.memref_slice %arg16[%dma_start3A_1063, %dma_start3A_1064] : memref<10000x64xf32, #tpu.memory_space<vmem_shared>> -> memref<10000x64xf32, #tpu.memory_space<vmem_shared>>
      %dma_start3A_1066 = tpu.memref_slice %arg13[%dma_start3A_1055] : memref<5x!tpu.dma_semaphore, #tpu.memory_space<semaphore_mem>> -> memref<1x!tpu.dma_semaphore, #tpu.memory_space<semaphore_mem>>
      %dma_start3A_1067 = tpu.memref_squeeze %dma_start3A_1066 : memref<1x!tpu.dma_semaphore, #tpu.memory_space<semaphore_mem>> -> memref<!tpu.dma_semaphore, #tpu.memory_space<semaphore_mem>>
      tpu.enqueue_indirect_dma source(%dma_start3A_1059 : memref<80x64xf32, #tpu.memory_space<vmem>>) target(%dma_start3A_1065 : memref<10000x64xf32, #tpu.memory_space<vmem_shared>>) offsets(%dma_start3A_1062 : memref<80xi32, #tpu.memory_space<vmem>>) semaphore(%dma_start3A_1067 : memref<!tpu.dma_semaphore, #tpu.memory_space<semaphore_mem>>) {add = true}
      %dma_start3A_1068 = arith.constant 6 : i32
      %dma_start3A_1069 = arith.constant 3 : i32
      %dma_start3A_1070 = arith.constant 0 : i32
      %dma_start3A_1071 = tpu.memref_slice %arg6[%dma_start3A_1068, %dma_start3A_1070] : memref<10x80xi32, #tpu.memory_space<vmem>> -> memref<1x80xi32, #tpu.memory_space<vmem>>
      %dma_start3A_1072 = tpu.memref_squeeze %dma_start3A_1071 : memref<1x80xi32, #tpu.memory_space<vmem>> -> memref<80xi32, #tpu.memory_space<vmem>>
      %dma_start3A_1073 = arith.constant 0 : i32
      %dma_start3A_1074 = arith.constant 0 : i32
      %dma_start3A_1075 = tpu.memref_slice %arg17[%dma_start3A_1073, %dma_start3A_1074] : memref<10000x16xf32, #tpu.memory_space<vmem_shared>> -> memref<10000x16xf32, #tpu.memory_space<vmem_shared>>
      %dma_start3A_1076 = tpu.memref_slice %arg14[%dma_start3A_1069] : memref<5x!tpu.dma_semaphore, #tpu.memory_space<semaphore_mem>> -> memref<1x!tpu.dma_semaphore, #tpu.memory_space<semaphore_mem>>
      %dma_start3A_1077 = tpu.memref_squeeze %dma_start3A_1076 : memref<1x!tpu.dma_semaphore, #tpu.memory_space<semaphore_mem>> -> memref<!tpu.dma_semaphore, #tpu.memory_space<semaphore_mem>>
      tpu.enqueue_indirect_dma source(%arg7 : memref<80x16xf32, #tpu.memory_space<vmem>>) target(%dma_start3A_1075 : memref<10000x16xf32, #tpu.memory_space<vmem_shared>>) offsets(%dma_start3A_1072 : memref<80xi32, #tpu.memory_space<vmem>>) semaphore(%dma_start3A_1077 : memref<!tpu.dma_semaphore, #tpu.memory_space<semaphore_mem>>) {add = true}
      %dma_start3A_1078 = arith.constant 3 : i32
      %dma_start3A_1079 = arith.constant 7 : i32
      %dma_start3A_1080 = arith.constant 3 : i32
      %dma_start3A_1081 = arith.constant 80 : i32
      %dma_start3A_1082 = arith.constant 0 : i32
      %dma_start3A_1083 = tpu.memref_slice %arg5[%dma_start3A_1078, %dma_start3A_1081, %dma_start3A_1082] : memref<5x160x64xf32, #tpu.memory_space<vmem>> -> memref<1x80x64xf32, #tpu.memory_space<vmem>>
      %dma_start3A_1084 = tpu.memref_squeeze %dma_start3A_1083 : memref<1x80x64xf32, #tpu.memory_space<vmem>> -> memref<80x64xf32, #tpu.memory_space<vmem>>
      %dma_start3A_1085 = arith.constant 0 : i32
      %dma_start3A_1086 = tpu.memref_slice %arg6[%dma_start3A_1079, %dma_start3A_1085] : memref<10x80xi32, #tpu.memory_space<vmem>> -> memref<1x80xi32, #tpu.memory_space<vmem>>
      %dma_start3A_1087 = tpu.memref_squeeze %dma_start3A_1086 : memref<1x80xi32, #tpu.memory_space<vmem>> -> memref<80xi32, #tpu.memory_space<vmem>>
      %dma_start3A_1088 = arith.constant 0 : i32
      %dma_start3A_1089 = arith.constant 0 : i32
      %dma_start3A_1090 = tpu.memref_slice %arg16[%dma_start3A_1088, %dma_start3A_1089] : memref<10000x64xf32, #tpu.memory_space<vmem_shared>> -> memref<10000x64xf32, #tpu.memory_space<vmem_shared>>
      %dma_start3A_1091 = tpu.memref_slice %arg13[%dma_start3A_1080] : memref<5x!tpu.dma_semaphore, #tpu.memory_space<semaphore_mem>> -> memref<1x!tpu.dma_semaphore, #tpu.memory_space<semaphore_mem>>
      %dma_start3A_1092 = tpu.memref_squeeze %dma_start3A_1091 : memref<1x!tpu.dma_semaphore, #tpu.memory_space<semaphore_mem>> -> memref<!tpu.dma_semaphore, #tpu.memory_space<semaphore_mem>>
      tpu.enqueue_indirect_dma source(%dma_start3A_1084 : memref<80x64xf32, #tpu.memory_space<vmem>>) target(%dma_start3A_1090 : memref<10000x64xf32, #tpu.memory_space<vmem_shared>>) offsets(%dma_start3A_1087 : memref<80xi32, #tpu.memory_space<vmem>>) semaphore(%dma_start3A_1092 : memref<!tpu.dma_semaphore, #tpu.memory_space<semaphore_mem>>) {add = true}
      %dma_start3A_1093 = arith.constant 7 : i32
      %dma_start3A_1094 = arith.constant 3 : i32
      %dma_start3A_1095 = arith.constant 0 : i32
      %dma_start3A_1096 = tpu.memref_slice %arg6[%dma_start3A_1093, %dma_start3A_1095] : memref<10x80xi32, #tpu.memory_space<vmem>> -> memref<1x80xi32, #tpu.memory_space<vmem>>
      %dma_start3A_1097 = tpu.memref_squeeze %dma_start3A_1096 : memref<1x80xi32, #tpu.memory_space<vmem>> -> memref<80xi32, #tpu.memory_space<vmem>>
      %dma_start3A_1098 = arith.constant 0 : i32
      %dma_start3A_1099 = arith.constant 0 : i32
      %dma_start3A_1100 = tpu.memref_slice %arg17[%dma_start3A_1098, %dma_start3A_1099] : memref<10000x16xf32, #tpu.memory_space<vmem_shared>> -> memref<10000x16xf32, #tpu.memory_space<vmem_shared>>
      %dma_start3A_1101 = tpu.memref_slice %arg14[%dma_start3A_1094] : memref<5x!tpu.dma_semaphore, #tpu.memory_space<semaphore_mem>> -> memref<1x!tpu.dma_semaphore, #tpu.memory_space<semaphore_mem>>
      %dma_start3A_1102 = tpu.memref_squeeze %dma_start3A_1101 : memref<1x!tpu.dma_semaphore, #tpu.memory_space<semaphore_mem>> -> memref<!tpu.dma_semaphore, #tpu.memory_space<semaphore_mem>>
      tpu.enqueue_indirect_dma source(%arg7 : memref<80x16xf32, #tpu.memory_space<vmem>>) target(%dma_start3A_1100 : memref<10000x16xf32, #tpu.memory_space<vmem_shared>>) offsets(%dma_start3A_1097 : memref<80xi32, #tpu.memory_space<vmem>>) semaphore(%dma_start3A_1102 : memref<!tpu.dma_semaphore, #tpu.memory_space<semaphore_mem>>) {add = true}
      %add3A_1103 = arith.constant 640 : i32
      %add3A_1104 = arith.addi %add3A_726, %add3A_1103 : i32
      %dma_wait3A_1105 = arith.constant 4 : i32
      %dma_wait3A_1106 = arith.constant 4 : i32
      %dma_wait3A_1107 = arith.constant 0 : i32
      %dma_wait3A_1108 = arith.constant 0 : i32
      %dma_wait3A_1109 = tpu.memref_slice %arg5[%dma_wait3A_1105, %dma_wait3A_1107, %dma_wait3A_1108] : memref<5x160x64xf32, #tpu.memory_space<vmem>> -> memref<1x160x64xf32, #tpu.memory_space<vmem>>
      %dma_wait3A_1110 = tpu.memref_squeeze %dma_wait3A_1109 : memref<1x160x64xf32, #tpu.memory_space<vmem>> -> memref<160x64xf32, #tpu.memory_space<vmem>>
      %dma_wait3A_1111 = tpu.memref_slice %arg2[%add3A_1104, %mul3A_0] : memref<320000x128xf32, #tpu.memory_space<hbm>> -> memref<160x64xf32, #tpu.memory_space<hbm>>
      %dma_wait3A_1112 = tpu.memref_slice %arg11[%dma_wait3A_1106] : memref<5x!tpu.dma_semaphore, #tpu.memory_space<semaphore_mem>> -> memref<1x!tpu.dma_semaphore, #tpu.memory_space<semaphore_mem>>
      %dma_wait3A_1113 = tpu.memref_squeeze %dma_wait3A_1112 : memref<1x!tpu.dma_semaphore, #tpu.memory_space<semaphore_mem>> -> memref<!tpu.dma_semaphore, #tpu.memory_space<semaphore_mem>>
      %dma_wait3A_1114 = arith.constant 0 : i32
      %dma_wait3A_1115 = arith.constant 0 : i32
      %dma_wait3A_1116 = tpu.memref_slice %arg5[%dma_wait3A_1105, %dma_wait3A_1114, %dma_wait3A_1115] : memref<5x160x64xf32, #tpu.memory_space<vmem>> -> memref<1x160x64xf32, #tpu.memory_space<vmem>>
      %dma_wait3A_1117 = tpu.memref_squeeze %dma_wait3A_1116 : memref<1x160x64xf32, #tpu.memory_space<vmem>> -> memref<160x64xf32, #tpu.memory_space<vmem>>
      %dma_wait3A_1118 = tpu.memref_slice %arg2[%add3A_1104, %mul3A_0] : memref<320000x128xf32, #tpu.memory_space<hbm>> -> memref<160x64xf32, #tpu.memory_space<hbm>>
      tpu.wait_dma2 semaphore(%dma_wait3A_1113 : memref<!tpu.dma_semaphore, #tpu.memory_space<semaphore_mem>>) src(%dma_wait3A_1118 : memref<160x64xf32, #tpu.memory_space<hbm>>) dst(%dma_wait3A_1117 : memref<160x64xf32, #tpu.memory_space<vmem>>)
      %add3A_1119 = arith.constant 0 : i32
      %add3A_1120 = arith.addi %add3A_1104, %add3A_1119 : i32
      %dma_wait3A_1121 = arith.constant 8 : i32
      %dma_wait3A_1122 = arith.constant 4 : i32
      %dma_wait3A_1123 = arith.constant 0 : i32
      %dma_wait3A_1124 = tpu.memref_slice %arg6[%dma_wait3A_1121, %dma_wait3A_1123] : memref<10x80xi32, #tpu.memory_space<vmem>> -> memref<1x80xi32, #tpu.memory_space<vmem>>
      %dma_wait3A_1125 = tpu.memref_squeeze %dma_wait3A_1124 : memref<1x80xi32, #tpu.memory_space<vmem>> -> memref<80xi32, #tpu.memory_space<vmem>>
      %dma_wait3A_1126 = tpu.memref_slice %arg3[%add3A_1120] : memref<320000xi32, #tpu.memory_space<hbm>> -> memref<80xi32, #tpu.memory_space<hbm>>
      %dma_wait3A_1127 = tpu.memref_slice %arg12[%dma_wait3A_1122] : memref<5x!tpu.dma_semaphore, #tpu.memory_space<semaphore_mem>> -> memref<1x!tpu.dma_semaphore, #tpu.memory_space<semaphore_mem>>
      %dma_wait3A_1128 = tpu.memref_squeeze %dma_wait3A_1127 : memref<1x!tpu.dma_semaphore, #tpu.memory_space<semaphore_mem>> -> memref<!tpu.dma_semaphore, #tpu.memory_space<semaphore_mem>>
      %dma_wait3A_1129 = arith.constant 0 : i32
      %dma_wait3A_1130 = tpu.memref_slice %arg6[%dma_wait3A_1121, %dma_wait3A_1129] : memref<10x80xi32, #tpu.memory_space<vmem>> -> memref<1x80xi32, #tpu.memory_space<vmem>>
      %dma_wait3A_1131 = tpu.memref_squeeze %dma_wait3A_1130 : memref<1x80xi32, #tpu.memory_space<vmem>> -> memref<80xi32, #tpu.memory_space<vmem>>
      %dma_wait3A_1132 = tpu.memref_slice %arg3[%add3A_1120] : memref<320000xi32, #tpu.memory_space<hbm>> -> memref<80xi32, #tpu.memory_space<hbm>>
      tpu.wait_dma2 semaphore(%dma_wait3A_1128 : memref<!tpu.dma_semaphore, #tpu.memory_space<semaphore_mem>>) src(%dma_wait3A_1132 : memref<80xi32, #tpu.memory_space<hbm>>) dst(%dma_wait3A_1131 : memref<80xi32, #tpu.memory_space<vmem>>)
      %add3A_1133 = arith.constant 80 : i32
      %add3A_1134 = arith.addi %add3A_1104, %add3A_1133 : i32
      %dma_wait3A_1135 = arith.constant 9 : i32
      %dma_wait3A_1136 = arith.constant 4 : i32
      %dma_wait3A_1137 = arith.constant 0 : i32
      %dma_wait3A_1138 = tpu.memref_slice %arg6[%dma_wait3A_1135, %dma_wait3A_1137] : memref<10x80xi32, #tpu.memory_space<vmem>> -> memref<1x80xi32, #tpu.memory_space<vmem>>
      %dma_wait3A_1139 = tpu.memref_squeeze %dma_wait3A_1138 : memref<1x80xi32, #tpu.memory_space<vmem>> -> memref<80xi32, #tpu.memory_space<vmem>>
      %dma_wait3A_1140 = tpu.memref_slice %arg3[%add3A_1134] : memref<320000xi32, #tpu.memory_space<hbm>> -> memref<80xi32, #tpu.memory_space<hbm>>
      %dma_wait3A_1141 = tpu.memref_slice %arg12[%dma_wait3A_1136] : memref<5x!tpu.dma_semaphore, #tpu.memory_space<semaphore_mem>> -> memref<1x!tpu.dma_semaphore, #tpu.memory_space<semaphore_mem>>
      %dma_wait3A_1142 = tpu.memref_squeeze %dma_wait3A_1141 : memref<1x!tpu.dma_semaphore, #tpu.memory_space<semaphore_mem>> -> memref<!tpu.dma_semaphore, #tpu.memory_space<semaphore_mem>>
      %dma_wait3A_1143 = arith.constant 0 : i32
      %dma_wait3A_1144 = tpu.memref_slice %arg6[%dma_wait3A_1135, %dma_wait3A_1143] : memref<10x80xi32, #tpu.memory_space<vmem>> -> memref<1x80xi32, #tpu.memory_space<vmem>>
      %dma_wait3A_1145 = tpu.memref_squeeze %dma_wait3A_1144 : memref<1x80xi32, #tpu.memory_space<vmem>> -> memref<80xi32, #tpu.memory_space<vmem>>
      %dma_wait3A_1146 = tpu.memref_slice %arg3[%add3A_1134] : memref<320000xi32, #tpu.memory_space<hbm>> -> memref<80xi32, #tpu.memory_space<hbm>>
      tpu.wait_dma2 semaphore(%dma_wait3A_1142 : memref<!tpu.dma_semaphore, #tpu.memory_space<semaphore_mem>>) src(%dma_wait3A_1146 : memref<80xi32, #tpu.memory_space<hbm>>) dst(%dma_wait3A_1145 : memref<80xi32, #tpu.memory_space<vmem>>)
      %dma_start3A_1147 = arith.constant 4 : i32
      %dma_start3A_1148 = arith.constant 8 : i32
      %dma_start3A_1149 = arith.constant 4 : i32
      %dma_start3A_1150 = arith.constant 0 : i32
      %dma_start3A_1151 = arith.constant 0 : i32
      %dma_start3A_1152 = tpu.memref_slice %arg5[%dma_start3A_1147, %dma_start3A_1150, %dma_start3A_1151] : memref<5x160x64xf32, #tpu.memory_space<vmem>> -> memref<1x80x64xf32, #tpu.memory_space<vmem>>
      %dma_start3A_1153 = tpu.memref_squeeze %dma_start3A_1152 : memref<1x80x64xf32, #tpu.memory_space<vmem>> -> memref<80x64xf32, #tpu.memory_space<vmem>>
      %dma_start3A_1154 = arith.constant 0 : i32
      %dma_start3A_1155 = tpu.memref_slice %arg6[%dma_start3A_1148, %dma_start3A_1154] : memref<10x80xi32, #tpu.memory_space<vmem>> -> memref<1x80xi32, #tpu.memory_space<vmem>>
      %dma_start3A_1156 = tpu.memref_squeeze %dma_start3A_1155 : memref<1x80xi32, #tpu.memory_space<vmem>> -> memref<80xi32, #tpu.memory_space<vmem>>
      %dma_start3A_1157 = arith.constant 0 : i32
      %dma_start3A_1158 = arith.constant 0 : i32
      %dma_start3A_1159 = tpu.memref_slice %arg16[%dma_start3A_1157, %dma_start3A_1158] : memref<10000x64xf32, #tpu.memory_space<vmem_shared>> -> memref<10000x64xf32, #tpu.memory_space<vmem_shared>>
      %dma_start3A_1160 = tpu.memref_slice %arg13[%dma_start3A_1149] : memref<5x!tpu.dma_semaphore, #tpu.memory_space<semaphore_mem>> -> memref<1x!tpu.dma_semaphore, #tpu.memory_space<semaphore_mem>>
      %dma_start3A_1161 = tpu.memref_squeeze %dma_start3A_1160 : memref<1x!tpu.dma_semaphore, #tpu.memory_space<semaphore_mem>> -> memref<!tpu.dma_semaphore, #tpu.memory_space<semaphore_mem>>
      tpu.enqueue_indirect_dma source(%dma_start3A_1153 : memref<80x64xf32, #tpu.memory_space<vmem>>) target(%dma_start3A_1159 : memref<10000x64xf32, #tpu.memory_space<vmem_shared>>) offsets(%dma_start3A_1156 : memref<80xi32, #tpu.memory_space<vmem>>) semaphore(%dma_start3A_1161 : memref<!tpu.dma_semaphore, #tpu.memory_space<semaphore_mem>>) {add = true}
      %dma_start3A_1162 = arith.constant 8 : i32
      %dma_start3A_1163 = arith.constant 4 : i32
      %dma_start3A_1164 = arith.constant 0 : i32
      %dma_start3A_1165 = tpu.memref_slice %arg6[%dma_start3A_1162, %dma_start3A_1164] : memref<10x80xi32, #tpu.memory_space<vmem>> -> memref<1x80xi32, #tpu.memory_space<vmem>>
      %dma_start3A_1166 = tpu.memref_squeeze %dma_start3A_1165 : memref<1x80xi32, #tpu.memory_space<vmem>> -> memref<80xi32, #tpu.memory_space<vmem>>
      %dma_start3A_1167 = arith.constant 0 : i32
      %dma_start3A_1168 = arith.constant 0 : i32
      %dma_start3A_1169 = tpu.memref_slice %arg17[%dma_start3A_1167, %dma_start3A_1168] : memref<10000x16xf32, #tpu.memory_space<vmem_shared>> -> memref<10000x16xf32, #tpu.memory_space<vmem_shared>>
      %dma_start3A_1170 = tpu.memref_slice %arg14[%dma_start3A_1163] : memref<5x!tpu.dma_semaphore, #tpu.memory_space<semaphore_mem>> -> memref<1x!tpu.dma_semaphore, #tpu.memory_space<semaphore_mem>>
      %dma_start3A_1171 = tpu.memref_squeeze %dma_start3A_1170 : memref<1x!tpu.dma_semaphore, #tpu.memory_space<semaphore_mem>> -> memref<!tpu.dma_semaphore, #tpu.memory_space<semaphore_mem>>
      tpu.enqueue_indirect_dma source(%arg7 : memref<80x16xf32, #tpu.memory_space<vmem>>) target(%dma_start3A_1169 : memref<10000x16xf32, #tpu.memory_space<vmem_shared>>) offsets(%dma_start3A_1166 : memref<80xi32, #tpu.memory_space<vmem>>) semaphore(%dma_start3A_1171 : memref<!tpu.dma_semaphore, #tpu.memory_space<semaphore_mem>>) {add = true}
      %dma_start3A_1172 = arith.constant 4 : i32
      %dma_start3A_1173 = arith.constant 9 : i32
      %dma_start3A_1174 = arith.constant 4 : i32
      %dma_start3A_1175 = arith.constant 80 : i32
      %dma_start3A_1176 = arith.constant 0 : i32
      %dma_start3A_1177 = tpu.memref_slice %arg5[%dma_start3A_1172, %dma_start3A_1175, %dma_start3A_1176] : memref<5x160x64xf32, #tpu.memory_space<vmem>> -> memref<1x80x64xf32, #tpu.memory_space<vmem>>
      %dma_start3A_1178 = tpu.memref_squeeze %dma_start3A_1177 : memref<1x80x64xf32, #tpu.memory_space<vmem>> -> memref<80x64xf32, #tpu.memory_space<vmem>>
      %dma_start3A_1179 = arith.constant 0 : i32
      %dma_start3A_1180 = tpu.memref_slice %arg6[%dma_start3A_1173, %dma_start3A_1179] : memref<10x80xi32, #tpu.memory_space<vmem>> -> memref<1x80xi32, #tpu.memory_space<vmem>>
      %dma_start3A_1181 = tpu.memref_squeeze %dma_start3A_1180 : memref<1x80xi32, #tpu.memory_space<vmem>> -> memref<80xi32, #tpu.memory_space<vmem>>
      %dma_start3A_1182 = arith.constant 0 : i32
      %dma_start3A_1183 = arith.constant 0 : i32
      %dma_start3A_1184 = tpu.memref_slice %arg16[%dma_start3A_1182, %dma_start3A_1183] : memref<10000x64xf32, #tpu.memory_space<vmem_shared>> -> memref<10000x64xf32, #tpu.memory_space<vmem_shared>>
      %dma_start3A_1185 = tpu.memref_slice %arg13[%dma_start3A_1174] : memref<5x!tpu.dma_semaphore, #tpu.memory_space<semaphore_mem>> -> memref<1x!tpu.dma_semaphore, #tpu.memory_space<semaphore_mem>>
      %dma_start3A_1186 = tpu.memref_squeeze %dma_start3A_1185 : memref<1x!tpu.dma_semaphore, #tpu.memory_space<semaphore_mem>> -> memref<!tpu.dma_semaphore, #tpu.memory_space<semaphore_mem>>
      tpu.enqueue_indirect_dma source(%dma_start3A_1178 : memref<80x64xf32, #tpu.memory_space<vmem>>) target(%dma_start3A_1184 : memref<10000x64xf32, #tpu.memory_space<vmem_shared>>) offsets(%dma_start3A_1181 : memref<80xi32, #tpu.memory_space<vmem>>) semaphore(%dma_start3A_1186 : memref<!tpu.dma_semaphore, #tpu.memory_space<semaphore_mem>>) {add = true}
      %dma_start3A_1187 = arith.constant 9 : i32
      %dma_start3A_1188 = arith.constant 4 : i32
      %dma_start3A_1189 = arith.constant 0 : i32
      %dma_start3A_1190 = tpu.memref_slice %arg6[%dma_start3A_1187, %dma_start3A_1189] : memref<10x80xi32, #tpu.memory_space<vmem>> -> memref<1x80xi32, #tpu.memory_space<vmem>>
      %dma_start3A_1191 = tpu.memref_squeeze %dma_start3A_1190 : memref<1x80xi32, #tpu.memory_space<vmem>> -> memref<80xi32, #tpu.memory_space<vmem>>
      %dma_start3A_1192 = arith.constant 0 : i32
      %dma_start3A_1193 = arith.constant 0 : i32
      %dma_start3A_1194 = tpu.memref_slice %arg17[%dma_start3A_1192, %dma_start3A_1193] : memref<10000x16xf32, #tpu.memory_space<vmem_shared>> -> memref<10000x16xf32, #tpu.memory_space<vmem_shared>>
      %dma_start3A_1195 = tpu.memref_slice %arg14[%dma_start3A_1188] : memref<5x!tpu.dma_semaphore, #tpu.memory_space<semaphore_mem>> -> memref<1x!tpu.dma_semaphore, #tpu.memory_space<semaphore_mem>>
      %dma_start3A_1196 = tpu.memref_squeeze %dma_start3A_1195 : memref<1x!tpu.dma_semaphore, #tpu.memory_space<semaphore_mem>> -> memref<!tpu.dma_semaphore, #tpu.memory_space<semaphore_mem>>
      tpu.enqueue_indirect_dma source(%arg7 : memref<80x16xf32, #tpu.memory_space<vmem>>) target(%dma_start3A_1194 : memref<10000x16xf32, #tpu.memory_space<vmem_shared>>) offsets(%dma_start3A_1191 : memref<80xi32, #tpu.memory_space<vmem>>) semaphore(%dma_start3A_1196 : memref<!tpu.dma_semaphore, #tpu.memory_space<semaphore_mem>>) {add = true}
      %lt3A = arith.constant 24 : i32
      %lt3A_1197 = arith.cmpi slt, %scan3A_723, %lt3A : i32
      %convert_element_type3A = arith.extui %lt3A_1197 : i1 to i32
      %cond3A = arith.constant 0 : i32
      %cond3A_1198 = arith.cmpi ne, %convert_element_type3A, %cond3A : i32
      scf.if %cond3A_1198 {
        %dma_wait3A_1199 = arith.constant 0 : i32
        %dma_wait3A_1200 = arith.constant 0 : i32
        %dma_wait3A_1201 = arith.constant 0 : i32
        %dma_wait3A_1202 = arith.constant 0 : i32
        %dma_wait3A_1203 = arith.constant 0 : i32
        %dma_wait3A_1204 = tpu.memref_slice %arg5[%dma_wait3A_1199, %dma_wait3A_1202, %dma_wait3A_1203] : memref<5x160x64xf32, #tpu.memory_space<vmem>> -> memref<1x80x64xf32, #tpu.memory_space<vmem>>
        %dma_wait3A_1205 = tpu.memref_squeeze %dma_wait3A_1204 : memref<1x80x64xf32, #tpu.memory_space<vmem>> -> memref<80x64xf32, #tpu.memory_space<vmem>>
        %dma_wait3A_1206 = arith.constant 0 : i32
        %dma_wait3A_1207 = tpu.memref_slice %arg6[%dma_wait3A_1200, %dma_wait3A_1206] : memref<10x80xi32, #tpu.memory_space<vmem>> -> memref<1x80xi32, #tpu.memory_space<vmem>>
        %dma_wait3A_1208 = tpu.memref_squeeze %dma_wait3A_1207 : memref<1x80xi32, #tpu.memory_space<vmem>> -> memref<80xi32, #tpu.memory_space<vmem>>
        %dma_wait3A_1209 = arith.constant 0 : i32
        %dma_wait3A_1210 = arith.constant 0 : i32
        %dma_wait3A_1211 = tpu.memref_slice %arg16[%dma_wait3A_1209, %dma_wait3A_1210] : memref<10000x64xf32, #tpu.memory_space<vmem_shared>> -> memref<10000x64xf32, #tpu.memory_space<vmem_shared>>
        %dma_wait3A_1212 = tpu.memref_slice %arg13[%dma_wait3A_1201] : memref<5x!tpu.dma_semaphore, #tpu.memory_space<semaphore_mem>> -> memref<1x!tpu.dma_semaphore, #tpu.memory_space<semaphore_mem>>
        %dma_wait3A_1213 = tpu.memref_squeeze %dma_wait3A_1212 : memref<1x!tpu.dma_semaphore, #tpu.memory_space<semaphore_mem>> -> memref<!tpu.dma_semaphore, #tpu.memory_space<semaphore_mem>>
        tpu.wait_indirect_dma semaphore(%dma_wait3A_1213 : memref<!tpu.dma_semaphore, #tpu.memory_space<semaphore_mem>>) src(%dma_wait3A_1205 : memref<80x64xf32, #tpu.memory_space<vmem>>) dst(%dma_wait3A_1211 : memref<10000x64xf32, #tpu.memory_space<vmem_shared>>)
        %dma_wait3A_1214 = arith.constant 0 : i32
        %dma_wait3A_1215 = arith.constant 0 : i32
        %dma_wait3A_1216 = arith.constant 0 : i32
        %dma_wait3A_1217 = tpu.memref_slice %arg6[%dma_wait3A_1214, %dma_wait3A_1216] : memref<10x80xi32, #tpu.memory_space<vmem>> -> memref<1x80xi32, #tpu.memory_space<vmem>>
        %dma_wait3A_1218 = tpu.memref_squeeze %dma_wait3A_1217 : memref<1x80xi32, #tpu.memory_space<vmem>> -> memref<80xi32, #tpu.memory_space<vmem>>
        %dma_wait3A_1219 = arith.constant 0 : i32
        %dma_wait3A_1220 = arith.constant 0 : i32
        %dma_wait3A_1221 = tpu.memref_slice %arg17[%dma_wait3A_1219, %dma_wait3A_1220] : memref<10000x16xf32, #tpu.memory_space<vmem_shared>> -> memref<10000x16xf32, #tpu.memory_space<vmem_shared>>
        %dma_wait3A_1222 = tpu.memref_slice %arg14[%dma_wait3A_1215] : memref<5x!tpu.dma_semaphore, #tpu.memory_space<semaphore_mem>> -> memref<1x!tpu.dma_semaphore, #tpu.memory_space<semaphore_mem>>
        %dma_wait3A_1223 = tpu.memref_squeeze %dma_wait3A_1222 : memref<1x!tpu.dma_semaphore, #tpu.memory_space<semaphore_mem>> -> memref<!tpu.dma_semaphore, #tpu.memory_space<semaphore_mem>>
        tpu.wait_indirect_dma semaphore(%dma_wait3A_1223 : memref<!tpu.dma_semaphore, #tpu.memory_space<semaphore_mem>>) src(%arg7 : memref<80x16xf32, #tpu.memory_space<vmem>>) dst(%dma_wait3A_1221 : memref<10000x16xf32, #tpu.memory_space<vmem_shared>>)
        %dma_wait3A_1224 = arith.constant 0 : i32
        %dma_wait3A_1225 = arith.constant 1 : i32
        %dma_wait3A_1226 = arith.constant 0 : i32
        %dma_wait3A_1227 = arith.constant 80 : i32
        %dma_wait3A_1228 = arith.constant 0 : i32
        %dma_wait3A_1229 = tpu.memref_slice %arg5[%dma_wait3A_1224, %dma_wait3A_1227, %dma_wait3A_1228] : memref<5x160x64xf32, #tpu.memory_space<vmem>> -> memref<1x80x64xf32, #tpu.memory_space<vmem>>
        %dma_wait3A_1230 = tpu.memref_squeeze %dma_wait3A_1229 : memref<1x80x64xf32, #tpu.memory_space<vmem>> -> memref<80x64xf32, #tpu.memory_space<vmem>>
        %dma_wait3A_1231 = arith.constant 0 : i32
        %dma_wait3A_1232 = tpu.memref_slice %arg6[%dma_wait3A_1225, %dma_wait3A_1231] : memref<10x80xi32, #tpu.memory_space<vmem>> -> memref<1x80xi32, #tpu.memory_space<vmem>>
        %dma_wait3A_1233 = tpu.memref_squeeze %dma_wait3A_1232 : memref<1x80xi32, #tpu.memory_space<vmem>> -> memref<80xi32, #tpu.memory_space<vmem>>
        %dma_wait3A_1234 = arith.constant 0 : i32
        %dma_wait3A_1235 = arith.constant 0 : i32
        %dma_wait3A_1236 = tpu.memref_slice %arg16[%dma_wait3A_1234, %dma_wait3A_1235] : memref<10000x64xf32, #tpu.memory_space<vmem_shared>> -> memref<10000x64xf32, #tpu.memory_space<vmem_shared>>
        %dma_wait3A_1237 = tpu.memref_slice %arg13[%dma_wait3A_1226] : memref<5x!tpu.dma_semaphore, #tpu.memory_space<semaphore_mem>> -> memref<1x!tpu.dma_semaphore, #tpu.memory_space<semaphore_mem>>
        %dma_wait3A_1238 = tpu.memref_squeeze %dma_wait3A_1237 : memref<1x!tpu.dma_semaphore, #tpu.memory_space<semaphore_mem>> -> memref<!tpu.dma_semaphore, #tpu.memory_space<semaphore_mem>>
        tpu.wait_indirect_dma semaphore(%dma_wait3A_1238 : memref<!tpu.dma_semaphore, #tpu.memory_space<semaphore_mem>>) src(%dma_wait3A_1230 : memref<80x64xf32, #tpu.memory_space<vmem>>) dst(%dma_wait3A_1236 : memref<10000x64xf32, #tpu.memory_space<vmem_shared>>)
        %dma_wait3A_1239 = arith.constant 1 : i32
        %dma_wait3A_1240 = arith.constant 0 : i32
        %dma_wait3A_1241 = arith.constant 0 : i32
        %dma_wait3A_1242 = tpu.memref_slice %arg6[%dma_wait3A_1239, %dma_wait3A_1241] : memref<10x80xi32, #tpu.memory_space<vmem>> -> memref<1x80xi32, #tpu.memory_space<vmem>>
        %dma_wait3A_1243 = tpu.memref_squeeze %dma_wait3A_1242 : memref<1x80xi32, #tpu.memory_space<vmem>> -> memref<80xi32, #tpu.memory_space<vmem>>
        %dma_wait3A_1244 = arith.constant 0 : i32
        %dma_wait3A_1245 = arith.constant 0 : i32
        %dma_wait3A_1246 = tpu.memref_slice %arg17[%dma_wait3A_1244, %dma_wait3A_1245] : memref<10000x16xf32, #tpu.memory_space<vmem_shared>> -> memref<10000x16xf32, #tpu.memory_space<vmem_shared>>
        %dma_wait3A_1247 = tpu.memref_slice %arg14[%dma_wait3A_1240] : memref<5x!tpu.dma_semaphore, #tpu.memory_space<semaphore_mem>> -> memref<1x!tpu.dma_semaphore, #tpu.memory_space<semaphore_mem>>
        %dma_wait3A_1248 = tpu.memref_squeeze %dma_wait3A_1247 : memref<1x!tpu.dma_semaphore, #tpu.memory_space<semaphore_mem>> -> memref<!tpu.dma_semaphore, #tpu.memory_space<semaphore_mem>>
        tpu.wait_indirect_dma semaphore(%dma_wait3A_1248 : memref<!tpu.dma_semaphore, #tpu.memory_space<semaphore_mem>>) src(%arg7 : memref<80x16xf32, #tpu.memory_space<vmem>>) dst(%dma_wait3A_1246 : memref<10000x16xf32, #tpu.memory_space<vmem_shared>>)
        %add3A_1249 = arith.constant 800 : i32
        %add3A_1250 = arith.addi %add3A_726, %add3A_1249 : i32
        %dma_start3A_1251 = arith.constant 0 : i32
        %dma_start3A_1252 = arith.constant 0 : i32
        %dma_start3A_1253 = arith.constant 0 : i32
        %dma_start3A_1254 = arith.constant 0 : i32
        %dma_start3A_1255 = tpu.memref_slice %arg5[%dma_start3A_1251, %dma_start3A_1253, %dma_start3A_1254] : memref<5x160x64xf32, #tpu.memory_space<vmem>> -> memref<1x160x64xf32, #tpu.memory_space<vmem>>
        %dma_start3A_1256 = tpu.memref_squeeze %dma_start3A_1255 : memref<1x160x64xf32, #tpu.memory_space<vmem>> -> memref<160x64xf32, #tpu.memory_space<vmem>>
        %dma_start3A_1257 = tpu.memref_slice %arg2[%add3A_1250, %mul3A_0] : memref<320000x128xf32, #tpu.memory_space<hbm>> -> memref<160x64xf32, #tpu.memory_space<hbm>>
        %dma_start3A_1258 = tpu.memref_slice %arg11[%dma_start3A_1252] : memref<5x!tpu.dma_semaphore, #tpu.memory_space<semaphore_mem>> -> memref<1x!tpu.dma_semaphore, #tpu.memory_space<semaphore_mem>>
        %dma_start3A_1259 = tpu.memref_squeeze %dma_start3A_1258 : memref<1x!tpu.dma_semaphore, #tpu.memory_space<semaphore_mem>> -> memref<!tpu.dma_semaphore, #tpu.memory_space<semaphore_mem>>
        %dma_start3A_1260 = arith.constant 0 : i32
        %dma_start3A_1261 = arith.constant 0 : i32
        %dma_start3A_1262 = tpu.memref_slice %arg5[%dma_start3A_1251, %dma_start3A_1260, %dma_start3A_1261] : memref<5x160x64xf32, #tpu.memory_space<vmem>> -> memref<1x160x64xf32, #tpu.memory_space<vmem>>
        %dma_start3A_1263 = tpu.memref_squeeze %dma_start3A_1262 : memref<1x160x64xf32, #tpu.memory_space<vmem>> -> memref<160x64xf32, #tpu.memory_space<vmem>>
        %dma_start3A_1264 = tpu.memref_slice %arg2[%add3A_1250, %mul3A_0] : memref<320000x128xf32, #tpu.memory_space<hbm>> -> memref<160x64xf32, #tpu.memory_space<hbm>>
        tpu.enqueue_dma source(%dma_start3A_1264 : memref<160x64xf32, #tpu.memory_space<hbm>>) target(%dma_start3A_1263 : memref<160x64xf32, #tpu.memory_space<vmem>>) target_semaphore(%dma_start3A_1259 : memref<!tpu.dma_semaphore, #tpu.memory_space<semaphore_mem>>)
        %add3A_1265 = arith.constant 0 : i32
        %add3A_1266 = arith.addi %add3A_1250, %add3A_1265 : i32
        %dma_start3A_1267 = arith.constant 0 : i32
        %dma_start3A_1268 = arith.constant 0 : i32
        %dma_start3A_1269 = arith.constant 0 : i32
        %dma_start3A_1270 = tpu.memref_slice %arg6[%dma_start3A_1267, %dma_start3A_1269] : memref<10x80xi32, #tpu.memory_space<vmem>> -> memref<1x80xi32, #tpu.memory_space<vmem>>
        %dma_start3A_1271 = tpu.memref_squeeze %dma_start3A_1270 : memref<1x80xi32, #tpu.memory_space<vmem>> -> memref<80xi32, #tpu.memory_space<vmem>>
        %dma_start3A_1272 = tpu.memref_slice %arg3[%add3A_1266] : memref<320000xi32, #tpu.memory_space<hbm>> -> memref<80xi32, #tpu.memory_space<hbm>>
        %dma_start3A_1273 = tpu.memref_slice %arg12[%dma_start3A_1268] : memref<5x!tpu.dma_semaphore, #tpu.memory_space<semaphore_mem>> -> memref<1x!tpu.dma_semaphore, #tpu.memory_space<semaphore_mem>>
        %dma_start3A_1274 = tpu.memref_squeeze %dma_start3A_1273 : memref<1x!tpu.dma_semaphore, #tpu.memory_space<semaphore_mem>> -> memref<!tpu.dma_semaphore, #tpu.memory_space<semaphore_mem>>
        %dma_start3A_1275 = arith.constant 0 : i32
        %dma_start3A_1276 = tpu.memref_slice %arg6[%dma_start3A_1267, %dma_start3A_1275] : memref<10x80xi32, #tpu.memory_space<vmem>> -> memref<1x80xi32, #tpu.memory_space<vmem>>
        %dma_start3A_1277 = tpu.memref_squeeze %dma_start3A_1276 : memref<1x80xi32, #tpu.memory_space<vmem>> -> memref<80xi32, #tpu.memory_space<vmem>>
        %dma_start3A_1278 = tpu.memref_slice %arg3[%add3A_1266] : memref<320000xi32, #tpu.memory_space<hbm>> -> memref<80xi32, #tpu.memory_space<hbm>>
        tpu.enqueue_dma source(%dma_start3A_1278 : memref<80xi32, #tpu.memory_space<hbm>>) target(%dma_start3A_1277 : memref<80xi32, #tpu.memory_space<vmem>>) target_semaphore(%dma_start3A_1274 : memref<!tpu.dma_semaphore, #tpu.memory_space<semaphore_mem>>)
        %add3A_1279 = arith.constant 80 : i32
        %add3A_1280 = arith.addi %add3A_1250, %add3A_1279 : i32
        %dma_start3A_1281 = arith.constant 1 : i32
        %dma_start3A_1282 = arith.constant 0 : i32
        %dma_start3A_1283 = arith.constant 0 : i32
        %dma_start3A_1284 = tpu.memref_slice %arg6[%dma_start3A_1281, %dma_start3A_1283] : memref<10x80xi32, #tpu.memory_space<vmem>> -> memref<1x80xi32, #tpu.memory_space<vmem>>
        %dma_start3A_1285 = tpu.memref_squeeze %dma_start3A_1284 : memref<1x80xi32, #tpu.memory_space<vmem>> -> memref<80xi32, #tpu.memory_space<vmem>>
        %dma_start3A_1286 = tpu.memref_slice %arg3[%add3A_1280] : memref<320000xi32, #tpu.memory_space<hbm>> -> memref<80xi32, #tpu.memory_space<hbm>>
        %dma_start3A_1287 = tpu.memref_slice %arg12[%dma_start3A_1282] : memref<5x!tpu.dma_semaphore, #tpu.memory_space<semaphore_mem>> -> memref<1x!tpu.dma_semaphore, #tpu.memory_space<semaphore_mem>>
        %dma_start3A_1288 = tpu.memref_squeeze %dma_start3A_1287 : memref<1x!tpu.dma_semaphore, #tpu.memory_space<semaphore_mem>> -> memref<!tpu.dma_semaphore, #tpu.memory_space<semaphore_mem>>
        %dma_start3A_1289 = arith.constant 0 : i32
        %dma_start3A_1290 = tpu.memref_slice %arg6[%dma_start3A_1281, %dma_start3A_1289] : memref<10x80xi32, #tpu.memory_space<vmem>> -> memref<1x80xi32, #tpu.memory_space<vmem>>
        %dma_start3A_1291 = tpu.memref_squeeze %dma_start3A_1290 : memref<1x80xi32, #tpu.memory_space<vmem>> -> memref<80xi32, #tpu.memory_space<vmem>>
        %dma_start3A_1292 = tpu.memref_slice %arg3[%add3A_1280] : memref<320000xi32, #tpu.memory_space<hbm>> -> memref<80xi32, #tpu.memory_space<hbm>>
        tpu.enqueue_dma source(%dma_start3A_1292 : memref<80xi32, #tpu.memory_space<hbm>>) target(%dma_start3A_1291 : memref<80xi32, #tpu.memory_space<vmem>>) target_semaphore(%dma_start3A_1288 : memref<!tpu.dma_semaphore, #tpu.memory_space<semaphore_mem>>)
        %dma_wait3A_1293 = arith.constant 1 : i32
        %dma_wait3A_1294 = arith.constant 2 : i32
        %dma_wait3A_1295 = arith.constant 1 : i32
        %dma_wait3A_1296 = arith.constant 0 : i32
        %dma_wait3A_1297 = arith.constant 0 : i32
        %dma_wait3A_1298 = tpu.memref_slice %arg5[%dma_wait3A_1293, %dma_wait3A_1296, %dma_wait3A_1297] : memref<5x160x64xf32, #tpu.memory_space<vmem>> -> memref<1x80x64xf32, #tpu.memory_space<vmem>>
        %dma_wait3A_1299 = tpu.memref_squeeze %dma_wait3A_1298 : memref<1x80x64xf32, #tpu.memory_space<vmem>> -> memref<80x64xf32, #tpu.memory_space<vmem>>
        %dma_wait3A_1300 = arith.constant 0 : i32
        %dma_wait3A_1301 = tpu.memref_slice %arg6[%dma_wait3A_1294, %dma_wait3A_1300] : memref<10x80xi32, #tpu.memory_space<vmem>> -> memref<1x80xi32, #tpu.memory_space<vmem>>
        %dma_wait3A_1302 = tpu.memref_squeeze %dma_wait3A_1301 : memref<1x80xi32, #tpu.memory_space<vmem>> -> memref<80xi32, #tpu.memory_space<vmem>>
        %dma_wait3A_1303 = arith.constant 0 : i32
        %dma_wait3A_1304 = arith.constant 0 : i32
        %dma_wait3A_1305 = tpu.memref_slice %arg16[%dma_wait3A_1303, %dma_wait3A_1304] : memref<10000x64xf32, #tpu.memory_space<vmem_shared>> -> memref<10000x64xf32, #tpu.memory_space<vmem_shared>>
        %dma_wait3A_1306 = tpu.memref_slice %arg13[%dma_wait3A_1295] : memref<5x!tpu.dma_semaphore, #tpu.memory_space<semaphore_mem>> -> memref<1x!tpu.dma_semaphore, #tpu.memory_space<semaphore_mem>>
        %dma_wait3A_1307 = tpu.memref_squeeze %dma_wait3A_1306 : memref<1x!tpu.dma_semaphore, #tpu.memory_space<semaphore_mem>> -> memref<!tpu.dma_semaphore, #tpu.memory_space<semaphore_mem>>
        tpu.wait_indirect_dma semaphore(%dma_wait3A_1307 : memref<!tpu.dma_semaphore, #tpu.memory_space<semaphore_mem>>) src(%dma_wait3A_1299 : memref<80x64xf32, #tpu.memory_space<vmem>>) dst(%dma_wait3A_1305 : memref<10000x64xf32, #tpu.memory_space<vmem_shared>>)
        %dma_wait3A_1308 = arith.constant 2 : i32
        %dma_wait3A_1309 = arith.constant 1 : i32
        %dma_wait3A_1310 = arith.constant 0 : i32
        %dma_wait3A_1311 = tpu.memref_slice %arg6[%dma_wait3A_1308, %dma_wait3A_1310] : memref<10x80xi32, #tpu.memory_space<vmem>> -> memref<1x80xi32, #tpu.memory_space<vmem>>
        %dma_wait3A_1312 = tpu.memref_squeeze %dma_wait3A_1311 : memref<1x80xi32, #tpu.memory_space<vmem>> -> memref<80xi32, #tpu.memory_space<vmem>>
        %dma_wait3A_1313 = arith.constant 0 : i32
        %dma_wait3A_1314 = arith.constant 0 : i32
        %dma_wait3A_1315 = tpu.memref_slice %arg17[%dma_wait3A_1313, %dma_wait3A_1314] : memref<10000x16xf32, #tpu.memory_space<vmem_shared>> -> memref<10000x16xf32, #tpu.memory_space<vmem_shared>>
        %dma_wait3A_1316 = tpu.memref_slice %arg14[%dma_wait3A_1309] : memref<5x!tpu.dma_semaphore, #tpu.memory_space<semaphore_mem>> -> memref<1x!tpu.dma_semaphore, #tpu.memory_space<semaphore_mem>>
        %dma_wait3A_1317 = tpu.memref_squeeze %dma_wait3A_1316 : memref<1x!tpu.dma_semaphore, #tpu.memory_space<semaphore_mem>> -> memref<!tpu.dma_semaphore, #tpu.memory_space<semaphore_mem>>
        tpu.wait_indirect_dma semaphore(%dma_wait3A_1317 : memref<!tpu.dma_semaphore, #tpu.memory_space<semaphore_mem>>) src(%arg7 : memref<80x16xf32, #tpu.memory_space<vmem>>) dst(%dma_wait3A_1315 : memref<10000x16xf32, #tpu.memory_space<vmem_shared>>)
        %dma_wait3A_1318 = arith.constant 1 : i32
        %dma_wait3A_1319 = arith.constant 3 : i32
        %dma_wait3A_1320 = arith.constant 1 : i32
        %dma_wait3A_1321 = arith.constant 80 : i32
        %dma_wait3A_1322 = arith.constant 0 : i32
        %dma_wait3A_1323 = tpu.memref_slice %arg5[%dma_wait3A_1318, %dma_wait3A_1321, %dma_wait3A_1322] : memref<5x160x64xf32, #tpu.memory_space<vmem>> -> memref<1x80x64xf32, #tpu.memory_space<vmem>>
        %dma_wait3A_1324 = tpu.memref_squeeze %dma_wait3A_1323 : memref<1x80x64xf32, #tpu.memory_space<vmem>> -> memref<80x64xf32, #tpu.memory_space<vmem>>
        %dma_wait3A_1325 = arith.constant 0 : i32
        %dma_wait3A_1326 = tpu.memref_slice %arg6[%dma_wait3A_1319, %dma_wait3A_1325] : memref<10x80xi32, #tpu.memory_space<vmem>> -> memref<1x80xi32, #tpu.memory_space<vmem>>
        %dma_wait3A_1327 = tpu.memref_squeeze %dma_wait3A_1326 : memref<1x80xi32, #tpu.memory_space<vmem>> -> memref<80xi32, #tpu.memory_space<vmem>>
        %dma_wait3A_1328 = arith.constant 0 : i32
        %dma_wait3A_1329 = arith.constant 0 : i32
        %dma_wait3A_1330 = tpu.memref_slice %arg16[%dma_wait3A_1328, %dma_wait3A_1329] : memref<10000x64xf32, #tpu.memory_space<vmem_shared>> -> memref<10000x64xf32, #tpu.memory_space<vmem_shared>>
        %dma_wait3A_1331 = tpu.memref_slice %arg13[%dma_wait3A_1320] : memref<5x!tpu.dma_semaphore, #tpu.memory_space<semaphore_mem>> -> memref<1x!tpu.dma_semaphore, #tpu.memory_space<semaphore_mem>>
        %dma_wait3A_1332 = tpu.memref_squeeze %dma_wait3A_1331 : memref<1x!tpu.dma_semaphore, #tpu.memory_space<semaphore_mem>> -> memref<!tpu.dma_semaphore, #tpu.memory_space<semaphore_mem>>
        tpu.wait_indirect_dma semaphore(%dma_wait3A_1332 : memref<!tpu.dma_semaphore, #tpu.memory_space<semaphore_mem>>) src(%dma_wait3A_1324 : memref<80x64xf32, #tpu.memory_space<vmem>>) dst(%dma_wait3A_1330 : memref<10000x64xf32, #tpu.memory_space<vmem_shared>>)
        %dma_wait3A_1333 = arith.constant 3 : i32
        %dma_wait3A_1334 = arith.constant 1 : i32
        %dma_wait3A_1335 = arith.constant 0 : i32
        %dma_wait3A_1336 = tpu.memref_slice %arg6[%dma_wait3A_1333, %dma_wait3A_1335] : memref<10x80xi32, #tpu.memory_space<vmem>> -> memref<1x80xi32, #tpu.memory_space<vmem>>
        %dma_wait3A_1337 = tpu.memref_squeeze %dma_wait3A_1336 : memref<1x80xi32, #tpu.memory_space<vmem>> -> memref<80xi32, #tpu.memory_space<vmem>>
        %dma_wait3A_1338 = arith.constant 0 : i32
        %dma_wait3A_1339 = arith.constant 0 : i32
        %dma_wait3A_1340 = tpu.memref_slice %arg17[%dma_wait3A_1338, %dma_wait3A_1339] : memref<10000x16xf32, #tpu.memory_space<vmem_shared>> -> memref<10000x16xf32, #tpu.memory_space<vmem_shared>>
        %dma_wait3A_1341 = tpu.memref_slice %arg14[%dma_wait3A_1334] : memref<5x!tpu.dma_semaphore, #tpu.memory_space<semaphore_mem>> -> memref<1x!tpu.dma_semaphore, #tpu.memory_space<semaphore_mem>>
        %dma_wait3A_1342 = tpu.memref_squeeze %dma_wait3A_1341 : memref<1x!tpu.dma_semaphore, #tpu.memory_space<semaphore_mem>> -> memref<!tpu.dma_semaphore, #tpu.memory_space<semaphore_mem>>
        tpu.wait_indirect_dma semaphore(%dma_wait3A_1342 : memref<!tpu.dma_semaphore, #tpu.memory_space<semaphore_mem>>) src(%arg7 : memref<80x16xf32, #tpu.memory_space<vmem>>) dst(%dma_wait3A_1340 : memref<10000x16xf32, #tpu.memory_space<vmem_shared>>)
        %add3A_1343 = arith.constant 960 : i32
        %add3A_1344 = arith.addi %add3A_726, %add3A_1343 : i32
        %dma_start3A_1345 = arith.constant 1 : i32
        %dma_start3A_1346 = arith.constant 1 : i32
        %dma_start3A_1347 = arith.constant 0 : i32
        %dma_start3A_1348 = arith.constant 0 : i32
        %dma_start3A_1349 = tpu.memref_slice %arg5[%dma_start3A_1345, %dma_start3A_1347, %dma_start3A_1348] : memref<5x160x64xf32, #tpu.memory_space<vmem>> -> memref<1x160x64xf32, #tpu.memory_space<vmem>>
        %dma_start3A_1350 = tpu.memref_squeeze %dma_start3A_1349 : memref<1x160x64xf32, #tpu.memory_space<vmem>> -> memref<160x64xf32, #tpu.memory_space<vmem>>
        %dma_start3A_1351 = tpu.memref_slice %arg2[%add3A_1344, %mul3A_0] : memref<320000x128xf32, #tpu.memory_space<hbm>> -> memref<160x64xf32, #tpu.memory_space<hbm>>
        %dma_start3A_1352 = tpu.memref_slice %arg11[%dma_start3A_1346] : memref<5x!tpu.dma_semaphore, #tpu.memory_space<semaphore_mem>> -> memref<1x!tpu.dma_semaphore, #tpu.memory_space<semaphore_mem>>
        %dma_start3A_1353 = tpu.memref_squeeze %dma_start3A_1352 : memref<1x!tpu.dma_semaphore, #tpu.memory_space<semaphore_mem>> -> memref<!tpu.dma_semaphore, #tpu.memory_space<semaphore_mem>>
        %dma_start3A_1354 = arith.constant 0 : i32
        %dma_start3A_1355 = arith.constant 0 : i32
        %dma_start3A_1356 = tpu.memref_slice %arg5[%dma_start3A_1345, %dma_start3A_1354, %dma_start3A_1355] : memref<5x160x64xf32, #tpu.memory_space<vmem>> -> memref<1x160x64xf32, #tpu.memory_space<vmem>>
        %dma_start3A_1357 = tpu.memref_squeeze %dma_start3A_1356 : memref<1x160x64xf32, #tpu.memory_space<vmem>> -> memref<160x64xf32, #tpu.memory_space<vmem>>
        %dma_start3A_1358 = tpu.memref_slice %arg2[%add3A_1344, %mul3A_0] : memref<320000x128xf32, #tpu.memory_space<hbm>> -> memref<160x64xf32, #tpu.memory_space<hbm>>
        tpu.enqueue_dma source(%dma_start3A_1358 : memref<160x64xf32, #tpu.memory_space<hbm>>) target(%dma_start3A_1357 : memref<160x64xf32, #tpu.memory_space<vmem>>) target_semaphore(%dma_start3A_1353 : memref<!tpu.dma_semaphore, #tpu.memory_space<semaphore_mem>>)
        %add3A_1359 = arith.constant 0 : i32
        %add3A_1360 = arith.addi %add3A_1344, %add3A_1359 : i32
        %dma_start3A_1361 = arith.constant 2 : i32
        %dma_start3A_1362 = arith.constant 1 : i32
        %dma_start3A_1363 = arith.constant 0 : i32
        %dma_start3A_1364 = tpu.memref_slice %arg6[%dma_start3A_1361, %dma_start3A_1363] : memref<10x80xi32, #tpu.memory_space<vmem>> -> memref<1x80xi32, #tpu.memory_space<vmem>>
        %dma_start3A_1365 = tpu.memref_squeeze %dma_start3A_1364 : memref<1x80xi32, #tpu.memory_space<vmem>> -> memref<80xi32, #tpu.memory_space<vmem>>
        %dma_start3A_1366 = tpu.memref_slice %arg3[%add3A_1360] : memref<320000xi32, #tpu.memory_space<hbm>> -> memref<80xi32, #tpu.memory_space<hbm>>
        %dma_start3A_1367 = tpu.memref_slice %arg12[%dma_start3A_1362] : memref<5x!tpu.dma_semaphore, #tpu.memory_space<semaphore_mem>> -> memref<1x!tpu.dma_semaphore, #tpu.memory_space<semaphore_mem>>
        %dma_start3A_1368 = tpu.memref_squeeze %dma_start3A_1367 : memref<1x!tpu.dma_semaphore, #tpu.memory_space<semaphore_mem>> -> memref<!tpu.dma_semaphore, #tpu.memory_space<semaphore_mem>>
        %dma_start3A_1369 = arith.constant 0 : i32
        %dma_start3A_1370 = tpu.memref_slice %arg6[%dma_start3A_1361, %dma_start3A_1369] : memref<10x80xi32, #tpu.memory_space<vmem>> -> memref<1x80xi32, #tpu.memory_space<vmem>>
        %dma_start3A_1371 = tpu.memref_squeeze %dma_start3A_1370 : memref<1x80xi32, #tpu.memory_space<vmem>> -> memref<80xi32, #tpu.memory_space<vmem>>
        %dma_start3A_1372 = tpu.memref_slice %arg3[%add3A_1360] : memref<320000xi32, #tpu.memory_space<hbm>> -> memref<80xi32, #tpu.memory_space<hbm>>
        tpu.enqueue_dma source(%dma_start3A_1372 : memref<80xi32, #tpu.memory_space<hbm>>) target(%dma_start3A_1371 : memref<80xi32, #tpu.memory_space<vmem>>) target_semaphore(%dma_start3A_1368 : memref<!tpu.dma_semaphore, #tpu.memory_space<semaphore_mem>>)
        %add3A_1373 = arith.constant 80 : i32
        %add3A_1374 = arith.addi %add3A_1344, %add3A_1373 : i32
        %dma_start3A_1375 = arith.constant 3 : i32
        %dma_start3A_1376 = arith.constant 1 : i32
        %dma_start3A_1377 = arith.constant 0 : i32
        %dma_start3A_1378 = tpu.memref_slice %arg6[%dma_start3A_1375, %dma_start3A_1377] : memref<10x80xi32, #tpu.memory_space<vmem>> -> memref<1x80xi32, #tpu.memory_space<vmem>>
        %dma_start3A_1379 = tpu.memref_squeeze %dma_start3A_1378 : memref<1x80xi32, #tpu.memory_space<vmem>> -> memref<80xi32, #tpu.memory_space<vmem>>
        %dma_start3A_1380 = tpu.memref_slice %arg3[%add3A_1374] : memref<320000xi32, #tpu.memory_space<hbm>> -> memref<80xi32, #tpu.memory_space<hbm>>
        %dma_start3A_1381 = tpu.memref_slice %arg12[%dma_start3A_1376] : memref<5x!tpu.dma_semaphore, #tpu.memory_space<semaphore_mem>> -> memref<1x!tpu.dma_semaphore, #tpu.memory_space<semaphore_mem>>
        %dma_start3A_1382 = tpu.memref_squeeze %dma_start3A_1381 : memref<1x!tpu.dma_semaphore, #tpu.memory_space<semaphore_mem>> -> memref<!tpu.dma_semaphore, #tpu.memory_space<semaphore_mem>>
        %dma_start3A_1383 = arith.constant 0 : i32
        %dma_start3A_1384 = tpu.memref_slice %arg6[%dma_start3A_1375, %dma_start3A_1383] : memref<10x80xi32, #tpu.memory_space<vmem>> -> memref<1x80xi32, #tpu.memory_space<vmem>>
        %dma_start3A_1385 = tpu.memref_squeeze %dma_start3A_1384 : memref<1x80xi32, #tpu.memory_space<vmem>> -> memref<80xi32, #tpu.memory_space<vmem>>
        %dma_start3A_1386 = tpu.memref_slice %arg3[%add3A_1374] : memref<320000xi32, #tpu.memory_space<hbm>> -> memref<80xi32, #tpu.memory_space<hbm>>
        tpu.enqueue_dma source(%dma_start3A_1386 : memref<80xi32, #tpu.memory_space<hbm>>) target(%dma_start3A_1385 : memref<80xi32, #tpu.memory_space<vmem>>) target_semaphore(%dma_start3A_1382 : memref<!tpu.dma_semaphore, #tpu.memory_space<semaphore_mem>>)
        %dma_wait3A_1387 = arith.constant 2 : i32
        %dma_wait3A_1388 = arith.constant 4 : i32
        %dma_wait3A_1389 = arith.constant 2 : i32
        %dma_wait3A_1390 = arith.constant 0 : i32
        %dma_wait3A_1391 = arith.constant 0 : i32
        %dma_wait3A_1392 = tpu.memref_slice %arg5[%dma_wait3A_1387, %dma_wait3A_1390, %dma_wait3A_1391] : memref<5x160x64xf32, #tpu.memory_space<vmem>> -> memref<1x80x64xf32, #tpu.memory_space<vmem>>
        %dma_wait3A_1393 = tpu.memref_squeeze %dma_wait3A_1392 : memref<1x80x64xf32, #tpu.memory_space<vmem>> -> memref<80x64xf32, #tpu.memory_space<vmem>>
        %dma_wait3A_1394 = arith.constant 0 : i32
        %dma_wait3A_1395 = tpu.memref_slice %arg6[%dma_wait3A_1388, %dma_wait3A_1394] : memref<10x80xi32, #tpu.memory_space<vmem>> -> memref<1x80xi32, #tpu.memory_space<vmem>>
        %dma_wait3A_1396 = tpu.memref_squeeze %dma_wait3A_1395 : memref<1x80xi32, #tpu.memory_space<vmem>> -> memref<80xi32, #tpu.memory_space<vmem>>
        %dma_wait3A_1397 = arith.constant 0 : i32
        %dma_wait3A_1398 = arith.constant 0 : i32
        %dma_wait3A_1399 = tpu.memref_slice %arg16[%dma_wait3A_1397, %dma_wait3A_1398] : memref<10000x64xf32, #tpu.memory_space<vmem_shared>> -> memref<10000x64xf32, #tpu.memory_space<vmem_shared>>
        %dma_wait3A_1400 = tpu.memref_slice %arg13[%dma_wait3A_1389] : memref<5x!tpu.dma_semaphore, #tpu.memory_space<semaphore_mem>> -> memref<1x!tpu.dma_semaphore, #tpu.memory_space<semaphore_mem>>
        %dma_wait3A_1401 = tpu.memref_squeeze %dma_wait3A_1400 : memref<1x!tpu.dma_semaphore, #tpu.memory_space<semaphore_mem>> -> memref<!tpu.dma_semaphore, #tpu.memory_space<semaphore_mem>>
        tpu.wait_indirect_dma semaphore(%dma_wait3A_1401 : memref<!tpu.dma_semaphore, #tpu.memory_space<semaphore_mem>>) src(%dma_wait3A_1393 : memref<80x64xf32, #tpu.memory_space<vmem>>) dst(%dma_wait3A_1399 : memref<10000x64xf32, #tpu.memory_space<vmem_shared>>)
        %dma_wait3A_1402 = arith.constant 4 : i32
        %dma_wait3A_1403 = arith.constant 2 : i32
        %dma_wait3A_1404 = arith.constant 0 : i32
        %dma_wait3A_1405 = tpu.memref_slice %arg6[%dma_wait3A_1402, %dma_wait3A_1404] : memref<10x80xi32, #tpu.memory_space<vmem>> -> memref<1x80xi32, #tpu.memory_space<vmem>>
        %dma_wait3A_1406 = tpu.memref_squeeze %dma_wait3A_1405 : memref<1x80xi32, #tpu.memory_space<vmem>> -> memref<80xi32, #tpu.memory_space<vmem>>
        %dma_wait3A_1407 = arith.constant 0 : i32
        %dma_wait3A_1408 = arith.constant 0 : i32
        %dma_wait3A_1409 = tpu.memref_slice %arg17[%dma_wait3A_1407, %dma_wait3A_1408] : memref<10000x16xf32, #tpu.memory_space<vmem_shared>> -> memref<10000x16xf32, #tpu.memory_space<vmem_shared>>
        %dma_wait3A_1410 = tpu.memref_slice %arg14[%dma_wait3A_1403] : memref<5x!tpu.dma_semaphore, #tpu.memory_space<semaphore_mem>> -> memref<1x!tpu.dma_semaphore, #tpu.memory_space<semaphore_mem>>
        %dma_wait3A_1411 = tpu.memref_squeeze %dma_wait3A_1410 : memref<1x!tpu.dma_semaphore, #tpu.memory_space<semaphore_mem>> -> memref<!tpu.dma_semaphore, #tpu.memory_space<semaphore_mem>>
        tpu.wait_indirect_dma semaphore(%dma_wait3A_1411 : memref<!tpu.dma_semaphore, #tpu.memory_space<semaphore_mem>>) src(%arg7 : memref<80x16xf32, #tpu.memory_space<vmem>>) dst(%dma_wait3A_1409 : memref<10000x16xf32, #tpu.memory_space<vmem_shared>>)
        %dma_wait3A_1412 = arith.constant 2 : i32
        %dma_wait3A_1413 = arith.constant 5 : i32
        %dma_wait3A_1414 = arith.constant 2 : i32
        %dma_wait3A_1415 = arith.constant 80 : i32
        %dma_wait3A_1416 = arith.constant 0 : i32
        %dma_wait3A_1417 = tpu.memref_slice %arg5[%dma_wait3A_1412, %dma_wait3A_1415, %dma_wait3A_1416] : memref<5x160x64xf32, #tpu.memory_space<vmem>> -> memref<1x80x64xf32, #tpu.memory_space<vmem>>
        %dma_wait3A_1418 = tpu.memref_squeeze %dma_wait3A_1417 : memref<1x80x64xf32, #tpu.memory_space<vmem>> -> memref<80x64xf32, #tpu.memory_space<vmem>>
        %dma_wait3A_1419 = arith.constant 0 : i32
        %dma_wait3A_1420 = tpu.memref_slice %arg6[%dma_wait3A_1413, %dma_wait3A_1419] : memref<10x80xi32, #tpu.memory_space<vmem>> -> memref<1x80xi32, #tpu.memory_space<vmem>>
        %dma_wait3A_1421 = tpu.memref_squeeze %dma_wait3A_1420 : memref<1x80xi32, #tpu.memory_space<vmem>> -> memref<80xi32, #tpu.memory_space<vmem>>
        %dma_wait3A_1422 = arith.constant 0 : i32
        %dma_wait3A_1423 = arith.constant 0 : i32
        %dma_wait3A_1424 = tpu.memref_slice %arg16[%dma_wait3A_1422, %dma_wait3A_1423] : memref<10000x64xf32, #tpu.memory_space<vmem_shared>> -> memref<10000x64xf32, #tpu.memory_space<vmem_shared>>
        %dma_wait3A_1425 = tpu.memref_slice %arg13[%dma_wait3A_1414] : memref<5x!tpu.dma_semaphore, #tpu.memory_space<semaphore_mem>> -> memref<1x!tpu.dma_semaphore, #tpu.memory_space<semaphore_mem>>
        %dma_wait3A_1426 = tpu.memref_squeeze %dma_wait3A_1425 : memref<1x!tpu.dma_semaphore, #tpu.memory_space<semaphore_mem>> -> memref<!tpu.dma_semaphore, #tpu.memory_space<semaphore_mem>>
        tpu.wait_indirect_dma semaphore(%dma_wait3A_1426 : memref<!tpu.dma_semaphore, #tpu.memory_space<semaphore_mem>>) src(%dma_wait3A_1418 : memref<80x64xf32, #tpu.memory_space<vmem>>) dst(%dma_wait3A_1424 : memref<10000x64xf32, #tpu.memory_space<vmem_shared>>)
        %dma_wait3A_1427 = arith.constant 5 : i32
        %dma_wait3A_1428 = arith.constant 2 : i32
        %dma_wait3A_1429 = arith.constant 0 : i32
        %dma_wait3A_1430 = tpu.memref_slice %arg6[%dma_wait3A_1427, %dma_wait3A_1429] : memref<10x80xi32, #tpu.memory_space<vmem>> -> memref<1x80xi32, #tpu.memory_space<vmem>>
        %dma_wait3A_1431 = tpu.memref_squeeze %dma_wait3A_1430 : memref<1x80xi32, #tpu.memory_space<vmem>> -> memref<80xi32, #tpu.memory_space<vmem>>
        %dma_wait3A_1432 = arith.constant 0 : i32
        %dma_wait3A_1433 = arith.constant 0 : i32
        %dma_wait3A_1434 = tpu.memref_slice %arg17[%dma_wait3A_1432, %dma_wait3A_1433] : memref<10000x16xf32, #tpu.memory_space<vmem_shared>> -> memref<10000x16xf32, #tpu.memory_space<vmem_shared>>
        %dma_wait3A_1435 = tpu.memref_slice %arg14[%dma_wait3A_1428] : memref<5x!tpu.dma_semaphore, #tpu.memory_space<semaphore_mem>> -> memref<1x!tpu.dma_semaphore, #tpu.memory_space<semaphore_mem>>
        %dma_wait3A_1436 = tpu.memref_squeeze %dma_wait3A_1435 : memref<1x!tpu.dma_semaphore, #tpu.memory_space<semaphore_mem>> -> memref<!tpu.dma_semaphore, #tpu.memory_space<semaphore_mem>>
        tpu.wait_indirect_dma semaphore(%dma_wait3A_1436 : memref<!tpu.dma_semaphore, #tpu.memory_space<semaphore_mem>>) src(%arg7 : memref<80x16xf32, #tpu.memory_space<vmem>>) dst(%dma_wait3A_1434 : memref<10000x16xf32, #tpu.memory_space<vmem_shared>>)
        %add3A_1437 = arith.constant 1120 : i32
        %add3A_1438 = arith.addi %add3A_726, %add3A_1437 : i32
        %dma_start3A_1439 = arith.constant 2 : i32
        %dma_start3A_1440 = arith.constant 2 : i32
        %dma_start3A_1441 = arith.constant 0 : i32
        %dma_start3A_1442 = arith.constant 0 : i32
        %dma_start3A_1443 = tpu.memref_slice %arg5[%dma_start3A_1439, %dma_start3A_1441, %dma_start3A_1442] : memref<5x160x64xf32, #tpu.memory_space<vmem>> -> memref<1x160x64xf32, #tpu.memory_space<vmem>>
        %dma_start3A_1444 = tpu.memref_squeeze %dma_start3A_1443 : memref<1x160x64xf32, #tpu.memory_space<vmem>> -> memref<160x64xf32, #tpu.memory_space<vmem>>
        %dma_start3A_1445 = tpu.memref_slice %arg2[%add3A_1438, %mul3A_0] : memref<320000x128xf32, #tpu.memory_space<hbm>> -> memref<160x64xf32, #tpu.memory_space<hbm>>
        %dma_start3A_1446 = tpu.memref_slice %arg11[%dma_start3A_1440] : memref<5x!tpu.dma_semaphore, #tpu.memory_space<semaphore_mem>> -> memref<1x!tpu.dma_semaphore, #tpu.memory_space<semaphore_mem>>
        %dma_start3A_1447 = tpu.memref_squeeze %dma_start3A_1446 : memref<1x!tpu.dma_semaphore, #tpu.memory_space<semaphore_mem>> -> memref<!tpu.dma_semaphore, #tpu.memory_space<semaphore_mem>>
        %dma_start3A_1448 = arith.constant 0 : i32
        %dma_start3A_1449 = arith.constant 0 : i32
        %dma_start3A_1450 = tpu.memref_slice %arg5[%dma_start3A_1439, %dma_start3A_1448, %dma_start3A_1449] : memref<5x160x64xf32, #tpu.memory_space<vmem>> -> memref<1x160x64xf32, #tpu.memory_space<vmem>>
        %dma_start3A_1451 = tpu.memref_squeeze %dma_start3A_1450 : memref<1x160x64xf32, #tpu.memory_space<vmem>> -> memref<160x64xf32, #tpu.memory_space<vmem>>
        %dma_start3A_1452 = tpu.memref_slice %arg2[%add3A_1438, %mul3A_0] : memref<320000x128xf32, #tpu.memory_space<hbm>> -> memref<160x64xf32, #tpu.memory_space<hbm>>
        tpu.enqueue_dma source(%dma_start3A_1452 : memref<160x64xf32, #tpu.memory_space<hbm>>) target(%dma_start3A_1451 : memref<160x64xf32, #tpu.memory_space<vmem>>) target_semaphore(%dma_start3A_1447 : memref<!tpu.dma_semaphore, #tpu.memory_space<semaphore_mem>>)
        %add3A_1453 = arith.constant 0 : i32
        %add3A_1454 = arith.addi %add3A_1438, %add3A_1453 : i32
        %dma_start3A_1455 = arith.constant 4 : i32
        %dma_start3A_1456 = arith.constant 2 : i32
        %dma_start3A_1457 = arith.constant 0 : i32
        %dma_start3A_1458 = tpu.memref_slice %arg6[%dma_start3A_1455, %dma_start3A_1457] : memref<10x80xi32, #tpu.memory_space<vmem>> -> memref<1x80xi32, #tpu.memory_space<vmem>>
        %dma_start3A_1459 = tpu.memref_squeeze %dma_start3A_1458 : memref<1x80xi32, #tpu.memory_space<vmem>> -> memref<80xi32, #tpu.memory_space<vmem>>
        %dma_start3A_1460 = tpu.memref_slice %arg3[%add3A_1454] : memref<320000xi32, #tpu.memory_space<hbm>> -> memref<80xi32, #tpu.memory_space<hbm>>
        %dma_start3A_1461 = tpu.memref_slice %arg12[%dma_start3A_1456] : memref<5x!tpu.dma_semaphore, #tpu.memory_space<semaphore_mem>> -> memref<1x!tpu.dma_semaphore, #tpu.memory_space<semaphore_mem>>
        %dma_start3A_1462 = tpu.memref_squeeze %dma_start3A_1461 : memref<1x!tpu.dma_semaphore, #tpu.memory_space<semaphore_mem>> -> memref<!tpu.dma_semaphore, #tpu.memory_space<semaphore_mem>>
        %dma_start3A_1463 = arith.constant 0 : i32
        %dma_start3A_1464 = tpu.memref_slice %arg6[%dma_start3A_1455, %dma_start3A_1463] : memref<10x80xi32, #tpu.memory_space<vmem>> -> memref<1x80xi32, #tpu.memory_space<vmem>>
        %dma_start3A_1465 = tpu.memref_squeeze %dma_start3A_1464 : memref<1x80xi32, #tpu.memory_space<vmem>> -> memref<80xi32, #tpu.memory_space<vmem>>
        %dma_start3A_1466 = tpu.memref_slice %arg3[%add3A_1454] : memref<320000xi32, #tpu.memory_space<hbm>> -> memref<80xi32, #tpu.memory_space<hbm>>
        tpu.enqueue_dma source(%dma_start3A_1466 : memref<80xi32, #tpu.memory_space<hbm>>) target(%dma_start3A_1465 : memref<80xi32, #tpu.memory_space<vmem>>) target_semaphore(%dma_start3A_1462 : memref<!tpu.dma_semaphore, #tpu.memory_space<semaphore_mem>>)
        %add3A_1467 = arith.constant 80 : i32
        %add3A_1468 = arith.addi %add3A_1438, %add3A_1467 : i32
        %dma_start3A_1469 = arith.constant 5 : i32
        %dma_start3A_1470 = arith.constant 2 : i32
        %dma_start3A_1471 = arith.constant 0 : i32
        %dma_start3A_1472 = tpu.memref_slice %arg6[%dma_start3A_1469, %dma_start3A_1471] : memref<10x80xi32, #tpu.memory_space<vmem>> -> memref<1x80xi32, #tpu.memory_space<vmem>>
        %dma_start3A_1473 = tpu.memref_squeeze %dma_start3A_1472 : memref<1x80xi32, #tpu.memory_space<vmem>> -> memref<80xi32, #tpu.memory_space<vmem>>
        %dma_start3A_1474 = tpu.memref_slice %arg3[%add3A_1468] : memref<320000xi32, #tpu.memory_space<hbm>> -> memref<80xi32, #tpu.memory_space<hbm>>
        %dma_start3A_1475 = tpu.memref_slice %arg12[%dma_start3A_1470] : memref<5x!tpu.dma_semaphore, #tpu.memory_space<semaphore_mem>> -> memref<1x!tpu.dma_semaphore, #tpu.memory_space<semaphore_mem>>
        %dma_start3A_1476 = tpu.memref_squeeze %dma_start3A_1475 : memref<1x!tpu.dma_semaphore, #tpu.memory_space<semaphore_mem>> -> memref<!tpu.dma_semaphore, #tpu.memory_space<semaphore_mem>>
        %dma_start3A_1477 = arith.constant 0 : i32
        %dma_start3A_1478 = tpu.memref_slice %arg6[%dma_start3A_1469, %dma_start3A_1477] : memref<10x80xi32, #tpu.memory_space<vmem>> -> memref<1x80xi32, #tpu.memory_space<vmem>>
        %dma_start3A_1479 = tpu.memref_squeeze %dma_start3A_1478 : memref<1x80xi32, #tpu.memory_space<vmem>> -> memref<80xi32, #tpu.memory_space<vmem>>
        %dma_start3A_1480 = tpu.memref_slice %arg3[%add3A_1468] : memref<320000xi32, #tpu.memory_space<hbm>> -> memref<80xi32, #tpu.memory_space<hbm>>
        tpu.enqueue_dma source(%dma_start3A_1480 : memref<80xi32, #tpu.memory_space<hbm>>) target(%dma_start3A_1479 : memref<80xi32, #tpu.memory_space<vmem>>) target_semaphore(%dma_start3A_1476 : memref<!tpu.dma_semaphore, #tpu.memory_space<semaphore_mem>>)
        %dma_wait3A_1481 = arith.constant 3 : i32
        %dma_wait3A_1482 = arith.constant 6 : i32
        %dma_wait3A_1483 = arith.constant 3 : i32
        %dma_wait3A_1484 = arith.constant 0 : i32
        %dma_wait3A_1485 = arith.constant 0 : i32
        %dma_wait3A_1486 = tpu.memref_slice %arg5[%dma_wait3A_1481, %dma_wait3A_1484, %dma_wait3A_1485] : memref<5x160x64xf32, #tpu.memory_space<vmem>> -> memref<1x80x64xf32, #tpu.memory_space<vmem>>
        %dma_wait3A_1487 = tpu.memref_squeeze %dma_wait3A_1486 : memref<1x80x64xf32, #tpu.memory_space<vmem>> -> memref<80x64xf32, #tpu.memory_space<vmem>>
        %dma_wait3A_1488 = arith.constant 0 : i32
        %dma_wait3A_1489 = tpu.memref_slice %arg6[%dma_wait3A_1482, %dma_wait3A_1488] : memref<10x80xi32, #tpu.memory_space<vmem>> -> memref<1x80xi32, #tpu.memory_space<vmem>>
        %dma_wait3A_1490 = tpu.memref_squeeze %dma_wait3A_1489 : memref<1x80xi32, #tpu.memory_space<vmem>> -> memref<80xi32, #tpu.memory_space<vmem>>
        %dma_wait3A_1491 = arith.constant 0 : i32
        %dma_wait3A_1492 = arith.constant 0 : i32
        %dma_wait3A_1493 = tpu.memref_slice %arg16[%dma_wait3A_1491, %dma_wait3A_1492] : memref<10000x64xf32, #tpu.memory_space<vmem_shared>> -> memref<10000x64xf32, #tpu.memory_space<vmem_shared>>
        %dma_wait3A_1494 = tpu.memref_slice %arg13[%dma_wait3A_1483] : memref<5x!tpu.dma_semaphore, #tpu.memory_space<semaphore_mem>> -> memref<1x!tpu.dma_semaphore, #tpu.memory_space<semaphore_mem>>
        %dma_wait3A_1495 = tpu.memref_squeeze %dma_wait3A_1494 : memref<1x!tpu.dma_semaphore, #tpu.memory_space<semaphore_mem>> -> memref<!tpu.dma_semaphore, #tpu.memory_space<semaphore_mem>>
        tpu.wait_indirect_dma semaphore(%dma_wait3A_1495 : memref<!tpu.dma_semaphore, #tpu.memory_space<semaphore_mem>>) src(%dma_wait3A_1487 : memref<80x64xf32, #tpu.memory_space<vmem>>) dst(%dma_wait3A_1493 : memref<10000x64xf32, #tpu.memory_space<vmem_shared>>)
        %dma_wait3A_1496 = arith.constant 6 : i32
        %dma_wait3A_1497 = arith.constant 3 : i32
        %dma_wait3A_1498 = arith.constant 0 : i32
        %dma_wait3A_1499 = tpu.memref_slice %arg6[%dma_wait3A_1496, %dma_wait3A_1498] : memref<10x80xi32, #tpu.memory_space<vmem>> -> memref<1x80xi32, #tpu.memory_space<vmem>>
        %dma_wait3A_1500 = tpu.memref_squeeze %dma_wait3A_1499 : memref<1x80xi32, #tpu.memory_space<vmem>> -> memref<80xi32, #tpu.memory_space<vmem>>
        %dma_wait3A_1501 = arith.constant 0 : i32
        %dma_wait3A_1502 = arith.constant 0 : i32
        %dma_wait3A_1503 = tpu.memref_slice %arg17[%dma_wait3A_1501, %dma_wait3A_1502] : memref<10000x16xf32, #tpu.memory_space<vmem_shared>> -> memref<10000x16xf32, #tpu.memory_space<vmem_shared>>
        %dma_wait3A_1504 = tpu.memref_slice %arg14[%dma_wait3A_1497] : memref<5x!tpu.dma_semaphore, #tpu.memory_space<semaphore_mem>> -> memref<1x!tpu.dma_semaphore, #tpu.memory_space<semaphore_mem>>
        %dma_wait3A_1505 = tpu.memref_squeeze %dma_wait3A_1504 : memref<1x!tpu.dma_semaphore, #tpu.memory_space<semaphore_mem>> -> memref<!tpu.dma_semaphore, #tpu.memory_space<semaphore_mem>>
        tpu.wait_indirect_dma semaphore(%dma_wait3A_1505 : memref<!tpu.dma_semaphore, #tpu.memory_space<semaphore_mem>>) src(%arg7 : memref<80x16xf32, #tpu.memory_space<vmem>>) dst(%dma_wait3A_1503 : memref<10000x16xf32, #tpu.memory_space<vmem_shared>>)
        %dma_wait3A_1506 = arith.constant 3 : i32
        %dma_wait3A_1507 = arith.constant 7 : i32
        %dma_wait3A_1508 = arith.constant 3 : i32
        %dma_wait3A_1509 = arith.constant 80 : i32
        %dma_wait3A_1510 = arith.constant 0 : i32
        %dma_wait3A_1511 = tpu.memref_slice %arg5[%dma_wait3A_1506, %dma_wait3A_1509, %dma_wait3A_1510] : memref<5x160x64xf32, #tpu.memory_space<vmem>> -> memref<1x80x64xf32, #tpu.memory_space<vmem>>
        %dma_wait3A_1512 = tpu.memref_squeeze %dma_wait3A_1511 : memref<1x80x64xf32, #tpu.memory_space<vmem>> -> memref<80x64xf32, #tpu.memory_space<vmem>>
        %dma_wait3A_1513 = arith.constant 0 : i32
        %dma_wait3A_1514 = tpu.memref_slice %arg6[%dma_wait3A_1507, %dma_wait3A_1513] : memref<10x80xi32, #tpu.memory_space<vmem>> -> memref<1x80xi32, #tpu.memory_space<vmem>>
        %dma_wait3A_1515 = tpu.memref_squeeze %dma_wait3A_1514 : memref<1x80xi32, #tpu.memory_space<vmem>> -> memref<80xi32, #tpu.memory_space<vmem>>
        %dma_wait3A_1516 = arith.constant 0 : i32
        %dma_wait3A_1517 = arith.constant 0 : i32
        %dma_wait3A_1518 = tpu.memref_slice %arg16[%dma_wait3A_1516, %dma_wait3A_1517] : memref<10000x64xf32, #tpu.memory_space<vmem_shared>> -> memref<10000x64xf32, #tpu.memory_space<vmem_shared>>
        %dma_wait3A_1519 = tpu.memref_slice %arg13[%dma_wait3A_1508] : memref<5x!tpu.dma_semaphore, #tpu.memory_space<semaphore_mem>> -> memref<1x!tpu.dma_semaphore, #tpu.memory_space<semaphore_mem>>
        %dma_wait3A_1520 = tpu.memref_squeeze %dma_wait3A_1519 : memref<1x!tpu.dma_semaphore, #tpu.memory_space<semaphore_mem>> -> memref<!tpu.dma_semaphore, #tpu.memory_space<semaphore_mem>>
        tpu.wait_indirect_dma semaphore(%dma_wait3A_1520 : memref<!tpu.dma_semaphore, #tpu.memory_space<semaphore_mem>>) src(%dma_wait3A_1512 : memref<80x64xf32, #tpu.memory_space<vmem>>) dst(%dma_wait3A_1518 : memref<10000x64xf32, #tpu.memory_space<vmem_shared>>)
        %dma_wait3A_1521 = arith.constant 7 : i32
        %dma_wait3A_1522 = arith.constant 3 : i32
        %dma_wait3A_1523 = arith.constant 0 : i32
        %dma_wait3A_1524 = tpu.memref_slice %arg6[%dma_wait3A_1521, %dma_wait3A_1523] : memref<10x80xi32, #tpu.memory_space<vmem>> -> memref<1x80xi32, #tpu.memory_space<vmem>>
        %dma_wait3A_1525 = tpu.memref_squeeze %dma_wait3A_1524 : memref<1x80xi32, #tpu.memory_space<vmem>> -> memref<80xi32, #tpu.memory_space<vmem>>
        %dma_wait3A_1526 = arith.constant 0 : i32
        %dma_wait3A_1527 = arith.constant 0 : i32
        %dma_wait3A_1528 = tpu.memref_slice %arg17[%dma_wait3A_1526, %dma_wait3A_1527] : memref<10000x16xf32, #tpu.memory_space<vmem_shared>> -> memref<10000x16xf32, #tpu.memory_space<vmem_shared>>
        %dma_wait3A_1529 = tpu.memref_slice %arg14[%dma_wait3A_1522] : memref<5x!tpu.dma_semaphore, #tpu.memory_space<semaphore_mem>> -> memref<1x!tpu.dma_semaphore, #tpu.memory_space<semaphore_mem>>
        %dma_wait3A_1530 = tpu.memref_squeeze %dma_wait3A_1529 : memref<1x!tpu.dma_semaphore, #tpu.memory_space<semaphore_mem>> -> memref<!tpu.dma_semaphore, #tpu.memory_space<semaphore_mem>>
        tpu.wait_indirect_dma semaphore(%dma_wait3A_1530 : memref<!tpu.dma_semaphore, #tpu.memory_space<semaphore_mem>>) src(%arg7 : memref<80x16xf32, #tpu.memory_space<vmem>>) dst(%dma_wait3A_1528 : memref<10000x16xf32, #tpu.memory_space<vmem_shared>>)
        %add3A_1531 = arith.constant 1280 : i32
        %add3A_1532 = arith.addi %add3A_726, %add3A_1531 : i32
        %dma_start3A_1533 = arith.constant 3 : i32
        %dma_start3A_1534 = arith.constant 3 : i32
        %dma_start3A_1535 = arith.constant 0 : i32
        %dma_start3A_1536 = arith.constant 0 : i32
        %dma_start3A_1537 = tpu.memref_slice %arg5[%dma_start3A_1533, %dma_start3A_1535, %dma_start3A_1536] : memref<5x160x64xf32, #tpu.memory_space<vmem>> -> memref<1x160x64xf32, #tpu.memory_space<vmem>>
        %dma_start3A_1538 = tpu.memref_squeeze %dma_start3A_1537 : memref<1x160x64xf32, #tpu.memory_space<vmem>> -> memref<160x64xf32, #tpu.memory_space<vmem>>
        %dma_start3A_1539 = tpu.memref_slice %arg2[%add3A_1532, %mul3A_0] : memref<320000x128xf32, #tpu.memory_space<hbm>> -> memref<160x64xf32, #tpu.memory_space<hbm>>
        %dma_start3A_1540 = tpu.memref_slice %arg11[%dma_start3A_1534] : memref<5x!tpu.dma_semaphore, #tpu.memory_space<semaphore_mem>> -> memref<1x!tpu.dma_semaphore, #tpu.memory_space<semaphore_mem>>
        %dma_start3A_1541 = tpu.memref_squeeze %dma_start3A_1540 : memref<1x!tpu.dma_semaphore, #tpu.memory_space<semaphore_mem>> -> memref<!tpu.dma_semaphore, #tpu.memory_space<semaphore_mem>>
        %dma_start3A_1542 = arith.constant 0 : i32
        %dma_start3A_1543 = arith.constant 0 : i32
        %dma_start3A_1544 = tpu.memref_slice %arg5[%dma_start3A_1533, %dma_start3A_1542, %dma_start3A_1543] : memref<5x160x64xf32, #tpu.memory_space<vmem>> -> memref<1x160x64xf32, #tpu.memory_space<vmem>>
        %dma_start3A_1545 = tpu.memref_squeeze %dma_start3A_1544 : memref<1x160x64xf32, #tpu.memory_space<vmem>> -> memref<160x64xf32, #tpu.memory_space<vmem>>
        %dma_start3A_1546 = tpu.memref_slice %arg2[%add3A_1532, %mul3A_0] : memref<320000x128xf32, #tpu.memory_space<hbm>> -> memref<160x64xf32, #tpu.memory_space<hbm>>
        tpu.enqueue_dma source(%dma_start3A_1546 : memref<160x64xf32, #tpu.memory_space<hbm>>) target(%dma_start3A_1545 : memref<160x64xf32, #tpu.memory_space<vmem>>) target_semaphore(%dma_start3A_1541 : memref<!tpu.dma_semaphore, #tpu.memory_space<semaphore_mem>>)
        %add3A_1547 = arith.constant 0 : i32
        %add3A_1548 = arith.addi %add3A_1532, %add3A_1547 : i32
        %dma_start3A_1549 = arith.constant 6 : i32
        %dma_start3A_1550 = arith.constant 3 : i32
        %dma_start3A_1551 = arith.constant 0 : i32
        %dma_start3A_1552 = tpu.memref_slice %arg6[%dma_start3A_1549, %dma_start3A_1551] : memref<10x80xi32, #tpu.memory_space<vmem>> -> memref<1x80xi32, #tpu.memory_space<vmem>>
        %dma_start3A_1553 = tpu.memref_squeeze %dma_start3A_1552 : memref<1x80xi32, #tpu.memory_space<vmem>> -> memref<80xi32, #tpu.memory_space<vmem>>
        %dma_start3A_1554 = tpu.memref_slice %arg3[%add3A_1548] : memref<320000xi32, #tpu.memory_space<hbm>> -> memref<80xi32, #tpu.memory_space<hbm>>
        %dma_start3A_1555 = tpu.memref_slice %arg12[%dma_start3A_1550] : memref<5x!tpu.dma_semaphore, #tpu.memory_space<semaphore_mem>> -> memref<1x!tpu.dma_semaphore, #tpu.memory_space<semaphore_mem>>
        %dma_start3A_1556 = tpu.memref_squeeze %dma_start3A_1555 : memref<1x!tpu.dma_semaphore, #tpu.memory_space<semaphore_mem>> -> memref<!tpu.dma_semaphore, #tpu.memory_space<semaphore_mem>>
        %dma_start3A_1557 = arith.constant 0 : i32
        %dma_start3A_1558 = tpu.memref_slice %arg6[%dma_start3A_1549, %dma_start3A_1557] : memref<10x80xi32, #tpu.memory_space<vmem>> -> memref<1x80xi32, #tpu.memory_space<vmem>>
        %dma_start3A_1559 = tpu.memref_squeeze %dma_start3A_1558 : memref<1x80xi32, #tpu.memory_space<vmem>> -> memref<80xi32, #tpu.memory_space<vmem>>
        %dma_start3A_1560 = tpu.memref_slice %arg3[%add3A_1548] : memref<320000xi32, #tpu.memory_space<hbm>> -> memref<80xi32, #tpu.memory_space<hbm>>
        tpu.enqueue_dma source(%dma_start3A_1560 : memref<80xi32, #tpu.memory_space<hbm>>) target(%dma_start3A_1559 : memref<80xi32, #tpu.memory_space<vmem>>) target_semaphore(%dma_start3A_1556 : memref<!tpu.dma_semaphore, #tpu.memory_space<semaphore_mem>>)
        %add3A_1561 = arith.constant 80 : i32
        %add3A_1562 = arith.addi %add3A_1532, %add3A_1561 : i32
        %dma_start3A_1563 = arith.constant 7 : i32
        %dma_start3A_1564 = arith.constant 3 : i32
        %dma_start3A_1565 = arith.constant 0 : i32
        %dma_start3A_1566 = tpu.memref_slice %arg6[%dma_start3A_1563, %dma_start3A_1565] : memref<10x80xi32, #tpu.memory_space<vmem>> -> memref<1x80xi32, #tpu.memory_space<vmem>>
        %dma_start3A_1567 = tpu.memref_squeeze %dma_start3A_1566 : memref<1x80xi32, #tpu.memory_space<vmem>> -> memref<80xi32, #tpu.memory_space<vmem>>
        %dma_start3A_1568 = tpu.memref_slice %arg3[%add3A_1562] : memref<320000xi32, #tpu.memory_space<hbm>> -> memref<80xi32, #tpu.memory_space<hbm>>
        %dma_start3A_1569 = tpu.memref_slice %arg12[%dma_start3A_1564] : memref<5x!tpu.dma_semaphore, #tpu.memory_space<semaphore_mem>> -> memref<1x!tpu.dma_semaphore, #tpu.memory_space<semaphore_mem>>
        %dma_start3A_1570 = tpu.memref_squeeze %dma_start3A_1569 : memref<1x!tpu.dma_semaphore, #tpu.memory_space<semaphore_mem>> -> memref<!tpu.dma_semaphore, #tpu.memory_space<semaphore_mem>>
        %dma_start3A_1571 = arith.constant 0 : i32
        %dma_start3A_1572 = tpu.memref_slice %arg6[%dma_start3A_1563, %dma_start3A_1571] : memref<10x80xi32, #tpu.memory_space<vmem>> -> memref<1x80xi32, #tpu.memory_space<vmem>>
        %dma_start3A_1573 = tpu.memref_squeeze %dma_start3A_1572 : memref<1x80xi32, #tpu.memory_space<vmem>> -> memref<80xi32, #tpu.memory_space<vmem>>
        %dma_start3A_1574 = tpu.memref_slice %arg3[%add3A_1562] : memref<320000xi32, #tpu.memory_space<hbm>> -> memref<80xi32, #tpu.memory_space<hbm>>
        tpu.enqueue_dma source(%dma_start3A_1574 : memref<80xi32, #tpu.memory_space<hbm>>) target(%dma_start3A_1573 : memref<80xi32, #tpu.memory_space<vmem>>) target_semaphore(%dma_start3A_1570 : memref<!tpu.dma_semaphore, #tpu.memory_space<semaphore_mem>>)
        %dma_wait3A_1575 = arith.constant 4 : i32
        %dma_wait3A_1576 = arith.constant 8 : i32
        %dma_wait3A_1577 = arith.constant 4 : i32
        %dma_wait3A_1578 = arith.constant 0 : i32
        %dma_wait3A_1579 = arith.constant 0 : i32
        %dma_wait3A_1580 = tpu.memref_slice %arg5[%dma_wait3A_1575, %dma_wait3A_1578, %dma_wait3A_1579] : memref<5x160x64xf32, #tpu.memory_space<vmem>> -> memref<1x80x64xf32, #tpu.memory_space<vmem>>
        %dma_wait3A_1581 = tpu.memref_squeeze %dma_wait3A_1580 : memref<1x80x64xf32, #tpu.memory_space<vmem>> -> memref<80x64xf32, #tpu.memory_space<vmem>>
        %dma_wait3A_1582 = arith.constant 0 : i32
        %dma_wait3A_1583 = tpu.memref_slice %arg6[%dma_wait3A_1576, %dma_wait3A_1582] : memref<10x80xi32, #tpu.memory_space<vmem>> -> memref<1x80xi32, #tpu.memory_space<vmem>>
        %dma_wait3A_1584 = tpu.memref_squeeze %dma_wait3A_1583 : memref<1x80xi32, #tpu.memory_space<vmem>> -> memref<80xi32, #tpu.memory_space<vmem>>
        %dma_wait3A_1585 = arith.constant 0 : i32
        %dma_wait3A_1586 = arith.constant 0 : i32
        %dma_wait3A_1587 = tpu.memref_slice %arg16[%dma_wait3A_1585, %dma_wait3A_1586] : memref<10000x64xf32, #tpu.memory_space<vmem_shared>> -> memref<10000x64xf32, #tpu.memory_space<vmem_shared>>
        %dma_wait3A_1588 = tpu.memref_slice %arg13[%dma_wait3A_1577] : memref<5x!tpu.dma_semaphore, #tpu.memory_space<semaphore_mem>> -> memref<1x!tpu.dma_semaphore, #tpu.memory_space<semaphore_mem>>
        %dma_wait3A_1589 = tpu.memref_squeeze %dma_wait3A_1588 : memref<1x!tpu.dma_semaphore, #tpu.memory_space<semaphore_mem>> -> memref<!tpu.dma_semaphore, #tpu.memory_space<semaphore_mem>>
        tpu.wait_indirect_dma semaphore(%dma_wait3A_1589 : memref<!tpu.dma_semaphore, #tpu.memory_space<semaphore_mem>>) src(%dma_wait3A_1581 : memref<80x64xf32, #tpu.memory_space<vmem>>) dst(%dma_wait3A_1587 : memref<10000x64xf32, #tpu.memory_space<vmem_shared>>)
        %dma_wait3A_1590 = arith.constant 8 : i32
        %dma_wait3A_1591 = arith.constant 4 : i32
        %dma_wait3A_1592 = arith.constant 0 : i32
        %dma_wait3A_1593 = tpu.memref_slice %arg6[%dma_wait3A_1590, %dma_wait3A_1592] : memref<10x80xi32, #tpu.memory_space<vmem>> -> memref<1x80xi32, #tpu.memory_space<vmem>>
        %dma_wait3A_1594 = tpu.memref_squeeze %dma_wait3A_1593 : memref<1x80xi32, #tpu.memory_space<vmem>> -> memref<80xi32, #tpu.memory_space<vmem>>
        %dma_wait3A_1595 = arith.constant 0 : i32
        %dma_wait3A_1596 = arith.constant 0 : i32
        %dma_wait3A_1597 = tpu.memref_slice %arg17[%dma_wait3A_1595, %dma_wait3A_1596] : memref<10000x16xf32, #tpu.memory_space<vmem_shared>> -> memref<10000x16xf32, #tpu.memory_space<vmem_shared>>
        %dma_wait3A_1598 = tpu.memref_slice %arg14[%dma_wait3A_1591] : memref<5x!tpu.dma_semaphore, #tpu.memory_space<semaphore_mem>> -> memref<1x!tpu.dma_semaphore, #tpu.memory_space<semaphore_mem>>
        %dma_wait3A_1599 = tpu.memref_squeeze %dma_wait3A_1598 : memref<1x!tpu.dma_semaphore, #tpu.memory_space<semaphore_mem>> -> memref<!tpu.dma_semaphore, #tpu.memory_space<semaphore_mem>>
        tpu.wait_indirect_dma semaphore(%dma_wait3A_1599 : memref<!tpu.dma_semaphore, #tpu.memory_space<semaphore_mem>>) src(%arg7 : memref<80x16xf32, #tpu.memory_space<vmem>>) dst(%dma_wait3A_1597 : memref<10000x16xf32, #tpu.memory_space<vmem_shared>>)
        %dma_wait3A_1600 = arith.constant 4 : i32
        %dma_wait3A_1601 = arith.constant 9 : i32
        %dma_wait3A_1602 = arith.constant 4 : i32
        %dma_wait3A_1603 = arith.constant 80 : i32
        %dma_wait3A_1604 = arith.constant 0 : i32
        %dma_wait3A_1605 = tpu.memref_slice %arg5[%dma_wait3A_1600, %dma_wait3A_1603, %dma_wait3A_1604] : memref<5x160x64xf32, #tpu.memory_space<vmem>> -> memref<1x80x64xf32, #tpu.memory_space<vmem>>
        %dma_wait3A_1606 = tpu.memref_squeeze %dma_wait3A_1605 : memref<1x80x64xf32, #tpu.memory_space<vmem>> -> memref<80x64xf32, #tpu.memory_space<vmem>>
        %dma_wait3A_1607 = arith.constant 0 : i32
        %dma_wait3A_1608 = tpu.memref_slice %arg6[%dma_wait3A_1601, %dma_wait3A_1607] : memref<10x80xi32, #tpu.memory_space<vmem>> -> memref<1x80xi32, #tpu.memory_space<vmem>>
        %dma_wait3A_1609 = tpu.memref_squeeze %dma_wait3A_1608 : memref<1x80xi32, #tpu.memory_space<vmem>> -> memref<80xi32, #tpu.memory_space<vmem>>
        %dma_wait3A_1610 = arith.constant 0 : i32
        %dma_wait3A_1611 = arith.constant 0 : i32
        %dma_wait3A_1612 = tpu.memref_slice %arg16[%dma_wait3A_1610, %dma_wait3A_1611] : memref<10000x64xf32, #tpu.memory_space<vmem_shared>> -> memref<10000x64xf32, #tpu.memory_space<vmem_shared>>
        %dma_wait3A_1613 = tpu.memref_slice %arg13[%dma_wait3A_1602] : memref<5x!tpu.dma_semaphore, #tpu.memory_space<semaphore_mem>> -> memref<1x!tpu.dma_semaphore, #tpu.memory_space<semaphore_mem>>
        %dma_wait3A_1614 = tpu.memref_squeeze %dma_wait3A_1613 : memref<1x!tpu.dma_semaphore, #tpu.memory_space<semaphore_mem>> -> memref<!tpu.dma_semaphore, #tpu.memory_space<semaphore_mem>>
        tpu.wait_indirect_dma semaphore(%dma_wait3A_1614 : memref<!tpu.dma_semaphore, #tpu.memory_space<semaphore_mem>>) src(%dma_wait3A_1606 : memref<80x64xf32, #tpu.memory_space<vmem>>) dst(%dma_wait3A_1612 : memref<10000x64xf32, #tpu.memory_space<vmem_shared>>)
        %dma_wait3A_1615 = arith.constant 9 : i32
        %dma_wait3A_1616 = arith.constant 4 : i32
        %dma_wait3A_1617 = arith.constant 0 : i32
        %dma_wait3A_1618 = tpu.memref_slice %arg6[%dma_wait3A_1615, %dma_wait3A_1617] : memref<10x80xi32, #tpu.memory_space<vmem>> -> memref<1x80xi32, #tpu.memory_space<vmem>>
        %dma_wait3A_1619 = tpu.memref_squeeze %dma_wait3A_1618 : memref<1x80xi32, #tpu.memory_space<vmem>> -> memref<80xi32, #tpu.memory_space<vmem>>
        %dma_wait3A_1620 = arith.constant 0 : i32
        %dma_wait3A_1621 = arith.constant 0 : i32
        %dma_wait3A_1622 = tpu.memref_slice %arg17[%dma_wait3A_1620, %dma_wait3A_1621] : memref<10000x16xf32, #tpu.memory_space<vmem_shared>> -> memref<10000x16xf32, #tpu.memory_space<vmem_shared>>
        %dma_wait3A_1623 = tpu.memref_slice %arg14[%dma_wait3A_1616] : memref<5x!tpu.dma_semaphore, #tpu.memory_space<semaphore_mem>> -> memref<1x!tpu.dma_semaphore, #tpu.memory_space<semaphore_mem>>
        %dma_wait3A_1624 = tpu.memref_squeeze %dma_wait3A_1623 : memref<1x!tpu.dma_semaphore, #tpu.memory_space<semaphore_mem>> -> memref<!tpu.dma_semaphore, #tpu.memory_space<semaphore_mem>>
        tpu.wait_indirect_dma semaphore(%dma_wait3A_1624 : memref<!tpu.dma_semaphore, #tpu.memory_space<semaphore_mem>>) src(%arg7 : memref<80x16xf32, #tpu.memory_space<vmem>>) dst(%dma_wait3A_1622 : memref<10000x16xf32, #tpu.memory_space<vmem_shared>>)
        %add3A_1625 = arith.constant 1440 : i32
        %add3A_1626 = arith.addi %add3A_726, %add3A_1625 : i32
        %dma_start3A_1627 = arith.constant 4 : i32
        %dma_start3A_1628 = arith.constant 4 : i32
        %dma_start3A_1629 = arith.constant 0 : i32
        %dma_start3A_1630 = arith.constant 0 : i32
        %dma_start3A_1631 = tpu.memref_slice %arg5[%dma_start3A_1627, %dma_start3A_1629, %dma_start3A_1630] : memref<5x160x64xf32, #tpu.memory_space<vmem>> -> memref<1x160x64xf32, #tpu.memory_space<vmem>>
        %dma_start3A_1632 = tpu.memref_squeeze %dma_start3A_1631 : memref<1x160x64xf32, #tpu.memory_space<vmem>> -> memref<160x64xf32, #tpu.memory_space<vmem>>
        %dma_start3A_1633 = tpu.memref_slice %arg2[%add3A_1626, %mul3A_0] : memref<320000x128xf32, #tpu.memory_space<hbm>> -> memref<160x64xf32, #tpu.memory_space<hbm>>
        %dma_start3A_1634 = tpu.memref_slice %arg11[%dma_start3A_1628] : memref<5x!tpu.dma_semaphore, #tpu.memory_space<semaphore_mem>> -> memref<1x!tpu.dma_semaphore, #tpu.memory_space<semaphore_mem>>
        %dma_start3A_1635 = tpu.memref_squeeze %dma_start3A_1634 : memref<1x!tpu.dma_semaphore, #tpu.memory_space<semaphore_mem>> -> memref<!tpu.dma_semaphore, #tpu.memory_space<semaphore_mem>>
        %dma_start3A_1636 = arith.constant 0 : i32
        %dma_start3A_1637 = arith.constant 0 : i32
        %dma_start3A_1638 = tpu.memref_slice %arg5[%dma_start3A_1627, %dma_start3A_1636, %dma_start3A_1637] : memref<5x160x64xf32, #tpu.memory_space<vmem>> -> memref<1x160x64xf32, #tpu.memory_space<vmem>>
        %dma_start3A_1639 = tpu.memref_squeeze %dma_start3A_1638 : memref<1x160x64xf32, #tpu.memory_space<vmem>> -> memref<160x64xf32, #tpu.memory_space<vmem>>
        %dma_start3A_1640 = tpu.memref_slice %arg2[%add3A_1626, %mul3A_0] : memref<320000x128xf32, #tpu.memory_space<hbm>> -> memref<160x64xf32, #tpu.memory_space<hbm>>
        tpu.enqueue_dma source(%dma_start3A_1640 : memref<160x64xf32, #tpu.memory_space<hbm>>) target(%dma_start3A_1639 : memref<160x64xf32, #tpu.memory_space<vmem>>) target_semaphore(%dma_start3A_1635 : memref<!tpu.dma_semaphore, #tpu.memory_space<semaphore_mem>>)
        %add3A_1641 = arith.constant 0 : i32
        %add3A_1642 = arith.addi %add3A_1626, %add3A_1641 : i32
        %dma_start3A_1643 = arith.constant 8 : i32
        %dma_start3A_1644 = arith.constant 4 : i32
        %dma_start3A_1645 = arith.constant 0 : i32
        %dma_start3A_1646 = tpu.memref_slice %arg6[%dma_start3A_1643, %dma_start3A_1645] : memref<10x80xi32, #tpu.memory_space<vmem>> -> memref<1x80xi32, #tpu.memory_space<vmem>>
        %dma_start3A_1647 = tpu.memref_squeeze %dma_start3A_1646 : memref<1x80xi32, #tpu.memory_space<vmem>> -> memref<80xi32, #tpu.memory_space<vmem>>
        %dma_start3A_1648 = tpu.memref_slice %arg3[%add3A_1642] : memref<320000xi32, #tpu.memory_space<hbm>> -> memref<80xi32, #tpu.memory_space<hbm>>
        %dma_start3A_1649 = tpu.memref_slice %arg12[%dma_start3A_1644] : memref<5x!tpu.dma_semaphore, #tpu.memory_space<semaphore_mem>> -> memref<1x!tpu.dma_semaphore, #tpu.memory_space<semaphore_mem>>
        %dma_start3A_1650 = tpu.memref_squeeze %dma_start3A_1649 : memref<1x!tpu.dma_semaphore, #tpu.memory_space<semaphore_mem>> -> memref<!tpu.dma_semaphore, #tpu.memory_space<semaphore_mem>>
        %dma_start3A_1651 = arith.constant 0 : i32
        %dma_start3A_1652 = tpu.memref_slice %arg6[%dma_start3A_1643, %dma_start3A_1651] : memref<10x80xi32, #tpu.memory_space<vmem>> -> memref<1x80xi32, #tpu.memory_space<vmem>>
        %dma_start3A_1653 = tpu.memref_squeeze %dma_start3A_1652 : memref<1x80xi32, #tpu.memory_space<vmem>> -> memref<80xi32, #tpu.memory_space<vmem>>
        %dma_start3A_1654 = tpu.memref_slice %arg3[%add3A_1642] : memref<320000xi32, #tpu.memory_space<hbm>> -> memref<80xi32, #tpu.memory_space<hbm>>
        tpu.enqueue_dma source(%dma_start3A_1654 : memref<80xi32, #tpu.memory_space<hbm>>) target(%dma_start3A_1653 : memref<80xi32, #tpu.memory_space<vmem>>) target_semaphore(%dma_start3A_1650 : memref<!tpu.dma_semaphore, #tpu.memory_space<semaphore_mem>>)
        %add3A_1655 = arith.constant 80 : i32
        %add3A_1656 = arith.addi %add3A_1626, %add3A_1655 : i32
        %dma_start3A_1657 = arith.constant 9 : i32
        %dma_start3A_1658 = arith.constant 4 : i32
        %dma_start3A_1659 = arith.constant 0 : i32
        %dma_start3A_1660 = tpu.memref_slice %arg6[%dma_start3A_1657, %dma_start3A_1659] : memref<10x80xi32, #tpu.memory_space<vmem>> -> memref<1x80xi32, #tpu.memory_space<vmem>>
        %dma_start3A_1661 = tpu.memref_squeeze %dma_start3A_1660 : memref<1x80xi32, #tpu.memory_space<vmem>> -> memref<80xi32, #tpu.memory_space<vmem>>
        %dma_start3A_1662 = tpu.memref_slice %arg3[%add3A_1656] : memref<320000xi32, #tpu.memory_space<hbm>> -> memref<80xi32, #tpu.memory_space<hbm>>
        %dma_start3A_1663 = tpu.memref_slice %arg12[%dma_start3A_1658] : memref<5x!tpu.dma_semaphore, #tpu.memory_space<semaphore_mem>> -> memref<1x!tpu.dma_semaphore, #tpu.memory_space<semaphore_mem>>
        %dma_start3A_1664 = tpu.memref_squeeze %dma_start3A_1663 : memref<1x!tpu.dma_semaphore, #tpu.memory_space<semaphore_mem>> -> memref<!tpu.dma_semaphore, #tpu.memory_space<semaphore_mem>>
        %dma_start3A_1665 = arith.constant 0 : i32
        %dma_start3A_1666 = tpu.memref_slice %arg6[%dma_start3A_1657, %dma_start3A_1665] : memref<10x80xi32, #tpu.memory_space<vmem>> -> memref<1x80xi32, #tpu.memory_space<vmem>>
        %dma_start3A_1667 = tpu.memref_squeeze %dma_start3A_1666 : memref<1x80xi32, #tpu.memory_space<vmem>> -> memref<80xi32, #tpu.memory_space<vmem>>
        %dma_start3A_1668 = tpu.memref_slice %arg3[%add3A_1656] : memref<320000xi32, #tpu.memory_space<hbm>> -> memref<80xi32, #tpu.memory_space<hbm>>
        tpu.enqueue_dma source(%dma_start3A_1668 : memref<80xi32, #tpu.memory_space<hbm>>) target(%dma_start3A_1667 : memref<80xi32, #tpu.memory_space<vmem>>) target_semaphore(%dma_start3A_1664 : memref<!tpu.dma_semaphore, #tpu.memory_space<semaphore_mem>>)
      } else {
      }
    }
    %scan3A_347 = arith.constant 25 : i32
    %dma_wait3A_348 = arith.constant 0 : i32
    %dma_wait3A_349 = arith.constant 0 : i32
    %dma_wait3A_350 = arith.constant 0 : i32
    %dma_wait3A_351 = arith.constant 0 : i32
    %dma_wait3A_352 = arith.constant 0 : i32
    %dma_wait3A_353 = tpu.memref_slice %arg5[%dma_wait3A_348, %dma_wait3A_351, %dma_wait3A_352] : memref<5x160x64xf32, #tpu.memory_space<vmem>> -> memref<1x80x64xf32, #tpu.memory_space<vmem>>
    %dma_wait3A_354 = tpu.memref_squeeze %dma_wait3A_353 : memref<1x80x64xf32, #tpu.memory_space<vmem>> -> memref<80x64xf32, #tpu.memory_space<vmem>>
    %dma_wait3A_355 = arith.constant 0 : i32
    %dma_wait3A_356 = tpu.memref_slice %arg6[%dma_wait3A_349, %dma_wait3A_355] : memref<10x80xi32, #tpu.memory_space<vmem>> -> memref<1x80xi32, #tpu.memory_space<vmem>>
    %dma_wait3A_357 = tpu.memref_squeeze %dma_wait3A_356 : memref<1x80xi32, #tpu.memory_space<vmem>> -> memref<80xi32, #tpu.memory_space<vmem>>
    %dma_wait3A_358 = arith.constant 0 : i32
    %dma_wait3A_359 = arith.constant 0 : i32
    %dma_wait3A_360 = tpu.memref_slice %arg16[%dma_wait3A_358, %dma_wait3A_359] : memref<10000x64xf32, #tpu.memory_space<vmem_shared>> -> memref<10000x64xf32, #tpu.memory_space<vmem_shared>>
    %dma_wait3A_361 = tpu.memref_slice %arg13[%dma_wait3A_350] : memref<5x!tpu.dma_semaphore, #tpu.memory_space<semaphore_mem>> -> memref<1x!tpu.dma_semaphore, #tpu.memory_space<semaphore_mem>>
    %dma_wait3A_362 = tpu.memref_squeeze %dma_wait3A_361 : memref<1x!tpu.dma_semaphore, #tpu.memory_space<semaphore_mem>> -> memref<!tpu.dma_semaphore, #tpu.memory_space<semaphore_mem>>
    tpu.wait_indirect_dma semaphore(%dma_wait3A_362 : memref<!tpu.dma_semaphore, #tpu.memory_space<semaphore_mem>>) src(%dma_wait3A_354 : memref<80x64xf32, #tpu.memory_space<vmem>>) dst(%dma_wait3A_360 : memref<10000x64xf32, #tpu.memory_space<vmem_shared>>)
    %dma_wait3A_363 = arith.constant 0 : i32
    %dma_wait3A_364 = arith.constant 0 : i32
    %dma_wait3A_365 = arith.constant 0 : i32
    %dma_wait3A_366 = tpu.memref_slice %arg6[%dma_wait3A_363, %dma_wait3A_365] : memref<10x80xi32, #tpu.memory_space<vmem>> -> memref<1x80xi32, #tpu.memory_space<vmem>>
    %dma_wait3A_367 = tpu.memref_squeeze %dma_wait3A_366 : memref<1x80xi32, #tpu.memory_space<vmem>> -> memref<80xi32, #tpu.memory_space<vmem>>
    %dma_wait3A_368 = arith.constant 0 : i32
    %dma_wait3A_369 = arith.constant 0 : i32
    %dma_wait3A_370 = tpu.memref_slice %arg17[%dma_wait3A_368, %dma_wait3A_369] : memref<10000x16xf32, #tpu.memory_space<vmem_shared>> -> memref<10000x16xf32, #tpu.memory_space<vmem_shared>>
    %dma_wait3A_371 = tpu.memref_slice %arg14[%dma_wait3A_364] : memref<5x!tpu.dma_semaphore, #tpu.memory_space<semaphore_mem>> -> memref<1x!tpu.dma_semaphore, #tpu.memory_space<semaphore_mem>>
    %dma_wait3A_372 = tpu.memref_squeeze %dma_wait3A_371 : memref<1x!tpu.dma_semaphore, #tpu.memory_space<semaphore_mem>> -> memref<!tpu.dma_semaphore, #tpu.memory_space<semaphore_mem>>
    tpu.wait_indirect_dma semaphore(%dma_wait3A_372 : memref<!tpu.dma_semaphore, #tpu.memory_space<semaphore_mem>>) src(%arg7 : memref<80x16xf32, #tpu.memory_space<vmem>>) dst(%dma_wait3A_370 : memref<10000x16xf32, #tpu.memory_space<vmem_shared>>)
    %dma_wait3A_373 = arith.constant 0 : i32
    %dma_wait3A_374 = arith.constant 1 : i32
    %dma_wait3A_375 = arith.constant 0 : i32
    %dma_wait3A_376 = arith.constant 80 : i32
    %dma_wait3A_377 = arith.constant 0 : i32
    %dma_wait3A_378 = tpu.memref_slice %arg5[%dma_wait3A_373, %dma_wait3A_376, %dma_wait3A_377] : memref<5x160x64xf32, #tpu.memory_space<vmem>> -> memref<1x80x64xf32, #tpu.memory_space<vmem>>
    %dma_wait3A_379 = tpu.memref_squeeze %dma_wait3A_378 : memref<1x80x64xf32, #tpu.memory_space<vmem>> -> memref<80x64xf32, #tpu.memory_space<vmem>>
    %dma_wait3A_380 = arith.constant 0 : i32
    %dma_wait3A_381 = tpu.memref_slice %arg6[%dma_wait3A_374, %dma_wait3A_380] : memref<10x80xi32, #tpu.memory_space<vmem>> -> memref<1x80xi32, #tpu.memory_space<vmem>>
    %dma_wait3A_382 = tpu.memref_squeeze %dma_wait3A_381 : memref<1x80xi32, #tpu.memory_space<vmem>> -> memref<80xi32, #tpu.memory_space<vmem>>
    %dma_wait3A_383 = arith.constant 0 : i32
    %dma_wait3A_384 = arith.constant 0 : i32
    %dma_wait3A_385 = tpu.memref_slice %arg16[%dma_wait3A_383, %dma_wait3A_384] : memref<10000x64xf32, #tpu.memory_space<vmem_shared>> -> memref<10000x64xf32, #tpu.memory_space<vmem_shared>>
    %dma_wait3A_386 = tpu.memref_slice %arg13[%dma_wait3A_375] : memref<5x!tpu.dma_semaphore, #tpu.memory_space<semaphore_mem>> -> memref<1x!tpu.dma_semaphore, #tpu.memory_space<semaphore_mem>>
    %dma_wait3A_387 = tpu.memref_squeeze %dma_wait3A_386 : memref<1x!tpu.dma_semaphore, #tpu.memory_space<semaphore_mem>> -> memref<!tpu.dma_semaphore, #tpu.memory_space<semaphore_mem>>
    tpu.wait_indirect_dma semaphore(%dma_wait3A_387 : memref<!tpu.dma_semaphore, #tpu.memory_space<semaphore_mem>>) src(%dma_wait3A_379 : memref<80x64xf32, #tpu.memory_space<vmem>>) dst(%dma_wait3A_385 : memref<10000x64xf32, #tpu.memory_space<vmem_shared>>)
    %dma_wait3A_388 = arith.constant 1 : i32
    %dma_wait3A_389 = arith.constant 0 : i32
    %dma_wait3A_390 = arith.constant 0 : i32
    %dma_wait3A_391 = tpu.memref_slice %arg6[%dma_wait3A_388, %dma_wait3A_390] : memref<10x80xi32, #tpu.memory_space<vmem>> -> memref<1x80xi32, #tpu.memory_space<vmem>>
    %dma_wait3A_392 = tpu.memref_squeeze %dma_wait3A_391 : memref<1x80xi32, #tpu.memory_space<vmem>> -> memref<80xi32, #tpu.memory_space<vmem>>
    %dma_wait3A_393 = arith.constant 0 : i32
    %dma_wait3A_394 = arith.constant 0 : i32
    %dma_wait3A_395 = tpu.memref_slice %arg17[%dma_wait3A_393, %dma_wait3A_394] : memref<10000x16xf32, #tpu.memory_space<vmem_shared>> -> memref<10000x16xf32, #tpu.memory_space<vmem_shared>>
    %dma_wait3A_396 = tpu.memref_slice %arg14[%dma_wait3A_389] : memref<5x!tpu.dma_semaphore, #tpu.memory_space<semaphore_mem>> -> memref<1x!tpu.dma_semaphore, #tpu.memory_space<semaphore_mem>>
    %dma_wait3A_397 = tpu.memref_squeeze %dma_wait3A_396 : memref<1x!tpu.dma_semaphore, #tpu.memory_space<semaphore_mem>> -> memref<!tpu.dma_semaphore, #tpu.memory_space<semaphore_mem>>
    tpu.wait_indirect_dma semaphore(%dma_wait3A_397 : memref<!tpu.dma_semaphore, #tpu.memory_space<semaphore_mem>>) src(%arg7 : memref<80x16xf32, #tpu.memory_space<vmem>>) dst(%dma_wait3A_395 : memref<10000x16xf32, #tpu.memory_space<vmem_shared>>)
    %dma_wait3A_398 = arith.constant 1 : i32
    %dma_wait3A_399 = arith.constant 2 : i32
    %dma_wait3A_400 = arith.constant 1 : i32
    %dma_wait3A_401 = arith.constant 0 : i32
    %dma_wait3A_402 = arith.constant 0 : i32
    %dma_wait3A_403 = tpu.memref_slice %arg5[%dma_wait3A_398, %dma_wait3A_401, %dma_wait3A_402] : memref<5x160x64xf32, #tpu.memory_space<vmem>> -> memref<1x80x64xf32, #tpu.memory_space<vmem>>
    %dma_wait3A_404 = tpu.memref_squeeze %dma_wait3A_403 : memref<1x80x64xf32, #tpu.memory_space<vmem>> -> memref<80x64xf32, #tpu.memory_space<vmem>>
    %dma_wait3A_405 = arith.constant 0 : i32
    %dma_wait3A_406 = tpu.memref_slice %arg6[%dma_wait3A_399, %dma_wait3A_405] : memref<10x80xi32, #tpu.memory_space<vmem>> -> memref<1x80xi32, #tpu.memory_space<vmem>>
    %dma_wait3A_407 = tpu.memref_squeeze %dma_wait3A_406 : memref<1x80xi32, #tpu.memory_space<vmem>> -> memref<80xi32, #tpu.memory_space<vmem>>
    %dma_wait3A_408 = arith.constant 0 : i32
    %dma_wait3A_409 = arith.constant 0 : i32
    %dma_wait3A_410 = tpu.memref_slice %arg16[%dma_wait3A_408, %dma_wait3A_409] : memref<10000x64xf32, #tpu.memory_space<vmem_shared>> -> memref<10000x64xf32, #tpu.memory_space<vmem_shared>>
    %dma_wait3A_411 = tpu.memref_slice %arg13[%dma_wait3A_400] : memref<5x!tpu.dma_semaphore, #tpu.memory_space<semaphore_mem>> -> memref<1x!tpu.dma_semaphore, #tpu.memory_space<semaphore_mem>>
    %dma_wait3A_412 = tpu.memref_squeeze %dma_wait3A_411 : memref<1x!tpu.dma_semaphore, #tpu.memory_space<semaphore_mem>> -> memref<!tpu.dma_semaphore, #tpu.memory_space<semaphore_mem>>
    tpu.wait_indirect_dma semaphore(%dma_wait3A_412 : memref<!tpu.dma_semaphore, #tpu.memory_space<semaphore_mem>>) src(%dma_wait3A_404 : memref<80x64xf32, #tpu.memory_space<vmem>>) dst(%dma_wait3A_410 : memref<10000x64xf32, #tpu.memory_space<vmem_shared>>)
    %dma_wait3A_413 = arith.constant 2 : i32
    %dma_wait3A_414 = arith.constant 1 : i32
    %dma_wait3A_415 = arith.constant 0 : i32
    %dma_wait3A_416 = tpu.memref_slice %arg6[%dma_wait3A_413, %dma_wait3A_415] : memref<10x80xi32, #tpu.memory_space<vmem>> -> memref<1x80xi32, #tpu.memory_space<vmem>>
    %dma_wait3A_417 = tpu.memref_squeeze %dma_wait3A_416 : memref<1x80xi32, #tpu.memory_space<vmem>> -> memref<80xi32, #tpu.memory_space<vmem>>
    %dma_wait3A_418 = arith.constant 0 : i32
    %dma_wait3A_419 = arith.constant 0 : i32
    %dma_wait3A_420 = tpu.memref_slice %arg17[%dma_wait3A_418, %dma_wait3A_419] : memref<10000x16xf32, #tpu.memory_space<vmem_shared>> -> memref<10000x16xf32, #tpu.memory_space<vmem_shared>>
    %dma_wait3A_421 = tpu.memref_slice %arg14[%dma_wait3A_414] : memref<5x!tpu.dma_semaphore, #tpu.memory_space<semaphore_mem>> -> memref<1x!tpu.dma_semaphore, #tpu.memory_space<semaphore_mem>>
    %dma_wait3A_422 = tpu.memref_squeeze %dma_wait3A_421 : memref<1x!tpu.dma_semaphore, #tpu.memory_space<semaphore_mem>> -> memref<!tpu.dma_semaphore, #tpu.memory_space<semaphore_mem>>
    tpu.wait_indirect_dma semaphore(%dma_wait3A_422 : memref<!tpu.dma_semaphore, #tpu.memory_space<semaphore_mem>>) src(%arg7 : memref<80x16xf32, #tpu.memory_space<vmem>>) dst(%dma_wait3A_420 : memref<10000x16xf32, #tpu.memory_space<vmem_shared>>)
    %dma_wait3A_423 = arith.constant 1 : i32
    %dma_wait3A_424 = arith.constant 3 : i32
    %dma_wait3A_425 = arith.constant 1 : i32
    %dma_wait3A_426 = arith.constant 80 : i32
    %dma_wait3A_427 = arith.constant 0 : i32
    %dma_wait3A_428 = tpu.memref_slice %arg5[%dma_wait3A_423, %dma_wait3A_426, %dma_wait3A_427] : memref<5x160x64xf32, #tpu.memory_space<vmem>> -> memref<1x80x64xf32, #tpu.memory_space<vmem>>
    %dma_wait3A_429 = tpu.memref_squeeze %dma_wait3A_428 : memref<1x80x64xf32, #tpu.memory_space<vmem>> -> memref<80x64xf32, #tpu.memory_space<vmem>>
    %dma_wait3A_430 = arith.constant 0 : i32
    %dma_wait3A_431 = tpu.memref_slice %arg6[%dma_wait3A_424, %dma_wait3A_430] : memref<10x80xi32, #tpu.memory_space<vmem>> -> memref<1x80xi32, #tpu.memory_space<vmem>>
    %dma_wait3A_432 = tpu.memref_squeeze %dma_wait3A_431 : memref<1x80xi32, #tpu.memory_space<vmem>> -> memref<80xi32, #tpu.memory_space<vmem>>
    %dma_wait3A_433 = arith.constant 0 : i32
    %dma_wait3A_434 = arith.constant 0 : i32
    %dma_wait3A_435 = tpu.memref_slice %arg16[%dma_wait3A_433, %dma_wait3A_434] : memref<10000x64xf32, #tpu.memory_space<vmem_shared>> -> memref<10000x64xf32, #tpu.memory_space<vmem_shared>>
    %dma_wait3A_436 = tpu.memref_slice %arg13[%dma_wait3A_425] : memref<5x!tpu.dma_semaphore, #tpu.memory_space<semaphore_mem>> -> memref<1x!tpu.dma_semaphore, #tpu.memory_space<semaphore_mem>>
    %dma_wait3A_437 = tpu.memref_squeeze %dma_wait3A_436 : memref<1x!tpu.dma_semaphore, #tpu.memory_space<semaphore_mem>> -> memref<!tpu.dma_semaphore, #tpu.memory_space<semaphore_mem>>
    tpu.wait_indirect_dma semaphore(%dma_wait3A_437 : memref<!tpu.dma_semaphore, #tpu.memory_space<semaphore_mem>>) src(%dma_wait3A_429 : memref<80x64xf32, #tpu.memory_space<vmem>>) dst(%dma_wait3A_435 : memref<10000x64xf32, #tpu.memory_space<vmem_shared>>)
    %dma_wait3A_438 = arith.constant 3 : i32
    %dma_wait3A_439 = arith.constant 1 : i32
    %dma_wait3A_440 = arith.constant 0 : i32
    %dma_wait3A_441 = tpu.memref_slice %arg6[%dma_wait3A_438, %dma_wait3A_440] : memref<10x80xi32, #tpu.memory_space<vmem>> -> memref<1x80xi32, #tpu.memory_space<vmem>>
    %dma_wait3A_442 = tpu.memref_squeeze %dma_wait3A_441 : memref<1x80xi32, #tpu.memory_space<vmem>> -> memref<80xi32, #tpu.memory_space<vmem>>
    %dma_wait3A_443 = arith.constant 0 : i32
    %dma_wait3A_444 = arith.constant 0 : i32
    %dma_wait3A_445 = tpu.memref_slice %arg17[%dma_wait3A_443, %dma_wait3A_444] : memref<10000x16xf32, #tpu.memory_space<vmem_shared>> -> memref<10000x16xf32, #tpu.memory_space<vmem_shared>>
    %dma_wait3A_446 = tpu.memref_slice %arg14[%dma_wait3A_439] : memref<5x!tpu.dma_semaphore, #tpu.memory_space<semaphore_mem>> -> memref<1x!tpu.dma_semaphore, #tpu.memory_space<semaphore_mem>>
    %dma_wait3A_447 = tpu.memref_squeeze %dma_wait3A_446 : memref<1x!tpu.dma_semaphore, #tpu.memory_space<semaphore_mem>> -> memref<!tpu.dma_semaphore, #tpu.memory_space<semaphore_mem>>
    tpu.wait_indirect_dma semaphore(%dma_wait3A_447 : memref<!tpu.dma_semaphore, #tpu.memory_space<semaphore_mem>>) src(%arg7 : memref<80x16xf32, #tpu.memory_space<vmem>>) dst(%dma_wait3A_445 : memref<10000x16xf32, #tpu.memory_space<vmem_shared>>)
    %dma_wait3A_448 = arith.constant 2 : i32
    %dma_wait3A_449 = arith.constant 4 : i32
    %dma_wait3A_450 = arith.constant 2 : i32
    %dma_wait3A_451 = arith.constant 0 : i32
    %dma_wait3A_452 = arith.constant 0 : i32
    %dma_wait3A_453 = tpu.memref_slice %arg5[%dma_wait3A_448, %dma_wait3A_451, %dma_wait3A_452] : memref<5x160x64xf32, #tpu.memory_space<vmem>> -> memref<1x80x64xf32, #tpu.memory_space<vmem>>
    %dma_wait3A_454 = tpu.memref_squeeze %dma_wait3A_453 : memref<1x80x64xf32, #tpu.memory_space<vmem>> -> memref<80x64xf32, #tpu.memory_space<vmem>>
    %dma_wait3A_455 = arith.constant 0 : i32
    %dma_wait3A_456 = tpu.memref_slice %arg6[%dma_wait3A_449, %dma_wait3A_455] : memref<10x80xi32, #tpu.memory_space<vmem>> -> memref<1x80xi32, #tpu.memory_space<vmem>>
    %dma_wait3A_457 = tpu.memref_squeeze %dma_wait3A_456 : memref<1x80xi32, #tpu.memory_space<vmem>> -> memref<80xi32, #tpu.memory_space<vmem>>
    %dma_wait3A_458 = arith.constant 0 : i32
    %dma_wait3A_459 = arith.constant 0 : i32
    %dma_wait3A_460 = tpu.memref_slice %arg16[%dma_wait3A_458, %dma_wait3A_459] : memref<10000x64xf32, #tpu.memory_space<vmem_shared>> -> memref<10000x64xf32, #tpu.memory_space<vmem_shared>>
    %dma_wait3A_461 = tpu.memref_slice %arg13[%dma_wait3A_450] : memref<5x!tpu.dma_semaphore, #tpu.memory_space<semaphore_mem>> -> memref<1x!tpu.dma_semaphore, #tpu.memory_space<semaphore_mem>>
    %dma_wait3A_462 = tpu.memref_squeeze %dma_wait3A_461 : memref<1x!tpu.dma_semaphore, #tpu.memory_space<semaphore_mem>> -> memref<!tpu.dma_semaphore, #tpu.memory_space<semaphore_mem>>
    tpu.wait_indirect_dma semaphore(%dma_wait3A_462 : memref<!tpu.dma_semaphore, #tpu.memory_space<semaphore_mem>>) src(%dma_wait3A_454 : memref<80x64xf32, #tpu.memory_space<vmem>>) dst(%dma_wait3A_460 : memref<10000x64xf32, #tpu.memory_space<vmem_shared>>)
    %dma_wait3A_463 = arith.constant 4 : i32
    %dma_wait3A_464 = arith.constant 2 : i32
    %dma_wait3A_465 = arith.constant 0 : i32
    %dma_wait3A_466 = tpu.memref_slice %arg6[%dma_wait3A_463, %dma_wait3A_465] : memref<10x80xi32, #tpu.memory_space<vmem>> -> memref<1x80xi32, #tpu.memory_space<vmem>>
    %dma_wait3A_467 = tpu.memref_squeeze %dma_wait3A_466 : memref<1x80xi32, #tpu.memory_space<vmem>> -> memref<80xi32, #tpu.memory_space<vmem>>
    %dma_wait3A_468 = arith.constant 0 : i32
    %dma_wait3A_469 = arith.constant 0 : i32
    %dma_wait3A_470 = tpu.memref_slice %arg17[%dma_wait3A_468, %dma_wait3A_469] : memref<10000x16xf32, #tpu.memory_space<vmem_shared>> -> memref<10000x16xf32, #tpu.memory_space<vmem_shared>>
    %dma_wait3A_471 = tpu.memref_slice %arg14[%dma_wait3A_464] : memref<5x!tpu.dma_semaphore, #tpu.memory_space<semaphore_mem>> -> memref<1x!tpu.dma_semaphore, #tpu.memory_space<semaphore_mem>>
    %dma_wait3A_472 = tpu.memref_squeeze %dma_wait3A_471 : memref<1x!tpu.dma_semaphore, #tpu.memory_space<semaphore_mem>> -> memref<!tpu.dma_semaphore, #tpu.memory_space<semaphore_mem>>
    tpu.wait_indirect_dma semaphore(%dma_wait3A_472 : memref<!tpu.dma_semaphore, #tpu.memory_space<semaphore_mem>>) src(%arg7 : memref<80x16xf32, #tpu.memory_space<vmem>>) dst(%dma_wait3A_470 : memref<10000x16xf32, #tpu.memory_space<vmem_shared>>)
    %dma_wait3A_473 = arith.constant 2 : i32
    %dma_wait3A_474 = arith.constant 5 : i32
    %dma_wait3A_475 = arith.constant 2 : i32
    %dma_wait3A_476 = arith.constant 80 : i32
    %dma_wait3A_477 = arith.constant 0 : i32
    %dma_wait3A_478 = tpu.memref_slice %arg5[%dma_wait3A_473, %dma_wait3A_476, %dma_wait3A_477] : memref<5x160x64xf32, #tpu.memory_space<vmem>> -> memref<1x80x64xf32, #tpu.memory_space<vmem>>
    %dma_wait3A_479 = tpu.memref_squeeze %dma_wait3A_478 : memref<1x80x64xf32, #tpu.memory_space<vmem>> -> memref<80x64xf32, #tpu.memory_space<vmem>>
    %dma_wait3A_480 = arith.constant 0 : i32
    %dma_wait3A_481 = tpu.memref_slice %arg6[%dma_wait3A_474, %dma_wait3A_480] : memref<10x80xi32, #tpu.memory_space<vmem>> -> memref<1x80xi32, #tpu.memory_space<vmem>>
    %dma_wait3A_482 = tpu.memref_squeeze %dma_wait3A_481 : memref<1x80xi32, #tpu.memory_space<vmem>> -> memref<80xi32, #tpu.memory_space<vmem>>
    %dma_wait3A_483 = arith.constant 0 : i32
    %dma_wait3A_484 = arith.constant 0 : i32
    %dma_wait3A_485 = tpu.memref_slice %arg16[%dma_wait3A_483, %dma_wait3A_484] : memref<10000x64xf32, #tpu.memory_space<vmem_shared>> -> memref<10000x64xf32, #tpu.memory_space<vmem_shared>>
    %dma_wait3A_486 = tpu.memref_slice %arg13[%dma_wait3A_475] : memref<5x!tpu.dma_semaphore, #tpu.memory_space<semaphore_mem>> -> memref<1x!tpu.dma_semaphore, #tpu.memory_space<semaphore_mem>>
    %dma_wait3A_487 = tpu.memref_squeeze %dma_wait3A_486 : memref<1x!tpu.dma_semaphore, #tpu.memory_space<semaphore_mem>> -> memref<!tpu.dma_semaphore, #tpu.memory_space<semaphore_mem>>
    tpu.wait_indirect_dma semaphore(%dma_wait3A_487 : memref<!tpu.dma_semaphore, #tpu.memory_space<semaphore_mem>>) src(%dma_wait3A_479 : memref<80x64xf32, #tpu.memory_space<vmem>>) dst(%dma_wait3A_485 : memref<10000x64xf32, #tpu.memory_space<vmem_shared>>)
    %dma_wait3A_488 = arith.constant 5 : i32
    %dma_wait3A_489 = arith.constant 2 : i32
    %dma_wait3A_490 = arith.constant 0 : i32
    %dma_wait3A_491 = tpu.memref_slice %arg6[%dma_wait3A_488, %dma_wait3A_490] : memref<10x80xi32, #tpu.memory_space<vmem>> -> memref<1x80xi32, #tpu.memory_space<vmem>>
    %dma_wait3A_492 = tpu.memref_squeeze %dma_wait3A_491 : memref<1x80xi32, #tpu.memory_space<vmem>> -> memref<80xi32, #tpu.memory_space<vmem>>
    %dma_wait3A_493 = arith.constant 0 : i32
    %dma_wait3A_494 = arith.constant 0 : i32
    %dma_wait3A_495 = tpu.memref_slice %arg17[%dma_wait3A_493, %dma_wait3A_494] : memref<10000x16xf32, #tpu.memory_space<vmem_shared>> -> memref<10000x16xf32, #tpu.memory_space<vmem_shared>>
    %dma_wait3A_496 = tpu.memref_slice %arg14[%dma_wait3A_489] : memref<5x!tpu.dma_semaphore, #tpu.memory_space<semaphore_mem>> -> memref<1x!tpu.dma_semaphore, #tpu.memory_space<semaphore_mem>>
    %dma_wait3A_497 = tpu.memref_squeeze %dma_wait3A_496 : memref<1x!tpu.dma_semaphore, #tpu.memory_space<semaphore_mem>> -> memref<!tpu.dma_semaphore, #tpu.memory_space<semaphore_mem>>
    tpu.wait_indirect_dma semaphore(%dma_wait3A_497 : memref<!tpu.dma_semaphore, #tpu.memory_space<semaphore_mem>>) src(%arg7 : memref<80x16xf32, #tpu.memory_space<vmem>>) dst(%dma_wait3A_495 : memref<10000x16xf32, #tpu.memory_space<vmem_shared>>)
    %dma_wait3A_498 = arith.constant 3 : i32
    %dma_wait3A_499 = arith.constant 6 : i32
    %dma_wait3A_500 = arith.constant 3 : i32
    %dma_wait3A_501 = arith.constant 0 : i32
    %dma_wait3A_502 = arith.constant 0 : i32
    %dma_wait3A_503 = tpu.memref_slice %arg5[%dma_wait3A_498, %dma_wait3A_501, %dma_wait3A_502] : memref<5x160x64xf32, #tpu.memory_space<vmem>> -> memref<1x80x64xf32, #tpu.memory_space<vmem>>
    %dma_wait3A_504 = tpu.memref_squeeze %dma_wait3A_503 : memref<1x80x64xf32, #tpu.memory_space<vmem>> -> memref<80x64xf32, #tpu.memory_space<vmem>>
    %dma_wait3A_505 = arith.constant 0 : i32
    %dma_wait3A_506 = tpu.memref_slice %arg6[%dma_wait3A_499, %dma_wait3A_505] : memref<10x80xi32, #tpu.memory_space<vmem>> -> memref<1x80xi32, #tpu.memory_space<vmem>>
    %dma_wait3A_507 = tpu.memref_squeeze %dma_wait3A_506 : memref<1x80xi32, #tpu.memory_space<vmem>> -> memref<80xi32, #tpu.memory_space<vmem>>
    %dma_wait3A_508 = arith.constant 0 : i32
    %dma_wait3A_509 = arith.constant 0 : i32
    %dma_wait3A_510 = tpu.memref_slice %arg16[%dma_wait3A_508, %dma_wait3A_509] : memref<10000x64xf32, #tpu.memory_space<vmem_shared>> -> memref<10000x64xf32, #tpu.memory_space<vmem_shared>>
    %dma_wait3A_511 = tpu.memref_slice %arg13[%dma_wait3A_500] : memref<5x!tpu.dma_semaphore, #tpu.memory_space<semaphore_mem>> -> memref<1x!tpu.dma_semaphore, #tpu.memory_space<semaphore_mem>>
    %dma_wait3A_512 = tpu.memref_squeeze %dma_wait3A_511 : memref<1x!tpu.dma_semaphore, #tpu.memory_space<semaphore_mem>> -> memref<!tpu.dma_semaphore, #tpu.memory_space<semaphore_mem>>
    tpu.wait_indirect_dma semaphore(%dma_wait3A_512 : memref<!tpu.dma_semaphore, #tpu.memory_space<semaphore_mem>>) src(%dma_wait3A_504 : memref<80x64xf32, #tpu.memory_space<vmem>>) dst(%dma_wait3A_510 : memref<10000x64xf32, #tpu.memory_space<vmem_shared>>)
    %dma_wait3A_513 = arith.constant 6 : i32
    %dma_wait3A_514 = arith.constant 3 : i32
    %dma_wait3A_515 = arith.constant 0 : i32
    %dma_wait3A_516 = tpu.memref_slice %arg6[%dma_wait3A_513, %dma_wait3A_515] : memref<10x80xi32, #tpu.memory_space<vmem>> -> memref<1x80xi32, #tpu.memory_space<vmem>>
    %dma_wait3A_517 = tpu.memref_squeeze %dma_wait3A_516 : memref<1x80xi32, #tpu.memory_space<vmem>> -> memref<80xi32, #tpu.memory_space<vmem>>
    %dma_wait3A_518 = arith.constant 0 : i32
    %dma_wait3A_519 = arith.constant 0 : i32
    %dma_wait3A_520 = tpu.memref_slice %arg17[%dma_wait3A_518, %dma_wait3A_519] : memref<10000x16xf32, #tpu.memory_space<vmem_shared>> -> memref<10000x16xf32, #tpu.memory_space<vmem_shared>>
    %dma_wait3A_521 = tpu.memref_slice %arg14[%dma_wait3A_514] : memref<5x!tpu.dma_semaphore, #tpu.memory_space<semaphore_mem>> -> memref<1x!tpu.dma_semaphore, #tpu.memory_space<semaphore_mem>>
    %dma_wait3A_522 = tpu.memref_squeeze %dma_wait3A_521 : memref<1x!tpu.dma_semaphore, #tpu.memory_space<semaphore_mem>> -> memref<!tpu.dma_semaphore, #tpu.memory_space<semaphore_mem>>
    tpu.wait_indirect_dma semaphore(%dma_wait3A_522 : memref<!tpu.dma_semaphore, #tpu.memory_space<semaphore_mem>>) src(%arg7 : memref<80x16xf32, #tpu.memory_space<vmem>>) dst(%dma_wait3A_520 : memref<10000x16xf32, #tpu.memory_space<vmem_shared>>)
    %dma_wait3A_523 = arith.constant 3 : i32
    %dma_wait3A_524 = arith.constant 7 : i32
    %dma_wait3A_525 = arith.constant 3 : i32
    %dma_wait3A_526 = arith.constant 80 : i32
    %dma_wait3A_527 = arith.constant 0 : i32
    %dma_wait3A_528 = tpu.memref_slice %arg5[%dma_wait3A_523, %dma_wait3A_526, %dma_wait3A_527] : memref<5x160x64xf32, #tpu.memory_space<vmem>> -> memref<1x80x64xf32, #tpu.memory_space<vmem>>
    %dma_wait3A_529 = tpu.memref_squeeze %dma_wait3A_528 : memref<1x80x64xf32, #tpu.memory_space<vmem>> -> memref<80x64xf32, #tpu.memory_space<vmem>>
    %dma_wait3A_530 = arith.constant 0 : i32
    %dma_wait3A_531 = tpu.memref_slice %arg6[%dma_wait3A_524, %dma_wait3A_530] : memref<10x80xi32, #tpu.memory_space<vmem>> -> memref<1x80xi32, #tpu.memory_space<vmem>>
    %dma_wait3A_532 = tpu.memref_squeeze %dma_wait3A_531 : memref<1x80xi32, #tpu.memory_space<vmem>> -> memref<80xi32, #tpu.memory_space<vmem>>
    %dma_wait3A_533 = arith.constant 0 : i32
    %dma_wait3A_534 = arith.constant 0 : i32
    %dma_wait3A_535 = tpu.memref_slice %arg16[%dma_wait3A_533, %dma_wait3A_534] : memref<10000x64xf32, #tpu.memory_space<vmem_shared>> -> memref<10000x64xf32, #tpu.memory_space<vmem_shared>>
    %dma_wait3A_536 = tpu.memref_slice %arg13[%dma_wait3A_525] : memref<5x!tpu.dma_semaphore, #tpu.memory_space<semaphore_mem>> -> memref<1x!tpu.dma_semaphore, #tpu.memory_space<semaphore_mem>>
    %dma_wait3A_537 = tpu.memref_squeeze %dma_wait3A_536 : memref<1x!tpu.dma_semaphore, #tpu.memory_space<semaphore_mem>> -> memref<!tpu.dma_semaphore, #tpu.memory_space<semaphore_mem>>
    tpu.wait_indirect_dma semaphore(%dma_wait3A_537 : memref<!tpu.dma_semaphore, #tpu.memory_space<semaphore_mem>>) src(%dma_wait3A_529 : memref<80x64xf32, #tpu.memory_space<vmem>>) dst(%dma_wait3A_535 : memref<10000x64xf32, #tpu.memory_space<vmem_shared>>)
    %dma_wait3A_538 = arith.constant 7 : i32
    %dma_wait3A_539 = arith.constant 3 : i32
    %dma_wait3A_540 = arith.constant 0 : i32
    %dma_wait3A_541 = tpu.memref_slice %arg6[%dma_wait3A_538, %dma_wait3A_540] : memref<10x80xi32, #tpu.memory_space<vmem>> -> memref<1x80xi32, #tpu.memory_space<vmem>>
    %dma_wait3A_542 = tpu.memref_squeeze %dma_wait3A_541 : memref<1x80xi32, #tpu.memory_space<vmem>> -> memref<80xi32, #tpu.memory_space<vmem>>
    %dma_wait3A_543 = arith.constant 0 : i32
    %dma_wait3A_544 = arith.constant 0 : i32
    %dma_wait3A_545 = tpu.memref_slice %arg17[%dma_wait3A_543, %dma_wait3A_544] : memref<10000x16xf32, #tpu.memory_space<vmem_shared>> -> memref<10000x16xf32, #tpu.memory_space<vmem_shared>>
    %dma_wait3A_546 = tpu.memref_slice %arg14[%dma_wait3A_539] : memref<5x!tpu.dma_semaphore, #tpu.memory_space<semaphore_mem>> -> memref<1x!tpu.dma_semaphore, #tpu.memory_space<semaphore_mem>>
    %dma_wait3A_547 = tpu.memref_squeeze %dma_wait3A_546 : memref<1x!tpu.dma_semaphore, #tpu.memory_space<semaphore_mem>> -> memref<!tpu.dma_semaphore, #tpu.memory_space<semaphore_mem>>
    tpu.wait_indirect_dma semaphore(%dma_wait3A_547 : memref<!tpu.dma_semaphore, #tpu.memory_space<semaphore_mem>>) src(%arg7 : memref<80x16xf32, #tpu.memory_space<vmem>>) dst(%dma_wait3A_545 : memref<10000x16xf32, #tpu.memory_space<vmem_shared>>)
    %dma_wait3A_548 = arith.constant 4 : i32
    %dma_wait3A_549 = arith.constant 8 : i32
    %dma_wait3A_550 = arith.constant 4 : i32
    %dma_wait3A_551 = arith.constant 0 : i32
    %dma_wait3A_552 = arith.constant 0 : i32
    %dma_wait3A_553 = tpu.memref_slice %arg5[%dma_wait3A_548, %dma_wait3A_551, %dma_wait3A_552] : memref<5x160x64xf32, #tpu.memory_space<vmem>> -> memref<1x80x64xf32, #tpu.memory_space<vmem>>
    %dma_wait3A_554 = tpu.memref_squeeze %dma_wait3A_553 : memref<1x80x64xf32, #tpu.memory_space<vmem>> -> memref<80x64xf32, #tpu.memory_space<vmem>>
    %dma_wait3A_555 = arith.constant 0 : i32
    %dma_wait3A_556 = tpu.memref_slice %arg6[%dma_wait3A_549, %dma_wait3A_555] : memref<10x80xi32, #tpu.memory_space<vmem>> -> memref<1x80xi32, #tpu.memory_space<vmem>>
    %dma_wait3A_557 = tpu.memref_squeeze %dma_wait3A_556 : memref<1x80xi32, #tpu.memory_space<vmem>> -> memref<80xi32, #tpu.memory_space<vmem>>
    %dma_wait3A_558 = arith.constant 0 : i32
    %dma_wait3A_559 = arith.constant 0 : i32
    %dma_wait3A_560 = tpu.memref_slice %arg16[%dma_wait3A_558, %dma_wait3A_559] : memref<10000x64xf32, #tpu.memory_space<vmem_shared>> -> memref<10000x64xf32, #tpu.memory_space<vmem_shared>>
    %dma_wait3A_561 = tpu.memref_slice %arg13[%dma_wait3A_550] : memref<5x!tpu.dma_semaphore, #tpu.memory_space<semaphore_mem>> -> memref<1x!tpu.dma_semaphore, #tpu.memory_space<semaphore_mem>>
    %dma_wait3A_562 = tpu.memref_squeeze %dma_wait3A_561 : memref<1x!tpu.dma_semaphore, #tpu.memory_space<semaphore_mem>> -> memref<!tpu.dma_semaphore, #tpu.memory_space<semaphore_mem>>
    tpu.wait_indirect_dma semaphore(%dma_wait3A_562 : memref<!tpu.dma_semaphore, #tpu.memory_space<semaphore_mem>>) src(%dma_wait3A_554 : memref<80x64xf32, #tpu.memory_space<vmem>>) dst(%dma_wait3A_560 : memref<10000x64xf32, #tpu.memory_space<vmem_shared>>)
    %dma_wait3A_563 = arith.constant 8 : i32
    %dma_wait3A_564 = arith.constant 4 : i32
    %dma_wait3A_565 = arith.constant 0 : i32
    %dma_wait3A_566 = tpu.memref_slice %arg6[%dma_wait3A_563, %dma_wait3A_565] : memref<10x80xi32, #tpu.memory_space<vmem>> -> memref<1x80xi32, #tpu.memory_space<vmem>>
    %dma_wait3A_567 = tpu.memref_squeeze %dma_wait3A_566 : memref<1x80xi32, #tpu.memory_space<vmem>> -> memref<80xi32, #tpu.memory_space<vmem>>
    %dma_wait3A_568 = arith.constant 0 : i32
    %dma_wait3A_569 = arith.constant 0 : i32
    %dma_wait3A_570 = tpu.memref_slice %arg17[%dma_wait3A_568, %dma_wait3A_569] : memref<10000x16xf32, #tpu.memory_space<vmem_shared>> -> memref<10000x16xf32, #tpu.memory_space<vmem_shared>>
    %dma_wait3A_571 = tpu.memref_slice %arg14[%dma_wait3A_564] : memref<5x!tpu.dma_semaphore, #tpu.memory_space<semaphore_mem>> -> memref<1x!tpu.dma_semaphore, #tpu.memory_space<semaphore_mem>>
    %dma_wait3A_572 = tpu.memref_squeeze %dma_wait3A_571 : memref<1x!tpu.dma_semaphore, #tpu.memory_space<semaphore_mem>> -> memref<!tpu.dma_semaphore, #tpu.memory_space<semaphore_mem>>
    tpu.wait_indirect_dma semaphore(%dma_wait3A_572 : memref<!tpu.dma_semaphore, #tpu.memory_space<semaphore_mem>>) src(%arg7 : memref<80x16xf32, #tpu.memory_space<vmem>>) dst(%dma_wait3A_570 : memref<10000x16xf32, #tpu.memory_space<vmem_shared>>)
    %dma_wait3A_573 = arith.constant 4 : i32
    %dma_wait3A_574 = arith.constant 9 : i32
    %dma_wait3A_575 = arith.constant 4 : i32
    %dma_wait3A_576 = arith.constant 80 : i32
    %dma_wait3A_577 = arith.constant 0 : i32
    %dma_wait3A_578 = tpu.memref_slice %arg5[%dma_wait3A_573, %dma_wait3A_576, %dma_wait3A_577] : memref<5x160x64xf32, #tpu.memory_space<vmem>> -> memref<1x80x64xf32, #tpu.memory_space<vmem>>
    %dma_wait3A_579 = tpu.memref_squeeze %dma_wait3A_578 : memref<1x80x64xf32, #tpu.memory_space<vmem>> -> memref<80x64xf32, #tpu.memory_space<vmem>>
    %dma_wait3A_580 = arith.constant 0 : i32
    %dma_wait3A_581 = tpu.memref_slice %arg6[%dma_wait3A_574, %dma_wait3A_580] : memref<10x80xi32, #tpu.memory_space<vmem>> -> memref<1x80xi32, #tpu.memory_space<vmem>>
    %dma_wait3A_582 = tpu.memref_squeeze %dma_wait3A_581 : memref<1x80xi32, #tpu.memory_space<vmem>> -> memref<80xi32, #tpu.memory_space<vmem>>
    %dma_wait3A_583 = arith.constant 0 : i32
    %dma_wait3A_584 = arith.constant 0 : i32
    %dma_wait3A_585 = tpu.memref_slice %arg16[%dma_wait3A_583, %dma_wait3A_584] : memref<10000x64xf32, #tpu.memory_space<vmem_shared>> -> memref<10000x64xf32, #tpu.memory_space<vmem_shared>>
    %dma_wait3A_586 = tpu.memref_slice %arg13[%dma_wait3A_575] : memref<5x!tpu.dma_semaphore, #tpu.memory_space<semaphore_mem>> -> memref<1x!tpu.dma_semaphore, #tpu.memory_space<semaphore_mem>>
    %dma_wait3A_587 = tpu.memref_squeeze %dma_wait3A_586 : memref<1x!tpu.dma_semaphore, #tpu.memory_space<semaphore_mem>> -> memref<!tpu.dma_semaphore, #tpu.memory_space<semaphore_mem>>
    tpu.wait_indirect_dma semaphore(%dma_wait3A_587 : memref<!tpu.dma_semaphore, #tpu.memory_space<semaphore_mem>>) src(%dma_wait3A_579 : memref<80x64xf32, #tpu.memory_space<vmem>>) dst(%dma_wait3A_585 : memref<10000x64xf32, #tpu.memory_space<vmem_shared>>)
    %dma_wait3A_588 = arith.constant 9 : i32
    %dma_wait3A_589 = arith.constant 4 : i32
    %dma_wait3A_590 = arith.constant 0 : i32
    %dma_wait3A_591 = tpu.memref_slice %arg6[%dma_wait3A_588, %dma_wait3A_590] : memref<10x80xi32, #tpu.memory_space<vmem>> -> memref<1x80xi32, #tpu.memory_space<vmem>>
    %dma_wait3A_592 = tpu.memref_squeeze %dma_wait3A_591 : memref<1x80xi32, #tpu.memory_space<vmem>> -> memref<80xi32, #tpu.memory_space<vmem>>
    %dma_wait3A_593 = arith.constant 0 : i32
    %dma_wait3A_594 = arith.constant 0 : i32
    %dma_wait3A_595 = tpu.memref_slice %arg17[%dma_wait3A_593, %dma_wait3A_594] : memref<10000x16xf32, #tpu.memory_space<vmem_shared>> -> memref<10000x16xf32, #tpu.memory_space<vmem_shared>>
    %dma_wait3A_596 = tpu.memref_slice %arg14[%dma_wait3A_589] : memref<5x!tpu.dma_semaphore, #tpu.memory_space<semaphore_mem>> -> memref<1x!tpu.dma_semaphore, #tpu.memory_space<semaphore_mem>>
    %dma_wait3A_597 = tpu.memref_squeeze %dma_wait3A_596 : memref<1x!tpu.dma_semaphore, #tpu.memory_space<semaphore_mem>> -> memref<!tpu.dma_semaphore, #tpu.memory_space<semaphore_mem>>
    tpu.wait_indirect_dma semaphore(%dma_wait3A_597 : memref<!tpu.dma_semaphore, #tpu.memory_space<semaphore_mem>>) src(%arg7 : memref<80x16xf32, #tpu.memory_space<vmem>>) dst(%dma_wait3A_595 : memref<10000x16xf32, #tpu.memory_space<vmem_shared>>)
    %barrier3A_598 = arith.constant 0 : index
    tpu.barrier barrier_id(%barrier3A_598)
    %add3A_599 = arith.constant 0 : i32
    %add3A_600 = arith.addi %mul3A_2, %add3A_599 : i32
    %dma_start3A_601 = arith.constant 0 : i32
    %dma_start3A_602 = tpu.memref_slice %arg16[%add3A_600, %dma_start3A_601] : memref<10000x64xf32, #tpu.memory_space<vmem_shared>> -> memref<125x64xf32, #tpu.memory_space<vmem_shared>>
    %dma_start3A_603 = arith.constant 0 : i32
    %dma_start3A_604 = tpu.memref_slice %arg16[%add3A_600, %dma_start3A_603] : memref<10000x64xf32, #tpu.memory_space<vmem_shared>> -> memref<125x64xf32, #tpu.memory_space<vmem_shared>>
    tpu.enqueue_dma source(%dma_start3A_604 : memref<125x64xf32, #tpu.memory_space<vmem_shared>>) target(%arg8 : memref<125x64xf32, #tpu.memory_space<vmem>>) target_semaphore(%arg15 : memref<!tpu.dma_semaphore, #tpu.memory_space<semaphore_mem>>)
    %dma_start3A_605 = arith.constant 0 : i32
    %dma_start3A_606 = tpu.memref_slice %arg17[%add3A_600, %dma_start3A_605] : memref<10000x16xf32, #tpu.memory_space<vmem_shared>> -> memref<125x16xf32, #tpu.memory_space<vmem_shared>>
    %dma_start3A_607 = arith.constant 0 : i32
    %dma_start3A_608 = tpu.memref_slice %arg17[%add3A_600, %dma_start3A_607] : memref<10000x16xf32, #tpu.memory_space<vmem_shared>> -> memref<125x16xf32, #tpu.memory_space<vmem_shared>>
    tpu.enqueue_dma source(%dma_start3A_608 : memref<125x16xf32, #tpu.memory_space<vmem_shared>>) target(%arg9 : memref<125x16xf32, #tpu.memory_space<vmem>>) target_semaphore(%arg15 : memref<!tpu.dma_semaphore, #tpu.memory_space<semaphore_mem>>)
    %dma_wait3A_609 = arith.constant 0 : i32
    %dma_wait3A_610 = tpu.memref_slice %arg16[%add3A_600, %dma_wait3A_609] : memref<10000x64xf32, #tpu.memory_space<vmem_shared>> -> memref<125x64xf32, #tpu.memory_space<vmem_shared>>
    %dma_wait3A_611 = arith.constant 0 : i32
    %dma_wait3A_612 = tpu.memref_slice %arg16[%add3A_600, %dma_wait3A_611] : memref<10000x64xf32, #tpu.memory_space<vmem_shared>> -> memref<125x64xf32, #tpu.memory_space<vmem_shared>>
    tpu.wait_dma2 semaphore(%arg15 : memref<!tpu.dma_semaphore, #tpu.memory_space<semaphore_mem>>) src(%dma_wait3A_612 : memref<125x64xf32, #tpu.memory_space<vmem_shared>>) dst(%arg8 : memref<125x64xf32, #tpu.memory_space<vmem>>)
    %dma_wait3A_613 = arith.constant 0 : i32
    %dma_wait3A_614 = tpu.memref_slice %arg17[%add3A_600, %dma_wait3A_613] : memref<10000x16xf32, #tpu.memory_space<vmem_shared>> -> memref<125x16xf32, #tpu.memory_space<vmem_shared>>
    %dma_wait3A_615 = arith.constant 0 : i32
    %dma_wait3A_616 = tpu.memref_slice %arg17[%add3A_600, %dma_wait3A_615] : memref<10000x16xf32, #tpu.memory_space<vmem_shared>> -> memref<125x16xf32, #tpu.memory_space<vmem_shared>>
    tpu.wait_dma2 semaphore(%arg15 : memref<!tpu.dma_semaphore, #tpu.memory_space<semaphore_mem>>) src(%dma_wait3A_616 : memref<125x16xf32, #tpu.memory_space<vmem_shared>>) dst(%arg9 : memref<125x16xf32, #tpu.memory_space<vmem>>)
    %scan3A_617 = arith.constant 0 : i32
    %scan3A_618 = arith.constant 0 : i32
    %scan3A_619 = arith.constant 125 : i32
    %scan3A_620 = arith.addi %scan3A_618, %scan3A_619 : i32
    %scan3A_621 = arith.constant 1 : i32
    scf.for %scan3A_723 = %scan3A_618 to %scan3A_620 step %scan3A_621  : i32 {
      %get3A = arith.index_cast %scan3A_723 : i32 to index
      %get3A_724 = arith.constant 0 : index
      %get3A_725 = tpu.vector_load %arg9[%get3A, %get3A_724] {strides = array<i32>} : memref<125x16xf32, #tpu.memory_space<vmem>>, vector<1x16xf32>,
      %get3A_726 = vector.shape_cast %get3A_725 : vector<1x16xf32> to vector<16xf32>
      %max3A = arith.maximumf %get3A_726, %broadcast_in_dim3A_5 : vector<16xf32>
      %div3A = arith.divf %broadcast_in_dim3A_5, %max3A : vector<16xf32>
      %get3A_727 = arith.index_cast %scan3A_723 : i32 to index
      %get3A_728 = arith.constant 0 : index
      %get3A_729 = tpu.vector_load %arg8[%get3A_727, %get3A_728] {strides = array<i32>} : memref<125x64xf32, #tpu.memory_space<vmem>>, vector<1x16xf32>,
      %get3A_730 = vector.shape_cast %get3A_729 : vector<1x16xf32> to vector<16xf32>
      %mul3A_731 = arith.mulf %get3A_730, %div3A : vector<16xf32>
      %swap3A = arith.index_cast %scan3A_723 : i32 to index
      %swap3A_732 = arith.constant 0 : index
      %swap3A_733 = tpu.vector_load %arg10[%swap3A, %swap3A_732] {strides = array<i32>} : memref<125x64xf32, #tpu.memory_space<vmem>>, vector<1x16xf32>,
      %swap3A_734 = vector.shape_cast %swap3A_733 : vector<1x16xf32> to vector<16xf32>
      %swap3A_735 = vector.shape_cast %mul3A_731 : vector<16xf32> to vector<1x16xf32>
      tpu.vector_store %arg10[%swap3A, %swap3A_732], %swap3A_735 {strides = array<i32>} : memref<125x64xf32, #tpu.memory_space<vmem>>, vector<1x16xf32>,
      %get3A_736 = arith.index_cast %scan3A_723 : i32 to index
      %get3A_737 = arith.constant 16 : index
      %get3A_738 = tpu.vector_load %arg8[%get3A_736, %get3A_737] {strides = array<i32>} : memref<125x64xf32, #tpu.memory_space<vmem>>, vector<1x16xf32>,
      %get3A_739 = vector.shape_cast %get3A_738 : vector<1x16xf32> to vector<16xf32>
      %mul3A_740 = arith.mulf %get3A_739, %div3A : vector<16xf32>
      %swap3A_741 = arith.index_cast %scan3A_723 : i32 to index
      %swap3A_742 = arith.constant 16 : index
      %swap3A_743 = tpu.vector_load %arg10[%swap3A_741, %swap3A_742] {strides = array<i32>} : memref<125x64xf32, #tpu.memory_space<vmem>>, vector<1x16xf32>,
      %swap3A_744 = vector.shape_cast %swap3A_743 : vector<1x16xf32> to vector<16xf32>
      %swap3A_745 = vector.shape_cast %mul3A_740 : vector<16xf32> to vector<1x16xf32>
      tpu.vector_store %arg10[%swap3A_741, %swap3A_742], %swap3A_745 {strides = array<i32>} : memref<125x64xf32, #tpu.memory_space<vmem>>, vector<1x16xf32>,
      %get3A_746 = arith.index_cast %scan3A_723 : i32 to index
      %get3A_747 = arith.constant 32 : index
      %get3A_748 = tpu.vector_load %arg8[%get3A_746, %get3A_747] {strides = array<i32>} : memref<125x64xf32, #tpu.memory_space<vmem>>, vector<1x16xf32>,
      %get3A_749 = vector.shape_cast %get3A_748 : vector<1x16xf32> to vector<16xf32>
      %mul3A_750 = arith.mulf %get3A_749, %div3A : vector<16xf32>
      %swap3A_751 = arith.index_cast %scan3A_723 : i32 to index
      %swap3A_752 = arith.constant 32 : index
      %swap3A_753 = tpu.vector_load %arg10[%swap3A_751, %swap3A_752] {strides = array<i32>} : memref<125x64xf32, #tpu.memory_space<vmem>>, vector<1x16xf32>,
      %swap3A_754 = vector.shape_cast %swap3A_753 : vector<1x16xf32> to vector<16xf32>
      %swap3A_755 = vector.shape_cast %mul3A_750 : vector<16xf32> to vector<1x16xf32>
      tpu.vector_store %arg10[%swap3A_751, %swap3A_752], %swap3A_755 {strides = array<i32>} : memref<125x64xf32, #tpu.memory_space<vmem>>, vector<1x16xf32>,
      %get3A_756 = arith.index_cast %scan3A_723 : i32 to index
      %get3A_757 = arith.constant 48 : index
      %get3A_758 = tpu.vector_load %arg8[%get3A_756, %get3A_757] {strides = array<i32>} : memref<125x64xf32, #tpu.memory_space<vmem>>, vector<1x16xf32>,
      %get3A_759 = vector.shape_cast %get3A_758 : vector<1x16xf32> to vector<16xf32>
      %mul3A_760 = arith.mulf %get3A_759, %div3A : vector<16xf32>
      %swap3A_761 = arith.index_cast %scan3A_723 : i32 to index
      %swap3A_762 = arith.constant 48 : index
      %swap3A_763 = tpu.vector_load %arg10[%swap3A_761, %swap3A_762] {strides = array<i32>} : memref<125x64xf32, #tpu.memory_space<vmem>>, vector<1x16xf32>,
      %swap3A_764 = vector.shape_cast %swap3A_763 : vector<1x16xf32> to vector<16xf32>
      %swap3A_765 = vector.shape_cast %mul3A_760 : vector<16xf32> to vector<1x16xf32>
      tpu.vector_store %arg10[%swap3A_761, %swap3A_762], %swap3A_765 {strides = array<i32>} : memref<125x64xf32, #tpu.memory_space<vmem>>, vector<1x16xf32>,
    }
    %scan3A_622 = arith.constant 125 : i32
    %run_scoped3A = arith.constant 0 : i32
    "tpu.region"() ({
      %run_scoped3A_723 = tpu.sem_alloc : memref<!tpu.dma_semaphore, #tpu.memory_space<semaphore_mem>>
      %dma_start3A_724 = tpu.memref_slice %arg4[%run_scoped3A, %add3A_600, %mul3A_0] : memref<1x10000x128xf32, #tpu.memory_space<hbm>> -> memref<1x125x64xf32, #tpu.memory_space<hbm>>
      %dma_start3A_725 = tpu.memref_squeeze %dma_start3A_724 : memref<1x125x64xf32, #tpu.memory_space<hbm>> -> memref<125x64xf32, #tpu.memory_space<hbm>>
      %dma_start3A_726 = tpu.memref_slice %arg4[%run_scoped3A, %add3A_600, %mul3A_0] : memref<1x10000x128xf32, #tpu.memory_space<hbm>> -> memref<1x125x64xf32, #tpu.memory_space<hbm>>
      %dma_start3A_727 = tpu.memref_squeeze %dma_start3A_726 : memref<1x125x64xf32, #tpu.memory_space<hbm>> -> memref<125x64xf32, #tpu.memory_space<hbm>>
      tpu.enqueue_dma source(%arg10 : memref<125x64xf32, #tpu.memory_space<vmem>>) target(%dma_start3A_727 : memref<125x64xf32, #tpu.memory_space<hbm>>) target_semaphore(%run_scoped3A_723 : memref<!tpu.dma_semaphore, #tpu.memory_space<semaphore_mem>>)
      %dma_wait3A_728 = tpu.memref_slice %arg4[%run_scoped3A, %add3A_600, %mul3A_0] : memref<1x10000x128xf32, #tpu.memory_space<hbm>> -> memref<1x125x64xf32, #tpu.memory_space<hbm>>
      %dma_wait3A_729 = tpu.memref_squeeze %dma_wait3A_728 : memref<1x125x64xf32, #tpu.memory_space<hbm>> -> memref<125x64xf32, #tpu.memory_space<hbm>>
      %dma_wait3A_730 = tpu.memref_slice %arg4[%run_scoped3A, %add3A_600, %mul3A_0] : memref<1x10000x128xf32, #tpu.memory_space<hbm>> -> memref<1x125x64xf32, #tpu.memory_space<hbm>>
      %dma_wait3A_731 = tpu.memref_squeeze %dma_wait3A_730 : memref<1x125x64xf32, #tpu.memory_space<hbm>> -> memref<125x64xf32, #tpu.memory_space<hbm>>
      tpu.wait_dma2 semaphore(%run_scoped3A_723 : memref<!tpu.dma_semaphore, #tpu.memory_space<semaphore_mem>>) src(%arg10 : memref<125x64xf32, #tpu.memory_space<vmem>>) dst(%dma_wait3A_731 : memref<125x64xf32, #tpu.memory_space<hbm>>)
      tpu.yield
    }) : () -> ()
    %add3A_623 = arith.constant 125 : i32
    %add3A_624 = arith.addi %mul3A_2, %add3A_623 : i32
    %dma_start3A_625 = arith.constant 0 : i32
    %dma_start3A_626 = tpu.memref_slice %arg16[%add3A_624, %dma_start3A_625] : memref<10000x64xf32, #tpu.memory_space<vmem_shared>> -> memref<125x64xf32, #tpu.memory_space<vmem_shared>>
    %dma_start3A_627 = arith.constant 0 : i32
    %dma_start3A_628 = tpu.memref_slice %arg16[%add3A_624, %dma_start3A_627] : memref<10000x64xf32, #tpu.memory_space<vmem_shared>> -> memref<125x64xf32, #tpu.memory_space<vmem_shared>>
    tpu.enqueue_dma source(%dma_start3A_628 : memref<125x64xf32, #tpu.memory_space<vmem_shared>>) target(%arg8 : memref<125x64xf32, #tpu.memory_space<vmem>>) target_semaphore(%arg15 : memref<!tpu.dma_semaphore, #tpu.memory_space<semaphore_mem>>)
    %dma_start3A_629 = arith.constant 0 : i32
    %dma_start3A_630 = tpu.memref_slice %arg17[%add3A_624, %dma_start3A_629] : memref<10000x16xf32, #tpu.memory_space<vmem_shared>> -> memref<125x16xf32, #tpu.memory_space<vmem_shared>>
    %dma_start3A_631 = arith.constant 0 : i32
    %dma_start3A_632 = tpu.memref_slice %arg17[%add3A_624, %dma_start3A_631] : memref<10000x16xf32, #tpu.memory_space<vmem_shared>> -> memref<125x16xf32, #tpu.memory_space<vmem_shared>>
    tpu.enqueue_dma source(%dma_start3A_632 : memref<125x16xf32, #tpu.memory_space<vmem_shared>>) target(%arg9 : memref<125x16xf32, #tpu.memory_space<vmem>>) target_semaphore(%arg15 : memref<!tpu.dma_semaphore, #tpu.memory_space<semaphore_mem>>)
    %dma_wait3A_633 = arith.constant 0 : i32
    %dma_wait3A_634 = tpu.memref_slice %arg16[%add3A_624, %dma_wait3A_633] : memref<10000x64xf32, #tpu.memory_space<vmem_shared>> -> memref<125x64xf32, #tpu.memory_space<vmem_shared>>
    %dma_wait3A_635 = arith.constant 0 : i32
    %dma_wait3A_636 = tpu.memref_slice %arg16[%add3A_624, %dma_wait3A_635] : memref<10000x64xf32, #tpu.memory_space<vmem_shared>> -> memref<125x64xf32, #tpu.memory_space<vmem_shared>>
    tpu.wait_dma2 semaphore(%arg15 : memref<!tpu.dma_semaphore, #tpu.memory_space<semaphore_mem>>) src(%dma_wait3A_636 : memref<125x64xf32, #tpu.memory_space<vmem_shared>>) dst(%arg8 : memref<125x64xf32, #tpu.memory_space<vmem>>)
    %dma_wait3A_637 = arith.constant 0 : i32
    %dma_wait3A_638 = tpu.memref_slice %arg17[%add3A_624, %dma_wait3A_637] : memref<10000x16xf32, #tpu.memory_space<vmem_shared>> -> memref<125x16xf32, #tpu.memory_space<vmem_shared>>
    %dma_wait3A_639 = arith.constant 0 : i32
    %dma_wait3A_640 = tpu.memref_slice %arg17[%add3A_624, %dma_wait3A_639] : memref<10000x16xf32, #tpu.memory_space<vmem_shared>> -> memref<125x16xf32, #tpu.memory_space<vmem_shared>>
    tpu.wait_dma2 semaphore(%arg15 : memref<!tpu.dma_semaphore, #tpu.memory_space<semaphore_mem>>) src(%dma_wait3A_640 : memref<125x16xf32, #tpu.memory_space<vmem_shared>>) dst(%arg9 : memref<125x16xf32, #tpu.memory_space<vmem>>)
    %scan3A_641 = arith.constant 0 : i32
    %scan3A_642 = arith.constant 0 : i32
    %scan3A_643 = arith.constant 125 : i32
    %scan3A_644 = arith.addi %scan3A_642, %scan3A_643 : i32
    %scan3A_645 = arith.constant 1 : i32
    scf.for %scan3A_723 = %scan3A_642 to %scan3A_644 step %scan3A_645  : i32 {
      %get3A = arith.index_cast %scan3A_723 : i32 to index
      %get3A_724 = arith.constant 0 : index
      %get3A_725 = tpu.vector_load %arg9[%get3A, %get3A_724] {strides = array<i32>} : memref<125x16xf32, #tpu.memory_space<vmem>>, vector<1x16xf32>,
      %get3A_726 = vector.shape_cast %get3A_725 : vector<1x16xf32> to vector<16xf32>
      %max3A = arith.maximumf %get3A_726, %broadcast_in_dim3A_5 : vector<16xf32>
      %div3A = arith.divf %broadcast_in_dim3A_5, %max3A : vector<16xf32>
      %get3A_727 = arith.index_cast %scan3A_723 : i32 to index
      %get3A_728 = arith.constant 0 : index
      %get3A_729 = tpu.vector_load %arg8[%get3A_727, %get3A_728] {strides = array<i32>} : memref<125x64xf32, #tpu.memory_space<vmem>>, vector<1x16xf32>,
      %get3A_730 = vector.shape_cast %get3A_729 : vector<1x16xf32> to vector<16xf32>
      %mul3A_731 = arith.mulf %get3A_730, %div3A : vector<16xf32>
      %swap3A = arith.index_cast %scan3A_723 : i32 to index
      %swap3A_732 = arith.constant 0 : index
      %swap3A_733 = tpu.vector_load %arg10[%swap3A, %swap3A_732] {strides = array<i32>} : memref<125x64xf32, #tpu.memory_space<vmem>>, vector<1x16xf32>,
      %swap3A_734 = vector.shape_cast %swap3A_733 : vector<1x16xf32> to vector<16xf32>
      %swap3A_735 = vector.shape_cast %mul3A_731 : vector<16xf32> to vector<1x16xf32>
      tpu.vector_store %arg10[%swap3A, %swap3A_732], %swap3A_735 {strides = array<i32>} : memref<125x64xf32, #tpu.memory_space<vmem>>, vector<1x16xf32>,
      %get3A_736 = arith.index_cast %scan3A_723 : i32 to index
      %get3A_737 = arith.constant 16 : index
      %get3A_738 = tpu.vector_load %arg8[%get3A_736, %get3A_737] {strides = array<i32>} : memref<125x64xf32, #tpu.memory_space<vmem>>, vector<1x16xf32>,
      %get3A_739 = vector.shape_cast %get3A_738 : vector<1x16xf32> to vector<16xf32>
      %mul3A_740 = arith.mulf %get3A_739, %div3A : vector<16xf32>
      %swap3A_741 = arith.index_cast %scan3A_723 : i32 to index
      %swap3A_742 = arith.constant 16 : index
      %swap3A_743 = tpu.vector_load %arg10[%swap3A_741, %swap3A_742] {strides = array<i32>} : memref<125x64xf32, #tpu.memory_space<vmem>>, vector<1x16xf32>,
      %swap3A_744 = vector.shape_cast %swap3A_743 : vector<1x16xf32> to vector<16xf32>
      %swap3A_745 = vector.shape_cast %mul3A_740 : vector<16xf32> to vector<1x16xf32>
      tpu.vector_store %arg10[%swap3A_741, %swap3A_742], %swap3A_745 {strides = array<i32>} : memref<125x64xf32, #tpu.memory_space<vmem>>, vector<1x16xf32>,
      %get3A_746 = arith.index_cast %scan3A_723 : i32 to index
      %get3A_747 = arith.constant 32 : index
      %get3A_748 = tpu.vector_load %arg8[%get3A_746, %get3A_747] {strides = array<i32>} : memref<125x64xf32, #tpu.memory_space<vmem>>, vector<1x16xf32>,
      %get3A_749 = vector.shape_cast %get3A_748 : vector<1x16xf32> to vector<16xf32>
      %mul3A_750 = arith.mulf %get3A_749, %div3A : vector<16xf32>
      %swap3A_751 = arith.index_cast %scan3A_723 : i32 to index
      %swap3A_752 = arith.constant 32 : index
      %swap3A_753 = tpu.vector_load %arg10[%swap3A_751, %swap3A_752] {strides = array<i32>} : memref<125x64xf32, #tpu.memory_space<vmem>>, vector<1x16xf32>,
      %swap3A_754 = vector.shape_cast %swap3A_753 : vector<1x16xf32> to vector<16xf32>
      %swap3A_755 = vector.shape_cast %mul3A_750 : vector<16xf32> to vector<1x16xf32>
      tpu.vector_store %arg10[%swap3A_751, %swap3A_752], %swap3A_755 {strides = array<i32>} : memref<125x64xf32, #tpu.memory_space<vmem>>, vector<1x16xf32>,
      %get3A_756 = arith.index_cast %scan3A_723 : i32 to index
      %get3A_757 = arith.constant 48 : index
      %get3A_758 = tpu.vector_load %arg8[%get3A_756, %get3A_757] {strides = array<i32>} : memref<125x64xf32, #tpu.memory_space<vmem>>, vector<1x16xf32>,
      %get3A_759 = vector.shape_cast %get3A_758 : vector<1x16xf32> to vector<16xf32>
      %mul3A_760 = arith.mulf %get3A_759, %div3A : vector<16xf32>
      %swap3A_761 = arith.index_cast %scan3A_723 : i32 to index
      %swap3A_762 = arith.constant 48 : index
      %swap3A_763 = tpu.vector_load %arg10[%swap3A_761, %swap3A_762] {strides = array<i32>} : memref<125x64xf32, #tpu.memory_space<vmem>>, vector<1x16xf32>,
      %swap3A_764 = vector.shape_cast %swap3A_763 : vector<1x16xf32> to vector<16xf32>
      %swap3A_765 = vector.shape_cast %mul3A_760 : vector<16xf32> to vector<1x16xf32>
      tpu.vector_store %arg10[%swap3A_761, %swap3A_762], %swap3A_765 {strides = array<i32>} : memref<125x64xf32, #tpu.memory_space<vmem>>, vector<1x16xf32>,
    }
    %scan3A_646 = arith.constant 125 : i32
    %run_scoped3A_647 = arith.constant 0 : i32
    "tpu.region"() ({
      %run_scoped3A_723 = tpu.sem_alloc : memref<!tpu.dma_semaphore, #tpu.memory_space<semaphore_mem>>
      %dma_start3A_724 = tpu.memref_slice %arg4[%run_scoped3A_647, %add3A_624, %mul3A_0] : memref<1x10000x128xf32, #tpu.memory_space<hbm>> -> memref<1x125x64xf32, #tpu.memory_space<hbm>>
      %dma_start3A_725 = tpu.memref_squeeze %dma_start3A_724 : memref<1x125x64xf32, #tpu.memory_space<hbm>> -> memref<125x64xf32, #tpu.memory_space<hbm>>
      %dma_start3A_726 = tpu.memref_slice %arg4[%run_scoped3A_647, %add3A_624, %mul3A_0] : memref<1x10000x128xf32, #tpu.memory_space<hbm>> -> memref<1x125x64xf32, #tpu.memory_space<hbm>>
      %dma_start3A_727 = tpu.memref_squeeze %dma_start3A_726 : memref<1x125x64xf32, #tpu.memory_space<hbm>> -> memref<125x64xf32, #tpu.memory_space<hbm>>
      tpu.enqueue_dma source(%arg10 : memref<125x64xf32, #tpu.memory_space<vmem>>) target(%dma_start3A_727 : memref<125x64xf32, #tpu.memory_space<hbm>>) target_semaphore(%run_scoped3A_723 : memref<!tpu.dma_semaphore, #tpu.memory_space<semaphore_mem>>)
      %dma_wait3A_728 = tpu.memref_slice %arg4[%run_scoped3A_647, %add3A_624, %mul3A_0] : memref<1x10000x128xf32, #tpu.memory_space<hbm>> -> memref<1x125x64xf32, #tpu.memory_space<hbm>>
      %dma_wait3A_729 = tpu.memref_squeeze %dma_wait3A_728 : memref<1x125x64xf32, #tpu.memory_space<hbm>> -> memref<125x64xf32, #tpu.memory_space<hbm>>
      %dma_wait3A_730 = tpu.memref_slice %arg4[%run_scoped3A_647, %add3A_624, %mul3A_0] : memref<1x10000x128xf32, #tpu.memory_space<hbm>> -> memref<1x125x64xf32, #tpu.memory_space<hbm>>
      %dma_wait3A_731 = tpu.memref_squeeze %dma_wait3A_730 : memref<1x125x64xf32, #tpu.memory_space<hbm>> -> memref<125x64xf32, #tpu.memory_space<hbm>>
      tpu.wait_dma2 semaphore(%run_scoped3A_723 : memref<!tpu.dma_semaphore, #tpu.memory_space<semaphore_mem>>) src(%arg10 : memref<125x64xf32, #tpu.memory_space<vmem>>) dst(%dma_wait3A_731 : memref<125x64xf32, #tpu.memory_space<hbm>>)
      tpu.yield
    }) : () -> ()
    %add3A_648 = arith.constant 250 : i32
    %add3A_649 = arith.addi %mul3A_2, %add3A_648 : i32
    %dma_start3A_650 = arith.constant 0 : i32
    %dma_start3A_651 = tpu.memref_slice %arg16[%add3A_649, %dma_start3A_650] : memref<10000x64xf32, #tpu.memory_space<vmem_shared>> -> memref<125x64xf32, #tpu.memory_space<vmem_shared>>
    %dma_start3A_652 = arith.constant 0 : i32
    %dma_start3A_653 = tpu.memref_slice %arg16[%add3A_649, %dma_start3A_652] : memref<10000x64xf32, #tpu.memory_space<vmem_shared>> -> memref<125x64xf32, #tpu.memory_space<vmem_shared>>
    tpu.enqueue_dma source(%dma_start3A_653 : memref<125x64xf32, #tpu.memory_space<vmem_shared>>) target(%arg8 : memref<125x64xf32, #tpu.memory_space<vmem>>) target_semaphore(%arg15 : memref<!tpu.dma_semaphore, #tpu.memory_space<semaphore_mem>>)
    %dma_start3A_654 = arith.constant 0 : i32
    %dma_start3A_655 = tpu.memref_slice %arg17[%add3A_649, %dma_start3A_654] : memref<10000x16xf32, #tpu.memory_space<vmem_shared>> -> memref<125x16xf32, #tpu.memory_space<vmem_shared>>
    %dma_start3A_656 = arith.constant 0 : i32
    %dma_start3A_657 = tpu.memref_slice %arg17[%add3A_649, %dma_start3A_656] : memref<10000x16xf32, #tpu.memory_space<vmem_shared>> -> memref<125x16xf32, #tpu.memory_space<vmem_shared>>
    tpu.enqueue_dma source(%dma_start3A_657 : memref<125x16xf32, #tpu.memory_space<vmem_shared>>) target(%arg9 : memref<125x16xf32, #tpu.memory_space<vmem>>) target_semaphore(%arg15 : memref<!tpu.dma_semaphore, #tpu.memory_space<semaphore_mem>>)
    %dma_wait3A_658 = arith.constant 0 : i32
    %dma_wait3A_659 = tpu.memref_slice %arg16[%add3A_649, %dma_wait3A_658] : memref<10000x64xf32, #tpu.memory_space<vmem_shared>> -> memref<125x64xf32, #tpu.memory_space<vmem_shared>>
    %dma_wait3A_660 = arith.constant 0 : i32
    %dma_wait3A_661 = tpu.memref_slice %arg16[%add3A_649, %dma_wait3A_660] : memref<10000x64xf32, #tpu.memory_space<vmem_shared>> -> memref<125x64xf32, #tpu.memory_space<vmem_shared>>
    tpu.wait_dma2 semaphore(%arg15 : memref<!tpu.dma_semaphore, #tpu.memory_space<semaphore_mem>>) src(%dma_wait3A_661 : memref<125x64xf32, #tpu.memory_space<vmem_shared>>) dst(%arg8 : memref<125x64xf32, #tpu.memory_space<vmem>>)
    %dma_wait3A_662 = arith.constant 0 : i32
    %dma_wait3A_663 = tpu.memref_slice %arg17[%add3A_649, %dma_wait3A_662] : memref<10000x16xf32, #tpu.memory_space<vmem_shared>> -> memref<125x16xf32, #tpu.memory_space<vmem_shared>>
    %dma_wait3A_664 = arith.constant 0 : i32
    %dma_wait3A_665 = tpu.memref_slice %arg17[%add3A_649, %dma_wait3A_664] : memref<10000x16xf32, #tpu.memory_space<vmem_shared>> -> memref<125x16xf32, #tpu.memory_space<vmem_shared>>
    tpu.wait_dma2 semaphore(%arg15 : memref<!tpu.dma_semaphore, #tpu.memory_space<semaphore_mem>>) src(%dma_wait3A_665 : memref<125x16xf32, #tpu.memory_space<vmem_shared>>) dst(%arg9 : memref<125x16xf32, #tpu.memory_space<vmem>>)
    %scan3A_666 = arith.constant 0 : i32
    %scan3A_667 = arith.constant 0 : i32
    %scan3A_668 = arith.constant 125 : i32
    %scan3A_669 = arith.addi %scan3A_667, %scan3A_668 : i32
    %scan3A_670 = arith.constant 1 : i32
    scf.for %scan3A_723 = %scan3A_667 to %scan3A_669 step %scan3A_670  : i32 {
      %get3A = arith.index_cast %scan3A_723 : i32 to index
      %get3A_724 = arith.constant 0 : index
      %get3A_725 = tpu.vector_load %arg9[%get3A, %get3A_724] {strides = array<i32>} : memref<125x16xf32, #tpu.memory_space<vmem>>, vector<1x16xf32>,
      %get3A_726 = vector.shape_cast %get3A_725 : vector<1x16xf32> to vector<16xf32>
      %max3A = arith.maximumf %get3A_726, %broadcast_in_dim3A_5 : vector<16xf32>
      %div3A = arith.divf %broadcast_in_dim3A_5, %max3A : vector<16xf32>
      %get3A_727 = arith.index_cast %scan3A_723 : i32 to index
      %get3A_728 = arith.constant 0 : index
      %get3A_729 = tpu.vector_load %arg8[%get3A_727, %get3A_728] {strides = array<i32>} : memref<125x64xf32, #tpu.memory_space<vmem>>, vector<1x16xf32>,
      %get3A_730 = vector.shape_cast %get3A_729 : vector<1x16xf32> to vector<16xf32>
      %mul3A_731 = arith.mulf %get3A_730, %div3A : vector<16xf32>
      %swap3A = arith.index_cast %scan3A_723 : i32 to index
      %swap3A_732 = arith.constant 0 : index
      %swap3A_733 = tpu.vector_load %arg10[%swap3A, %swap3A_732] {strides = array<i32>} : memref<125x64xf32, #tpu.memory_space<vmem>>, vector<1x16xf32>,
      %swap3A_734 = vector.shape_cast %swap3A_733 : vector<1x16xf32> to vector<16xf32>
      %swap3A_735 = vector.shape_cast %mul3A_731 : vector<16xf32> to vector<1x16xf32>
      tpu.vector_store %arg10[%swap3A, %swap3A_732], %swap3A_735 {strides = array<i32>} : memref<125x64xf32, #tpu.memory_space<vmem>>, vector<1x16xf32>,
      %get3A_736 = arith.index_cast %scan3A_723 : i32 to index
      %get3A_737 = arith.constant 16 : index
      %get3A_738 = tpu.vector_load %arg8[%get3A_736, %get3A_737] {strides = array<i32>} : memref<125x64xf32, #tpu.memory_space<vmem>>, vector<1x16xf32>,
      %get3A_739 = vector.shape_cast %get3A_738 : vector<1x16xf32> to vector<16xf32>
      %mul3A_740 = arith.mulf %get3A_739, %div3A : vector<16xf32>
      %swap3A_741 = arith.index_cast %scan3A_723 : i32 to index
      %swap3A_742 = arith.constant 16 : index
      %swap3A_743 = tpu.vector_load %arg10[%swap3A_741, %swap3A_742] {strides = array<i32>} : memref<125x64xf32, #tpu.memory_space<vmem>>, vector<1x16xf32>,
      %swap3A_744 = vector.shape_cast %swap3A_743 : vector<1x16xf32> to vector<16xf32>
      %swap3A_745 = vector.shape_cast %mul3A_740 : vector<16xf32> to vector<1x16xf32>
      tpu.vector_store %arg10[%swap3A_741, %swap3A_742], %swap3A_745 {strides = array<i32>} : memref<125x64xf32, #tpu.memory_space<vmem>>, vector<1x16xf32>,
      %get3A_746 = arith.index_cast %scan3A_723 : i32 to index
      %get3A_747 = arith.constant 32 : index
      %get3A_748 = tpu.vector_load %arg8[%get3A_746, %get3A_747] {strides = array<i32>} : memref<125x64xf32, #tpu.memory_space<vmem>>, vector<1x16xf32>,
      %get3A_749 = vector.shape_cast %get3A_748 : vector<1x16xf32> to vector<16xf32>
      %mul3A_750 = arith.mulf %get3A_749, %div3A : vector<16xf32>
      %swap3A_751 = arith.index_cast %scan3A_723 : i32 to index
      %swap3A_752 = arith.constant 32 : index
      %swap3A_753 = tpu.vector_load %arg10[%swap3A_751, %swap3A_752] {strides = array<i32>} : memref<125x64xf32, #tpu.memory_space<vmem>>, vector<1x16xf32>,
      %swap3A_754 = vector.shape_cast %swap3A_753 : vector<1x16xf32> to vector<16xf32>
      %swap3A_755 = vector.shape_cast %mul3A_750 : vector<16xf32> to vector<1x16xf32>
      tpu.vector_store %arg10[%swap3A_751, %swap3A_752], %swap3A_755 {strides = array<i32>} : memref<125x64xf32, #tpu.memory_space<vmem>>, vector<1x16xf32>,
      %get3A_756 = arith.index_cast %scan3A_723 : i32 to index
      %get3A_757 = arith.constant 48 : index
      %get3A_758 = tpu.vector_load %arg8[%get3A_756, %get3A_757] {strides = array<i32>} : memref<125x64xf32, #tpu.memory_space<vmem>>, vector<1x16xf32>,
      %get3A_759 = vector.shape_cast %get3A_758 : vector<1x16xf32> to vector<16xf32>
      %mul3A_760 = arith.mulf %get3A_759, %div3A : vector<16xf32>
      %swap3A_761 = arith.index_cast %scan3A_723 : i32 to index
      %swap3A_762 = arith.constant 48 : index
      %swap3A_763 = tpu.vector_load %arg10[%swap3A_761, %swap3A_762] {strides = array<i32>} : memref<125x64xf32, #tpu.memory_space<vmem>>, vector<1x16xf32>,
      %swap3A_764 = vector.shape_cast %swap3A_763 : vector<1x16xf32> to vector<16xf32>
      %swap3A_765 = vector.shape_cast %mul3A_760 : vector<16xf32> to vector<1x16xf32>
      tpu.vector_store %arg10[%swap3A_761, %swap3A_762], %swap3A_765 {strides = array<i32>} : memref<125x64xf32, #tpu.memory_space<vmem>>, vector<1x16xf32>,
    }
    %scan3A_671 = arith.constant 125 : i32
    %run_scoped3A_672 = arith.constant 0 : i32
    "tpu.region"() ({
      %run_scoped3A_723 = tpu.sem_alloc : memref<!tpu.dma_semaphore, #tpu.memory_space<semaphore_mem>>
      %dma_start3A_724 = tpu.memref_slice %arg4[%run_scoped3A_672, %add3A_649, %mul3A_0] : memref<1x10000x128xf32, #tpu.memory_space<hbm>> -> memref<1x125x64xf32, #tpu.memory_space<hbm>>
      %dma_start3A_725 = tpu.memref_squeeze %dma_start3A_724 : memref<1x125x64xf32, #tpu.memory_space<hbm>> -> memref<125x64xf32, #tpu.memory_space<hbm>>
      %dma_start3A_726 = tpu.memref_slice %arg4[%run_scoped3A_672, %add3A_649, %mul3A_0] : memref<1x10000x128xf32, #tpu.memory_space<hbm>> -> memref<1x125x64xf32, #tpu.memory_space<hbm>>
      %dma_start3A_727 = tpu.memref_squeeze %dma_start3A_726 : memref<1x125x64xf32, #tpu.memory_space<hbm>> -> memref<125x64xf32, #tpu.memory_space<hbm>>
      tpu.enqueue_dma source(%arg10 : memref<125x64xf32, #tpu.memory_space<vmem>>) target(%dma_start3A_727 : memref<125x64xf32, #tpu.memory_space<hbm>>) target_semaphore(%run_scoped3A_723 : memref<!tpu.dma_semaphore, #tpu.memory_space<semaphore_mem>>)
      %dma_wait3A_728 = tpu.memref_slice %arg4[%run_scoped3A_672, %add3A_649, %mul3A_0] : memref<1x10000x128xf32, #tpu.memory_space<hbm>> -> memref<1x125x64xf32, #tpu.memory_space<hbm>>
      %dma_wait3A_729 = tpu.memref_squeeze %dma_wait3A_728 : memref<1x125x64xf32, #tpu.memory_space<hbm>> -> memref<125x64xf32, #tpu.memory_space<hbm>>
      %dma_wait3A_730 = tpu.memref_slice %arg4[%run_scoped3A_672, %add3A_649, %mul3A_0] : memref<1x10000x128xf32, #tpu.memory_space<hbm>> -> memref<1x125x64xf32, #tpu.memory_space<hbm>>
      %dma_wait3A_731 = tpu.memref_squeeze %dma_wait3A_730 : memref<1x125x64xf32, #tpu.memory_space<hbm>> -> memref<125x64xf32, #tpu.memory_space<hbm>>
      tpu.wait_dma2 semaphore(%run_scoped3A_723 : memref<!tpu.dma_semaphore, #tpu.memory_space<semaphore_mem>>) src(%arg10 : memref<125x64xf32, #tpu.memory_space<vmem>>) dst(%dma_wait3A_731 : memref<125x64xf32, #tpu.memory_space<hbm>>)
      tpu.yield
    }) : () -> ()
    %add3A_673 = arith.constant 375 : i32
    %add3A_674 = arith.addi %mul3A_2, %add3A_673 : i32
    %dma_start3A_675 = arith.constant 0 : i32
    %dma_start3A_676 = tpu.memref_slice %arg16[%add3A_674, %dma_start3A_675] : memref<10000x64xf32, #tpu.memory_space<vmem_shared>> -> memref<125x64xf32, #tpu.memory_space<vmem_shared>>
    %dma_start3A_677 = arith.constant 0 : i32
    %dma_start3A_678 = tpu.memref_slice %arg16[%add3A_674, %dma_start3A_677] : memref<10000x64xf32, #tpu.memory_space<vmem_shared>> -> memref<125x64xf32, #tpu.memory_space<vmem_shared>>
    tpu.enqueue_dma source(%dma_start3A_678 : memref<125x64xf32, #tpu.memory_space<vmem_shared>>) target(%arg8 : memref<125x64xf32, #tpu.memory_space<vmem>>) target_semaphore(%arg15 : memref<!tpu.dma_semaphore, #tpu.memory_space<semaphore_mem>>)
    %dma_start3A_679 = arith.constant 0 : i32
    %dma_start3A_680 = tpu.memref_slice %arg17[%add3A_674, %dma_start3A_679] : memref<10000x16xf32, #tpu.memory_space<vmem_shared>> -> memref<125x16xf32, #tpu.memory_space<vmem_shared>>
    %dma_start3A_681 = arith.constant 0 : i32
    %dma_start3A_682 = tpu.memref_slice %arg17[%add3A_674, %dma_start3A_681] : memref<10000x16xf32, #tpu.memory_space<vmem_shared>> -> memref<125x16xf32, #tpu.memory_space<vmem_shared>>
    tpu.enqueue_dma source(%dma_start3A_682 : memref<125x16xf32, #tpu.memory_space<vmem_shared>>) target(%arg9 : memref<125x16xf32, #tpu.memory_space<vmem>>) target_semaphore(%arg15 : memref<!tpu.dma_semaphore, #tpu.memory_space<semaphore_mem>>)
    %dma_wait3A_683 = arith.constant 0 : i32
    %dma_wait3A_684 = tpu.memref_slice %arg16[%add3A_674, %dma_wait3A_683] : memref<10000x64xf32, #tpu.memory_space<vmem_shared>> -> memref<125x64xf32, #tpu.memory_space<vmem_shared>>
    %dma_wait3A_685 = arith.constant 0 : i32
    %dma_wait3A_686 = tpu.memref_slice %arg16[%add3A_674, %dma_wait3A_685] : memref<10000x64xf32, #tpu.memory_space<vmem_shared>> -> memref<125x64xf32, #tpu.memory_space<vmem_shared>>
    tpu.wait_dma2 semaphore(%arg15 : memref<!tpu.dma_semaphore, #tpu.memory_space<semaphore_mem>>) src(%dma_wait3A_686 : memref<125x64xf32, #tpu.memory_space<vmem_shared>>) dst(%arg8 : memref<125x64xf32, #tpu.memory_space<vmem>>)
    %dma_wait3A_687 = arith.constant 0 : i32
    %dma_wait3A_688 = tpu.memref_slice %arg17[%add3A_674, %dma_wait3A_687] : memref<10000x16xf32, #tpu.memory_space<vmem_shared>> -> memref<125x16xf32, #tpu.memory_space<vmem_shared>>
    %dma_wait3A_689 = arith.constant 0 : i32
    %dma_wait3A_690 = tpu.memref_slice %arg17[%add3A_674, %dma_wait3A_689] : memref<10000x16xf32, #tpu.memory_space<vmem_shared>> -> memref<125x16xf32, #tpu.memory_space<vmem_shared>>
    tpu.wait_dma2 semaphore(%arg15 : memref<!tpu.dma_semaphore, #tpu.memory_space<semaphore_mem>>) src(%dma_wait3A_690 : memref<125x16xf32, #tpu.memory_space<vmem_shared>>) dst(%arg9 : memref<125x16xf32, #tpu.memory_space<vmem>>)
    %scan3A_691 = arith.constant 0 : i32
    %scan3A_692 = arith.constant 0 : i32
    %scan3A_693 = arith.constant 125 : i32
    %scan3A_694 = arith.addi %scan3A_692, %scan3A_693 : i32
    %scan3A_695 = arith.constant 1 : i32
    scf.for %scan3A_723 = %scan3A_692 to %scan3A_694 step %scan3A_695  : i32 {
      %get3A = arith.index_cast %scan3A_723 : i32 to index
      %get3A_724 = arith.constant 0 : index
      %get3A_725 = tpu.vector_load %arg9[%get3A, %get3A_724] {strides = array<i32>} : memref<125x16xf32, #tpu.memory_space<vmem>>, vector<1x16xf32>,
      %get3A_726 = vector.shape_cast %get3A_725 : vector<1x16xf32> to vector<16xf32>
      %max3A = arith.maximumf %get3A_726, %broadcast_in_dim3A_5 : vector<16xf32>
      %div3A = arith.divf %broadcast_in_dim3A_5, %max3A : vector<16xf32>
      %get3A_727 = arith.index_cast %scan3A_723 : i32 to index
      %get3A_728 = arith.constant 0 : index
      %get3A_729 = tpu.vector_load %arg8[%get3A_727, %get3A_728] {strides = array<i32>} : memref<125x64xf32, #tpu.memory_space<vmem>>, vector<1x16xf32>,
      %get3A_730 = vector.shape_cast %get3A_729 : vector<1x16xf32> to vector<16xf32>
      %mul3A_731 = arith.mulf %get3A_730, %div3A : vector<16xf32>
      %swap3A = arith.index_cast %scan3A_723 : i32 to index
      %swap3A_732 = arith.constant 0 : index
      %swap3A_733 = tpu.vector_load %arg10[%swap3A, %swap3A_732] {strides = array<i32>} : memref<125x64xf32, #tpu.memory_space<vmem>>, vector<1x16xf32>,
      %swap3A_734 = vector.shape_cast %swap3A_733 : vector<1x16xf32> to vector<16xf32>
      %swap3A_735 = vector.shape_cast %mul3A_731 : vector<16xf32> to vector<1x16xf32>
      tpu.vector_store %arg10[%swap3A, %swap3A_732], %swap3A_735 {strides = array<i32>} : memref<125x64xf32, #tpu.memory_space<vmem>>, vector<1x16xf32>,
      %get3A_736 = arith.index_cast %scan3A_723 : i32 to index
      %get3A_737 = arith.constant 16 : index
      %get3A_738 = tpu.vector_load %arg8[%get3A_736, %get3A_737] {strides = array<i32>} : memref<125x64xf32, #tpu.memory_space<vmem>>, vector<1x16xf32>,
      %get3A_739 = vector.shape_cast %get3A_738 : vector<1x16xf32> to vector<16xf32>
      %mul3A_740 = arith.mulf %get3A_739, %div3A : vector<16xf32>
      %swap3A_741 = arith.index_cast %scan3A_723 : i32 to index
      %swap3A_742 = arith.constant 16 : index
      %swap3A_743 = tpu.vector_load %arg10[%swap3A_741, %swap3A_742] {strides = array<i32>} : memref<125x64xf32, #tpu.memory_space<vmem>>, vector<1x16xf32>,
      %swap3A_744 = vector.shape_cast %swap3A_743 : vector<1x16xf32> to vector<16xf32>
      %swap3A_745 = vector.shape_cast %mul3A_740 : vector<16xf32> to vector<1x16xf32>
      tpu.vector_store %arg10[%swap3A_741, %swap3A_742], %swap3A_745 {strides = array<i32>} : memref<125x64xf32, #tpu.memory_space<vmem>>, vector<1x16xf32>,
      %get3A_746 = arith.index_cast %scan3A_723 : i32 to index
      %get3A_747 = arith.constant 32 : index
      %get3A_748 = tpu.vector_load %arg8[%get3A_746, %get3A_747] {strides = array<i32>} : memref<125x64xf32, #tpu.memory_space<vmem>>, vector<1x16xf32>,
      %get3A_749 = vector.shape_cast %get3A_748 : vector<1x16xf32> to vector<16xf32>
      %mul3A_750 = arith.mulf %get3A_749, %div3A : vector<16xf32>
      %swap3A_751 = arith.index_cast %scan3A_723 : i32 to index
      %swap3A_752 = arith.constant 32 : index
      %swap3A_753 = tpu.vector_load %arg10[%swap3A_751, %swap3A_752] {strides = array<i32>} : memref<125x64xf32, #tpu.memory_space<vmem>>, vector<1x16xf32>,
      %swap3A_754 = vector.shape_cast %swap3A_753 : vector<1x16xf32> to vector<16xf32>
      %swap3A_755 = vector.shape_cast %mul3A_750 : vector<16xf32> to vector<1x16xf32>
      tpu.vector_store %arg10[%swap3A_751, %swap3A_752], %swap3A_755 {strides = array<i32>} : memref<125x64xf32, #tpu.memory_space<vmem>>, vector<1x16xf32>,
      %get3A_756 = arith.index_cast %scan3A_723 : i32 to index
      %get3A_757 = arith.constant 48 : index
      %get3A_758 = tpu.vector_load %arg8[%get3A_756, %get3A_757] {strides = array<i32>} : memref<125x64xf32, #tpu.memory_space<vmem>>, vector<1x16xf32>,
      %get3A_759 = vector.shape_cast %get3A_758 : vector<1x16xf32> to vector<16xf32>
      %mul3A_760 = arith.mulf %get3A_759, %div3A : vector<16xf32>
      %swap3A_761 = arith.index_cast %scan3A_723 : i32 to index
      %swap3A_762 = arith.constant 48 : index
      %swap3A_763 = tpu.vector_load %arg10[%swap3A_761, %swap3A_762] {strides = array<i32>} : memref<125x64xf32, #tpu.memory_space<vmem>>, vector<1x16xf32>,
      %swap3A_764 = vector.shape_cast %swap3A_763 : vector<1x16xf32> to vector<16xf32>
      %swap3A_765 = vector.shape_cast %mul3A_760 : vector<16xf32> to vector<1x16xf32>
      tpu.vector_store %arg10[%swap3A_761, %swap3A_762], %swap3A_765 {strides = array<i32>} : memref<125x64xf32, #tpu.memory_space<vmem>>, vector<1x16xf32>,
    }
    %scan3A_696 = arith.constant 125 : i32
    %run_scoped3A_697 = arith.constant 0 : i32
    "tpu.region"() ({
      %run_scoped3A_723 = tpu.sem_alloc : memref<!tpu.dma_semaphore, #tpu.memory_space<semaphore_mem>>
      %dma_start3A_724 = tpu.memref_slice %arg4[%run_scoped3A_697, %add3A_674, %mul3A_0] : memref<1x10000x128xf32, #tpu.memory_space<hbm>> -> memref<1x125x64xf32, #tpu.memory_space<hbm>>
      %dma_start3A_725 = tpu.memref_squeeze %dma_start3A_724 : memref<1x125x64xf32, #tpu.memory_space<hbm>> -> memref<125x64xf32, #tpu.memory_space<hbm>>
      %dma_start3A_726 = tpu.memref_slice %arg4[%run_scoped3A_697, %add3A_674, %mul3A_0] : memref<1x10000x128xf32, #tpu.memory_space<hbm>> -> memref<1x125x64xf32, #tpu.memory_space<hbm>>
      %dma_start3A_727 = tpu.memref_squeeze %dma_start3A_726 : memref<1x125x64xf32, #tpu.memory_space<hbm>> -> memref<125x64xf32, #tpu.memory_space<hbm>>
      tpu.enqueue_dma source(%arg10 : memref<125x64xf32, #tpu.memory_space<vmem>>) target(%dma_start3A_727 : memref<125x64xf32, #tpu.memory_space<hbm>>) target_semaphore(%run_scoped3A_723 : memref<!tpu.dma_semaphore, #tpu.memory_space<semaphore_mem>>)
      %dma_wait3A_728 = tpu.memref_slice %arg4[%run_scoped3A_697, %add3A_674, %mul3A_0] : memref<1x10000x128xf32, #tpu.memory_space<hbm>> -> memref<1x125x64xf32, #tpu.memory_space<hbm>>
      %dma_wait3A_729 = tpu.memref_squeeze %dma_wait3A_728 : memref<1x125x64xf32, #tpu.memory_space<hbm>> -> memref<125x64xf32, #tpu.memory_space<hbm>>
      %dma_wait3A_730 = tpu.memref_slice %arg4[%run_scoped3A_697, %add3A_674, %mul3A_0] : memref<1x10000x128xf32, #tpu.memory_space<hbm>> -> memref<1x125x64xf32, #tpu.memory_space<hbm>>
      %dma_wait3A_731 = tpu.memref_squeeze %dma_wait3A_730 : memref<1x125x64xf32, #tpu.memory_space<hbm>> -> memref<125x64xf32, #tpu.memory_space<hbm>>
      tpu.wait_dma2 semaphore(%run_scoped3A_723 : memref<!tpu.dma_semaphore, #tpu.memory_space<semaphore_mem>>) src(%arg10 : memref<125x64xf32, #tpu.memory_space<vmem>>) dst(%dma_wait3A_731 : memref<125x64xf32, #tpu.memory_space<hbm>>)
      tpu.yield
    }) : () -> ()
    %add3A_698 = arith.constant 500 : i32
    %add3A_699 = arith.addi %mul3A_2, %add3A_698 : i32
    %dma_start3A_700 = arith.constant 0 : i32
    %dma_start3A_701 = tpu.memref_slice %arg16[%add3A_699, %dma_start3A_700] : memref<10000x64xf32, #tpu.memory_space<vmem_shared>> -> memref<125x64xf32, #tpu.memory_space<vmem_shared>>
    %dma_start3A_702 = arith.constant 0 : i32
    %dma_start3A_703 = tpu.memref_slice %arg16[%add3A_699, %dma_start3A_702] : memref<10000x64xf32, #tpu.memory_space<vmem_shared>> -> memref<125x64xf32, #tpu.memory_space<vmem_shared>>
    tpu.enqueue_dma source(%dma_start3A_703 : memref<125x64xf32, #tpu.memory_space<vmem_shared>>) target(%arg8 : memref<125x64xf32, #tpu.memory_space<vmem>>) target_semaphore(%arg15 : memref<!tpu.dma_semaphore, #tpu.memory_space<semaphore_mem>>)
    %dma_start3A_704 = arith.constant 0 : i32
    %dma_start3A_705 = tpu.memref_slice %arg17[%add3A_699, %dma_start3A_704] : memref<10000x16xf32, #tpu.memory_space<vmem_shared>> -> memref<125x16xf32, #tpu.memory_space<vmem_shared>>
    %dma_start3A_706 = arith.constant 0 : i32
    %dma_start3A_707 = tpu.memref_slice %arg17[%add3A_699, %dma_start3A_706] : memref<10000x16xf32, #tpu.memory_space<vmem_shared>> -> memref<125x16xf32, #tpu.memory_space<vmem_shared>>
    tpu.enqueue_dma source(%dma_start3A_707 : memref<125x16xf32, #tpu.memory_space<vmem_shared>>) target(%arg9 : memref<125x16xf32, #tpu.memory_space<vmem>>) target_semaphore(%arg15 : memref<!tpu.dma_semaphore, #tpu.memory_space<semaphore_mem>>)
    %dma_wait3A_708 = arith.constant 0 : i32
    %dma_wait3A_709 = tpu.memref_slice %arg16[%add3A_699, %dma_wait3A_708] : memref<10000x64xf32, #tpu.memory_space<vmem_shared>> -> memref<125x64xf32, #tpu.memory_space<vmem_shared>>
    %dma_wait3A_710 = arith.constant 0 : i32
    %dma_wait3A_711 = tpu.memref_slice %arg16[%add3A_699, %dma_wait3A_710] : memref<10000x64xf32, #tpu.memory_space<vmem_shared>> -> memref<125x64xf32, #tpu.memory_space<vmem_shared>>
    tpu.wait_dma2 semaphore(%arg15 : memref<!tpu.dma_semaphore, #tpu.memory_space<semaphore_mem>>) src(%dma_wait3A_711 : memref<125x64xf32, #tpu.memory_space<vmem_shared>>) dst(%arg8 : memref<125x64xf32, #tpu.memory_space<vmem>>)
    %dma_wait3A_712 = arith.constant 0 : i32
    %dma_wait3A_713 = tpu.memref_slice %arg17[%add3A_699, %dma_wait3A_712] : memref<10000x16xf32, #tpu.memory_space<vmem_shared>> -> memref<125x16xf32, #tpu.memory_space<vmem_shared>>
    %dma_wait3A_714 = arith.constant 0 : i32
    %dma_wait3A_715 = tpu.memref_slice %arg17[%add3A_699, %dma_wait3A_714] : memref<10000x16xf32, #tpu.memory_space<vmem_shared>> -> memref<125x16xf32, #tpu.memory_space<vmem_shared>>
    tpu.wait_dma2 semaphore(%arg15 : memref<!tpu.dma_semaphore, #tpu.memory_space<semaphore_mem>>) src(%dma_wait3A_715 : memref<125x16xf32, #tpu.memory_space<vmem_shared>>) dst(%arg9 : memref<125x16xf32, #tpu.memory_space<vmem>>)
    %scan3A_716 = arith.constant 0 : i32
    %scan3A_717 = arith.constant 0 : i32
    %scan3A_718 = arith.constant 125 : i32
    %scan3A_719 = arith.addi %scan3A_717, %scan3A_718 : i32
    %scan3A_720 = arith.constant 1 : i32
    scf.for %scan3A_723 = %scan3A_717 to %scan3A_719 step %scan3A_720  : i32 {
      %get3A = arith.index_cast %scan3A_723 : i32 to index
      %get3A_724 = arith.constant 0 : index
      %get3A_725 = tpu.vector_load %arg9[%get3A, %get3A_724] {strides = array<i32>} : memref<125x16xf32, #tpu.memory_space<vmem>>, vector<1x16xf32>,
      %get3A_726 = vector.shape_cast %get3A_725 : vector<1x16xf32> to vector<16xf32>
      %max3A = arith.maximumf %get3A_726, %broadcast_in_dim3A_5 : vector<16xf32>
      %div3A = arith.divf %broadcast_in_dim3A_5, %max3A : vector<16xf32>
      %get3A_727 = arith.index_cast %scan3A_723 : i32 to index
      %get3A_728 = arith.constant 0 : index
      %get3A_729 = tpu.vector_load %arg8[%get3A_727, %get3A_728] {strides = array<i32>} : memref<125x64xf32, #tpu.memory_space<vmem>>, vector<1x16xf32>,
      %get3A_730 = vector.shape_cast %get3A_729 : vector<1x16xf32> to vector<16xf32>
      %mul3A_731 = arith.mulf %get3A_730, %div3A : vector<16xf32>
      %swap3A = arith.index_cast %scan3A_723 : i32 to index
      %swap3A_732 = arith.constant 0 : index
      %swap3A_733 = tpu.vector_load %arg10[%swap3A, %swap3A_732] {strides = array<i32>} : memref<125x64xf32, #tpu.memory_space<vmem>>, vector<1x16xf32>,
      %swap3A_734 = vector.shape_cast %swap3A_733 : vector<1x16xf32> to vector<16xf32>
      %swap3A_735 = vector.shape_cast %mul3A_731 : vector<16xf32> to vector<1x16xf32>
      tpu.vector_store %arg10[%swap3A, %swap3A_732], %swap3A_735 {strides = array<i32>} : memref<125x64xf32, #tpu.memory_space<vmem>>, vector<1x16xf32>,
      %get3A_736 = arith.index_cast %scan3A_723 : i32 to index
      %get3A_737 = arith.constant 16 : index
      %get3A_738 = tpu.vector_load %arg8[%get3A_736, %get3A_737] {strides = array<i32>} : memref<125x64xf32, #tpu.memory_space<vmem>>, vector<1x16xf32>,
      %get3A_739 = vector.shape_cast %get3A_738 : vector<1x16xf32> to vector<16xf32>
      %mul3A_740 = arith.mulf %get3A_739, %div3A : vector<16xf32>
      %swap3A_741 = arith.index_cast %scan3A_723 : i32 to index
      %swap3A_742 = arith.constant 16 : index
      %swap3A_743 = tpu.vector_load %arg10[%swap3A_741, %swap3A_742] {strides = array<i32>} : memref<125x64xf32, #tpu.memory_space<vmem>>, vector<1x16xf32>,
      %swap3A_744 = vector.shape_cast %swap3A_743 : vector<1x16xf32> to vector<16xf32>
      %swap3A_745 = vector.shape_cast %mul3A_740 : vector<16xf32> to vector<1x16xf32>
      tpu.vector_store %arg10[%swap3A_741, %swap3A_742], %swap3A_745 {strides = array<i32>} : memref<125x64xf32, #tpu.memory_space<vmem>>, vector<1x16xf32>,
      %get3A_746 = arith.index_cast %scan3A_723 : i32 to index
      %get3A_747 = arith.constant 32 : index
      %get3A_748 = tpu.vector_load %arg8[%get3A_746, %get3A_747] {strides = array<i32>} : memref<125x64xf32, #tpu.memory_space<vmem>>, vector<1x16xf32>,
      %get3A_749 = vector.shape_cast %get3A_748 : vector<1x16xf32> to vector<16xf32>
      %mul3A_750 = arith.mulf %get3A_749, %div3A : vector<16xf32>
      %swap3A_751 = arith.index_cast %scan3A_723 : i32 to index
      %swap3A_752 = arith.constant 32 : index
      %swap3A_753 = tpu.vector_load %arg10[%swap3A_751, %swap3A_752] {strides = array<i32>} : memref<125x64xf32, #tpu.memory_space<vmem>>, vector<1x16xf32>,
      %swap3A_754 = vector.shape_cast %swap3A_753 : vector<1x16xf32> to vector<16xf32>
      %swap3A_755 = vector.shape_cast %mul3A_750 : vector<16xf32> to vector<1x16xf32>
      tpu.vector_store %arg10[%swap3A_751, %swap3A_752], %swap3A_755 {strides = array<i32>} : memref<125x64xf32, #tpu.memory_space<vmem>>, vector<1x16xf32>,
      %get3A_756 = arith.index_cast %scan3A_723 : i32 to index
      %get3A_757 = arith.constant 48 : index
      %get3A_758 = tpu.vector_load %arg8[%get3A_756, %get3A_757] {strides = array<i32>} : memref<125x64xf32, #tpu.memory_space<vmem>>, vector<1x16xf32>,
      %get3A_759 = vector.shape_cast %get3A_758 : vector<1x16xf32> to vector<16xf32>
      %mul3A_760 = arith.mulf %get3A_759, %div3A : vector<16xf32>
      %swap3A_761 = arith.index_cast %scan3A_723 : i32 to index
      %swap3A_762 = arith.constant 48 : index
      %swap3A_763 = tpu.vector_load %arg10[%swap3A_761, %swap3A_762] {strides = array<i32>} : memref<125x64xf32, #tpu.memory_space<vmem>>, vector<1x16xf32>,
      %swap3A_764 = vector.shape_cast %swap3A_763 : vector<1x16xf32> to vector<16xf32>
      %swap3A_765 = vector.shape_cast %mul3A_760 : vector<16xf32> to vector<1x16xf32>
      tpu.vector_store %arg10[%swap3A_761, %swap3A_762], %swap3A_765 {strides = array<i32>} : memref<125x64xf32, #tpu.memory_space<vmem>>, vector<1x16xf32>,
    }
    %scan3A_721 = arith.constant 125 : i32
    %run_scoped3A_722 = arith.constant 0 : i32
    "tpu.region"() ({
      %run_scoped3A_723 = tpu.sem_alloc : memref<!tpu.dma_semaphore, #tpu.memory_space<semaphore_mem>>
      %dma_start3A_724 = tpu.memref_slice %arg4[%run_scoped3A_722, %add3A_699, %mul3A_0] : memref<1x10000x128xf32, #tpu.memory_space<hbm>> -> memref<1x125x64xf32, #tpu.memory_space<hbm>>
      %dma_start3A_725 = tpu.memref_squeeze %dma_start3A_724 : memref<1x125x64xf32, #tpu.memory_space<hbm>> -> memref<125x64xf32, #tpu.memory_space<hbm>>
      %dma_start3A_726 = tpu.memref_slice %arg4[%run_scoped3A_722, %add3A_699, %mul3A_0] : memref<1x10000x128xf32, #tpu.memory_space<hbm>> -> memref<1x125x64xf32, #tpu.memory_space<hbm>>
      %dma_start3A_727 = tpu.memref_squeeze %dma_start3A_726 : memref<1x125x64xf32, #tpu.memory_space<hbm>> -> memref<125x64xf32, #tpu.memory_space<hbm>>
      tpu.enqueue_dma source(%arg10 : memref<125x64xf32, #tpu.memory_space<vmem>>) target(%dma_start3A_727 : memref<125x64xf32, #tpu.memory_space<hbm>>) target_semaphore(%run_scoped3A_723 : memref<!tpu.dma_semaphore, #tpu.memory_space<semaphore_mem>>)
      %dma_wait3A_728 = tpu.memref_slice %arg4[%run_scoped3A_722, %add3A_699, %mul3A_0] : memref<1x10000x128xf32, #tpu.memory_space<hbm>> -> memref<1x125x64xf32, #tpu.memory_space<hbm>>
      %dma_wait3A_729 = tpu.memref_squeeze %dma_wait3A_728 : memref<1x125x64xf32, #tpu.memory_space<hbm>> -> memref<125x64xf32, #tpu.memory_space<hbm>>
      %dma_wait3A_730 = tpu.memref_slice %arg4[%run_scoped3A_722, %add3A_699, %mul3A_0] : memref<1x10000x128xf32, #tpu.memory_space<hbm>> -> memref<1x125x64xf32, #tpu.memory_space<hbm>>
      %dma_wait3A_731 = tpu.memref_squeeze %dma_wait3A_730 : memref<1x125x64xf32, #tpu.memory_space<hbm>> -> memref<125x64xf32, #tpu.memory_space<hbm>>
      tpu.wait_dma2 semaphore(%run_scoped3A_723 : memref<!tpu.dma_semaphore, #tpu.memory_space<semaphore_mem>>) src(%arg10 : memref<125x64xf32, #tpu.memory_space<vmem>>) dst(%dma_wait3A_731 : memref<125x64xf32, #tpu.memory_space<hbm>>)
      tpu.yield
    }) : () -> ()
    return
  }
}

</mosaic_0001>

<sc_bundles>
// kernel: _sc_aggregate.3.cloned.1.call-start
scs
__scs_entry_jumppad:
0x0: {  	(pc) =	sbr.rel $0x88, $3  }
0x1: {  	(tag) =	ssettag $0x0;
	lr =	simm.s32 $0x1  }
0x2: {  	[smem:$0x3F9F] =	sst lr;
	_ =	strace $0xD0000000  }
0x3: {  	_ = 	snop  }
0x4: {  	_ = 	snop  }
0x5: {  	_ = 	snop  }
0x6: {  	_ = 	snop  }
0x7: {  	_ = 	snop  }
__scs_overlays_trampoline_lowered:
0x8: {  	[smem:$0x3FAE] =	sst s0  }
0x9: {  	[smem:$0x3FAF] =	sst s1  }
0xa: {  	[smem:$0x3FB0] =	sst s2  }
0xb: {  	[smem:$0x3FB1] =	sst s3  }
0xc: {  	[smem:$0x3FB2] =	sst s4  }
0xd: {  	[smem:$0x3FB3] =	sst s5  }
0xe: {  	[smem:$0x3FB4] =	sst s6  }
0xf: {  	[smem:$0x3FB5] =	sst s7  }
0x10: {  	[smem:$0x3FB6] =	sst s8  }
0x11: {  	[smem:$0x3FB7] =	sst s9;
	s0 =	simm.s32 @!p0 $0x0  }
0x12: {  	s1 =	sld [smem:$0x3F9D];
	s0 =	simm.s32 @p0 $0x1  }
0x13: {  	[smem:$0x3FB8] =	sst s0;
	s0 =	simm.s32 @!p1 $0x0  }
0x14: {  	s2 =	sld [smem:$0x3F9C];
	s0 =	simm.s32 @p1 $0x1  }
0x15: {  	[smem:$0x3FB9] =	sst s0;
	s0 =	simm.s32 @!p2 $0x0  }
0x16: {  	s3 =	sld [smem:$0x3FDB];
	s0 =	simm.s32 @p2 $0x1  }
0x17: {  	s4 =	simm.s32 $0x1BF5;
	[smem:$0x3FBB] =	sst s0  }
0x18: {  	s0 =	sld [smem:$0x3F9E];
	_ =	swait.ge [sflag:s4], $0x0  }
0x19: {  	s7 =	sld [smem:$0x3F9F]  }
0x1a: {  	s8 =	sadd.s32 $0xFFFFE003, lr  }
0x1b: {  	s9 =	sadd.s32 $0xFFFFFEF7, lr;
	s5 =	simm.s32 $0xFFFFFFFF;
	p2 =	slt.u32 s8, $0xFFFFF086  }
0x1c: {  	p1 =	slt.u32 s9, $0xF7A;
	s5 =	simm.s32 @!p2 $0x0  }
0x1d: {  	s5 =	simm.s32 @p1 $0x1;
	p0 =	seq.s32 s7, s2  }
0x1e: {  	s7 =	smul.u32 @!p0 $0xF7A, s2;
	p2 =	seq.s32 @!p0 s5, $0x0  }
0x1f: {  	s9 =	smul.u32 $0xF7A, s1;
	s8 =	simm.s32 @!p0 $0x1BF5;
	p2 =	por !p2, p0  }
0x20: {  	[sflag:s8] =	ssyncset.s32 @!p0 $0xFFFFF086;
	s6 =	sadd.s32 @!p0 s3, s7;
	s7 =	simm.s32 @!p0 $0x108  }
0x21: {  	s3 =	sadd.s32 s3, s9;
	s6 =	sadd.s32 @!p0 $0x88, s6;
	s7 =	simm.s32 @p2 $0x1082  }
0x22: {  	[simem:s7], [sflag:s8] =	dma.local @!p0 [hbm:s6], $0xF7A  }
0x23: {  	s9 =	sor.u32 $0xD0000000, s2;
	s6 =	simm.s32 $0x108;
	_ =	swait.ge @!p0 [sflag:s8], $0x0  }
0x24: {  	s3 =	sadd.s32 $0x88, s3;
	s6 =	simm.s32 @!p1 $0x1082;
	[sflag:s4] =	ssyncset.s32 $0xFFFFF086  }
0x25: {  	[simem:s6], [sflag:s4] =	dma.local [hbm:s3], $0xF7A  }
0x26: {  	[smem:$0x3F9F] =	sst s1;
	(tag) =	ssettag s2;
	_ =	strace s9  }
0x27: {  	s1 =	sld [smem:$0x3FAF]  }
0x28: {  	s2 =	sld [smem:$0x3FB0]  }
0x29: {  	s4 =	sld [smem:$0x3FB2]  }
0x2a: {  	p0 =	seq.s32 s5, $0x0;
	s5 =	sld [smem:$0x3FB3]  }
0x2b: {  	s6 =	sld [smem:$0x3FB4]  }
0x2c: {  	s7 =	sld [smem:$0x3FB5]  }
0x2d: {  	s3 =	simm.s32 $0x108;
	s8 =	sld [smem:$0x3FB6]  }
0x2e: {  	s3 =	simm.s32 @!p0 $0x1082;
	s9 =	sld [smem:$0x3FB7]  }
0x2f: {  	lr =	sadd.s32 s0, s3;
	s0 =	sld [smem:$0x3FAE]  }
0x30: {  	s3 =	sld [smem:$0x3FB1]  }
0x31: {  	[smem:$0x3FBA] =	sst s10  }
0x32: {  	s10 =	sld [smem:$0x3FB8];
	_ =	sdelay $0x3  }
0x33: {  	p0 =	seq.s32 s10, $0x1;
	s10 =	sld [smem:$0x3FBA];
	_ =	sdelay $0x3  }
0x34: {  	[smem:$0x3FBA] =	sst s10  }
0x35: {  	s10 =	sld [smem:$0x3FB9];
	_ =	sdelay $0x3  }
0x36: {  	p1 =	seq.s32 s10, $0x1;
	s10 =	sld [smem:$0x3FBA];
	_ =	sdelay $0x3  }
0x37: {  	[smem:$0x3FBA] =	sst s10  }
0x38: {  	s10 =	sld [smem:$0x3FBB]  }
0x39: {  	_ = 	snop;
	(pc) =	sbr.ind lr, $3  }
0x3a: {  	_ = 	snop  }
0x3b: {  	_ = 	snop  }
0x3c: {  	p2 =	seq.s32 s10, $0x1;
	s10 =	sld [smem:$0x3FBA]  }
0x3d: {  	_ =	shalt  }
0x3e: {  	_ =	shalt  }
0x3f: {  	_ =	shalt  }
0x40: {  	_ =	shalt  }
0x41: {  	_ =	shalt  }
0x42: {  	_ =	shalt  }
0x43: {  	_ =	shalt  }
0x44: {  	_ =	shalt  }
0x45: {  	_ =	shalt  }
0x46: {  	_ =	shalt  }
0x47: {  	_ =	shalt  }
0x48: {  	_ =	shalt  }
0x49: {  	_ =	shalt  }
0x4a: {  	_ =	shalt  }
0x4b: {  	_ =	shalt  }
0x4c: {  	_ =	shalt  }
0x4d: {  	_ =	shalt  }
0x4e: {  	_ =	shalt  }
0x4f: {  	_ =	shalt  }
0x50: {  	_ =	shalt  }
0x51: {  	_ =	shalt  }
0x52: {  	_ =	shalt  }
0x53: {  	_ =	shalt  }
0x54: {  	_ =	shalt  }
0x55: {  	_ =	shalt  }
0x56: {  	_ =	shalt  }
0x57: {  	_ =	shalt  }
0x58: {  	_ =	shalt  }
0x59: {  	_ =	shalt  }
0x5a: {  	_ =	shalt  }
0x5b: {  	_ =	shalt  }
0x5c: {  	_ =	shalt  }
0x5d: {  	_ =	shalt  }
0x5e: {  	_ =	shalt  }
0x5f: {  	_ =	shalt  }
0x60: {  	_ =	shalt  }
0x61: {  	_ =	shalt  }
0x62: {  	_ =	shalt  }
0x63: {  	_ =	shalt  }
0x64: {  	_ =	shalt  }
0x65: {  	_ =	shalt  }
0x66: {  	_ =	shalt  }
0x67: {  	_ =	shalt  }
0x68: {  	_ =	shalt  }
0x69: {  	_ =	shalt  }
0x6a: {  	_ =	shalt  }
0x6b: {  	_ =	shalt  }
0x6c: {  	_ =	shalt  }
0x6d: {  	_ =	shalt  }
0x6e: {  	_ =	shalt  }
0x6f: {  	_ =	shalt  }
0x70: {  	_ =	shalt  }
0x71: {  	_ =	shalt  }
0x72: {  	_ =	shalt  }
0x73: {  	_ =	shalt  }
0x74: {  	_ =	shalt  }
0x75: {  	_ =	shalt  }
0x76: {  	_ =	shalt  }
0x77: {  	_ =	shalt  }
0x78: {  	_ =	shalt  }
0x79: {  	_ =	shalt  }
0x7a: {  	_ =	shalt  }
0x7b: {  	_ =	shalt  }
0x7c: {  	_ =	shalt  }
0x7d: {  	_ =	shalt  }
0x7e: {  	_ =	shalt  }
0x7f: {  	_ =	shalt  }
0x80: {  	_ =	shalt  }
0x81: {  	_ =	shalt  }
0x82: {  	_ =	shalt  }
0x83: {  	_ =	shalt  }
0x84: {  	_ =	shalt  }
0x85: {  	_ =	shalt  }
0x86: {  	_ =	shalt  }
0x87: {  	_ =	shalt  }
.Lfunc_end0:
.L_simem_size_0:
called_computation_lowered:
.L_overlay_start_0:
0x88: {  	s2 =	sld [smem:$0x3FD9]  }
0x89: {  	s3 =	sld [smem:$0x3FFE];
	_ =	sdelay $0x1  }
0x8a: {  	s1 =	srdreg.scid  }
0x8b: {  	s0 =	sand.u32 $0x1, s1  }
0x8c: {  	s18 =	sshll.u32 s0, $0xA;
	s2 =	sadd.s32 s3, s2  }
0x8d: {  	s2 =	sadd.s32 s2, s18  }
0x8e: {  	[smem:$0x3FC6] =	sst s2  }
0x8f: {  	_ = 	snop  }
0x90: {  	s2 =	sld [smem:$0x3FC9]  }
0x91: {  	s19 =	sld [smem:$0x3FC8]  }
0x92: {  	s4 =	sld [smem:$0x3FD0];
	(tm) =	ssettm $0x1  }
0x93: {  	s5 =	sld [smem:$0x3FFB];
	_ =	sdelay $0x3  }
0x94: {  	_ =	strace s5  }
0x95: {  	s5 =	sld [smem:$0x3FFC];
	_ =	sdelay $0x3  }
0x96: {  	_ =	strace s5  }
0x97: {  	s5 =	sld [smem:$0x3FFD];
	_ =	sdelay $0x3  }
0x98: {  	_ =	strace s5  }
0x99: {  	_ =	strace $0x8FFFFFFF  }
0x9a: {  	s20 =	sld [smem:$0x3FDB];
	_ =	sdelay $0x1  }
0x9b: {  	s6 =	simm.s32 $_scs_section_size  }
0x9c: {  	s7 =	simm.s32 $_size__tile_overlayer_lowered;
	s8 =	simm.s32 $_tile_overlayer_lowered  }
0x9d: {  	s23 =	simm.s32 $0x1BFF;
	s22 =	sshll.u32 s8, $0x1;
	s5 =	sadd.s32 s6, s20  }
0x9e: {  	s9 =	simm.s32 $0x0;
	s21 =	sshll.u32 s7, $0x1;
	s7 =	sadd.s32 s22, s5  }
0x9f: {  	[timem:s9], [sflag:s23] =	dma.local [hbm:s7], s21  }
0xa0: {  	_ =	swait.ge [sflag:s23], s21  }
0xa1: {  	s6 =	ssub.s32 $0x0, s21;
	[sflag:s23] =	ssyncset.done $0x0  }
0xa2: {  	[sflag:s23] =	ssyncadd.s32 s6;
	_ =	sdelay $0x1  }
0xa3: {  	s24 =	simm.s32 $0x1B8B  }
0xa4: {  	_ =	swait.ge [sflag:s24], $0x1  }
0xa5: {  	[sflag:s24] =	ssyncset.done $0x0  }
0xa6: {  	s25 =	simm.s32 $0x1B8E;
	[sflag:s24] =	ssyncadd.s32 $0xFFFFFFFF  }
0xa7: {  	s26 =	simm.s32 $execute0_lowered;
	[smem:$0x3FD2] =	sst s25  }
0xa8: {  	s6 =	sshll.u32 s26, $0x1;
	_ =	strace $0x80000046;
	[dreg:$0x1] =	wrdreg $0xFFFFFFFF  }
0xa9: {  	s28 =	simm.s32 $_size_execute0_lowered;
	s5 =	sadd.s32 s5, s6;
	[dreg:$0x0] =	wrdreg $0x0  }
0xaa: {  	s6 =	sshll.u32 s28, $0x1;
	[dreg:$0x2] =	wrdreg s5  }
0xab: {  	[dreg:$0x3] =	wrdreg s6  }
0xac: {  	[dreg:$0x4] =	wrdreg $0xC0  }
0xad: {  	_ =	task [dreg:s9], $0x5FFFF  }
0xae: {  	[dreg:$0x1] =	wrdreg $0xFFFFFFFF  }
0xaf: {  	[dreg:$0x0] =	wrdreg $0x60  }
0xb0: {  	[dreg:$0x2] =	wrdreg s2  }
0xb1: {  	[dreg:$0x3] =	wrdreg s19  }
0xb2: {  	[dreg:$0x4] =	wrdreg s4  }
0xb3: {  	[dreg:$0x5] =	wrdreg $0x116700  }
0xb4: {  	[dreg:$0x6] =	wrdreg $0x1B2B00  }
0xb5: {  	[dreg:$0x7] =	wrdreg $0x9  }
0xb6: {  	_ =	task.clear_ibuf [dreg:s9], $0x8FFFF;
	_ =	strace $0x90000046  }
0xb7: {  	s29 =	simm.s32 $0x9;
	_ =	strace $0x80000048  }
0xb8: {  	_ =	swait.ge [sflag:s29], $0x1  }
0xb9: {  	[sflag:s29] =	ssyncadd.s32 $0xFFFFFFFF  }
0xba: {  	_ =	strace $0x90000048  }
0xbb: {  	_ =	sfence  }
0xbc: {  	s30 =	sld [smem:$0x0];
	_ =	sdelay $0x2  }
0xbd: {  	s31 =	sshll.u32 s1, $0xD;
	s1 =	sshrl.u32 s1, $0x2  }
0xbe: {  	s3 =	sand.u32 $0x4000, s31;
	s1 =	sadd.s32 s1, s30  }
0xbf: {  	s0 =	sor.u32 s3, s0;
	s1 =	sshll.u32 s1, $0x11  }
0xc0: {  	s0 =	sor.u32 s1, s0  }
0xc1: {  	s0 =	sadd.s32 $0x8F2B, s0  }
0xc2: {  	[sflag:s0] =	ssyncadd.remote.s32 $0x1  }
0xc3: {  	_ =	sfence.sel $0xFFFF  }
0xc4: {  	[dreg:$0x0] =	wrdreg $0xFFFFFFFF;
	(pc) =	sbr.abs _section_cstart, $3  }
0xc5: {  	[dreg:$0x1] =	wrdreg $0xFFFFFFFF  }
0xc6: {  	_ =	task.clear_ibuf [dreg:s9], $0x2FFFF;
	_ =	strace $0x9FFFFFFF  }
0xc7: {  	(tm) =	ssettm $0x7FFFFFFF  }
tec
execute0_lowered:
.L_overlay_start_1:
0x0: {  	(tag) =	ssettag $0x1  }
0x1: {  	s25 =	rddreg [dreg:$0x0]  }
0x2: {  	s0 =	srdreg.scid;
	s7 =	rddreg [dreg:$0x1]  }
0x3: {  	s24 =	stileid.u32;
	s8 =	rddreg [dreg:$0x2]  }
0x4: {  	s2 =	rddreg [dreg:$0x3];
	s29 =	simm.s32 $0xC800;
	s4 =	smul.u32 $0x271, s24  }
0x5: {  	s30 =	simm.s32 $0x2800;
	s28 =	simm.s32 $0xF;
	s12 =	smul.u32 $0x4E20, s24  }
0x6: {  	s31 =	simm.s32 $0xC990;
	s0 =	sand.u32 $0x1, s0;
	s6 =	smul.u32 $0x271000, s24  }
0x7: {  	s18 =	smul.u32 $0x13880, s24;
	s1 =	ssub.s32 $0x2, s0;
	s14 =	sshll.u32 s0, $0x6  }
0x8: {  	s3 =	sshrl.u32 s1, $0x1;
	s13 =	sadd.s32 $0x7D, s4;
	s9 =	sadd.s32 $0xFA, s4  }
0x9: {  	s15 =	sadd.s32 $0xA0, s12;
	s5 =	sadd.s32 $0x1F4, s4;
	s0 =	sor.u32 s14, s6  }
0xa: {  	s16 =	sadd.s32 $0x140, s12;
	s17 =	sadd.s32 $0x1E0, s12;
	s19 =	sadd.s32 $0x280, s12  }
0xb: {  	s18 =	sor.u32 s14, s18;
	s12 =	sshrl.u32 s12, $0x3;
	s1 =	ssub.s32 s1, s3  }
0xc: {  	s3 =	sadd.s32 $0x177, s4;
	s22 =	sshll.u32 s15, $0x7;
	s23 =	sshll.u32 s16, $0x7  }
0xd: {  	s11 =	sshll.u32 s17, $0x7;
	s26 =	sshll.u32 s19, $0x7;
	s20 =	sshll.u32 s13, $0x7  }
0xe: {  	s18 =	sshrl.u32 s18, $0x3;
	s21 =	sshll.u32 s9, $0x7;
	s19 =	sshrl.u32 s19, $0x3  }
0xf: {  	s4 =	sor.u32 s14, s22;
	s10 =	sor.u32 s14, s23;
	s6 =	sor.u32 s14, s11  }
0x10: {  	s11 =	sor.u32 s14, s26;
	s20 =	sor.u32 s14, s20;
	s22 =	sshll.u32 s3, $0x7  }
0x11: {  	s23 =	sshll.u32 s5, $0x7;
	s21 =	sor.u32 s14, s21;
	s18 =	sadd.s32 s8, s18  }
0x12: {  	s1 =	smax.u32 s1, $0x1;
	s22 =	sor.u32 s14, s22;
	s14 =	sor.u32 s14, s23  }
0x13: {  	s23 =	smul.u32 $0x27100, s24;
	[dreg:$0x6] =	wrdreg s18;
	s20 =	sshrl.u32 s20, $0x3  }
0x14: {  	s21 =	sshrl.u32 s21, $0x3;
	s18 =	sadd.s32 s8, s20;
	s26 =	sshrl.u32 s22, $0x3  }
0x15: {  	s14 =	sshrl.u32 s14, $0x3;
	s20 =	sadd.s32 s7, s12;
	s22 =	sshrl.u32 s15, $0x3  }
0x16: {  	s15 =	sshll.u32 s9, $0x6;
	[dreg:$0x7] =	wrdreg s18;
	s18 =	sadd.s32 s8, s21  }
0x17: {  	s21 =	sadd.s32 s8, s26;
	s8 =	sadd.s32 s8, s14;
	s14 =	rddreg [dreg:$0x4]  }
0x18: {  	s9 =	sshll.u32 s9, $0x4;
	s26 =	sshrl.u32 s17, $0x3;
	[dreg:$0x8] =	wrdreg s18  }
0x19: {  	s12 =	sadd.s32 s7, s22;
	s22 =	smul.u32 $0x9C40, s24;
	[dreg:$0x9] =	wrdreg s21  }
0x1a: {  	[dreg:$0xa] =	wrdreg s8;
	s8 =	simm.s32 $0x0;
	s18 =	sshrl.u32 s23, $0x2  }
0x1b: {  	s23 =	sshrl.u32 s16, $0x3;
	[dreg:$0xc] =	wrdreg s12;
	s17 =	sadd.s32 s7, s26  }
0x1c: {  	s21 =	smul.u32 $0x9C4, s24;
	s12 =	sadd.s32 s7, s19;
	[smem:$0x7FF] =	sst s8  }
0x1d: {  	s26 =	sshll.u32 s13, $0x6;
	s13 =	sshll.u32 s13, $0x4;
	[dreg:$0xe] =	wrdreg s17  }
0x1e: {  	s19 =	sshll.u32 s5, $0x6;
	s16 =	sadd.s32 s7, s23;
	[dreg:$0xf] =	wrdreg s12  }
0x1f: {  	s5 =	sshll.u32 s5, $0x4;
	[dreg:$0xd] =	wrdreg s16;
	s7 =	sadd.s32 s21, s7  }
0x20: {  	s23 =	sadd.s32 s18, s2;
	s24 =	sshrl.u32 s22, $0x2;
	[dreg:$0x10] =	wrdreg s7  }
0x21: {  	s7 =	sadd.s32 s24, s14;
	_ =	strace $0x80000047;
	[dreg:$0x11] =	wrdreg s23  }
0x22: {  	s12 =	sadd.s32 s26, s2;
	s13 =	sadd.s32 s13, s14;
	[dreg:$0x12] =	wrdreg s7  }
0x23: {  	s17 =	sadd.s32 s9, s14;
	s22 =	sadd.s32 s5, s14;
	[dreg:$0x13] =	wrdreg s12  }
0x24: {  	s26 =	sshrl.u32 s0, $0x3;
	s16 =	sshll.u32 s3, $0x6;
	[dreg:$0x14] =	wrdreg s13  }
0x25: {  	s3 =	sshll.u32 s3, $0x4;
	s18 =	sadd.s32 s16, s2;
	[dreg:$0x16] =	wrdreg s17  }
0x26: {  	s9 =	sshrl.u32 s11, $0x3;
	s3 =	sadd.s32 s3, s14;
	[dreg:$0x17] =	wrdreg s18  }
0x27: {  	s21 =	sadd.s32 s19, s2;
	s5 =	sadd.s32 s25, s26;
	[dreg:$0x18] =	wrdreg s3  }
0x28: {  	s11 =	sadd.s32 s25, s9;
	s26 =	sadd.s32 $0x5A, s20;
	[dreg:$0x19] =	wrdreg s21  }
0x29: {  	s24 =	sshrl.u32 s10, $0x3;
	s10 =	sadd.s32 $0x2D000, s0;
	[dreg:$0x1a] =	wrdreg s22  }
0x2a: {  	s16 =	sadd.s32 $0x23000, s0;
	s7 =	sadd.s32 s15, s2;
	[dreg:$0x1b] =	wrdreg s5  }
0x2b: {  	s23 =	sshrl.u32 s4, $0x3;
	s5 =	sadd.s32 s25, s24;
	[dreg:$0x1f] =	wrdreg s11  }
0x2c: {  	s12 =	sshrl.u32 s10, $0x3;
	[smem:$0x7F3] =	sst s1;
	s15 =	sadd.s32 $0x28000, s0  }
0x2d: {  	s17 =	sadd.s32 $0x1E000, s0;
	s18 =	sshrl.u32 s16, $0x3;
	s0 =	sadd.s32 $0x19000, s0  }
0x2e: {  	s22 =	sadd.s32 $0xA, s20;
	s24 =	sadd.s32 $0x32, s20;
	[dreg:$0xb] =	wrdreg s20  }
0x2f: {  	[smem:$0x7FD] =	sst s26;
	s16 =	simm.s32 $0xC850;
	s26 =	simm.s32 $0xC8F0  }
0x30: {  	s11 =	simm.s32 $0xC940;
	s4 =	simm.s32 $0x13;
	[dreg:$0x15] =	wrdreg s7  }
0x31: {  	s3 =	sadd.s32 s25, s23;
	[dreg:$0x1d] =	wrdreg s5;
	s7 =	sshrl.u32 s6, $0x3  }
0x32: {  	s13 =	sadd.s32 s12, s25;
	s1 =	sshrl.u32 s15, $0x3;
	[smem:$0x7F8] =	sst s0  }
0x33: {  	s19 =	sshrl.u32 s17, $0x3;
	[smem:$0x7F9] =	sst s22;
	s23 =	sadd.s32 $0x1E, s20  }
0x34: {  	[smem:$0x7FB] =	sst s24;
	s24 =	simm.s32 $0x7800;
	s12 =	simm.s32 $0xC9E0  }
0x35: {  	s15 =	simm.s32 $0xCA30;
	s22 =	simm.s32 $0x50;
	[dreg:$0x1c] =	wrdreg s3  }
0x36: {  	s5 =	simm.s32 $0x14;
	s0 =	simm.s32 $0x0;
	[smem:$0x7F4] =	sst s13  }
0x37: {  	s3 =	sadd.s32 s25, s7;
	s1 =	sadd.s32 s1, s25;
	[smem:$0x7FA] =	sst s23  }
0x38: {  	s21 =	sadd.s32 s19, s25;
	s19 =	simm.s32 $0xC990;
	[dreg:$0x1e] =	wrdreg s3  }
0x39: {  	s23 =	simm.s32 $0xCB20;
	s13 =	simm.s32 $0xE;
	[smem:$0x7F5] =	sst s1  }
0x3a: {  	s1 =	sadd.s32 s18, s25;
	[smem:$0x7F7] =	sst s21;
	s25 =	sadd.s32 $0x46, s20  }
0x3b: {  	s20 =	simm.s32 $0xD020;
	s21 =	simm.s32 $0xC8A0;
	[smem:$0x7F6] =	sst s1  }
0x3c: {  	v0 =	vimm.f32 $0.0e+00;
	v1 =	vimm.f32 $1.000000000e+00;
	[smem:$0x7FC] =	sst s25;
	s25 =	simm.s32 $0x15;
	s1 =	simm.s32 $0x5000  }
.LBB2_1:
0x3d: {  	s9 =	simm.s32 $0x100;
	s7 =	simm.s32 $0x0  }
.LBB2_2:
0x3e: {  	p0 =	sne.s32 s9, $0x7C00;
	[tilespmem:s7+$0xD050] =	vst v0;
	s18 =	smov.u32 s9;
	s9 =	sadd.s32 $0x100, s9  }
.Ltmp0:
0x3f: {  	[tilespmem:s7+$0xD040] =	vst v0;
	(pc) =	sbr.rel @p0 .LBB2_2-.Ltmp0, $3  }
0x40: {  	[tilespmem:s7+$0xD020] =	vst v0  }
0x41: {  	[tilespmem:s7+$0xD030] =	vst v0;
	_ =	sdelay $0x1  }
0x42: {  	s7 =	sshra.s32 s18, $0x2  }
0x43: {  	[tilespmem:s7+$0xD050] =	vst v0  }
0x44: {  	[tilespmem:s7+$0xD040] =	vst v0  }
0x45: {  	[tilespmem:s7+$0xD020] =	vst v0  }
0x46: {  	[tilespmem:s7+$0xD030] =	vst v0;
	s7 =	simm.s32 $0x40;
	s9 =	simm.s32 $0x0  }
.LBB2_4:
0x47: {  	p0 =	sne.s32 s7, $0x1F00;
	[tilespmem:s9+$0xEF60] =	vst v0;
	s9 =	smov.u32 s7;
	s7 =	sadd.s32 $0x40, s7  }
.Ltmp1:
0x48: {  	(pc) =	sbr.rel @p0 .LBB2_4-.Ltmp1, $2  }
0x49: {  	_ =	sdelay $0x2  }
0x4a: {  	s9 =	sshra.s32 s9, $0x2  }
0x4b: {  	[smem:$0x7F2] =	sst s0;
	[tilespmem:s9+$0xEF60] =	vst v0;
	s7 =	simm.s32 $0x40;
	s9 =	simm.s32 $0x0  }
.LBB2_6:
0x4c: {  	p0 =	sne.s32 s7, $0x13C0;
	[tilespmem:s9+$0xCB20] =	vst v1;
	s9 =	smov.u32 s7;
	s7 =	sadd.s32 $0x40, s7  }
.Ltmp2:
0x4d: {  	(pc) =	sbr.rel @p0 .LBB2_6-.Ltmp2, $2  }
0x4e: {  	_ =	sdelay $0x2  }
0x4f: {  	s9 =	sshra.s32 s9, $0x2  }
0x50: {  	[tilespmem:s9+$0xCB20] =	vst v1;
	s7 =	rddreg [dreg:$0x11]  }
0x51: {  	[spmem:s7] =	stream.linear.scatter [tilespmem:s20], [sflag:$0x15], $0x1F40, $0x38;
	[tilespmem:$0x1D9C0] =	vst v63  }
0x52: {  	s17 =	rddreg [dreg:$0x12];
	s9 =	simm.s32 $0xEF60  }
0x53: {  	[spmem:s17] =	stream.linear.scatter [tilespmem:s9], [sflag:$0x15], $0x7D0, $0x38;
	[tilespmem:$0x1D9C0] =	vst v63  }
0x54: {  	s18 =	rddreg [dreg:$0x13]  }
0x55: {  	[spmem:s18] =	stream.linear.scatter [tilespmem:s20], [sflag:$0x15], $0x1F40, $0x38;
	[tilespmem:$0x1D9C0] =	vst v63  }
0x56: {  	s0 =	rddreg [dreg:$0x14]  }
0x57: {  	[spmem:s0] =	stream.linear.scatter [tilespmem:s9], [sflag:$0x15], $0x7D0, $0x38;
	[tilespmem:$0x1D9C0] =	vst v63  }
0x58: {  	s3 =	rddreg [dreg:$0x15]  }
0x59: {  	[spmem:s3] =	stream.linear.scatter [tilespmem:s20], [sflag:$0x15], $0x1F40, $0x38;
	[tilespmem:$0x1D9C0] =	vst v63  }
0x5a: {  	s6 =	rddreg [dreg:$0x16]  }
0x5b: {  	[spmem:s6] =	stream.linear.scatter [tilespmem:s9], [sflag:$0x15], $0x7D0, $0x38;
	[tilespmem:$0x1D9C0] =	vst v63  }
0x5c: {  	s10 =	rddreg [dreg:$0x17]  }
0x5d: {  	[spmem:s10] =	stream.linear.scatter [tilespmem:s20], [sflag:$0x15], $0x1F40, $0x38;
	[tilespmem:$0x1D9C0] =	vst v63  }
0x5e: {  	s17 =	rddreg [dreg:$0x18]  }
0x5f: {  	[spmem:s17] =	stream.linear.scatter [tilespmem:s9], [sflag:$0x15], $0x7D0, $0x38;
	[tilespmem:$0x1D9C0] =	vst v63  }
0x60: {  	s18 =	rddreg [dreg:$0x19]  }
0x61: {  	[spmem:s18] =	stream.linear.scatter [tilespmem:s20], [sflag:$0x15], $0x1F40, $0x38;
	[tilespmem:$0x1D9C0] =	vst v63  }
0x62: {  	s20 =	rddreg [dreg:$0x1a]  }
0x63: {  	[spmem:s20] =	stream.linear.scatter [tilespmem:s9], [sflag:$0x15], $0x7D0, $0x38;
	[tilespmem:$0x1D9C0] =	vst v63  }
0x64: {  	_ =	swait.ge [sflag:s25], $0x1F40  }
0x65: {  	[sflag:s25] =	ssyncset.done $0x0  }
0x66: {  	[sflag:s25] =	ssyncadd.s32 $0xFFFFE0C0  }
0x67: {  	_ =	swait.ge [sflag:s25], $0x7D0  }
0x68: {  	[sflag:s25] =	ssyncset.done $0x0  }
0x69: {  	[sflag:s25] =	ssyncadd.s32 $0xFFFFF830  }
0x6a: {  	_ =	swait.ge [sflag:s25], $0x1F40  }
0x6b: {  	[sflag:s25] =	ssyncset.done $0x0  }
0x6c: {  	[sflag:s25] =	ssyncadd.s32 $0xFFFFE0C0  }
0x6d: {  	_ =	swait.ge [sflag:s25], $0x7D0  }
0x6e: {  	[sflag:s25] =	ssyncset.done $0x0  }
0x6f: {  	[sflag:s25] =	ssyncadd.s32 $0xFFFFF830  }
0x70: {  	_ =	swait.ge [sflag:s25], $0x1F40  }
0x71: {  	[sflag:s25] =	ssyncset.done $0x0  }
0x72: {  	[sflag:s25] =	ssyncadd.s32 $0xFFFFE0C0  }
0x73: {  	_ =	swait.ge [sflag:s25], $0x7D0  }
0x74: {  	[sflag:s25] =	ssyncset.done $0x0  }
0x75: {  	[sflag:s25] =	ssyncadd.s32 $0xFFFFF830  }
0x76: {  	_ =	swait.ge [sflag:s25], $0x1F40  }
0x77: {  	[sflag:s25] =	ssyncset.done $0x0  }
0x78: {  	[sflag:s25] =	ssyncadd.s32 $0xFFFFE0C0  }
0x79: {  	_ =	swait.ge [sflag:s25], $0x7D0  }
0x7a: {  	[sflag:s25] =	ssyncset.done $0x0  }
0x7b: {  	[sflag:s25] =	ssyncadd.s32 $0xFFFFF830  }
0x7c: {  	_ =	swait.ge [sflag:s25], $0x1F40  }
0x7d: {  	[sflag:s25] =	ssyncset.done $0x0  }
0x7e: {  	[sflag:s25] =	ssyncadd.s32 $0xFFFFE0C0  }
0x7f: {  	_ =	swait.ge [sflag:s25], $0x7D0  }
0x80: {  	[sflag:s25] =	ssyncset.done $0x0  }
0x81: {  	[sflag:s25] =	ssyncadd.s32 $0xFFFFF830  }
0x82: {  	[bflag:$0x0] =	sbarrier.arrive $0xFFFF  }
0x83: {  	s25 =	rddreg [dreg:$0x1b]  }
0x84: {  	s3 =	rddreg [dreg:$0xb]  }
0x85: {  	s7 =	simm.s32 $0x0;
	s6 =	sld [smem:$0x7F9]  }
0x86: {  	s0 =	simm.s32 $0x40;
	s18 =	simm.s32 $0x80;
	s10 =	rddreg [dreg:$0x1c]  }
0x87: {  	[tilespmem:s7], [sflag:$0x1] =	stream.strided.gather [hbm4b:s25+s0], $0x2800, s18, s0, $0x38;
	[tilespmem:$0x1D9C0] =	vst v63  }
0x88: {  	s17 =	rddreg [dreg:$0xc]  }
0x89: {  	[tilespmem:s29], [sflag:$0x6] =	stream.linear.gather [hbm4b:s3+s7], $0x50, $0x38;
	[tilespmem:$0x1D9C0] =	vst v63  }
0x8a: {  	s20 =	sld [smem:$0x7FA]  }
0x8b: {  	[tilespmem:s16], [sflag:$0x6] =	stream.linear.gather [hbm4b:s6+s7], $0x50, $0x38;
	[tilespmem:$0x1D9C0] =	vst v63  }
0x8c: {  	s9 =	sld [smem:$0x7F8]  }
0x8d: {  	[tilespmem:s30], [sflag:$0x2] =	stream.strided.gather [hbm4b:s10+s0], $0x2800, s18, s0, $0x38;
	[tilespmem:$0x1D9C0] =	vst v63  }
0x8e: {  	s25 =	rddreg [dreg:$0x1d]  }
0x8f: {  	[tilespmem:s21], [sflag:$0x7] =	stream.linear.gather [hbm4b:s17+s7], $0x50, $0x38;
	[tilespmem:$0x1D9C0] =	vst v63  }
0x90: {  	s3 =	rddreg [dreg:$0xd]  }
0x91: {  	[tilespmem:s26], [sflag:$0x7] =	stream.linear.gather [hbm4b:s20+s7], $0x50, $0x38;
	[tilespmem:$0x1D9C0] =	vst v63  }
0x92: {  	s6 =	sld [smem:$0x7FB]  }
0x93: {  	[tilespmem:s1], [sflag:$0x3] =	stream.strided.gather [hbm4b:s25+s0], $0x2800, s18, s0, $0x38;
	[tilespmem:$0x1D9C0] =	vst v63  }
0x94: {  	s10 =	rddreg [dreg:$0x1e]  }
0x95: {  	[tilespmem:s11], [sflag:$0x8] =	stream.linear.gather [hbm4b:s3+s7], $0x50, $0x38;
	[tilespmem:$0x1D9C0] =	vst v63  }
0x96: {  	s17 =	sld [smem:$0x7FC]  }
0x97: {  	[tilespmem:s19], [sflag:$0x8] =	stream.linear.gather [hbm4b:s6+s7], $0x50, $0x38;
	[tilespmem:$0x1D9C0] =	vst v63  }
0x98: {  	s20 =	rddreg [dreg:$0xf]  }
0x99: {  	[tilespmem:s24], [sflag:$0x4] =	stream.strided.gather [hbm4b:s10+s0], $0x2800, s18, s0, $0x38;
	[tilespmem:$0x1D9C0] =	vst v63  }
0x9a: {  	s11 =	rddreg [dreg:$0xe]  }
0x9b: {  	[tilespmem:s12], [sflag:$0x9] =	stream.linear.gather [hbm4b:s11+s7], $0x50, $0x38;
	[tilespmem:$0x1D9C0] =	vst v63  }
0x9c: {  	s25 =	sld [smem:$0x7FD]  }
0x9d: {  	[tilespmem:s15], [sflag:$0x9] =	stream.linear.gather [hbm4b:s17+s7], $0x50, $0x38;
	[tilespmem:$0x1D9C0] =	vst v63  }
0x9e: {  	s19 =	rddreg [dreg:$0x1f];
	s17 =	simm.s32 $0xA000  }
0x9f: {  	[tilespmem:s17], [sflag:$0x5] =	stream.strided.gather [hbm4b:s19+s0], $0x2800, s18, s0, $0x38;
	[tilespmem:$0x1D9C0] =	vst v63  }
0xa0: {  	s1 =	simm.s32 $0x5000;
	s3 =	simm.s32 $0xCAD0;
	s18 =	sld [smem:$0x7F7]  }
0xa1: {  	s6 =	simm.s32 $0xCA30;
	s17 =	simm.s32 $0xCA80;
	s19 =	sld [smem:$0x7F6]  }
0xa2: {  	[tilespmem:s17], [sflag:$0xA] =	stream.linear.gather [hbm4b:s20+s7], $0x50, $0x38;
	[tilespmem:$0x1D9C0] =	vst v63  }
0xa3: {  	s24 =	simm.s32 $0xC940;
	s12 =	simm.s32 $0x7800;
	s20 =	sld [smem:$0x7F5]  }
0xa4: {  	[tilespmem:s3], [sflag:$0xA] =	stream.linear.gather [hbm4b:s25+s7], $0x50, $0x38;
	[tilespmem:$0x1D9C0] =	vst v63  }
0xa5: {  	s15 =	simm.s32 $0xC9E0;
	s0 =	simm.s32 $0xA000;
	s25 =	sld [smem:$0x7F4]  }
.LBB2_8:
0xa6: {  	s11 =	simm.s32 $0x1  }
0xa7: {  	_ =	swait.ge [sflag:s11], $0x2800  }
0xa8: {  	[sflag:s11] =	ssyncset.done $0x0  }
0xa9: {  	s10 =	simm.s32 $0x6;
	[sflag:s11] =	ssyncadd.s32 $0xFFFFD800  }
0xaa: {  	_ =	swait.ge [sflag:s10], $0x50  }
0xab: {  	[sflag:s10] =	ssyncset.done $0x0  }
0xac: {  	[sflag:s10] =	ssyncadd.s32 $0xFFFFFFB0  }
0xad: {  	_ =	swait.ge [sflag:s10], $0x50  }
0xae: {  	[sflag:s10] =	ssyncset.done $0x0  }
0xaf: {  	[sflag:s10] =	ssyncadd.s32 $0xFFFFFFB0  }
0xb0: {  	[spmem:s2] =	stream.indirect.scatter.add.f32 [tilespmem:s8], [sflag:$0xB], $0x40, s29, s22, $0xb8;
	[tilespmem:$0x1D9C0] =	vst v63  }
0xb1: {  	_ = 	snop  }
0xb2: {  	[spmem:s14] =	stream.indirect.scatter.add.f32 [tilespmem:s23], [sflag:$0x10], $0x10, s29, s22, $0xb8;
	[tilespmem:$0x1D9C0] =	vst v63  }
0xb3: {  	s10 =	simm.s32 $0x1400  }
0xb4: {  	[spmem:s2] =	stream.indirect.scatter.add.f32 [tilespmem:s10], [sflag:$0xB], $0x40, s16, s22, $0xb8;
	[tilespmem:$0x1D9C0] =	vst v63  }
0xb5: {  	s10 =	simm.s32 $0x2  }
0xb6: {  	[spmem:s14] =	stream.indirect.scatter.add.f32 [tilespmem:s23], [sflag:$0x10], $0x10, s16, s22, $0xb8;
	[tilespmem:$0x1D9C0] =	vst v63  }
0xb7: {  	_ =	swait.ge [sflag:s10], $0x2800  }
0xb8: {  	[sflag:s10] =	ssyncset.done $0x0  }
0xb9: {  	[sflag:s10] =	ssyncadd.s32 $0xFFFFD800;
	s10 =	simm.s32 $0x7  }
0xba: {  	_ =	swait.ge [sflag:s10], $0x50  }
0xbb: {  	[sflag:s10] =	ssyncset.done $0x0  }
0xbc: {  	[sflag:s10] =	ssyncadd.s32 $0xFFFFFFB0  }
0xbd: {  	_ =	swait.ge [sflag:s10], $0x50  }
0xbe: {  	[sflag:s10] =	ssyncset.done $0x0  }
0xbf: {  	[sflag:s10] =	ssyncadd.s32 $0xFFFFFFB0  }
0xc0: {  	[spmem:s2] =	stream.indirect.scatter.add.f32 [tilespmem:s30], [sflag:$0xC], $0x40, s21, s22, $0xb8;
	[tilespmem:$0x1D9C0] =	vst v63  }
0xc1: {  	_ = 	snop  }
0xc2: {  	[spmem:s14] =	stream.indirect.scatter.add.f32 [tilespmem:s23], [sflag:$0x11], $0x10, s21, s22, $0xb8;
	[tilespmem:$0x1D9C0] =	vst v63  }
0xc3: {  	s10 =	simm.s32 $0x3C00  }
0xc4: {  	[spmem:s2] =	stream.indirect.scatter.add.f32 [tilespmem:s10], [sflag:$0xC], $0x40, s26, s22, $0xb8;
	[tilespmem:$0x1D9C0] =	vst v63  }
0xc5: {  	s10 =	simm.s32 $0x3  }
0xc6: {  	[spmem:s14] =	stream.indirect.scatter.add.f32 [tilespmem:s23], [sflag:$0x11], $0x10, s26, s22, $0xb8;
	[tilespmem:$0x1D9C0] =	vst v63  }
0xc7: {  	_ =	swait.ge [sflag:s10], $0x2800  }
0xc8: {  	[sflag:s10] =	ssyncset.done $0x0  }
0xc9: {  	[sflag:s10] =	ssyncadd.s32 $0xFFFFD800;
	s10 =	simm.s32 $0x8  }
0xca: {  	_ =	swait.ge [sflag:s10], $0x50  }
0xcb: {  	[sflag:s10] =	ssyncset.done $0x0  }
0xcc: {  	[sflag:s10] =	ssyncadd.s32 $0xFFFFFFB0  }
0xcd: {  	_ =	swait.ge [sflag:s10], $0x50  }
0xce: {  	[sflag:s10] =	ssyncset.done $0x0  }
0xcf: {  	[sflag:s10] =	ssyncadd.s32 $0xFFFFFFB0  }
0xd0: {  	[spmem:s2] =	stream.indirect.scatter.add.f32 [tilespmem:s1], [sflag:$0xD], $0x40, s24, s22, $0xb8;
	[tilespmem:$0x1D9C0] =	vst v63  }
0xd1: {  	_ = 	snop  }
0xd2: {  	[spmem:s14] =	stream.indirect.scatter.add.f32 [tilespmem:s23], [sflag:$0x12], $0x10, s24, s22, $0xb8;
	[tilespmem:$0x1D9C0] =	vst v63  }
0xd3: {  	s10 =	simm.s32 $0x6400  }
0xd4: {  	[spmem:s2] =	stream.indirect.scatter.add.f32 [tilespmem:s10], [sflag:$0xD], $0x40, s31, s22, $0xb8;
	[tilespmem:$0x1D9C0] =	vst v63  }
0xd5: {  	s10 =	simm.s32 $0x4  }
0xd6: {  	[spmem:s14] =	stream.indirect.scatter.add.f32 [tilespmem:s23], [sflag:$0x12], $0x10, s31, s22, $0xb8;
	[tilespmem:$0x1D9C0] =	vst v63  }
0xd7: {  	_ =	swait.ge [sflag:s10], $0x2800  }
0xd8: {  	[sflag:s10] =	ssyncset.done $0x0  }
0xd9: {  	[sflag:s10] =	ssyncadd.s32 $0xFFFFD800;
	s10 =	simm.s32 $0x9  }
0xda: {  	_ =	swait.ge [sflag:s10], $0x50  }
0xdb: {  	[sflag:s10] =	ssyncset.done $0x0  }
0xdc: {  	[sflag:s10] =	ssyncadd.s32 $0xFFFFFFB0  }
0xdd: {  	_ =	swait.ge [sflag:s10], $0x50  }
0xde: {  	[sflag:s10] =	ssyncset.done $0x0  }
0xdf: {  	[sflag:s10] =	ssyncadd.s32 $0xFFFFFFB0  }
0xe0: {  	[spmem:s2] =	stream.indirect.scatter.add.f32 [tilespmem:s12], [sflag:$0xE], $0x40, s15, s22, $0xb8;
	[tilespmem:$0x1D9C0] =	vst v63  }
0xe1: {  	_ = 	snop  }
0xe2: {  	[spmem:s14] =	stream.indirect.scatter.add.f32 [tilespmem:s23], [sflag:$0x13], $0x10, s15, s22, $0xb8;
	[tilespmem:$0x1D9C0] =	vst v63  }
0xe3: {  	s10 =	simm.s32 $0x8C00  }
0xe4: {  	[spmem:s2] =	stream.indirect.scatter.add.f32 [tilespmem:s10], [sflag:$0xE], $0x40, s6, s22, $0xb8;
	[tilespmem:$0x1D9C0] =	vst v63  }
0xe5: {  	s10 =	simm.s32 $0x5  }
0xe6: {  	[spmem:s14] =	stream.indirect.scatter.add.f32 [tilespmem:s23], [sflag:$0x13], $0x10, s6, s22, $0xb8;
	[tilespmem:$0x1D9C0] =	vst v63  }
0xe7: {  	_ =	swait.ge [sflag:s10], $0x2800  }
0xe8: {  	[sflag:s10] =	ssyncset.done $0x0  }
0xe9: {  	[sflag:s10] =	ssyncadd.s32 $0xFFFFD800;
	s10 =	simm.s32 $0xA  }
0xea: {  	_ =	swait.ge [sflag:s10], $0x50  }
0xeb: {  	[sflag:s10] =	ssyncset.done $0x0  }
0xec: {  	[sflag:s10] =	ssyncadd.s32 $0xFFFFFFB0  }
0xed: {  	_ =	swait.ge [sflag:s10], $0x50  }
0xee: {  	[sflag:s10] =	ssyncset.done $0x0  }
0xef: {  	[sflag:s10] =	ssyncadd.s32 $0xFFFFFFB0  }
0xf0: {  	[spmem:s2] =	stream.indirect.scatter.add.f32 [tilespmem:s0], [sflag:$0xF], $0x40, s17, s22, $0xb8;
	[tilespmem:$0x1D9C0] =	vst v63  }
0xf1: {  	p0 =	seq.s32 s7, $0x960  }
0xf2: {  	[spmem:s14] =	stream.indirect.scatter.add.f32 [tilespmem:s23], [sflag:$0x14], $0x10, s17, s22, $0xb8;
	[tilespmem:$0x1D9C0] =	vst v63  }
.Ltmp3:
0xf3: {  	_ = 	snop;
	(pc) =	sbr.rel @p0 .LBB2_10-.Ltmp3, $4  }
0xf4: {  	s17 =	simm.s32 $0xB400  }
0xf5: {  	[spmem:s2] =	stream.indirect.scatter.add.f32 [tilespmem:s17], [sflag:$0xF], $0x40, s3, s22, $0xb8;
	[tilespmem:$0x1D9C0] =	vst v63  }
0xf6: {  	s0 =	simm.s32 $0xB  }
0xf7: {  	[spmem:s14] =	stream.indirect.scatter.add.f32 [tilespmem:s23], [sflag:$0x14], $0x10, s3, s22, $0xb8;
	[tilespmem:$0x1D9C0] =	vst v63  }
0xf8: {  	_ =	swait.ge [sflag:s0], $0x1400  }
0xf9: {  	[sflag:s0] =	ssyncset.done $0x0  }
0xfa: {  	s3 =	simm.s32 $0x10;
	[sflag:s0] =	ssyncadd.s32 $0xFFFFEC00  }
0xfb: {  	_ =	swait.ge [sflag:s3], $0x500  }
0xfc: {  	[sflag:s3] =	ssyncset.done $0x0  }
0xfd: {  	[sflag:s3] =	ssyncadd.s32 $0xFFFFFB00  }
0xfe: {  	_ =	swait.ge [sflag:s0], $0x1400  }
0xff: {  	[sflag:s0] =	ssyncset.done $0x0  }
0x100: {  	[sflag:s0] =	ssyncadd.s32 $0xFFFFEC00  }
0x101: {  	_ =	swait.ge [sflag:s3], $0x500  }
0x102: {  	[sflag:s3] =	ssyncset.done $0x0  }
0x103: {  	[sflag:s3] =	ssyncadd.s32 $0xFFFFFB00  }
0x104: {  	s29 =	sshrl.u32 s9, $0x3;
	s30 =	rddreg [dreg:$0x0]  }
0x105: {  	s21 =	simm.s32 $0x80;
	s0 =	simm.s32 $0x40;
	s29 =	sadd.s32 s30, s29  }
0x106: {  	[tilespmem:s8], [sflag:$0x1] =	stream.strided.gather [hbm4b:s29+s0], $0x2800, s21, s0, $0x38;
	[tilespmem:$0x1D9C0] =	vst v63  }
0x107: {  	s29 =	rddreg [dreg:$0x10]  }
0x108: {  	s29 =	sadd.s32 s7, s29  }
0x109: {  	s16 =	simm.s32 $0xC800;
	s30 =	sadd.s32 $0x64, s29  }
0x10a: {  	[tilespmem:s16], [sflag:$0x6] =	stream.linear.gather [hbm4b:s30+s8], $0x50, $0x38;
	[tilespmem:$0x1D9C0] =	vst v63  }
0x10b: {  	s16 =	simm.s32 $0xC850;
	s30 =	sadd.s32 $0x6E, s29  }
0x10c: {  	[tilespmem:s16], [sflag:$0x6] =	stream.linear.gather [hbm4b:s30+s8], $0x50, $0x38;
	[tilespmem:$0x1D9C0] =	vst v63  }
0x10d: {  	s30 =	simm.s32 $0xC  }
0x10e: {  	_ =	swait.ge [sflag:s30], $0x1400  }
0x10f: {  	[sflag:s30] =	ssyncset.done $0x0  }
0x110: {  	s10 =	simm.s32 $0x11;
	[sflag:s30] =	ssyncadd.s32 $0xFFFFEC00  }
0x111: {  	_ =	swait.ge [sflag:s10], $0x500  }
0x112: {  	[sflag:s10] =	ssyncset.done $0x0  }
0x113: {  	[sflag:s10] =	ssyncadd.s32 $0xFFFFFB00  }
0x114: {  	_ =	swait.ge [sflag:s30], $0x1400  }
0x115: {  	[sflag:s30] =	ssyncset.done $0x0  }
0x116: {  	[sflag:s30] =	ssyncadd.s32 $0xFFFFEC00  }
0x117: {  	_ =	swait.ge [sflag:s10], $0x500  }
0x118: {  	[sflag:s10] =	ssyncset.done $0x0  }
0x119: {  	s11 =	simm.s32 $0x2800;
	[sflag:s10] =	ssyncadd.s32 $0xFFFFFB00  }
0x11a: {  	[tilespmem:s11], [sflag:$0x2] =	stream.strided.gather [hbm4b:s18+s0], $0x2800, s21, s0, $0x38;
	[tilespmem:$0x1D9C0] =	vst v63  }
0x11b: {  	s26 =	simm.s32 $0xC8A0;
	s30 =	sadd.s32 $0x78, s29  }
0x11c: {  	[tilespmem:s26], [sflag:$0x7] =	stream.linear.gather [hbm4b:s30+s8], $0x50, $0x38;
	[tilespmem:$0x1D9C0] =	vst v63  }
0x11d: {  	s10 =	simm.s32 $0xD;
	s26 =	simm.s32 $0xC8F0;
	s30 =	sadd.s32 $0x82, s29  }
0x11e: {  	[tilespmem:s26], [sflag:$0x7] =	stream.linear.gather [hbm4b:s30+s8], $0x50, $0x38;
	[tilespmem:$0x1D9C0] =	vst v63  }
0x11f: {  	_ =	swait.ge [sflag:s10], $0x1400  }
0x120: {  	[sflag:s10] =	ssyncset.done $0x0  }
0x121: {  	s11 =	simm.s32 $0x12;
	[sflag:s10] =	ssyncadd.s32 $0xFFFFEC00  }
0x122: {  	_ =	swait.ge [sflag:s11], $0x500  }
0x123: {  	[sflag:s11] =	ssyncset.done $0x0  }
0x124: {  	[sflag:s11] =	ssyncadd.s32 $0xFFFFFB00  }
0x125: {  	_ =	swait.ge [sflag:s10], $0x1400  }
0x126: {  	[sflag:s10] =	ssyncset.done $0x0  }
0x127: {  	[sflag:s10] =	ssyncadd.s32 $0xFFFFEC00  }
0x128: {  	_ =	swait.ge [sflag:s11], $0x500  }
0x129: {  	[sflag:s11] =	ssyncset.done $0x0  }
0x12a: {  	[sflag:s11] =	ssyncadd.s32 $0xFFFFFB00  }
0x12b: {  	[tilespmem:s1], [sflag:$0x3] =	stream.strided.gather [hbm4b:s19+s0], $0x2800, s21, s0, $0x38;
	[tilespmem:$0x1D9C0] =	vst v63  }
0x12c: {  	s30 =	sadd.s32 $0x8C, s29  }
0x12d: {  	[tilespmem:s24], [sflag:$0x8] =	stream.linear.gather [hbm4b:s30+s8], $0x50, $0x38;
	[tilespmem:$0x1D9C0] =	vst v63  }
0x12e: {  	s30 =	sadd.s32 $0x96, s29  }
0x12f: {  	[tilespmem:s31], [sflag:$0x8] =	stream.linear.gather [hbm4b:s30+s8], $0x50, $0x38;
	[tilespmem:$0x1D9C0] =	vst v63  }
0x130: {  	_ =	swait.ge [sflag:s13], $0x1400  }
0x131: {  	[sflag:s13] =	ssyncset.done $0x0  }
0x132: {  	[sflag:s13] =	ssyncadd.s32 $0xFFFFEC00  }
0x133: {  	_ =	swait.ge [sflag:s4], $0x500  }
0x134: {  	[sflag:s4] =	ssyncset.done $0x0  }
0x135: {  	[sflag:s4] =	ssyncadd.s32 $0xFFFFFB00  }
0x136: {  	_ =	swait.ge [sflag:s13], $0x1400  }
0x137: {  	[sflag:s13] =	ssyncset.done $0x0  }
0x138: {  	[sflag:s13] =	ssyncadd.s32 $0xFFFFEC00  }
0x139: {  	_ =	swait.ge [sflag:s4], $0x500  }
0x13a: {  	[sflag:s4] =	ssyncset.done $0x0  }
0x13b: {  	[sflag:s4] =	ssyncadd.s32 $0xFFFFFB00  }
0x13c: {  	[tilespmem:s12], [sflag:$0x4] =	stream.strided.gather [hbm4b:s20+s0], $0x2800, s21, s0, $0x38;
	[tilespmem:$0x1D9C0] =	vst v63  }
0x13d: {  	s30 =	sadd.s32 $0xA0, s29  }
0x13e: {  	[tilespmem:s15], [sflag:$0x9] =	stream.linear.gather [hbm4b:s30+s8], $0x50, $0x38;
	[tilespmem:$0x1D9C0] =	vst v63  }
0x13f: {  	s30 =	sadd.s32 $0xAA, s29  }
0x140: {  	[tilespmem:s6], [sflag:$0x9] =	stream.linear.gather [hbm4b:s30+s8], $0x50, $0x38;
	[tilespmem:$0x1D9C0] =	vst v63  }
0x141: {  	_ =	swait.ge [sflag:s28], $0x1400  }
0x142: {  	[sflag:s28] =	ssyncset.done $0x0  }
0x143: {  	[sflag:s28] =	ssyncadd.s32 $0xFFFFEC00  }
0x144: {  	_ =	swait.ge [sflag:s5], $0x500  }
0x145: {  	[sflag:s5] =	ssyncset.done $0x0  }
0x146: {  	[sflag:s5] =	ssyncadd.s32 $0xFFFFFB00  }
0x147: {  	_ =	swait.ge [sflag:s28], $0x1400  }
0x148: {  	[sflag:s28] =	ssyncset.done $0x0  }
0x149: {  	s17 =	simm.s32 $0xA000;
	[sflag:s28] =	ssyncadd.s32 $0xFFFFEC00  }
0x14a: {  	s9 =	sadd.s32 $0x19000, s9;
	s3 =	simm.s32 $0xCAD0;
	_ =	swait.ge [sflag:s5], $0x500  }
0x14b: {  	s7 =	sadd.s32 $0x64, s7;
	s18 =	sadd.s32 $0x3200, s18;
	[sflag:s5] =	ssyncset.done $0x0  }
0x14c: {  	s19 =	sadd.s32 $0x3200, s19;
	s20 =	sadd.s32 $0x3200, s20;
	[sflag:s5] =	ssyncadd.s32 $0xFFFFFB00  }
0x14d: {  	[tilespmem:s17], [sflag:$0x5] =	stream.strided.gather [hbm4b:s25+s0], $0x2800, s21, s0, $0x38;
	[tilespmem:$0x1D9C0] =	vst v63  }
.Ltmp4:
0x14e: {  	s30 =	sadd.s32 $0xB4, s29;
	s17 =	simm.s32 $0xCA80;
	(pc) =	sbr.rel .LBB2_8-.Ltmp4, $4  }
0x14f: {  	[tilespmem:s17], [sflag:$0xA] =	stream.linear.gather [hbm4b:s30+s8], $0x50, $0x38;
	[tilespmem:$0x1D9C0] =	vst v63  }
0x150: {  	s29 =	sadd.s32 $0xBE, s29;
	s0 =	simm.s32 $0xA000;
	s21 =	simm.s32 $0xC8A0  }
0x151: {  	[tilespmem:s3], [sflag:$0xA] =	stream.linear.gather [hbm4b:s29+s8], $0x50, $0x38;
	[tilespmem:$0x1D9C0] =	vst v63  }
0x152: {  	s25 =	sadd.s32 $0x3200, s25;
	s30 =	simm.s32 $0x2800;
	s29 =	simm.s32 $0xC800  }
.LBB2_10:
0x153: {  	_ =	swait.ge [sflag:s0], $0x1400  }
0x154: {  	[sflag:s0] =	ssyncset.done $0x0  }
0x155: {  	s1 =	simm.s32 $0x10;
	[sflag:s0] =	ssyncadd.s32 $0xFFFFEC00  }
0x156: {  	_ =	swait.ge [sflag:s1], $0x500  }
0x157: {  	[sflag:s1] =	ssyncset.done $0x0  }
0x158: {  	[sflag:s1] =	ssyncadd.s32 $0xFFFFFB00  }
0x159: {  	_ =	swait.ge [sflag:s0], $0x1400  }
0x15a: {  	[sflag:s0] =	ssyncset.done $0x0  }
0x15b: {  	[sflag:s0] =	ssyncadd.s32 $0xFFFFEC00  }
0x15c: {  	_ =	swait.ge [sflag:s1], $0x500  }
0x15d: {  	[sflag:s1] =	ssyncset.done $0x0  }
0x15e: {  	s19 =	simm.s32 $0xC;
	[sflag:s1] =	ssyncadd.s32 $0xFFFFFB00  }
0x15f: {  	_ =	swait.ge [sflag:s19], $0x1400  }
0x160: {  	[sflag:s19] =	ssyncset.done $0x0  }
0x161: {  	s20 =	simm.s32 $0x11;
	[sflag:s19] =	ssyncadd.s32 $0xFFFFEC00  }
0x162: {  	_ =	swait.ge [sflag:s20], $0x500  }
0x163: {  	[sflag:s20] =	ssyncset.done $0x0  }
0x164: {  	[sflag:s20] =	ssyncadd.s32 $0xFFFFFB00  }
0x165: {  	_ =	swait.ge [sflag:s19], $0x1400  }
0x166: {  	[sflag:s19] =	ssyncset.done $0x0  }
0x167: {  	[sflag:s19] =	ssyncadd.s32 $0xFFFFEC00  }
0x168: {  	_ =	swait.ge [sflag:s20], $0x500  }
0x169: {  	[sflag:s20] =	ssyncset.done $0x0  }
0x16a: {  	s24 =	simm.s32 $0xD;
	[sflag:s20] =	ssyncadd.s32 $0xFFFFFB00  }
0x16b: {  	_ =	swait.ge [sflag:s24], $0x1400  }
0x16c: {  	[sflag:s24] =	ssyncset.done $0x0  }
0x16d: {  	s25 =	simm.s32 $0x12;
	[sflag:s24] =	ssyncadd.s32 $0xFFFFEC00  }
0x16e: {  	_ =	swait.ge [sflag:s25], $0x500  }
0x16f: {  	[sflag:s25] =	ssyncset.done $0x0  }
0x170: {  	[sflag:s25] =	ssyncadd.s32 $0xFFFFFB00  }
0x171: {  	_ =	swait.ge [sflag:s24], $0x1400  }
0x172: {  	[sflag:s24] =	ssyncset.done $0x0  }
0x173: {  	[sflag:s24] =	ssyncadd.s32 $0xFFFFEC00  }
0x174: {  	_ =	swait.ge [sflag:s25], $0x500  }
0x175: {  	[sflag:s25] =	ssyncset.done $0x0  }
0x176: {  	[sflag:s25] =	ssyncadd.s32 $0xFFFFFB00  }
0x177: {  	_ =	swait.ge [sflag:s13], $0x1400  }
0x178: {  	[sflag:s13] =	ssyncset.done $0x0  }
0x179: {  	[sflag:s13] =	ssyncadd.s32 $0xFFFFEC00  }
0x17a: {  	_ =	swait.ge [sflag:s4], $0x500  }
0x17b: {  	[sflag:s4] =	ssyncset.done $0x0  }
0x17c: {  	[sflag:s4] =	ssyncadd.s32 $0xFFFFFB00  }
0x17d: {  	_ =	swait.ge [sflag:s13], $0x1400  }
0x17e: {  	[sflag:s13] =	ssyncset.done $0x0  }
0x17f: {  	[sflag:s13] =	ssyncadd.s32 $0xFFFFEC00  }
0x180: {  	_ =	swait.ge [sflag:s4], $0x500  }
0x181: {  	[sflag:s4] =	ssyncset.done $0x0  }
0x182: {  	[sflag:s4] =	ssyncadd.s32 $0xFFFFFB00  }
0x183: {  	_ =	swait.ge [sflag:s28], $0x1400  }
0x184: {  	[sflag:s28] =	ssyncset.done $0x0  }
0x185: {  	[sflag:s28] =	ssyncadd.s32 $0xFFFFEC00  }
0x186: {  	_ =	swait.ge [sflag:s5], $0x500  }
0x187: {  	[sflag:s5] =	ssyncset.done $0x0  }
0x188: {  	[sflag:s5] =	ssyncadd.s32 $0xFFFFFB00  }
0x189: {  	_ =	swait.ge [sflag:s28], $0x1400  }
0x18a: {  	[sflag:s28] =	ssyncset.done $0x0  }
0x18b: {  	[sflag:s28] =	ssyncadd.s32 $0xFFFFEC00  }
0x18c: {  	_ =	swait.ge [sflag:s5], $0x500  }
0x18d: {  	[sflag:s5] =	ssyncset.done $0x0  }
0x18e: {  	[sflag:s5] =	ssyncadd.s32 $0xFFFFFB00  }
0x18f: {  	[bflag:$0x0] =	sbarrier.arrive $0xFFFF  }
0x190: {  	s20 =	simm.s32 $0xD020;
	s7 =	rddreg [dreg:$0x11]  }
0x191: {  	[tilespmem:s20], [sflag:$0x15] =	stream.linear.gather [spmem:s7], $0x1F40, $0x38;
	[tilespmem:$0x1D9C0] =	vst v63  }
0x192: {  	s25 =	simm.s32 $0x15;
	s9 =	rddreg [dreg:$0x12];
	s7 =	simm.s32 $0xEF60  }
0x193: {  	[tilespmem:s7], [sflag:$0x15] =	stream.linear.gather [spmem:s9], $0x7D0, $0x38;
	[tilespmem:$0x1D9C0] =	vst v63  }
0x194: {  	_ =	swait.ge [sflag:s25], $0x1F40  }
0x195: {  	[sflag:s25] =	ssyncset.done $0x0  }
0x196: {  	[sflag:s25] =	ssyncadd.s32 $0xFFFFE0C0  }
0x197: {  	_ =	swait.ge [sflag:s25], $0x7D0  }
0x198: {  	[sflag:s25] =	ssyncset.done $0x0  }
0x199: {  	[sflag:s25] =	ssyncadd.s32 $0xFFFFF830  }
0x19a: {  	s18 =	simm.s32 $0x100;
	s9 =	simm.s32 $0x0;
	v2 =	vld [tilespmem:s7+$0x0]  }
.LBB2_11:
0x19b: {  	p0 =	sne.s32 s18, $0x7C00;
	_ =	sdelay $0x3  }
0x19c: {  	v2 =	vmax.f32 v2, $1.000000000e+00  }
0x19d: {  	(erf) = vrcp.f32 v2;
	_ =	sdelay $0x1  }
0x19e: {  	s19 =	sshra.s32 s9, $0x2;
	s9 =	smov.u32 s18  }
0x19f: {  	v2 =	vld [tilespmem:s19+$0xD020]  }
0x1a0: {  	v3 =	vld [tilespmem:s19+$0xD030]  }
0x1a1: {  	v4 =	vld [tilespmem:s19+$0xD040]  }
0x1a2: {  	v5 =	vld [tilespmem:s19+$0xD050];
	_ =	sdelay $0x2  }
0x1a3: {  	v6 =	vpop (erf)  }
0x1a4: {  	v2 =	vmul.f32 v6, v2;
	v3 =	vmul.f32 v3, v6  }
0x1a5: {  	v4 =	vmul.f32 v4, v6;
	v5 =	vmul.f32 v5, v6  }
.Ltmp5:
0x1a6: {  	[tilespmem:s19+$0xF730] =	vst v2;
	(pc) =	sbr.rel @p0 .LBB2_11-.Ltmp5, $4  }
0x1a7: {  	[tilespmem:s19+$0xF740] =	vst v3  }
0x1a8: {  	[tilespmem:s19+$0xF750] =	vst v4  }
0x1a9: {  	s7 =	sadd.s32 $0x10, s7;
	[tilespmem:s19+$0xF760] =	vst v5  }
0x1aa: {  	s18 =	sadd.s32 $0x100, s18;
	v2 =	vld [tilespmem:s7+$0x0]  }
0x1ab: {  	_ =	sdelay $0x3  }
0x1ac: {  	v2 =	vmax.f32 v2, $1.000000000e+00  }
0x1ad: {  	(erf) = vrcp.f32 v2;
	_ =	sdelay $0x3  }
0x1ae: {  	s7 =	sshra.s32 s9, $0x2  }
0x1af: {  	v2 =	vld [tilespmem:s7+$0xD020]  }
0x1b0: {  	v3 =	vld [tilespmem:s7+$0xD030]  }
0x1b1: {  	v4 =	vld [tilespmem:s7+$0xD040]  }
0x1b2: {  	v5 =	vld [tilespmem:s7+$0xD050]  }
0x1b3: {  	v6 =	vpop (erf)  }
0x1b4: {  	v2 =	vmul.f32 v6, v2  }
0x1b5: {  	v3 =	vmul.f32 v3, v6  }
0x1b6: {  	v4 =	vmul.f32 v4, v6;
	[tilespmem:s7+$0xF730] =	vst v2  }
0x1b7: {  	v2 =	vmul.f32 v5, v6;
	[tilespmem:s7+$0xF740] =	vst v3  }
0x1b8: {  	s18 =	rddreg [dreg:$0x6];
	s0 =	simm.s32 $0x40;
	[tilespmem:s7+$0xF750] =	vst v4  }
0x1b9: {  	s1 =	simm.s32 $0x80;
	s3 =	simm.s32 $0xF730;
	s6 =	simm.s32 $0x16;
	[tilespmem:s7+$0xF760] =	vst v2  }
0x1ba: {  	[hbm4b:s18+s0] =	stream.strided.scatter [tilespmem:s3], [sflag:$0x16], $0x1F40, s1, s0, $0x38;
	[tilespmem:$0x1D9C0] =	vst v63  }
0x1bb: {  	_ =	swait.ge [sflag:s6], $0x1F40  }
0x1bc: {  	[sflag:s6] =	ssyncset.done $0x0  }
0x1bd: {  	s19 =	rddreg [dreg:$0x13];
	[sflag:s6] =	ssyncadd.s32 $0xFFFFE0C0  }
0x1be: {  	[tilespmem:s20], [sflag:$0x15] =	stream.linear.gather [spmem:s19], $0x1F40, $0x38;
	[tilespmem:$0x1D9C0] =	vst v63  }
0x1bf: {  	s7 =	simm.s32 $0xEF60;
	s24 =	rddreg [dreg:$0x14]  }
0x1c0: {  	[tilespmem:s7], [sflag:$0x15] =	stream.linear.gather [spmem:s24], $0x7D0, $0x38;
	[tilespmem:$0x1D9C0] =	vst v63  }
0x1c1: {  	_ =	swait.ge [sflag:s25], $0x1F40  }
0x1c2: {  	[sflag:s25] =	ssyncset.done $0x0  }
0x1c3: {  	[sflag:s25] =	ssyncadd.s32 $0xFFFFE0C0  }
0x1c4: {  	_ =	swait.ge [sflag:s25], $0x7D0  }
0x1c5: {  	[sflag:s25] =	ssyncset.done $0x0  }
0x1c6: {  	s9 =	simm.s32 $0x0;
	s12 =	simm.s32 $0xC9E0;
	[sflag:s25] =	ssyncadd.s32 $0xFFFFF830  }
0x1c7: {  	s15 =	simm.s32 $0xCA30;
	s18 =	simm.s32 $0x100;
	s24 =	simm.s32 $0x7800;
	v2 =	vld [tilespmem:s7+$0x0]  }
.LBB2_13:
0x1c8: {  	p0 =	sne.s32 s18, $0x7C00;
	_ =	sdelay $0x3  }
0x1c9: {  	v2 =	vmax.f32 v2, $1.000000000e+00  }
0x1ca: {  	(erf) = vrcp.f32 v2;
	_ =	sdelay $0x1  }
0x1cb: {  	s19 =	sshra.s32 s9, $0x2;
	s9 =	smov.u32 s18  }
0x1cc: {  	v2 =	vld [tilespmem:s19+$0xD020]  }
0x1cd: {  	v3 =	vld [tilespmem:s19+$0xD030]  }
0x1ce: {  	v4 =	vld [tilespmem:s19+$0xD040]  }
0x1cf: {  	v5 =	vld [tilespmem:s19+$0xD050];
	_ =	sdelay $0x2  }
0x1d0: {  	v6 =	vpop (erf)  }
0x1d1: {  	v2 =	vmul.f32 v6, v2;
	v3 =	vmul.f32 v3, v6  }
0x1d2: {  	v4 =	vmul.f32 v4, v6;
	v5 =	vmul.f32 v5, v6  }
.Ltmp6:
0x1d3: {  	[tilespmem:s19+$0xF730] =	vst v2;
	(pc) =	sbr.rel @p0 .LBB2_13-.Ltmp6, $4  }
0x1d4: {  	[tilespmem:s19+$0xF740] =	vst v3  }
0x1d5: {  	[tilespmem:s19+$0xF750] =	vst v4  }
0x1d6: {  	s7 =	sadd.s32 $0x10, s7;
	[tilespmem:s19+$0xF760] =	vst v5  }
0x1d7: {  	s18 =	sadd.s32 $0x100, s18;
	v2 =	vld [tilespmem:s7+$0x0]  }
0x1d8: {  	_ =	sdelay $0x3  }
0x1d9: {  	v2 =	vmax.f32 v2, $1.000000000e+00  }
0x1da: {  	(erf) = vrcp.f32 v2;
	_ =	sdelay $0x3  }
0x1db: {  	s7 =	sshra.s32 s9, $0x2  }
0x1dc: {  	v2 =	vld [tilespmem:s7+$0xD020]  }
0x1dd: {  	v3 =	vld [tilespmem:s7+$0xD030]  }
0x1de: {  	v4 =	vld [tilespmem:s7+$0xD040]  }
0x1df: {  	v5 =	vld [tilespmem:s7+$0xD050]  }
0x1e0: {  	v6 =	vpop (erf)  }
0x1e1: {  	v2 =	vmul.f32 v6, v2  }
0x1e2: {  	v3 =	vmul.f32 v3, v6  }
0x1e3: {  	v4 =	vmul.f32 v4, v6;
	[tilespmem:s7+$0xF730] =	vst v2  }
0x1e4: {  	v2 =	vmul.f32 v5, v6;
	[tilespmem:s7+$0xF740] =	vst v3  }
0x1e5: {  	[tilespmem:s7+$0xF750] =	vst v4  }
0x1e6: {  	s17 =	rddreg [dreg:$0x7];
	s0 =	simm.s32 $0x40;
	s1 =	simm.s32 $0x80;
	[tilespmem:s7+$0xF760] =	vst v2  }
0x1e7: {  	[hbm4b:s17+s0] =	stream.strided.scatter [tilespmem:s3], [sflag:$0x16], $0x1F40, s1, s0, $0x38;
	[tilespmem:$0x1D9C0] =	vst v63  }
0x1e8: {  	_ =	swait.ge [sflag:s6], $0x1F40  }
0x1e9: {  	[sflag:s6] =	ssyncset.done $0x0  }
0x1ea: {  	s18 =	rddreg [dreg:$0x15];
	[sflag:s6] =	ssyncadd.s32 $0xFFFFE0C0  }
0x1eb: {  	[tilespmem:s20], [sflag:$0x15] =	stream.linear.gather [spmem:s18], $0x1F40, $0x38;
	[tilespmem:$0x1D9C0] =	vst v63  }
0x1ec: {  	s7 =	simm.s32 $0xEF60;
	s19 =	rddreg [dreg:$0x16]  }
0x1ed: {  	[tilespmem:s7], [sflag:$0x15] =	stream.linear.gather [spmem:s19], $0x7D0, $0x38;
	[tilespmem:$0x1D9C0] =	vst v63  }
0x1ee: {  	_ =	swait.ge [sflag:s25], $0x1F40  }
0x1ef: {  	[sflag:s25] =	ssyncset.done $0x0  }
0x1f0: {  	[sflag:s25] =	ssyncadd.s32 $0xFFFFE0C0  }
0x1f1: {  	_ =	swait.ge [sflag:s25], $0x7D0  }
0x1f2: {  	[sflag:s25] =	ssyncset.done $0x0  }
0x1f3: {  	[sflag:s25] =	ssyncadd.s32 $0xFFFFF830  }
0x1f4: {  	s9 =	simm.s32 $0x0;
	s18 =	simm.s32 $0x100;
	v2 =	vld [tilespmem:s7+$0x0]  }
.LBB2_15:
0x1f5: {  	p0 =	sne.s32 s18, $0x7C00;
	_ =	sdelay $0x3  }
0x1f6: {  	v2 =	vmax.f32 v2, $1.000000000e+00  }
0x1f7: {  	(erf) = vrcp.f32 v2;
	_ =	sdelay $0x1  }
0x1f8: {  	s19 =	sshra.s32 s9, $0x2;
	s9 =	smov.u32 s18  }
0x1f9: {  	v2 =	vld [tilespmem:s19+$0xD020]  }
0x1fa: {  	v3 =	vld [tilespmem:s19+$0xD030]  }
0x1fb: {  	v4 =	vld [tilespmem:s19+$0xD040]  }
0x1fc: {  	v5 =	vld [tilespmem:s19+$0xD050];
	_ =	sdelay $0x2  }
0x1fd: {  	v6 =	vpop (erf)  }
0x1fe: {  	v2 =	vmul.f32 v6, v2;
	v3 =	vmul.f32 v3, v6  }
0x1ff: {  	v4 =	vmul.f32 v4, v6;
	v5 =	vmul.f32 v5, v6  }
.Ltmp7:
0x200: {  	[tilespmem:s19+$0xF730] =	vst v2;
	(pc) =	sbr.rel @p0 .LBB2_15-.Ltmp7, $4  }
0x201: {  	[tilespmem:s19+$0xF740] =	vst v3  }
0x202: {  	[tilespmem:s19+$0xF750] =	vst v4  }
0x203: {  	s7 =	sadd.s32 $0x10, s7;
	[tilespmem:s19+$0xF760] =	vst v5  }
0x204: {  	s18 =	sadd.s32 $0x100, s18;
	v2 =	vld [tilespmem:s7+$0x0]  }
0x205: {  	_ =	sdelay $0x3  }
0x206: {  	v2 =	vmax.f32 v2, $1.000000000e+00  }
0x207: {  	(erf) = vrcp.f32 v2;
	_ =	sdelay $0x3  }
0x208: {  	s7 =	sshra.s32 s9, $0x2  }
0x209: {  	v2 =	vld [tilespmem:s7+$0xD020]  }
0x20a: {  	v3 =	vld [tilespmem:s7+$0xD030]  }
0x20b: {  	v4 =	vld [tilespmem:s7+$0xD040]  }
0x20c: {  	v5 =	vld [tilespmem:s7+$0xD050]  }
0x20d: {  	v6 =	vpop (erf)  }
0x20e: {  	v2 =	vmul.f32 v6, v2  }
0x20f: {  	v3 =	vmul.f32 v3, v6  }
0x210: {  	v4 =	vmul.f32 v4, v6;
	[tilespmem:s7+$0xF730] =	vst v2  }
0x211: {  	v2 =	vmul.f32 v5, v6;
	[tilespmem:s7+$0xF740] =	vst v3  }
0x212: {  	[tilespmem:s7+$0xF750] =	vst v4  }
0x213: {  	s17 =	rddreg [dreg:$0x8];
	s0 =	simm.s32 $0x40;
	s1 =	simm.s32 $0x80;
	[tilespmem:s7+$0xF760] =	vst v2  }
0x214: {  	[hbm4b:s17+s0] =	stream.strided.scatter [tilespmem:s3], [sflag:$0x16], $0x1F40, s1, s0, $0x38;
	[tilespmem:$0x1D9C0] =	vst v63  }
0x215: {  	_ =	swait.ge [sflag:s6], $0x1F40  }
0x216: {  	[sflag:s6] =	ssyncset.done $0x0  }
0x217: {  	s18 =	rddreg [dreg:$0x17];
	[sflag:s6] =	ssyncadd.s32 $0xFFFFE0C0  }
0x218: {  	[tilespmem:s20], [sflag:$0x15] =	stream.linear.gather [spmem:s18], $0x1F40, $0x38;
	[tilespmem:$0x1D9C0] =	vst v63  }
0x219: {  	s7 =	simm.s32 $0xEF60;
	s19 =	rddreg [dreg:$0x18]  }
0x21a: {  	[tilespmem:s7], [sflag:$0x15] =	stream.linear.gather [spmem:s19], $0x7D0, $0x38;
	[tilespmem:$0x1D9C0] =	vst v63  }
0x21b: {  	_ =	swait.ge [sflag:s25], $0x1F40  }
0x21c: {  	[sflag:s25] =	ssyncset.done $0x0  }
0x21d: {  	[sflag:s25] =	ssyncadd.s32 $0xFFFFE0C0  }
0x21e: {  	_ =	swait.ge [sflag:s25], $0x7D0  }
0x21f: {  	[sflag:s25] =	ssyncset.done $0x0  }
0x220: {  	[sflag:s25] =	ssyncadd.s32 $0xFFFFF830  }
0x221: {  	s9 =	simm.s32 $0x0;
	s18 =	simm.s32 $0x100;
	v2 =	vld [tilespmem:s7+$0x0]  }
.LBB2_17:
0x222: {  	p0 =	sne.s32 s18, $0x7C00;
	_ =	sdelay $0x3  }
0x223: {  	v2 =	vmax.f32 v2, $1.000000000e+00  }
0x224: {  	(erf) = vrcp.f32 v2;
	_ =	sdelay $0x1  }
0x225: {  	s19 =	sshra.s32 s9, $0x2;
	s9 =	smov.u32 s18  }
0x226: {  	v2 =	vld [tilespmem:s19+$0xD020]  }
0x227: {  	v3 =	vld [tilespmem:s19+$0xD030]  }
0x228: {  	v4 =	vld [tilespmem:s19+$0xD040]  }
0x229: {  	v5 =	vld [tilespmem:s19+$0xD050];
	_ =	sdelay $0x2  }
0x22a: {  	v6 =	vpop (erf)  }
0x22b: {  	v2 =	vmul.f32 v6, v2;
	v3 =	vmul.f32 v3, v6  }
0x22c: {  	v4 =	vmul.f32 v4, v6;
	v5 =	vmul.f32 v5, v6  }
.Ltmp8:
0x22d: {  	[tilespmem:s19+$0xF730] =	vst v2;
	(pc) =	sbr.rel @p0 .LBB2_17-.Ltmp8, $4  }
0x22e: {  	[tilespmem:s19+$0xF740] =	vst v3  }
0x22f: {  	[tilespmem:s19+$0xF750] =	vst v4  }
0x230: {  	s7 =	sadd.s32 $0x10, s7;
	[tilespmem:s19+$0xF760] =	vst v5  }
0x231: {  	s18 =	sadd.s32 $0x100, s18;
	v2 =	vld [tilespmem:s7+$0x0]  }
0x232: {  	_ =	sdelay $0x3  }
0x233: {  	v2 =	vmax.f32 v2, $1.000000000e+00  }
0x234: {  	(erf) = vrcp.f32 v2;
	_ =	sdelay $0x3  }
0x235: {  	s7 =	sshra.s32 s9, $0x2  }
0x236: {  	v2 =	vld [tilespmem:s7+$0xD020]  }
0x237: {  	v3 =	vld [tilespmem:s7+$0xD030]  }
0x238: {  	v4 =	vld [tilespmem:s7+$0xD040]  }
0x239: {  	v5 =	vld [tilespmem:s7+$0xD050]  }
0x23a: {  	v6 =	vpop (erf)  }
0x23b: {  	v2 =	vmul.f32 v6, v2  }
0x23c: {  	v3 =	vmul.f32 v3, v6  }
0x23d: {  	v4 =	vmul.f32 v4, v6;
	[tilespmem:s7+$0xF730] =	vst v2  }
0x23e: {  	v2 =	vmul.f32 v5, v6;
	[tilespmem:s7+$0xF740] =	vst v3  }
0x23f: {  	[tilespmem:s7+$0xF750] =	vst v4  }
0x240: {  	s17 =	rddreg [dreg:$0x9];
	s0 =	simm.s32 $0x40;
	s1 =	simm.s32 $0x80;
	[tilespmem:s7+$0xF760] =	vst v2  }
0x241: {  	[hbm4b:s17+s0] =	stream.strided.scatter [tilespmem:s3], [sflag:$0x16], $0x1F40, s1, s0, $0x38;
	[tilespmem:$0x1D9C0] =	vst v63  }
0x242: {  	_ =	swait.ge [sflag:s6], $0x1F40  }
0x243: {  	[sflag:s6] =	ssyncset.done $0x0  }
0x244: {  	s18 =	rddreg [dreg:$0x19];
	[sflag:s6] =	ssyncadd.s32 $0xFFFFE0C0  }
0x245: {  	[tilespmem:s20], [sflag:$0x15] =	stream.linear.gather [spmem:s18], $0x1F40, $0x38;
	[tilespmem:$0x1D9C0] =	vst v63  }
0x246: {  	s7 =	simm.s32 $0xEF60;
	s19 =	rddreg [dreg:$0x1a]  }
0x247: {  	[tilespmem:s7], [sflag:$0x15] =	stream.linear.gather [spmem:s19], $0x7D0, $0x38;
	[tilespmem:$0x1D9C0] =	vst v63  }
0x248: {  	_ =	swait.ge [sflag:s25], $0x1F40  }
0x249: {  	[sflag:s25] =	ssyncset.done $0x0  }
0x24a: {  	[sflag:s25] =	ssyncadd.s32 $0xFFFFE0C0  }
0x24b: {  	_ =	swait.ge [sflag:s25], $0x7D0  }
0x24c: {  	[sflag:s25] =	ssyncset.done $0x0  }
0x24d: {  	[sflag:s25] =	ssyncadd.s32 $0xFFFFF830  }
0x24e: {  	s9 =	simm.s32 $0x0;
	s18 =	simm.s32 $0x100;
	v2 =	vld [tilespmem:s7+$0x0]  }
.LBB2_19:
0x24f: {  	p0 =	sne.s32 s18, $0x7C00;
	_ =	sdelay $0x3  }
0x250: {  	v2 =	vmax.f32 v2, $1.000000000e+00  }
0x251: {  	(erf) = vrcp.f32 v2;
	_ =	sdelay $0x1  }
0x252: {  	s19 =	sshra.s32 s9, $0x2;
	s9 =	smov.u32 s18  }
0x253: {  	v2 =	vld [tilespmem:s19+$0xD020]  }
0x254: {  	v3 =	vld [tilespmem:s19+$0xD030]  }
0x255: {  	v4 =	vld [tilespmem:s19+$0xD040]  }
0x256: {  	v5 =	vld [tilespmem:s19+$0xD050];
	_ =	sdelay $0x2  }
0x257: {  	v6 =	vpop (erf)  }
0x258: {  	v2 =	vmul.f32 v6, v2;
	v3 =	vmul.f32 v3, v6  }
0x259: {  	v4 =	vmul.f32 v4, v6;
	v5 =	vmul.f32 v5, v6  }
.Ltmp9:
0x25a: {  	[tilespmem:s19+$0xF730] =	vst v2;
	(pc) =	sbr.rel @p0 .LBB2_19-.Ltmp9, $4  }
0x25b: {  	[tilespmem:s19+$0xF740] =	vst v3  }
0x25c: {  	[tilespmem:s19+$0xF750] =	vst v4  }
0x25d: {  	s7 =	sadd.s32 $0x10, s7;
	[tilespmem:s19+$0xF760] =	vst v5  }
0x25e: {  	s18 =	sadd.s32 $0x100, s18;
	v2 =	vld [tilespmem:s7+$0x0]  }
0x25f: {  	_ =	sdelay $0x3  }
0x260: {  	v2 =	vmax.f32 v2, $1.000000000e+00  }
0x261: {  	(erf) = vrcp.f32 v2;
	_ =	sdelay $0x3  }
0x262: {  	s7 =	sshra.s32 s9, $0x2  }
0x263: {  	v2 =	vld [tilespmem:s7+$0xD020]  }
0x264: {  	v3 =	vld [tilespmem:s7+$0xD030]  }
0x265: {  	v4 =	vld [tilespmem:s7+$0xD040]  }
0x266: {  	v5 =	vld [tilespmem:s7+$0xD050]  }
0x267: {  	v6 =	vpop (erf)  }
0x268: {  	v2 =	vmul.f32 v6, v2  }
0x269: {  	v3 =	vmul.f32 v3, v6  }
0x26a: {  	v4 =	vmul.f32 v4, v6;
	[tilespmem:s7+$0xF730] =	vst v2  }
0x26b: {  	v2 =	vmul.f32 v5, v6;
	[tilespmem:s7+$0xF740] =	vst v3  }
0x26c: {  	[tilespmem:s7+$0xF750] =	vst v4  }
0x26d: {  	s17 =	rddreg [dreg:$0xa];
	s0 =	simm.s32 $0x40;
	s1 =	simm.s32 $0x80;
	[tilespmem:s7+$0xF760] =	vst v2  }
0x26e: {  	[hbm4b:s17+s0] =	stream.strided.scatter [tilespmem:s3], [sflag:$0x16], $0x1F40, s1, s0, $0x38;
	[tilespmem:$0x1D9C0] =	vst v63  }
0x26f: {  	_ =	swait.ge [sflag:s6], $0x1F40  }
0x270: {  	s18 =	sld [smem:$0x7F2]  }
0x271: {  	s19 =	sld [smem:$0x7F3];
	_ =	sdelay $0x1  }
0x272: {  	s0 =	sadd.s32 $0x1, s18  }
0x273: {  	p0 =	sne.s32 s0, s19  }
.Ltmp10:
0x274: {  	_ = 	snop;
	(pc) =	sbr.rel @p0 .LBB2_1-.Ltmp10, $3  }
0x275: {  	_ =	sdelay $0x1  }
0x276: {  	s11 =	simm.s32 $0xC940;
	[sflag:s6] =	ssyncset.done $0x0  }
0x277: {  	s1 =	simm.s32 $0x5000;
	[sflag:s6] =	ssyncadd.s32 $0xFFFFE0C0;
	s19 =	simm.s32 $0xC990  }
0x278: {  	_ =	sfence.sel $0x180000  }
0x279: {  	[bflag:$0x0] =	sbarrier.arrive $0xFFFF  }
0x27a: {  	_ =	strace $0x90000047  }
0x27b: {  	s0 =	stileid.u32;
	[bflag:$0x2] =	sbarrier.arrive $0xFFFF  }
0x27c: {  	p0 =	sne.s32 s0, $0x0;
	s0 =	rddreg [dreg:$0x5]  }
0x27d: {  	s0 =	sadd.s32 @!p0 $0x100000, s0  }
0x27e: {  	[sflag:s0] =	ssyncadd.tile.s32 @!p0 $0x1;
	_ =	shalt  }
.Lfunc_end2:
_tile_overlayer_lowered:
.L_overlay_start_2:
0x27f: {  	(tag) =	ssettag $0x2  }
0x280: {  	s0 =	rddreg [dreg:$0x0];
	s2 =	stileid.u32  }
0x281: {  	s1 =	rddreg [dreg:$0x1];
	p0 =	sne.s32 s2, $0x0  }
0x282: {  	s3 =	rddreg [dreg:$0x2];
	[bflag:$0x3] =	sbarrier.arrive $0xFFFF;
	s2 =	simm.s32 @!p0 $0x1C16  }
0x283: {  	[timem:s3], [sflag:s2] =	dma.local @!p0 [hbm:s0], s1  }
0x284: {  	s0 =	simm.s32 @!p0 $0x16  }
0x285: {  	_ =	swait.ge @!p0 [sflag:s0], s1  }
0x286: {  	s1 =	ssub.s32 @!p0 $0x0, s1;
	[sflag:s0] =	ssyncset.done @!p0 $0x0  }
0x287: {  	[sflag:s0] =	ssyncadd.s32 @!p0 s1  }
0x288: {  	[bflag:$0x3] =	sbarrier.arrive $0xFFFF  }
0x289: {  	_ =	shalt  }

</sc_bundles>
